<compile_context>
chip_gen: v7x
topology: tpu7x:2x2x1
jax: 0.10.2.dev20260603
libtpu: 0.0.44.dev20260713+nightly
codegen_flags: <defaults>
</compile_context>

<pallas_src>
import jax
import jax.numpy as jnp
from jax import lax
from jax.experimental import pallas as pl
from jax.experimental.pallas import tpu as pltpu
from jax.experimental.pallas import tpu_sc as plsc

N = 50000
D = 256
DH = 128
NC = 2
NT = 16
EPT = N // NT
IB = 125
NB = EPT // IB
CW = 32
NQ = DH // NC // CW
RPT = N // NT
NRING = 5
ZR = 125
MMB = 2000
CATB = 5000


def _mm_body(x_ref, w_ref, b_ref, o_ref):
    h = jnp.dot(x_ref[...], w_ref[...], preferred_element_type=jnp.float32)
    o_ref[...] = jnp.maximum(h + b_ref[...][None, :], 0.0)


def _matmul_half(x, w, b):
    return pl.pallas_call(
        _mm_body,
        grid=(N // MMB,),
        in_specs=[
            pl.BlockSpec((MMB, D), lambda i: (i, 0)),
            pl.BlockSpec((D, DH), lambda i: (0, 0)),
            pl.BlockSpec((DH,), lambda i: (0,)),
        ],
        out_specs=pl.BlockSpec((MMB, DH), lambda i: (i, 0)),
        out_shape=jax.ShapeDtypeStruct((N, DH), jnp.float32),
    )(x, w, b)


def _sc_body(h_ref, adj_ref, out_ref, bufs, adj_v, zbuf, acc,
             ssem, csem, zsem, rsem):
    c = lax.axis_index("c")
    s = lax.axis_index("s")

    pltpu.sync_copy(adj_ref.at[s], adj_v)

    def _zi(i, carry):
        r = i // 2
        col = (i % 2) * 16
        zbuf[r, pl.ds(col, 16)] = jnp.zeros((16,), jnp.float32)
        return carry
    lax.fori_loop(0, ZR * 2, _zi, 0)

    def _stage(j, k):
        pltpu.async_copy(
            h_ref.at[pl.ds(s * EPT + j * IB, IB), pl.ds(_c0[0], CW)],
            bufs.at[k], ssem.at[k])

    def _stage_wait(k):
        pltpu.make_async_copy(
            h_ref.at[pl.ds(s * EPT, IB), pl.ds(0, CW)],
            bufs.at[k], ssem.at[k]).wait()

    _c0 = [0]

    for kk in range(NQ):
        c0 = c * (NQ * CW) + kk * CW
        _c0[0] = c0

        for k in range(NRING):
            _stage(k, k)

        if kk > 0:
            pltpu.make_async_copy(
                acc.at[pl.ds(s * RPT, RPT), :],
                out_ref.at[pl.ds(s * RPT, RPT), pl.ds(0, CW)],
                rsem).wait()

        def _zfire(z, carry):
            pltpu.async_copy(
                zbuf, acc.at[pl.ds(s * RPT + z * ZR, ZR), :], zsem)
            return carry
        lax.fori_loop(0, RPT // ZR, _zfire, 0)

        def _zwait(z, carry):
            pltpu.make_async_copy(
                zbuf, acc.at[pl.ds(s * RPT, ZR), :], zsem).wait()
            return carry
        lax.fori_loop(0, RPT // ZR, _zwait, 0)

        plsc.subcore_barrier()

        def _grp(g, carry):
            for k in range(NRING):
                j = g * NRING + k
                _stage_wait(k)
                pltpu.async_copy(
                    bufs.at[k], acc.at[adj_v.at[j]], csem.at[k], add=True)
            for k in range(NRING):
                pltpu.make_async_copy(
                    bufs.at[k], acc.at[adj_v.at[0]], csem.at[k]).wait()

                @pl.when(g < NB // NRING - 1)
                def _():
                    _stage((g + 1) * NRING + k, k)
            return carry
        lax.fori_loop(0, NB // NRING, _grp, 0)

        plsc.subcore_barrier()

        pltpu.async_copy(
            acc.at[pl.ds(s * RPT, RPT), :],
            out_ref.at[pl.ds(s * RPT, RPT), pl.ds(c0, CW)],
            rsem)

    pltpu.make_async_copy(
        acc.at[pl.ds(s * RPT, RPT), :],
        out_ref.at[pl.ds(s * RPT, RPT), pl.ds(0, CW)],
        rsem).wait()


def _scatter_half(h, adj3):
    mesh = plsc.VectorSubcoreMesh(core_axis_name="c", subcore_axis_name="s")
    fn = pl.kernel(
        _sc_body,
        out_type=jax.ShapeDtypeStruct((N, DH), jnp.float32),
        mesh=mesh,
        scratch_types=[
            pltpu.VMEM((NRING, IB, CW), jnp.float32),
            pltpu.VMEM((NB, IB), jnp.int32),
            pltpu.VMEM((ZR, CW), jnp.float32),
            pltpu.VMEM_SHARED((N, CW), jnp.float32),
            pltpu.SemaphoreType.DMA((NRING,)),
            pltpu.SemaphoreType.DMA((NRING,)),
            pltpu.SemaphoreType.DMA,
            pltpu.SemaphoreType.DMA,
        ],
        compiler_params=pltpu.CompilerParams(use_tc_tiling_on_sc=False),
    )
    return fn(h, adj3)


def _cat_body(lo_ref, hi_ref, o_ref):
    o_ref[:, :DH] = lo_ref[...]
    o_ref[:, DH:] = hi_ref[...]


def _interleave(lo, hi):
    return pl.pallas_call(
        _cat_body,
        grid=(N // CATB,),
        in_specs=[
            pl.BlockSpec((CATB, DH), lambda i: (i, 0)),
            pl.BlockSpec((CATB, DH), lambda i: (i, 0)),
        ],
        out_specs=pl.BlockSpec((CATB, D), lambda i: (i, 0)),
        out_shape=jax.ShapeDtypeStruct((N, D), jnp.float32),
    )(lo, hi)


def kernel(x, adj, w, b):
    adj3 = adj.astype(jnp.int32).reshape(NT, NB, IB)
    h_lo = _matmul_half(x, w[:, :DH], b[:DH])
    out_lo = _scatter_half(h_lo, adj3)
    h_hi = _matmul_half(x, w[:, DH:], b[DH:])
    out_hi = _scatter_half(h_hi, adj3)
    return _interleave(out_lo, out_hi)

# --- scband reference (transcript-rebuilt; emitter-appended) ---
"""Pipeline reference for scband-gcn-27341761806471 (READ-ONLY COPY).

The authoritative reference and input builder live on the scoring server;
editing this copy changes nothing except your own understanding.
"""

import jax, jax.numpy as jnp
import numpy as np

N = 50000
D_IN = 256
D_OUT = 256
DROPOUT = 0.0


def setup_inputs(seed: int = 0) -> dict:
    key = jax.random.key(seed)
    k1, k2, k3 = jax.random.split(key, 3)
    x = jax.random.normal(k1, (N, D_IN), dtype=jnp.float32)
    adj = jax.random.randint(k2, (N,), 0, N, dtype=jnp.int64)
    # guarantee max segment id so output shape (= max(adj)+1) is deterministic
    adj = adj.at[-1].set(N - 1)
    # Glorot uniform for w, zeros for b (matching keras initializers)
    limit = float(np.sqrt(6.0 / (D_IN + D_OUT)))
    w = jax.random.uniform(k3, (D_IN, D_OUT), dtype=jnp.float32, minval=-limit, maxval=limit)
    b = jnp.zeros((D_OUT,), dtype=jnp.float32)
    return {"x": x, "adj": adj, "w": w, "b": b}


def reference(x, adj, w, b):
    # h = relu(x @ w + b)
    h = jax.nn.relu(jnp.matmul(x, w) + b)
    # unsorted_segment_sum(h, adj, max(adj)+1); max(adj)+1 == adj.shape[0]
    num_segments = adj.shape[0]
    h = jax.ops.segment_sum(h, adj, num_segments=num_segments)
    # dropout rate is 0.0 -> identity
    return h

if __name__ == "__main__":
    import jax
    _d = setup_inputs()
    print(jax.jit(kernel)(*tuple(_d.values())))

</pallas_src>

<mosaic_0001>
#map = affine_map<(d0, d1) -> (0, 0)>
#map1 = affine_map<(d0, d1) -> (0, 0, 0)>
module attributes {stable_mosaic.version = 14 : i64} {
  func.func @_sc_body(%arg0: i32, %arg1: i32, %arg2: memref<50000x128xf32, #tpu.memory_space<hbm>>, %arg3: memref<16x25x125xi32, #tpu.memory_space<hbm>>, %arg4: memref<50000x128xf32, #tpu.memory_space<hbm>>, %arg5: memref<5x125x32xf32, #tpu.memory_space<vmem>>, %arg6: memref<25x125xi32, #tpu.memory_space<vmem>>, %arg7: memref<125x32xf32, #tpu.memory_space<vmem>>, %arg8: memref<50000x32xf32, #tpu.memory_space<vmem_shared>>, %arg9: memref<5x!tpu.dma_semaphore, #tpu.memory_space<semaphore_mem>>, %arg10: memref<5x!tpu.dma_semaphore, #tpu.memory_space<semaphore_mem>>, %arg11: memref<!tpu.dma_semaphore, #tpu.memory_space<semaphore_mem>>, %arg12: memref<!tpu.dma_semaphore, #tpu.memory_space<semaphore_mem>>) attributes {dimension_semantics = [#tpu.dimension_semantics<core_parallel>, #tpu.dimension_semantics<subcore_parallel>], iteration_bounds = array<i64: 2, 16>, scalar_prefetch = 0 : i64, scratch_operands = 8 : i64, tpu.core_type = #tpu.core_type<sc_vector_subcore>, window_params = [{transform_indices = #map}, {transform_indices = #map1}, {transform_indices = #map}]} {
    "tpu.region"() ({
      %run_scoped3A = tpu.sem_alloc : memref<!tpu.dma_semaphore, #tpu.memory_space<semaphore_mem>>
      %dma_start3A_258 = arith.constant 0 : i32
      %dma_start3A_259 = arith.constant 0 : i32
      %dma_start3A_260 = tpu.memref_slice %arg3[%arg1, %dma_start3A_258, %dma_start3A_259] : memref<16x25x125xi32, #tpu.memory_space<hbm>> -> memref<1x25x125xi32, #tpu.memory_space<hbm>>
      %dma_start3A_261 = tpu.memref_squeeze %dma_start3A_260 : memref<1x25x125xi32, #tpu.memory_space<hbm>> -> memref<25x125xi32, #tpu.memory_space<hbm>>
      %dma_start3A_262 = arith.constant 0 : i32
      %dma_start3A_263 = arith.constant 0 : i32
      %dma_start3A_264 = tpu.memref_slice %arg3[%arg1, %dma_start3A_262, %dma_start3A_263] : memref<16x25x125xi32, #tpu.memory_space<hbm>> -> memref<1x25x125xi32, #tpu.memory_space<hbm>>
      %dma_start3A_265 = tpu.memref_squeeze %dma_start3A_264 : memref<1x25x125xi32, #tpu.memory_space<hbm>> -> memref<25x125xi32, #tpu.memory_space<hbm>>
      tpu.enqueue_dma source(%dma_start3A_265 : memref<25x125xi32, #tpu.memory_space<hbm>>) target(%arg6 : memref<25x125xi32, #tpu.memory_space<vmem>>) target_semaphore(%run_scoped3A : memref<!tpu.dma_semaphore, #tpu.memory_space<semaphore_mem>>)
      %dma_wait3A_266 = arith.constant 0 : i32
      %dma_wait3A_267 = arith.constant 0 : i32
      %dma_wait3A_268 = tpu.memref_slice %arg3[%arg1, %dma_wait3A_266, %dma_wait3A_267] : memref<16x25x125xi32, #tpu.memory_space<hbm>> -> memref<1x25x125xi32, #tpu.memory_space<hbm>>
      %dma_wait3A_269 = tpu.memref_squeeze %dma_wait3A_268 : memref<1x25x125xi32, #tpu.memory_space<hbm>> -> memref<25x125xi32, #tpu.memory_space<hbm>>
      %dma_wait3A_270 = arith.constant 0 : i32
      %dma_wait3A_271 = arith.constant 0 : i32
      %dma_wait3A_272 = tpu.memref_slice %arg3[%arg1, %dma_wait3A_270, %dma_wait3A_271] : memref<16x25x125xi32, #tpu.memory_space<hbm>> -> memref<1x25x125xi32, #tpu.memory_space<hbm>>
      %dma_wait3A_273 = tpu.memref_squeeze %dma_wait3A_272 : memref<1x25x125xi32, #tpu.memory_space<hbm>> -> memref<25x125xi32, #tpu.memory_space<hbm>>
      tpu.wait_dma2 semaphore(%run_scoped3A : memref<!tpu.dma_semaphore, #tpu.memory_space<semaphore_mem>>) src(%dma_wait3A_273 : memref<25x125xi32, #tpu.memory_space<hbm>>) dst(%arg6 : memref<25x125xi32, #tpu.memory_space<vmem>>)
      tpu.yield
    }) : () -> ()
    %scan3A = arith.constant 0 : i32
    %scan3A_0 = arith.constant 0 : i32
    %scan3A_1 = arith.constant 250 : i32
    %scan3A_2 = arith.addi %scan3A_0, %scan3A_1 : i32
    %scan3A_3 = arith.constant 1 : i32
    scf.for %scan3A_258 = %scan3A_0 to %scan3A_2 step %scan3A_3  : i32 {
      %jit3A = arith.constant 2 : i32
      %div3A = arith.divsi %scan3A_258, %jit3A : i32
      %sign3A = arith.constant 0 : i32
      %sign3A_259 = arith.cmpi sgt, %scan3A_258, %sign3A : i32
      %sign3A_260 = arith.extui %sign3A_259 : i1 to i32
      %sign3A_261 = arith.constant 0 : i32
      %sign3A_262 = arith.cmpi slt, %scan3A_258, %sign3A_261 : i32
      %sign3A_263 = arith.extui %sign3A_262 : i1 to i32
      %sign3A_264 = arith.subi %sign3A_260, %sign3A_263 : i32
      %sign3A_265 = arith.constant 0 : i32
      %sign3A_266 = arith.cmpi sgt, %jit3A, %sign3A_265 : i32
      %sign3A_267 = arith.extui %sign3A_266 : i1 to i32
      %sign3A_268 = arith.constant 0 : i32
      %sign3A_269 = arith.cmpi slt, %jit3A, %sign3A_268 : i32
      %sign3A_270 = arith.extui %sign3A_269 : i1 to i32
      %sign3A_271 = arith.subi %sign3A_267, %sign3A_270 : i32
      %ne3A = arith.cmpi ne, %sign3A_264, %sign3A_271 : i32
      %rem3A = arith.remsi %scan3A_258, %jit3A : i32
      %ne3A_272 = arith.constant 0 : i32
      %ne3A_273 = arith.cmpi ne, %rem3A, %ne3A_272 : i32
      %and3A = arith.andi %ne3A, %ne3A_273 : i1
      %sub3A = arith.constant 1 : i32
      %sub3A_274 = arith.subi %div3A, %sub3A : i32
      %select_n3A = arith.select %and3A, %sub3A_274, %div3A : i32
      %jit3A_275 = arith.constant 2 : i32
      %eq3A = arith.constant 0 : i32
      %eq3A_276 = arith.cmpi eq, %jit3A_275, %eq3A : i32
      %jit3A_277 = arith.constant 1 : i32
      %select_n3A_278 = arith.select %eq3A_276, %jit3A_277, %jit3A_275 : i32
      %rem3A_279 = arith.remsi %scan3A_258, %select_n3A_278 : i32
      %ne3A_280 = arith.constant 0 : i32
      %ne3A_281 = arith.cmpi ne, %rem3A_279, %ne3A_280 : i32
      %lt3A = arith.constant 0 : i32
      %lt3A_282 = arith.cmpi slt, %rem3A_279, %lt3A : i32
      %lt3A_283 = arith.constant 0 : i32
      %lt3A_284 = arith.cmpi slt, %select_n3A_278, %lt3A_283 : i32
      %ne3A_285 = arith.xori %lt3A_282, %lt3A_284 : i1
      %and3A_286 = arith.andi %ne3A_285, %ne3A_281 : i1
      %add3A_287 = arith.addi %rem3A_279, %select_n3A_278 : i32
      %select_n3A_288 = arith.select %and3A_286, %add3A_287, %rem3A_279 : i32
      %mul3A_289 = arith.constant 16 : i32
      %mul3A_290 = arith.muli %select_n3A_288, %mul3A_289 : i32
      %broadcast_in_dim3A = arith.constant 0.000000e+00 : f32
      %broadcast_in_dim3A_291 = vector.broadcast %broadcast_in_dim3A : f32 to vector<16xf32>
      %swap3A = arith.index_cast %select_n3A : i32 to index
      %swap3A_292 = arith.index_cast %mul3A_290 : i32 to index
      %swap3A_293 = tpu.vector_load %arg7[%swap3A, %swap3A_292] {strides = array<i32>} : memref<125x32xf32, #tpu.memory_space<vmem>>, vector<1x16xf32>,
      %swap3A_294 = vector.shape_cast %swap3A_293 : vector<1x16xf32> to vector<16xf32>
      %swap3A_295 = vector.shape_cast %broadcast_in_dim3A_291 : vector<16xf32> to vector<1x16xf32>
      tpu.vector_store %arg7[%swap3A, %swap3A_292], %swap3A_295 {strides = array<i32>} : memref<125x32xf32, #tpu.memory_space<vmem>>, vector<1x16xf32>,
    }
    %scan3A_4 = arith.constant 250 : i32
    %mul3A = arith.constant 64 : i32
    %mul3A_5 = arith.muli %arg0, %mul3A : i32
    %add3A = arith.constant 0 : i32
    %add3A_6 = arith.addi %mul3A_5, %add3A : i32
    %mul3A_7 = arith.constant 3125 : i32
    %mul3A_8 = arith.muli %arg1, %mul3A_7 : i32
    %add3A_9 = arith.constant 0 : i32
    %add3A_10 = arith.addi %mul3A_8, %add3A_9 : i32
    %dma_start3A = arith.constant 0 : i32
    %dma_start3A_11 = arith.constant 0 : i32
    %dma_start3A_12 = arith.constant 0 : i32
    %dma_start3A_13 = arith.constant 0 : i32
    %dma_start3A_14 = tpu.memref_slice %arg5[%dma_start3A, %dma_start3A_12, %dma_start3A_13] : memref<5x125x32xf32, #tpu.memory_space<vmem>> -> memref<1x125x32xf32, #tpu.memory_space<vmem>>
    %dma_start3A_15 = tpu.memref_squeeze %dma_start3A_14 : memref<1x125x32xf32, #tpu.memory_space<vmem>> -> memref<125x32xf32, #tpu.memory_space<vmem>>
    %dma_start3A_16 = tpu.memref_slice %arg2[%add3A_10, %add3A_6] : memref<50000x128xf32, #tpu.memory_space<hbm>> -> memref<125x32xf32, #tpu.memory_space<hbm>>
    %dma_start3A_17 = tpu.memref_slice %arg9[%dma_start3A_11] : memref<5x!tpu.dma_semaphore, #tpu.memory_space<semaphore_mem>> -> memref<1x!tpu.dma_semaphore, #tpu.memory_space<semaphore_mem>>
    %dma_start3A_18 = tpu.memref_squeeze %dma_start3A_17 : memref<1x!tpu.dma_semaphore, #tpu.memory_space<semaphore_mem>> -> memref<!tpu.dma_semaphore, #tpu.memory_space<semaphore_mem>>
    %dma_start3A_19 = arith.constant 0 : i32
    %dma_start3A_20 = arith.constant 0 : i32
    %dma_start3A_21 = tpu.memref_slice %arg5[%dma_start3A, %dma_start3A_19, %dma_start3A_20] : memref<5x125x32xf32, #tpu.memory_space<vmem>> -> memref<1x125x32xf32, #tpu.memory_space<vmem>>
    %dma_start3A_22 = tpu.memref_squeeze %dma_start3A_21 : memref<1x125x32xf32, #tpu.memory_space<vmem>> -> memref<125x32xf32, #tpu.memory_space<vmem>>
    %dma_start3A_23 = tpu.memref_slice %arg2[%add3A_10, %add3A_6] : memref<50000x128xf32, #tpu.memory_space<hbm>> -> memref<125x32xf32, #tpu.memory_space<hbm>>
    tpu.enqueue_dma source(%dma_start3A_23 : memref<125x32xf32, #tpu.memory_space<hbm>>) target(%dma_start3A_22 : memref<125x32xf32, #tpu.memory_space<vmem>>) target_semaphore(%dma_start3A_18 : memref<!tpu.dma_semaphore, #tpu.memory_space<semaphore_mem>>)
    %mul3A_24 = arith.constant 3125 : i32
    %mul3A_25 = arith.muli %arg1, %mul3A_24 : i32
    %add3A_26 = arith.constant 125 : i32
    %add3A_27 = arith.addi %mul3A_25, %add3A_26 : i32
    %dma_start3A_28 = arith.constant 1 : i32
    %dma_start3A_29 = arith.constant 1 : i32
    %dma_start3A_30 = arith.constant 0 : i32
    %dma_start3A_31 = arith.constant 0 : i32
    %dma_start3A_32 = tpu.memref_slice %arg5[%dma_start3A_28, %dma_start3A_30, %dma_start3A_31] : memref<5x125x32xf32, #tpu.memory_space<vmem>> -> memref<1x125x32xf32, #tpu.memory_space<vmem>>
    %dma_start3A_33 = tpu.memref_squeeze %dma_start3A_32 : memref<1x125x32xf32, #tpu.memory_space<vmem>> -> memref<125x32xf32, #tpu.memory_space<vmem>>
    %dma_start3A_34 = tpu.memref_slice %arg2[%add3A_27, %add3A_6] : memref<50000x128xf32, #tpu.memory_space<hbm>> -> memref<125x32xf32, #tpu.memory_space<hbm>>
    %dma_start3A_35 = tpu.memref_slice %arg9[%dma_start3A_29] : memref<5x!tpu.dma_semaphore, #tpu.memory_space<semaphore_mem>> -> memref<1x!tpu.dma_semaphore, #tpu.memory_space<semaphore_mem>>
    %dma_start3A_36 = tpu.memref_squeeze %dma_start3A_35 : memref<1x!tpu.dma_semaphore, #tpu.memory_space<semaphore_mem>> -> memref<!tpu.dma_semaphore, #tpu.memory_space<semaphore_mem>>
    %dma_start3A_37 = arith.constant 0 : i32
    %dma_start3A_38 = arith.constant 0 : i32
    %dma_start3A_39 = tpu.memref_slice %arg5[%dma_start3A_28, %dma_start3A_37, %dma_start3A_38] : memref<5x125x32xf32, #tpu.memory_space<vmem>> -> memref<1x125x32xf32, #tpu.memory_space<vmem>>
    %dma_start3A_40 = tpu.memref_squeeze %dma_start3A_39 : memref<1x125x32xf32, #tpu.memory_space<vmem>> -> memref<125x32xf32, #tpu.memory_space<vmem>>
    %dma_start3A_41 = tpu.memref_slice %arg2[%add3A_27, %add3A_6] : memref<50000x128xf32, #tpu.memory_space<hbm>> -> memref<125x32xf32, #tpu.memory_space<hbm>>
    tpu.enqueue_dma source(%dma_start3A_41 : memref<125x32xf32, #tpu.memory_space<hbm>>) target(%dma_start3A_40 : memref<125x32xf32, #tpu.memory_space<vmem>>) target_semaphore(%dma_start3A_36 : memref<!tpu.dma_semaphore, #tpu.memory_space<semaphore_mem>>)
    %mul3A_42 = arith.constant 3125 : i32
    %mul3A_43 = arith.muli %arg1, %mul3A_42 : i32
    %add3A_44 = arith.constant 250 : i32
    %add3A_45 = arith.addi %mul3A_43, %add3A_44 : i32
    %dma_start3A_46 = arith.constant 2 : i32
    %dma_start3A_47 = arith.constant 2 : i32
    %dma_start3A_48 = arith.constant 0 : i32
    %dma_start3A_49 = arith.constant 0 : i32
    %dma_start3A_50 = tpu.memref_slice %arg5[%dma_start3A_46, %dma_start3A_48, %dma_start3A_49] : memref<5x125x32xf32, #tpu.memory_space<vmem>> -> memref<1x125x32xf32, #tpu.memory_space<vmem>>
    %dma_start3A_51 = tpu.memref_squeeze %dma_start3A_50 : memref<1x125x32xf32, #tpu.memory_space<vmem>> -> memref<125x32xf32, #tpu.memory_space<vmem>>
    %dma_start3A_52 = tpu.memref_slice %arg2[%add3A_45, %add3A_6] : memref<50000x128xf32, #tpu.memory_space<hbm>> -> memref<125x32xf32, #tpu.memory_space<hbm>>
    %dma_start3A_53 = tpu.memref_slice %arg9[%dma_start3A_47] : memref<5x!tpu.dma_semaphore, #tpu.memory_space<semaphore_mem>> -> memref<1x!tpu.dma_semaphore, #tpu.memory_space<semaphore_mem>>
    %dma_start3A_54 = tpu.memref_squeeze %dma_start3A_53 : memref<1x!tpu.dma_semaphore, #tpu.memory_space<semaphore_mem>> -> memref<!tpu.dma_semaphore, #tpu.memory_space<semaphore_mem>>
    %dma_start3A_55 = arith.constant 0 : i32
    %dma_start3A_56 = arith.constant 0 : i32
    %dma_start3A_57 = tpu.memref_slice %arg5[%dma_start3A_46, %dma_start3A_55, %dma_start3A_56] : memref<5x125x32xf32, #tpu.memory_space<vmem>> -> memref<1x125x32xf32, #tpu.memory_space<vmem>>
    %dma_start3A_58 = tpu.memref_squeeze %dma_start3A_57 : memref<1x125x32xf32, #tpu.memory_space<vmem>> -> memref<125x32xf32, #tpu.memory_space<vmem>>
    %dma_start3A_59 = tpu.memref_slice %arg2[%add3A_45, %add3A_6] : memref<50000x128xf32, #tpu.memory_space<hbm>> -> memref<125x32xf32, #tpu.memory_space<hbm>>
    tpu.enqueue_dma source(%dma_start3A_59 : memref<125x32xf32, #tpu.memory_space<hbm>>) target(%dma_start3A_58 : memref<125x32xf32, #tpu.memory_space<vmem>>) target_semaphore(%dma_start3A_54 : memref<!tpu.dma_semaphore, #tpu.memory_space<semaphore_mem>>)
    %mul3A_60 = arith.constant 3125 : i32
    %mul3A_61 = arith.muli %arg1, %mul3A_60 : i32
    %add3A_62 = arith.constant 375 : i32
    %add3A_63 = arith.addi %mul3A_61, %add3A_62 : i32
    %dma_start3A_64 = arith.constant 3 : i32
    %dma_start3A_65 = arith.constant 3 : i32
    %dma_start3A_66 = arith.constant 0 : i32
    %dma_start3A_67 = arith.constant 0 : i32
    %dma_start3A_68 = tpu.memref_slice %arg5[%dma_start3A_64, %dma_start3A_66, %dma_start3A_67] : memref<5x125x32xf32, #tpu.memory_space<vmem>> -> memref<1x125x32xf32, #tpu.memory_space<vmem>>
    %dma_start3A_69 = tpu.memref_squeeze %dma_start3A_68 : memref<1x125x32xf32, #tpu.memory_space<vmem>> -> memref<125x32xf32, #tpu.memory_space<vmem>>
    %dma_start3A_70 = tpu.memref_slice %arg2[%add3A_63, %add3A_6] : memref<50000x128xf32, #tpu.memory_space<hbm>> -> memref<125x32xf32, #tpu.memory_space<hbm>>
    %dma_start3A_71 = tpu.memref_slice %arg9[%dma_start3A_65] : memref<5x!tpu.dma_semaphore, #tpu.memory_space<semaphore_mem>> -> memref<1x!tpu.dma_semaphore, #tpu.memory_space<semaphore_mem>>
    %dma_start3A_72 = tpu.memref_squeeze %dma_start3A_71 : memref<1x!tpu.dma_semaphore, #tpu.memory_space<semaphore_mem>> -> memref<!tpu.dma_semaphore, #tpu.memory_space<semaphore_mem>>
    %dma_start3A_73 = arith.constant 0 : i32
    %dma_start3A_74 = arith.constant 0 : i32
    %dma_start3A_75 = tpu.memref_slice %arg5[%dma_start3A_64, %dma_start3A_73, %dma_start3A_74] : memref<5x125x32xf32, #tpu.memory_space<vmem>> -> memref<1x125x32xf32, #tpu.memory_space<vmem>>
    %dma_start3A_76 = tpu.memref_squeeze %dma_start3A_75 : memref<1x125x32xf32, #tpu.memory_space<vmem>> -> memref<125x32xf32, #tpu.memory_space<vmem>>
    %dma_start3A_77 = tpu.memref_slice %arg2[%add3A_63, %add3A_6] : memref<50000x128xf32, #tpu.memory_space<hbm>> -> memref<125x32xf32, #tpu.memory_space<hbm>>
    tpu.enqueue_dma source(%dma_start3A_77 : memref<125x32xf32, #tpu.memory_space<hbm>>) target(%dma_start3A_76 : memref<125x32xf32, #tpu.memory_space<vmem>>) target_semaphore(%dma_start3A_72 : memref<!tpu.dma_semaphore, #tpu.memory_space<semaphore_mem>>)
    %mul3A_78 = arith.constant 3125 : i32
    %mul3A_79 = arith.muli %arg1, %mul3A_78 : i32
    %add3A_80 = arith.constant 500 : i32
    %add3A_81 = arith.addi %mul3A_79, %add3A_80 : i32
    %dma_start3A_82 = arith.constant 4 : i32
    %dma_start3A_83 = arith.constant 4 : i32
    %dma_start3A_84 = arith.constant 0 : i32
    %dma_start3A_85 = arith.constant 0 : i32
    %dma_start3A_86 = tpu.memref_slice %arg5[%dma_start3A_82, %dma_start3A_84, %dma_start3A_85] : memref<5x125x32xf32, #tpu.memory_space<vmem>> -> memref<1x125x32xf32, #tpu.memory_space<vmem>>
    %dma_start3A_87 = tpu.memref_squeeze %dma_start3A_86 : memref<1x125x32xf32, #tpu.memory_space<vmem>> -> memref<125x32xf32, #tpu.memory_space<vmem>>
    %dma_start3A_88 = tpu.memref_slice %arg2[%add3A_81, %add3A_6] : memref<50000x128xf32, #tpu.memory_space<hbm>> -> memref<125x32xf32, #tpu.memory_space<hbm>>
    %dma_start3A_89 = tpu.memref_slice %arg9[%dma_start3A_83] : memref<5x!tpu.dma_semaphore, #tpu.memory_space<semaphore_mem>> -> memref<1x!tpu.dma_semaphore, #tpu.memory_space<semaphore_mem>>
    %dma_start3A_90 = tpu.memref_squeeze %dma_start3A_89 : memref<1x!tpu.dma_semaphore, #tpu.memory_space<semaphore_mem>> -> memref<!tpu.dma_semaphore, #tpu.memory_space<semaphore_mem>>
    %dma_start3A_91 = arith.constant 0 : i32
    %dma_start3A_92 = arith.constant 0 : i32
    %dma_start3A_93 = tpu.memref_slice %arg5[%dma_start3A_82, %dma_start3A_91, %dma_start3A_92] : memref<5x125x32xf32, #tpu.memory_space<vmem>> -> memref<1x125x32xf32, #tpu.memory_space<vmem>>
    %dma_start3A_94 = tpu.memref_squeeze %dma_start3A_93 : memref<1x125x32xf32, #tpu.memory_space<vmem>> -> memref<125x32xf32, #tpu.memory_space<vmem>>
    %dma_start3A_95 = tpu.memref_slice %arg2[%add3A_81, %add3A_6] : memref<50000x128xf32, #tpu.memory_space<hbm>> -> memref<125x32xf32, #tpu.memory_space<hbm>>
    tpu.enqueue_dma source(%dma_start3A_95 : memref<125x32xf32, #tpu.memory_space<hbm>>) target(%dma_start3A_94 : memref<125x32xf32, #tpu.memory_space<vmem>>) target_semaphore(%dma_start3A_90 : memref<!tpu.dma_semaphore, #tpu.memory_space<semaphore_mem>>)
    %scan3A_96 = arith.constant 0 : i32
    %scan3A_97 = arith.constant 0 : i32
    %scan3A_98 = arith.constant 25 : i32
    %scan3A_99 = arith.addi %scan3A_97, %scan3A_98 : i32
    %scan3A_100 = arith.constant 1 : i32
    scf.for %scan3A_258 = %scan3A_97 to %scan3A_99 step %scan3A_100  : i32 {
      %mul3A_259 = arith.constant 3125 : i32
      %mul3A_260 = arith.muli %arg1, %mul3A_259 : i32
      %mul3A_261 = arith.constant 125 : i32
      %mul3A_262 = arith.muli %scan3A_258, %mul3A_261 : i32
      %add3A_263 = arith.addi %mul3A_260, %mul3A_262 : i32
      %dma_start3A_264 = arith.constant 0 : i32
      %dma_start3A_265 = tpu.memref_slice %arg8[%add3A_263, %dma_start3A_264] : memref<50000x32xf32, #tpu.memory_space<vmem_shared>> -> memref<125x32xf32, #tpu.memory_space<vmem_shared>>
      %dma_start3A_266 = arith.constant 0 : i32
      %dma_start3A_267 = tpu.memref_slice %arg8[%add3A_263, %dma_start3A_266] : memref<50000x32xf32, #tpu.memory_space<vmem_shared>> -> memref<125x32xf32, #tpu.memory_space<vmem_shared>>
      tpu.enqueue_dma source(%arg7 : memref<125x32xf32, #tpu.memory_space<vmem>>) target(%dma_start3A_267 : memref<125x32xf32, #tpu.memory_space<vmem_shared>>) target_semaphore(%arg11 : memref<!tpu.dma_semaphore, #tpu.memory_space<semaphore_mem>>)
    }
    %scan3A_101 = arith.constant 25 : i32
    %scan3A_102 = arith.constant 0 : i32
    %scan3A_103 = arith.constant 0 : i32
    %scan3A_104 = arith.constant 25 : i32
    %scan3A_105 = arith.addi %scan3A_103, %scan3A_104 : i32
    %scan3A_106 = arith.constant 1 : i32
    scf.for %scan3A_258 = %scan3A_103 to %scan3A_105 step %scan3A_106  : i32 {
      %mul3A_259 = arith.constant 3125 : i32
      %mul3A_260 = arith.muli %arg1, %mul3A_259 : i32
      %dma_wait3A_261 = arith.constant 0 : i32
      %dma_wait3A_262 = tpu.memref_slice %arg8[%mul3A_260, %dma_wait3A_261] : memref<50000x32xf32, #tpu.memory_space<vmem_shared>> -> memref<125x32xf32, #tpu.memory_space<vmem_shared>>
      %dma_wait3A_263 = arith.constant 0 : i32
      %dma_wait3A_264 = tpu.memref_slice %arg8[%mul3A_260, %dma_wait3A_263] : memref<50000x32xf32, #tpu.memory_space<vmem_shared>> -> memref<125x32xf32, #tpu.memory_space<vmem_shared>>
      tpu.wait_dma2 semaphore(%arg11 : memref<!tpu.dma_semaphore, #tpu.memory_space<semaphore_mem>>) src(%arg7 : memref<125x32xf32, #tpu.memory_space<vmem>>) dst(%dma_wait3A_264 : memref<125x32xf32, #tpu.memory_space<vmem_shared>>)
    }
    %scan3A_107 = arith.constant 25 : i32
    %barrier3A = arith.constant 0 : index
    tpu.barrier barrier_id(%barrier3A)
    %scan3A_108 = arith.constant 0 : i32
    %scan3A_109 = arith.constant 0 : i32
    %scan3A_110 = arith.constant 5 : i32
    %scan3A_111 = arith.addi %scan3A_109, %scan3A_110 : i32
    %scan3A_112 = arith.constant 1 : i32
    scf.for %scan3A_258 = %scan3A_109 to %scan3A_111 step %scan3A_112  : i32 {
      %mul3A_259 = arith.constant 5 : i32
      %mul3A_260 = arith.muli %scan3A_258, %mul3A_259 : i32
      %add3A_261 = arith.constant 0 : i32
      %add3A_262 = arith.addi %mul3A_260, %add3A_261 : i32
      %mul3A_263 = arith.constant 3125 : i32
      %mul3A_264 = arith.muli %arg1, %mul3A_263 : i32
      %dma_wait3A_265 = arith.constant 0 : i32
      %dma_wait3A_266 = arith.constant 0 : i32
      %dma_wait3A_267 = arith.constant 0 : i32
      %dma_wait3A_268 = arith.constant 0 : i32
      %dma_wait3A_269 = tpu.memref_slice %arg5[%dma_wait3A_265, %dma_wait3A_267, %dma_wait3A_268] : memref<5x125x32xf32, #tpu.memory_space<vmem>> -> memref<1x125x32xf32, #tpu.memory_space<vmem>>
      %dma_wait3A_270 = tpu.memref_squeeze %dma_wait3A_269 : memref<1x125x32xf32, #tpu.memory_space<vmem>> -> memref<125x32xf32, #tpu.memory_space<vmem>>
      %dma_wait3A_271 = arith.constant 0 : i32
      %dma_wait3A_272 = tpu.memref_slice %arg2[%mul3A_264, %dma_wait3A_271] : memref<50000x128xf32, #tpu.memory_space<hbm>> -> memref<125x32xf32, #tpu.memory_space<hbm>>
      %dma_wait3A_273 = tpu.memref_slice %arg9[%dma_wait3A_266] : memref<5x!tpu.dma_semaphore, #tpu.memory_space<semaphore_mem>> -> memref<1x!tpu.dma_semaphore, #tpu.memory_space<semaphore_mem>>
      %dma_wait3A_274 = tpu.memref_squeeze %dma_wait3A_273 : memref<1x!tpu.dma_semaphore, #tpu.memory_space<semaphore_mem>> -> memref<!tpu.dma_semaphore, #tpu.memory_space<semaphore_mem>>
      %dma_wait3A_275 = arith.constant 0 : i32
      %dma_wait3A_276 = arith.constant 0 : i32
      %dma_wait3A_277 = tpu.memref_slice %arg5[%dma_wait3A_265, %dma_wait3A_275, %dma_wait3A_276] : memref<5x125x32xf32, #tpu.memory_space<vmem>> -> memref<1x125x32xf32, #tpu.memory_space<vmem>>
      %dma_wait3A_278 = tpu.memref_squeeze %dma_wait3A_277 : memref<1x125x32xf32, #tpu.memory_space<vmem>> -> memref<125x32xf32, #tpu.memory_space<vmem>>
      %dma_wait3A_279 = arith.constant 0 : i32
      %dma_wait3A_280 = tpu.memref_slice %arg2[%mul3A_264, %dma_wait3A_279] : memref<50000x128xf32, #tpu.memory_space<hbm>> -> memref<125x32xf32, #tpu.memory_space<hbm>>
      tpu.wait_dma2 semaphore(%dma_wait3A_274 : memref<!tpu.dma_semaphore, #tpu.memory_space<semaphore_mem>>) src(%dma_wait3A_280 : memref<125x32xf32, #tpu.memory_space<hbm>>) dst(%dma_wait3A_278 : memref<125x32xf32, #tpu.memory_space<vmem>>)
      %dma_start3A_281 = arith.constant 0 : i32
      %dma_start3A_282 = arith.constant 0 : i32
      %dma_start3A_283 = arith.constant 0 : i32
      %dma_start3A_284 = arith.constant 0 : i32
      %dma_start3A_285 = tpu.memref_slice %arg5[%dma_start3A_281, %dma_start3A_283, %dma_start3A_284] : memref<5x125x32xf32, #tpu.memory_space<vmem>> -> memref<1x125x32xf32, #tpu.memory_space<vmem>>
      %dma_start3A_286 = tpu.memref_squeeze %dma_start3A_285 : memref<1x125x32xf32, #tpu.memory_space<vmem>> -> memref<125x32xf32, #tpu.memory_space<vmem>>
      %dma_start3A_287 = arith.constant 0 : i32
      %dma_start3A_288 = tpu.memref_slice %arg6[%add3A_262, %dma_start3A_287] : memref<25x125xi32, #tpu.memory_space<vmem>> -> memref<1x125xi32, #tpu.memory_space<vmem>>
      %dma_start3A_289 = tpu.memref_squeeze %dma_start3A_288 : memref<1x125xi32, #tpu.memory_space<vmem>> -> memref<125xi32, #tpu.memory_space<vmem>>
      %dma_start3A_290 = arith.constant 0 : i32
      %dma_start3A_291 = arith.constant 0 : i32
      %dma_start3A_292 = tpu.memref_slice %arg8[%dma_start3A_290, %dma_start3A_291] : memref<50000x32xf32, #tpu.memory_space<vmem_shared>> -> memref<50000x32xf32, #tpu.memory_space<vmem_shared>>
      %dma_start3A_293 = tpu.memref_slice %arg10[%dma_start3A_282] : memref<5x!tpu.dma_semaphore, #tpu.memory_space<semaphore_mem>> -> memref<1x!tpu.dma_semaphore, #tpu.memory_space<semaphore_mem>>
      %dma_start3A_294 = tpu.memref_squeeze %dma_start3A_293 : memref<1x!tpu.dma_semaphore, #tpu.memory_space<semaphore_mem>> -> memref<!tpu.dma_semaphore, #tpu.memory_space<semaphore_mem>>
      tpu.enqueue_indirect_dma source(%dma_start3A_286 : memref<125x32xf32, #tpu.memory_space<vmem>>) target(%dma_start3A_292 : memref<50000x32xf32, #tpu.memory_space<vmem_shared>>) offsets(%dma_start3A_289 : memref<125xi32, #tpu.memory_space<vmem>>) semaphore(%dma_start3A_294 : memref<!tpu.dma_semaphore, #tpu.memory_space<semaphore_mem>>) {add = true}
      %mul3A_295 = arith.constant 5 : i32
      %mul3A_296 = arith.muli %scan3A_258, %mul3A_295 : i32
      %add3A_297 = arith.constant 1 : i32
      %add3A_298 = arith.addi %mul3A_296, %add3A_297 : i32
      %mul3A_299 = arith.constant 3125 : i32
      %mul3A_300 = arith.muli %arg1, %mul3A_299 : i32
      %dma_wait3A_301 = arith.constant 1 : i32
      %dma_wait3A_302 = arith.constant 1 : i32
      %dma_wait3A_303 = arith.constant 0 : i32
      %dma_wait3A_304 = arith.constant 0 : i32
      %dma_wait3A_305 = tpu.memref_slice %arg5[%dma_wait3A_301, %dma_wait3A_303, %dma_wait3A_304] : memref<5x125x32xf32, #tpu.memory_space<vmem>> -> memref<1x125x32xf32, #tpu.memory_space<vmem>>
      %dma_wait3A_306 = tpu.memref_squeeze %dma_wait3A_305 : memref<1x125x32xf32, #tpu.memory_space<vmem>> -> memref<125x32xf32, #tpu.memory_space<vmem>>
      %dma_wait3A_307 = arith.constant 0 : i32
      %dma_wait3A_308 = tpu.memref_slice %arg2[%mul3A_300, %dma_wait3A_307] : memref<50000x128xf32, #tpu.memory_space<hbm>> -> memref<125x32xf32, #tpu.memory_space<hbm>>
      %dma_wait3A_309 = tpu.memref_slice %arg9[%dma_wait3A_302] : memref<5x!tpu.dma_semaphore, #tpu.memory_space<semaphore_mem>> -> memref<1x!tpu.dma_semaphore, #tpu.memory_space<semaphore_mem>>
      %dma_wait3A_310 = tpu.memref_squeeze %dma_wait3A_309 : memref<1x!tpu.dma_semaphore, #tpu.memory_space<semaphore_mem>> -> memref<!tpu.dma_semaphore, #tpu.memory_space<semaphore_mem>>
      %dma_wait3A_311 = arith.constant 0 : i32
      %dma_wait3A_312 = arith.constant 0 : i32
      %dma_wait3A_313 = tpu.memref_slice %arg5[%dma_wait3A_301, %dma_wait3A_311, %dma_wait3A_312] : memref<5x125x32xf32, #tpu.memory_space<vmem>> -> memref<1x125x32xf32, #tpu.memory_space<vmem>>
      %dma_wait3A_314 = tpu.memref_squeeze %dma_wait3A_313 : memref<1x125x32xf32, #tpu.memory_space<vmem>> -> memref<125x32xf32, #tpu.memory_space<vmem>>
      %dma_wait3A_315 = arith.constant 0 : i32
      %dma_wait3A_316 = tpu.memref_slice %arg2[%mul3A_300, %dma_wait3A_315] : memref<50000x128xf32, #tpu.memory_space<hbm>> -> memref<125x32xf32, #tpu.memory_space<hbm>>
      tpu.wait_dma2 semaphore(%dma_wait3A_310 : memref<!tpu.dma_semaphore, #tpu.memory_space<semaphore_mem>>) src(%dma_wait3A_316 : memref<125x32xf32, #tpu.memory_space<hbm>>) dst(%dma_wait3A_314 : memref<125x32xf32, #tpu.memory_space<vmem>>)
      %dma_start3A_317 = arith.constant 1 : i32
      %dma_start3A_318 = arith.constant 1 : i32
      %dma_start3A_319 = arith.constant 0 : i32
      %dma_start3A_320 = arith.constant 0 : i32
      %dma_start3A_321 = tpu.memref_slice %arg5[%dma_start3A_317, %dma_start3A_319, %dma_start3A_320] : memref<5x125x32xf32, #tpu.memory_space<vmem>> -> memref<1x125x32xf32, #tpu.memory_space<vmem>>
      %dma_start3A_322 = tpu.memref_squeeze %dma_start3A_321 : memref<1x125x32xf32, #tpu.memory_space<vmem>> -> memref<125x32xf32, #tpu.memory_space<vmem>>
      %dma_start3A_323 = arith.constant 0 : i32
      %dma_start3A_324 = tpu.memref_slice %arg6[%add3A_298, %dma_start3A_323] : memref<25x125xi32, #tpu.memory_space<vmem>> -> memref<1x125xi32, #tpu.memory_space<vmem>>
      %dma_start3A_325 = tpu.memref_squeeze %dma_start3A_324 : memref<1x125xi32, #tpu.memory_space<vmem>> -> memref<125xi32, #tpu.memory_space<vmem>>
      %dma_start3A_326 = arith.constant 0 : i32
      %dma_start3A_327 = arith.constant 0 : i32
      %dma_start3A_328 = tpu.memref_slice %arg8[%dma_start3A_326, %dma_start3A_327] : memref<50000x32xf32, #tpu.memory_space<vmem_shared>> -> memref<50000x32xf32, #tpu.memory_space<vmem_shared>>
      %dma_start3A_329 = tpu.memref_slice %arg10[%dma_start3A_318] : memref<5x!tpu.dma_semaphore, #tpu.memory_space<semaphore_mem>> -> memref<1x!tpu.dma_semaphore, #tpu.memory_space<semaphore_mem>>
      %dma_start3A_330 = tpu.memref_squeeze %dma_start3A_329 : memref<1x!tpu.dma_semaphore, #tpu.memory_space<semaphore_mem>> -> memref<!tpu.dma_semaphore, #tpu.memory_space<semaphore_mem>>
      tpu.enqueue_indirect_dma source(%dma_start3A_322 : memref<125x32xf32, #tpu.memory_space<vmem>>) target(%dma_start3A_328 : memref<50000x32xf32, #tpu.memory_space<vmem_shared>>) offsets(%dma_start3A_325 : memref<125xi32, #tpu.memory_space<vmem>>) semaphore(%dma_start3A_330 : memref<!tpu.dma_semaphore, #tpu.memory_space<semaphore_mem>>) {add = true}
      %mul3A_331 = arith.constant 5 : i32
      %mul3A_332 = arith.muli %scan3A_258, %mul3A_331 : i32
      %add3A_333 = arith.constant 2 : i32
      %add3A_334 = arith.addi %mul3A_332, %add3A_333 : i32
      %mul3A_335 = arith.constant 3125 : i32
      %mul3A_336 = arith.muli %arg1, %mul3A_335 : i32
      %dma_wait3A_337 = arith.constant 2 : i32
      %dma_wait3A_338 = arith.constant 2 : i32
      %dma_wait3A_339 = arith.constant 0 : i32
      %dma_wait3A_340 = arith.constant 0 : i32
      %dma_wait3A_341 = tpu.memref_slice %arg5[%dma_wait3A_337, %dma_wait3A_339, %dma_wait3A_340] : memref<5x125x32xf32, #tpu.memory_space<vmem>> -> memref<1x125x32xf32, #tpu.memory_space<vmem>>
      %dma_wait3A_342 = tpu.memref_squeeze %dma_wait3A_341 : memref<1x125x32xf32, #tpu.memory_space<vmem>> -> memref<125x32xf32, #tpu.memory_space<vmem>>
      %dma_wait3A_343 = arith.constant 0 : i32
      %dma_wait3A_344 = tpu.memref_slice %arg2[%mul3A_336, %dma_wait3A_343] : memref<50000x128xf32, #tpu.memory_space<hbm>> -> memref<125x32xf32, #tpu.memory_space<hbm>>
      %dma_wait3A_345 = tpu.memref_slice %arg9[%dma_wait3A_338] : memref<5x!tpu.dma_semaphore, #tpu.memory_space<semaphore_mem>> -> memref<1x!tpu.dma_semaphore, #tpu.memory_space<semaphore_mem>>
      %dma_wait3A_346 = tpu.memref_squeeze %dma_wait3A_345 : memref<1x!tpu.dma_semaphore, #tpu.memory_space<semaphore_mem>> -> memref<!tpu.dma_semaphore, #tpu.memory_space<semaphore_mem>>
      %dma_wait3A_347 = arith.constant 0 : i32
      %dma_wait3A_348 = arith.constant 0 : i32
      %dma_wait3A_349 = tpu.memref_slice %arg5[%dma_wait3A_337, %dma_wait3A_347, %dma_wait3A_348] : memref<5x125x32xf32, #tpu.memory_space<vmem>> -> memref<1x125x32xf32, #tpu.memory_space<vmem>>
      %dma_wait3A_350 = tpu.memref_squeeze %dma_wait3A_349 : memref<1x125x32xf32, #tpu.memory_space<vmem>> -> memref<125x32xf32, #tpu.memory_space<vmem>>
      %dma_wait3A_351 = arith.constant 0 : i32
      %dma_wait3A_352 = tpu.memref_slice %arg2[%mul3A_336, %dma_wait3A_351] : memref<50000x128xf32, #tpu.memory_space<hbm>> -> memref<125x32xf32, #tpu.memory_space<hbm>>
      tpu.wait_dma2 semaphore(%dma_wait3A_346 : memref<!tpu.dma_semaphore, #tpu.memory_space<semaphore_mem>>) src(%dma_wait3A_352 : memref<125x32xf32, #tpu.memory_space<hbm>>) dst(%dma_wait3A_350 : memref<125x32xf32, #tpu.memory_space<vmem>>)
      %dma_start3A_353 = arith.constant 2 : i32
      %dma_start3A_354 = arith.constant 2 : i32
      %dma_start3A_355 = arith.constant 0 : i32
      %dma_start3A_356 = arith.constant 0 : i32
      %dma_start3A_357 = tpu.memref_slice %arg5[%dma_start3A_353, %dma_start3A_355, %dma_start3A_356] : memref<5x125x32xf32, #tpu.memory_space<vmem>> -> memref<1x125x32xf32, #tpu.memory_space<vmem>>
      %dma_start3A_358 = tpu.memref_squeeze %dma_start3A_357 : memref<1x125x32xf32, #tpu.memory_space<vmem>> -> memref<125x32xf32, #tpu.memory_space<vmem>>
      %dma_start3A_359 = arith.constant 0 : i32
      %dma_start3A_360 = tpu.memref_slice %arg6[%add3A_334, %dma_start3A_359] : memref<25x125xi32, #tpu.memory_space<vmem>> -> memref<1x125xi32, #tpu.memory_space<vmem>>
      %dma_start3A_361 = tpu.memref_squeeze %dma_start3A_360 : memref<1x125xi32, #tpu.memory_space<vmem>> -> memref<125xi32, #tpu.memory_space<vmem>>
      %dma_start3A_362 = arith.constant 0 : i32
      %dma_start3A_363 = arith.constant 0 : i32
      %dma_start3A_364 = tpu.memref_slice %arg8[%dma_start3A_362, %dma_start3A_363] : memref<50000x32xf32, #tpu.memory_space<vmem_shared>> -> memref<50000x32xf32, #tpu.memory_space<vmem_shared>>
      %dma_start3A_365 = tpu.memref_slice %arg10[%dma_start3A_354] : memref<5x!tpu.dma_semaphore, #tpu.memory_space<semaphore_mem>> -> memref<1x!tpu.dma_semaphore, #tpu.memory_space<semaphore_mem>>
      %dma_start3A_366 = tpu.memref_squeeze %dma_start3A_365 : memref<1x!tpu.dma_semaphore, #tpu.memory_space<semaphore_mem>> -> memref<!tpu.dma_semaphore, #tpu.memory_space<semaphore_mem>>
      tpu.enqueue_indirect_dma source(%dma_start3A_358 : memref<125x32xf32, #tpu.memory_space<vmem>>) target(%dma_start3A_364 : memref<50000x32xf32, #tpu.memory_space<vmem_shared>>) offsets(%dma_start3A_361 : memref<125xi32, #tpu.memory_space<vmem>>) semaphore(%dma_start3A_366 : memref<!tpu.dma_semaphore, #tpu.memory_space<semaphore_mem>>) {add = true}
      %mul3A_367 = arith.constant 5 : i32
      %mul3A_368 = arith.muli %scan3A_258, %mul3A_367 : i32
      %add3A_369 = arith.constant 3 : i32
      %add3A_370 = arith.addi %mul3A_368, %add3A_369 : i32
      %mul3A_371 = arith.constant 3125 : i32
      %mul3A_372 = arith.muli %arg1, %mul3A_371 : i32
      %dma_wait3A_373 = arith.constant 3 : i32
      %dma_wait3A_374 = arith.constant 3 : i32
      %dma_wait3A_375 = arith.constant 0 : i32
      %dma_wait3A_376 = arith.constant 0 : i32
      %dma_wait3A_377 = tpu.memref_slice %arg5[%dma_wait3A_373, %dma_wait3A_375, %dma_wait3A_376] : memref<5x125x32xf32, #tpu.memory_space<vmem>> -> memref<1x125x32xf32, #tpu.memory_space<vmem>>
      %dma_wait3A_378 = tpu.memref_squeeze %dma_wait3A_377 : memref<1x125x32xf32, #tpu.memory_space<vmem>> -> memref<125x32xf32, #tpu.memory_space<vmem>>
      %dma_wait3A_379 = arith.constant 0 : i32
      %dma_wait3A_380 = tpu.memref_slice %arg2[%mul3A_372, %dma_wait3A_379] : memref<50000x128xf32, #tpu.memory_space<hbm>> -> memref<125x32xf32, #tpu.memory_space<hbm>>
      %dma_wait3A_381 = tpu.memref_slice %arg9[%dma_wait3A_374] : memref<5x!tpu.dma_semaphore, #tpu.memory_space<semaphore_mem>> -> memref<1x!tpu.dma_semaphore, #tpu.memory_space<semaphore_mem>>
      %dma_wait3A_382 = tpu.memref_squeeze %dma_wait3A_381 : memref<1x!tpu.dma_semaphore, #tpu.memory_space<semaphore_mem>> -> memref<!tpu.dma_semaphore, #tpu.memory_space<semaphore_mem>>
      %dma_wait3A_383 = arith.constant 0 : i32
      %dma_wait3A_384 = arith.constant 0 : i32
      %dma_wait3A_385 = tpu.memref_slice %arg5[%dma_wait3A_373, %dma_wait3A_383, %dma_wait3A_384] : memref<5x125x32xf32, #tpu.memory_space<vmem>> -> memref<1x125x32xf32, #tpu.memory_space<vmem>>
      %dma_wait3A_386 = tpu.memref_squeeze %dma_wait3A_385 : memref<1x125x32xf32, #tpu.memory_space<vmem>> -> memref<125x32xf32, #tpu.memory_space<vmem>>
      %dma_wait3A_387 = arith.constant 0 : i32
      %dma_wait3A_388 = tpu.memref_slice %arg2[%mul3A_372, %dma_wait3A_387] : memref<50000x128xf32, #tpu.memory_space<hbm>> -> memref<125x32xf32, #tpu.memory_space<hbm>>
      tpu.wait_dma2 semaphore(%dma_wait3A_382 : memref<!tpu.dma_semaphore, #tpu.memory_space<semaphore_mem>>) src(%dma_wait3A_388 : memref<125x32xf32, #tpu.memory_space<hbm>>) dst(%dma_wait3A_386 : memref<125x32xf32, #tpu.memory_space<vmem>>)
      %dma_start3A_389 = arith.constant 3 : i32
      %dma_start3A_390 = arith.constant 3 : i32
      %dma_start3A_391 = arith.constant 0 : i32
      %dma_start3A_392 = arith.constant 0 : i32
      %dma_start3A_393 = tpu.memref_slice %arg5[%dma_start3A_389, %dma_start3A_391, %dma_start3A_392] : memref<5x125x32xf32, #tpu.memory_space<vmem>> -> memref<1x125x32xf32, #tpu.memory_space<vmem>>
      %dma_start3A_394 = tpu.memref_squeeze %dma_start3A_393 : memref<1x125x32xf32, #tpu.memory_space<vmem>> -> memref<125x32xf32, #tpu.memory_space<vmem>>
      %dma_start3A_395 = arith.constant 0 : i32
      %dma_start3A_396 = tpu.memref_slice %arg6[%add3A_370, %dma_start3A_395] : memref<25x125xi32, #tpu.memory_space<vmem>> -> memref<1x125xi32, #tpu.memory_space<vmem>>
      %dma_start3A_397 = tpu.memref_squeeze %dma_start3A_396 : memref<1x125xi32, #tpu.memory_space<vmem>> -> memref<125xi32, #tpu.memory_space<vmem>>
      %dma_start3A_398 = arith.constant 0 : i32
      %dma_start3A_399 = arith.constant 0 : i32
      %dma_start3A_400 = tpu.memref_slice %arg8[%dma_start3A_398, %dma_start3A_399] : memref<50000x32xf32, #tpu.memory_space<vmem_shared>> -> memref<50000x32xf32, #tpu.memory_space<vmem_shared>>
      %dma_start3A_401 = tpu.memref_slice %arg10[%dma_start3A_390] : memref<5x!tpu.dma_semaphore, #tpu.memory_space<semaphore_mem>> -> memref<1x!tpu.dma_semaphore, #tpu.memory_space<semaphore_mem>>
      %dma_start3A_402 = tpu.memref_squeeze %dma_start3A_401 : memref<1x!tpu.dma_semaphore, #tpu.memory_space<semaphore_mem>> -> memref<!tpu.dma_semaphore, #tpu.memory_space<semaphore_mem>>
      tpu.enqueue_indirect_dma source(%dma_start3A_394 : memref<125x32xf32, #tpu.memory_space<vmem>>) target(%dma_start3A_400 : memref<50000x32xf32, #tpu.memory_space<vmem_shared>>) offsets(%dma_start3A_397 : memref<125xi32, #tpu.memory_space<vmem>>) semaphore(%dma_start3A_402 : memref<!tpu.dma_semaphore, #tpu.memory_space<semaphore_mem>>) {add = true}
      %mul3A_403 = arith.constant 5 : i32
      %mul3A_404 = arith.muli %scan3A_258, %mul3A_403 : i32
      %add3A_405 = arith.constant 4 : i32
      %add3A_406 = arith.addi %mul3A_404, %add3A_405 : i32
      %mul3A_407 = arith.constant 3125 : i32
      %mul3A_408 = arith.muli %arg1, %mul3A_407 : i32
      %dma_wait3A_409 = arith.constant 4 : i32
      %dma_wait3A_410 = arith.constant 4 : i32
      %dma_wait3A_411 = arith.constant 0 : i32
      %dma_wait3A_412 = arith.constant 0 : i32
      %dma_wait3A_413 = tpu.memref_slice %arg5[%dma_wait3A_409, %dma_wait3A_411, %dma_wait3A_412] : memref<5x125x32xf32, #tpu.memory_space<vmem>> -> memref<1x125x32xf32, #tpu.memory_space<vmem>>
      %dma_wait3A_414 = tpu.memref_squeeze %dma_wait3A_413 : memref<1x125x32xf32, #tpu.memory_space<vmem>> -> memref<125x32xf32, #tpu.memory_space<vmem>>
      %dma_wait3A_415 = arith.constant 0 : i32
      %dma_wait3A_416 = tpu.memref_slice %arg2[%mul3A_408, %dma_wait3A_415] : memref<50000x128xf32, #tpu.memory_space<hbm>> -> memref<125x32xf32, #tpu.memory_space<hbm>>
      %dma_wait3A_417 = tpu.memref_slice %arg9[%dma_wait3A_410] : memref<5x!tpu.dma_semaphore, #tpu.memory_space<semaphore_mem>> -> memref<1x!tpu.dma_semaphore, #tpu.memory_space<semaphore_mem>>
      %dma_wait3A_418 = tpu.memref_squeeze %dma_wait3A_417 : memref<1x!tpu.dma_semaphore, #tpu.memory_space<semaphore_mem>> -> memref<!tpu.dma_semaphore, #tpu.memory_space<semaphore_mem>>
      %dma_wait3A_419 = arith.constant 0 : i32
      %dma_wait3A_420 = arith.constant 0 : i32
      %dma_wait3A_421 = tpu.memref_slice %arg5[%dma_wait3A_409, %dma_wait3A_419, %dma_wait3A_420] : memref<5x125x32xf32, #tpu.memory_space<vmem>> -> memref<1x125x32xf32, #tpu.memory_space<vmem>>
      %dma_wait3A_422 = tpu.memref_squeeze %dma_wait3A_421 : memref<1x125x32xf32, #tpu.memory_space<vmem>> -> memref<125x32xf32, #tpu.memory_space<vmem>>
      %dma_wait3A_423 = arith.constant 0 : i32
      %dma_wait3A_424 = tpu.memref_slice %arg2[%mul3A_408, %dma_wait3A_423] : memref<50000x128xf32, #tpu.memory_space<hbm>> -> memref<125x32xf32, #tpu.memory_space<hbm>>
      tpu.wait_dma2 semaphore(%dma_wait3A_418 : memref<!tpu.dma_semaphore, #tpu.memory_space<semaphore_mem>>) src(%dma_wait3A_424 : memref<125x32xf32, #tpu.memory_space<hbm>>) dst(%dma_wait3A_422 : memref<125x32xf32, #tpu.memory_space<vmem>>)
      %dma_start3A_425 = arith.constant 4 : i32
      %dma_start3A_426 = arith.constant 4 : i32
      %dma_start3A_427 = arith.constant 0 : i32
      %dma_start3A_428 = arith.constant 0 : i32
      %dma_start3A_429 = tpu.memref_slice %arg5[%dma_start3A_425, %dma_start3A_427, %dma_start3A_428] : memref<5x125x32xf32, #tpu.memory_space<vmem>> -> memref<1x125x32xf32, #tpu.memory_space<vmem>>
      %dma_start3A_430 = tpu.memref_squeeze %dma_start3A_429 : memref<1x125x32xf32, #tpu.memory_space<vmem>> -> memref<125x32xf32, #tpu.memory_space<vmem>>
      %dma_start3A_431 = arith.constant 0 : i32
      %dma_start3A_432 = tpu.memref_slice %arg6[%add3A_406, %dma_start3A_431] : memref<25x125xi32, #tpu.memory_space<vmem>> -> memref<1x125xi32, #tpu.memory_space<vmem>>
      %dma_start3A_433 = tpu.memref_squeeze %dma_start3A_432 : memref<1x125xi32, #tpu.memory_space<vmem>> -> memref<125xi32, #tpu.memory_space<vmem>>
      %dma_start3A_434 = arith.constant 0 : i32
      %dma_start3A_435 = arith.constant 0 : i32
      %dma_start3A_436 = tpu.memref_slice %arg8[%dma_start3A_434, %dma_start3A_435] : memref<50000x32xf32, #tpu.memory_space<vmem_shared>> -> memref<50000x32xf32, #tpu.memory_space<vmem_shared>>
      %dma_start3A_437 = tpu.memref_slice %arg10[%dma_start3A_426] : memref<5x!tpu.dma_semaphore, #tpu.memory_space<semaphore_mem>> -> memref<1x!tpu.dma_semaphore, #tpu.memory_space<semaphore_mem>>
      %dma_start3A_438 = tpu.memref_squeeze %dma_start3A_437 : memref<1x!tpu.dma_semaphore, #tpu.memory_space<semaphore_mem>> -> memref<!tpu.dma_semaphore, #tpu.memory_space<semaphore_mem>>
      tpu.enqueue_indirect_dma source(%dma_start3A_430 : memref<125x32xf32, #tpu.memory_space<vmem>>) target(%dma_start3A_436 : memref<50000x32xf32, #tpu.memory_space<vmem_shared>>) offsets(%dma_start3A_433 : memref<125xi32, #tpu.memory_space<vmem>>) semaphore(%dma_start3A_438 : memref<!tpu.dma_semaphore, #tpu.memory_space<semaphore_mem>>) {add = true}
      %dma_wait3A_439 = arith.constant 0 : i32
      %dma_wait3A_440 = arith.constant 0 : i32
      %dma_wait3A_441 = arith.constant 0 : i32
      %dma_wait3A_442 = arith.constant 0 : i32
      %dma_wait3A_443 = arith.constant 0 : i32
      %dma_wait3A_444 = tpu.memref_slice %arg5[%dma_wait3A_439, %dma_wait3A_442, %dma_wait3A_443] : memref<5x125x32xf32, #tpu.memory_space<vmem>> -> memref<1x125x32xf32, #tpu.memory_space<vmem>>
      %dma_wait3A_445 = tpu.memref_squeeze %dma_wait3A_444 : memref<1x125x32xf32, #tpu.memory_space<vmem>> -> memref<125x32xf32, #tpu.memory_space<vmem>>
      %dma_wait3A_446 = arith.constant 0 : i32
      %dma_wait3A_447 = tpu.memref_slice %arg6[%dma_wait3A_440, %dma_wait3A_446] : memref<25x125xi32, #tpu.memory_space<vmem>> -> memref<1x125xi32, #tpu.memory_space<vmem>>
      %dma_wait3A_448 = tpu.memref_squeeze %dma_wait3A_447 : memref<1x125xi32, #tpu.memory_space<vmem>> -> memref<125xi32, #tpu.memory_space<vmem>>
      %dma_wait3A_449 = arith.constant 0 : i32
      %dma_wait3A_450 = arith.constant 0 : i32
      %dma_wait3A_451 = tpu.memref_slice %arg8[%dma_wait3A_449, %dma_wait3A_450] : memref<50000x32xf32, #tpu.memory_space<vmem_shared>> -> memref<50000x32xf32, #tpu.memory_space<vmem_shared>>
      %dma_wait3A_452 = tpu.memref_slice %arg10[%dma_wait3A_441] : memref<5x!tpu.dma_semaphore, #tpu.memory_space<semaphore_mem>> -> memref<1x!tpu.dma_semaphore, #tpu.memory_space<semaphore_mem>>
      %dma_wait3A_453 = tpu.memref_squeeze %dma_wait3A_452 : memref<1x!tpu.dma_semaphore, #tpu.memory_space<semaphore_mem>> -> memref<!tpu.dma_semaphore, #tpu.memory_space<semaphore_mem>>
      tpu.wait_indirect_dma semaphore(%dma_wait3A_453 : memref<!tpu.dma_semaphore, #tpu.memory_space<semaphore_mem>>) src(%dma_wait3A_445 : memref<125x32xf32, #tpu.memory_space<vmem>>) dst(%dma_wait3A_451 : memref<50000x32xf32, #tpu.memory_space<vmem_shared>>)
      %lt3A = arith.constant 4 : i32
      %lt3A_454 = arith.cmpi slt, %scan3A_258, %lt3A : i32
      %convert_element_type3A = arith.extui %lt3A_454 : i1 to i32
      %cond3A = arith.constant 0 : i32
      %cond3A_455 = arith.cmpi ne, %convert_element_type3A, %cond3A : i32
      scf.if %cond3A_455 {
        %add3A_536 = arith.constant 1 : i32
        %add3A_537 = arith.addi %scan3A_258, %add3A_536 : i32
        %mul3A_538 = arith.constant 5 : i32
        %mul3A_539 = arith.muli %add3A_537, %mul3A_538 : i32
        %add3A_540 = arith.constant 0 : i32
        %add3A_541 = arith.addi %mul3A_539, %add3A_540 : i32
        %mul3A_542 = arith.constant 3125 : i32
        %mul3A_543 = arith.muli %arg1, %mul3A_542 : i32
        %mul3A_544 = arith.constant 125 : i32
        %mul3A_545 = arith.muli %add3A_541, %mul3A_544 : i32
        %add3A_546 = arith.addi %mul3A_543, %mul3A_545 : i32
        %dma_start3A_547 = arith.constant 0 : i32
        %dma_start3A_548 = arith.constant 0 : i32
        %dma_start3A_549 = arith.constant 0 : i32
        %dma_start3A_550 = arith.constant 0 : i32
        %dma_start3A_551 = tpu.memref_slice %arg5[%dma_start3A_547, %dma_start3A_549, %dma_start3A_550] : memref<5x125x32xf32, #tpu.memory_space<vmem>> -> memref<1x125x32xf32, #tpu.memory_space<vmem>>
        %dma_start3A_552 = tpu.memref_squeeze %dma_start3A_551 : memref<1x125x32xf32, #tpu.memory_space<vmem>> -> memref<125x32xf32, #tpu.memory_space<vmem>>
        %dma_start3A_553 = tpu.memref_slice %arg2[%add3A_546, %add3A_6] : memref<50000x128xf32, #tpu.memory_space<hbm>> -> memref<125x32xf32, #tpu.memory_space<hbm>>
        %dma_start3A_554 = tpu.memref_slice %arg9[%dma_start3A_548] : memref<5x!tpu.dma_semaphore, #tpu.memory_space<semaphore_mem>> -> memref<1x!tpu.dma_semaphore, #tpu.memory_space<semaphore_mem>>
        %dma_start3A_555 = tpu.memref_squeeze %dma_start3A_554 : memref<1x!tpu.dma_semaphore, #tpu.memory_space<semaphore_mem>> -> memref<!tpu.dma_semaphore, #tpu.memory_space<semaphore_mem>>
        %dma_start3A_556 = arith.constant 0 : i32
        %dma_start3A_557 = arith.constant 0 : i32
        %dma_start3A_558 = tpu.memref_slice %arg5[%dma_start3A_547, %dma_start3A_556, %dma_start3A_557] : memref<5x125x32xf32, #tpu.memory_space<vmem>> -> memref<1x125x32xf32, #tpu.memory_space<vmem>>
        %dma_start3A_559 = tpu.memref_squeeze %dma_start3A_558 : memref<1x125x32xf32, #tpu.memory_space<vmem>> -> memref<125x32xf32, #tpu.memory_space<vmem>>
        %dma_start3A_560 = tpu.memref_slice %arg2[%add3A_546, %add3A_6] : memref<50000x128xf32, #tpu.memory_space<hbm>> -> memref<125x32xf32, #tpu.memory_space<hbm>>
        tpu.enqueue_dma source(%dma_start3A_560 : memref<125x32xf32, #tpu.memory_space<hbm>>) target(%dma_start3A_559 : memref<125x32xf32, #tpu.memory_space<vmem>>) target_semaphore(%dma_start3A_555 : memref<!tpu.dma_semaphore, #tpu.memory_space<semaphore_mem>>)
      } else {
      }
      %dma_wait3A_456 = arith.constant 1 : i32
      %dma_wait3A_457 = arith.constant 0 : i32
      %dma_wait3A_458 = arith.constant 1 : i32
      %dma_wait3A_459 = arith.constant 0 : i32
      %dma_wait3A_460 = arith.constant 0 : i32
      %dma_wait3A_461 = tpu.memref_slice %arg5[%dma_wait3A_456, %dma_wait3A_459, %dma_wait3A_460] : memref<5x125x32xf32, #tpu.memory_space<vmem>> -> memref<1x125x32xf32, #tpu.memory_space<vmem>>
      %dma_wait3A_462 = tpu.memref_squeeze %dma_wait3A_461 : memref<1x125x32xf32, #tpu.memory_space<vmem>> -> memref<125x32xf32, #tpu.memory_space<vmem>>
      %dma_wait3A_463 = arith.constant 0 : i32
      %dma_wait3A_464 = tpu.memref_slice %arg6[%dma_wait3A_457, %dma_wait3A_463] : memref<25x125xi32, #tpu.memory_space<vmem>> -> memref<1x125xi32, #tpu.memory_space<vmem>>
      %dma_wait3A_465 = tpu.memref_squeeze %dma_wait3A_464 : memref<1x125xi32, #tpu.memory_space<vmem>> -> memref<125xi32, #tpu.memory_space<vmem>>
      %dma_wait3A_466 = arith.constant 0 : i32
      %dma_wait3A_467 = arith.constant 0 : i32
      %dma_wait3A_468 = tpu.memref_slice %arg8[%dma_wait3A_466, %dma_wait3A_467] : memref<50000x32xf32, #tpu.memory_space<vmem_shared>> -> memref<50000x32xf32, #tpu.memory_space<vmem_shared>>
      %dma_wait3A_469 = tpu.memref_slice %arg10[%dma_wait3A_458] : memref<5x!tpu.dma_semaphore, #tpu.memory_space<semaphore_mem>> -> memref<1x!tpu.dma_semaphore, #tpu.memory_space<semaphore_mem>>
      %dma_wait3A_470 = tpu.memref_squeeze %dma_wait3A_469 : memref<1x!tpu.dma_semaphore, #tpu.memory_space<semaphore_mem>> -> memref<!tpu.dma_semaphore, #tpu.memory_space<semaphore_mem>>
      tpu.wait_indirect_dma semaphore(%dma_wait3A_470 : memref<!tpu.dma_semaphore, #tpu.memory_space<semaphore_mem>>) src(%dma_wait3A_462 : memref<125x32xf32, #tpu.memory_space<vmem>>) dst(%dma_wait3A_468 : memref<50000x32xf32, #tpu.memory_space<vmem_shared>>)
      %lt3A_471 = arith.constant 4 : i32
      %lt3A_472 = arith.cmpi slt, %scan3A_258, %lt3A_471 : i32
      %convert_element_type3A_473 = arith.extui %lt3A_472 : i1 to i32
      %cond3A_474 = arith.constant 0 : i32
      %cond3A_475 = arith.cmpi ne, %convert_element_type3A_473, %cond3A_474 : i32
      scf.if %cond3A_475 {
        %add3A_536 = arith.constant 1 : i32
        %add3A_537 = arith.addi %scan3A_258, %add3A_536 : i32
        %mul3A_538 = arith.constant 5 : i32
        %mul3A_539 = arith.muli %add3A_537, %mul3A_538 : i32
        %add3A_540 = arith.constant 1 : i32
        %add3A_541 = arith.addi %mul3A_539, %add3A_540 : i32
        %mul3A_542 = arith.constant 3125 : i32
        %mul3A_543 = arith.muli %arg1, %mul3A_542 : i32
        %mul3A_544 = arith.constant 125 : i32
        %mul3A_545 = arith.muli %add3A_541, %mul3A_544 : i32
        %add3A_546 = arith.addi %mul3A_543, %mul3A_545 : i32
        %dma_start3A_547 = arith.constant 1 : i32
        %dma_start3A_548 = arith.constant 1 : i32
        %dma_start3A_549 = arith.constant 0 : i32
        %dma_start3A_550 = arith.constant 0 : i32
        %dma_start3A_551 = tpu.memref_slice %arg5[%dma_start3A_547, %dma_start3A_549, %dma_start3A_550] : memref<5x125x32xf32, #tpu.memory_space<vmem>> -> memref<1x125x32xf32, #tpu.memory_space<vmem>>
        %dma_start3A_552 = tpu.memref_squeeze %dma_start3A_551 : memref<1x125x32xf32, #tpu.memory_space<vmem>> -> memref<125x32xf32, #tpu.memory_space<vmem>>
        %dma_start3A_553 = tpu.memref_slice %arg2[%add3A_546, %add3A_6] : memref<50000x128xf32, #tpu.memory_space<hbm>> -> memref<125x32xf32, #tpu.memory_space<hbm>>
        %dma_start3A_554 = tpu.memref_slice %arg9[%dma_start3A_548] : memref<5x!tpu.dma_semaphore, #tpu.memory_space<semaphore_mem>> -> memref<1x!tpu.dma_semaphore, #tpu.memory_space<semaphore_mem>>
        %dma_start3A_555 = tpu.memref_squeeze %dma_start3A_554 : memref<1x!tpu.dma_semaphore, #tpu.memory_space<semaphore_mem>> -> memref<!tpu.dma_semaphore, #tpu.memory_space<semaphore_mem>>
        %dma_start3A_556 = arith.constant 0 : i32
        %dma_start3A_557 = arith.constant 0 : i32
        %dma_start3A_558 = tpu.memref_slice %arg5[%dma_start3A_547, %dma_start3A_556, %dma_start3A_557] : memref<5x125x32xf32, #tpu.memory_space<vmem>> -> memref<1x125x32xf32, #tpu.memory_space<vmem>>
        %dma_start3A_559 = tpu.memref_squeeze %dma_start3A_558 : memref<1x125x32xf32, #tpu.memory_space<vmem>> -> memref<125x32xf32, #tpu.memory_space<vmem>>
        %dma_start3A_560 = tpu.memref_slice %arg2[%add3A_546, %add3A_6] : memref<50000x128xf32, #tpu.memory_space<hbm>> -> memref<125x32xf32, #tpu.memory_space<hbm>>
        tpu.enqueue_dma source(%dma_start3A_560 : memref<125x32xf32, #tpu.memory_space<hbm>>) target(%dma_start3A_559 : memref<125x32xf32, #tpu.memory_space<vmem>>) target_semaphore(%dma_start3A_555 : memref<!tpu.dma_semaphore, #tpu.memory_space<semaphore_mem>>)
      } else {
      }
      %dma_wait3A_476 = arith.constant 2 : i32
      %dma_wait3A_477 = arith.constant 0 : i32
      %dma_wait3A_478 = arith.constant 2 : i32
      %dma_wait3A_479 = arith.constant 0 : i32
      %dma_wait3A_480 = arith.constant 0 : i32
      %dma_wait3A_481 = tpu.memref_slice %arg5[%dma_wait3A_476, %dma_wait3A_479, %dma_wait3A_480] : memref<5x125x32xf32, #tpu.memory_space<vmem>> -> memref<1x125x32xf32, #tpu.memory_space<vmem>>
      %dma_wait3A_482 = tpu.memref_squeeze %dma_wait3A_481 : memref<1x125x32xf32, #tpu.memory_space<vmem>> -> memref<125x32xf32, #tpu.memory_space<vmem>>
      %dma_wait3A_483 = arith.constant 0 : i32
      %dma_wait3A_484 = tpu.memref_slice %arg6[%dma_wait3A_477, %dma_wait3A_483] : memref<25x125xi32, #tpu.memory_space<vmem>> -> memref<1x125xi32, #tpu.memory_space<vmem>>
      %dma_wait3A_485 = tpu.memref_squeeze %dma_wait3A_484 : memref<1x125xi32, #tpu.memory_space<vmem>> -> memref<125xi32, #tpu.memory_space<vmem>>
      %dma_wait3A_486 = arith.constant 0 : i32
      %dma_wait3A_487 = arith.constant 0 : i32
      %dma_wait3A_488 = tpu.memref_slice %arg8[%dma_wait3A_486, %dma_wait3A_487] : memref<50000x32xf32, #tpu.memory_space<vmem_shared>> -> memref<50000x32xf32, #tpu.memory_space<vmem_shared>>
      %dma_wait3A_489 = tpu.memref_slice %arg10[%dma_wait3A_478] : memref<5x!tpu.dma_semaphore, #tpu.memory_space<semaphore_mem>> -> memref<1x!tpu.dma_semaphore, #tpu.memory_space<semaphore_mem>>
      %dma_wait3A_490 = tpu.memref_squeeze %dma_wait3A_489 : memref<1x!tpu.dma_semaphore, #tpu.memory_space<semaphore_mem>> -> memref<!tpu.dma_semaphore, #tpu.memory_space<semaphore_mem>>
      tpu.wait_indirect_dma semaphore(%dma_wait3A_490 : memref<!tpu.dma_semaphore, #tpu.memory_space<semaphore_mem>>) src(%dma_wait3A_482 : memref<125x32xf32, #tpu.memory_space<vmem>>) dst(%dma_wait3A_488 : memref<50000x32xf32, #tpu.memory_space<vmem_shared>>)
      %lt3A_491 = arith.constant 4 : i32
      %lt3A_492 = arith.cmpi slt, %scan3A_258, %lt3A_491 : i32
      %convert_element_type3A_493 = arith.extui %lt3A_492 : i1 to i32
      %cond3A_494 = arith.constant 0 : i32
      %cond3A_495 = arith.cmpi ne, %convert_element_type3A_493, %cond3A_494 : i32
      scf.if %cond3A_495 {
        %add3A_536 = arith.constant 1 : i32
        %add3A_537 = arith.addi %scan3A_258, %add3A_536 : i32
        %mul3A_538 = arith.constant 5 : i32
        %mul3A_539 = arith.muli %add3A_537, %mul3A_538 : i32
        %add3A_540 = arith.constant 2 : i32
        %add3A_541 = arith.addi %mul3A_539, %add3A_540 : i32
        %mul3A_542 = arith.constant 3125 : i32
        %mul3A_543 = arith.muli %arg1, %mul3A_542 : i32
        %mul3A_544 = arith.constant 125 : i32
        %mul3A_545 = arith.muli %add3A_541, %mul3A_544 : i32
        %add3A_546 = arith.addi %mul3A_543, %mul3A_545 : i32
        %dma_start3A_547 = arith.constant 2 : i32
        %dma_start3A_548 = arith.constant 2 : i32
        %dma_start3A_549 = arith.constant 0 : i32
        %dma_start3A_550 = arith.constant 0 : i32
        %dma_start3A_551 = tpu.memref_slice %arg5[%dma_start3A_547, %dma_start3A_549, %dma_start3A_550] : memref<5x125x32xf32, #tpu.memory_space<vmem>> -> memref<1x125x32xf32, #tpu.memory_space<vmem>>
        %dma_start3A_552 = tpu.memref_squeeze %dma_start3A_551 : memref<1x125x32xf32, #tpu.memory_space<vmem>> -> memref<125x32xf32, #tpu.memory_space<vmem>>
        %dma_start3A_553 = tpu.memref_slice %arg2[%add3A_546, %add3A_6] : memref<50000x128xf32, #tpu.memory_space<hbm>> -> memref<125x32xf32, #tpu.memory_space<hbm>>
        %dma_start3A_554 = tpu.memref_slice %arg9[%dma_start3A_548] : memref<5x!tpu.dma_semaphore, #tpu.memory_space<semaphore_mem>> -> memref<1x!tpu.dma_semaphore, #tpu.memory_space<semaphore_mem>>
        %dma_start3A_555 = tpu.memref_squeeze %dma_start3A_554 : memref<1x!tpu.dma_semaphore, #tpu.memory_space<semaphore_mem>> -> memref<!tpu.dma_semaphore, #tpu.memory_space<semaphore_mem>>
        %dma_start3A_556 = arith.constant 0 : i32
        %dma_start3A_557 = arith.constant 0 : i32
        %dma_start3A_558 = tpu.memref_slice %arg5[%dma_start3A_547, %dma_start3A_556, %dma_start3A_557] : memref<5x125x32xf32, #tpu.memory_space<vmem>> -> memref<1x125x32xf32, #tpu.memory_space<vmem>>
        %dma_start3A_559 = tpu.memref_squeeze %dma_start3A_558 : memref<1x125x32xf32, #tpu.memory_space<vmem>> -> memref<125x32xf32, #tpu.memory_space<vmem>>
        %dma_start3A_560 = tpu.memref_slice %arg2[%add3A_546, %add3A_6] : memref<50000x128xf32, #tpu.memory_space<hbm>> -> memref<125x32xf32, #tpu.memory_space<hbm>>
        tpu.enqueue_dma source(%dma_start3A_560 : memref<125x32xf32, #tpu.memory_space<hbm>>) target(%dma_start3A_559 : memref<125x32xf32, #tpu.memory_space<vmem>>) target_semaphore(%dma_start3A_555 : memref<!tpu.dma_semaphore, #tpu.memory_space<semaphore_mem>>)
      } else {
      }
      %dma_wait3A_496 = arith.constant 3 : i32
      %dma_wait3A_497 = arith.constant 0 : i32
      %dma_wait3A_498 = arith.constant 3 : i32
      %dma_wait3A_499 = arith.constant 0 : i32
      %dma_wait3A_500 = arith.constant 0 : i32
      %dma_wait3A_501 = tpu.memref_slice %arg5[%dma_wait3A_496, %dma_wait3A_499, %dma_wait3A_500] : memref<5x125x32xf32, #tpu.memory_space<vmem>> -> memref<1x125x32xf32, #tpu.memory_space<vmem>>
      %dma_wait3A_502 = tpu.memref_squeeze %dma_wait3A_501 : memref<1x125x32xf32, #tpu.memory_space<vmem>> -> memref<125x32xf32, #tpu.memory_space<vmem>>
      %dma_wait3A_503 = arith.constant 0 : i32
      %dma_wait3A_504 = tpu.memref_slice %arg6[%dma_wait3A_497, %dma_wait3A_503] : memref<25x125xi32, #tpu.memory_space<vmem>> -> memref<1x125xi32, #tpu.memory_space<vmem>>
      %dma_wait3A_505 = tpu.memref_squeeze %dma_wait3A_504 : memref<1x125xi32, #tpu.memory_space<vmem>> -> memref<125xi32, #tpu.memory_space<vmem>>
      %dma_wait3A_506 = arith.constant 0 : i32
      %dma_wait3A_507 = arith.constant 0 : i32
      %dma_wait3A_508 = tpu.memref_slice %arg8[%dma_wait3A_506, %dma_wait3A_507] : memref<50000x32xf32, #tpu.memory_space<vmem_shared>> -> memref<50000x32xf32, #tpu.memory_space<vmem_shared>>
      %dma_wait3A_509 = tpu.memref_slice %arg10[%dma_wait3A_498] : memref<5x!tpu.dma_semaphore, #tpu.memory_space<semaphore_mem>> -> memref<1x!tpu.dma_semaphore, #tpu.memory_space<semaphore_mem>>
      %dma_wait3A_510 = tpu.memref_squeeze %dma_wait3A_509 : memref<1x!tpu.dma_semaphore, #tpu.memory_space<semaphore_mem>> -> memref<!tpu.dma_semaphore, #tpu.memory_space<semaphore_mem>>
      tpu.wait_indirect_dma semaphore(%dma_wait3A_510 : memref<!tpu.dma_semaphore, #tpu.memory_space<semaphore_mem>>) src(%dma_wait3A_502 : memref<125x32xf32, #tpu.memory_space<vmem>>) dst(%dma_wait3A_508 : memref<50000x32xf32, #tpu.memory_space<vmem_shared>>)
      %lt3A_511 = arith.constant 4 : i32
      %lt3A_512 = arith.cmpi slt, %scan3A_258, %lt3A_511 : i32
      %convert_element_type3A_513 = arith.extui %lt3A_512 : i1 to i32
      %cond3A_514 = arith.constant 0 : i32
      %cond3A_515 = arith.cmpi ne, %convert_element_type3A_513, %cond3A_514 : i32
      scf.if %cond3A_515 {
        %add3A_536 = arith.constant 1 : i32
        %add3A_537 = arith.addi %scan3A_258, %add3A_536 : i32
        %mul3A_538 = arith.constant 5 : i32
        %mul3A_539 = arith.muli %add3A_537, %mul3A_538 : i32
        %add3A_540 = arith.constant 3 : i32
        %add3A_541 = arith.addi %mul3A_539, %add3A_540 : i32
        %mul3A_542 = arith.constant 3125 : i32
        %mul3A_543 = arith.muli %arg1, %mul3A_542 : i32
        %mul3A_544 = arith.constant 125 : i32
        %mul3A_545 = arith.muli %add3A_541, %mul3A_544 : i32
        %add3A_546 = arith.addi %mul3A_543, %mul3A_545 : i32
        %dma_start3A_547 = arith.constant 3 : i32
        %dma_start3A_548 = arith.constant 3 : i32
        %dma_start3A_549 = arith.constant 0 : i32
        %dma_start3A_550 = arith.constant 0 : i32
        %dma_start3A_551 = tpu.memref_slice %arg5[%dma_start3A_547, %dma_start3A_549, %dma_start3A_550] : memref<5x125x32xf32, #tpu.memory_space<vmem>> -> memref<1x125x32xf32, #tpu.memory_space<vmem>>
        %dma_start3A_552 = tpu.memref_squeeze %dma_start3A_551 : memref<1x125x32xf32, #tpu.memory_space<vmem>> -> memref<125x32xf32, #tpu.memory_space<vmem>>
        %dma_start3A_553 = tpu.memref_slice %arg2[%add3A_546, %add3A_6] : memref<50000x128xf32, #tpu.memory_space<hbm>> -> memref<125x32xf32, #tpu.memory_space<hbm>>
        %dma_start3A_554 = tpu.memref_slice %arg9[%dma_start3A_548] : memref<5x!tpu.dma_semaphore, #tpu.memory_space<semaphore_mem>> -> memref<1x!tpu.dma_semaphore, #tpu.memory_space<semaphore_mem>>
        %dma_start3A_555 = tpu.memref_squeeze %dma_start3A_554 : memref<1x!tpu.dma_semaphore, #tpu.memory_space<semaphore_mem>> -> memref<!tpu.dma_semaphore, #tpu.memory_space<semaphore_mem>>
        %dma_start3A_556 = arith.constant 0 : i32
        %dma_start3A_557 = arith.constant 0 : i32
        %dma_start3A_558 = tpu.memref_slice %arg5[%dma_start3A_547, %dma_start3A_556, %dma_start3A_557] : memref<5x125x32xf32, #tpu.memory_space<vmem>> -> memref<1x125x32xf32, #tpu.memory_space<vmem>>
        %dma_start3A_559 = tpu.memref_squeeze %dma_start3A_558 : memref<1x125x32xf32, #tpu.memory_space<vmem>> -> memref<125x32xf32, #tpu.memory_space<vmem>>
        %dma_start3A_560 = tpu.memref_slice %arg2[%add3A_546, %add3A_6] : memref<50000x128xf32, #tpu.memory_space<hbm>> -> memref<125x32xf32, #tpu.memory_space<hbm>>
        tpu.enqueue_dma source(%dma_start3A_560 : memref<125x32xf32, #tpu.memory_space<hbm>>) target(%dma_start3A_559 : memref<125x32xf32, #tpu.memory_space<vmem>>) target_semaphore(%dma_start3A_555 : memref<!tpu.dma_semaphore, #tpu.memory_space<semaphore_mem>>)
      } else {
      }
      %dma_wait3A_516 = arith.constant 4 : i32
      %dma_wait3A_517 = arith.constant 0 : i32
      %dma_wait3A_518 = arith.constant 4 : i32
      %dma_wait3A_519 = arith.constant 0 : i32
      %dma_wait3A_520 = arith.constant 0 : i32
      %dma_wait3A_521 = tpu.memref_slice %arg5[%dma_wait3A_516, %dma_wait3A_519, %dma_wait3A_520] : memref<5x125x32xf32, #tpu.memory_space<vmem>> -> memref<1x125x32xf32, #tpu.memory_space<vmem>>
      %dma_wait3A_522 = tpu.memref_squeeze %dma_wait3A_521 : memref<1x125x32xf32, #tpu.memory_space<vmem>> -> memref<125x32xf32, #tpu.memory_space<vmem>>
      %dma_wait3A_523 = arith.constant 0 : i32
      %dma_wait3A_524 = tpu.memref_slice %arg6[%dma_wait3A_517, %dma_wait3A_523] : memref<25x125xi32, #tpu.memory_space<vmem>> -> memref<1x125xi32, #tpu.memory_space<vmem>>
      %dma_wait3A_525 = tpu.memref_squeeze %dma_wait3A_524 : memref<1x125xi32, #tpu.memory_space<vmem>> -> memref<125xi32, #tpu.memory_space<vmem>>
      %dma_wait3A_526 = arith.constant 0 : i32
      %dma_wait3A_527 = arith.constant 0 : i32
      %dma_wait3A_528 = tpu.memref_slice %arg8[%dma_wait3A_526, %dma_wait3A_527] : memref<50000x32xf32, #tpu.memory_space<vmem_shared>> -> memref<50000x32xf32, #tpu.memory_space<vmem_shared>>
      %dma_wait3A_529 = tpu.memref_slice %arg10[%dma_wait3A_518] : memref<5x!tpu.dma_semaphore, #tpu.memory_space<semaphore_mem>> -> memref<1x!tpu.dma_semaphore, #tpu.memory_space<semaphore_mem>>
      %dma_wait3A_530 = tpu.memref_squeeze %dma_wait3A_529 : memref<1x!tpu.dma_semaphore, #tpu.memory_space<semaphore_mem>> -> memref<!tpu.dma_semaphore, #tpu.memory_space<semaphore_mem>>
      tpu.wait_indirect_dma semaphore(%dma_wait3A_530 : memref<!tpu.dma_semaphore, #tpu.memory_space<semaphore_mem>>) src(%dma_wait3A_522 : memref<125x32xf32, #tpu.memory_space<vmem>>) dst(%dma_wait3A_528 : memref<50000x32xf32, #tpu.memory_space<vmem_shared>>)
      %lt3A_531 = arith.constant 4 : i32
      %lt3A_532 = arith.cmpi slt, %scan3A_258, %lt3A_531 : i32
      %convert_element_type3A_533 = arith.extui %lt3A_532 : i1 to i32
      %cond3A_534 = arith.constant 0 : i32
      %cond3A_535 = arith.cmpi ne, %convert_element_type3A_533, %cond3A_534 : i32
      scf.if %cond3A_535 {
        %add3A_536 = arith.constant 1 : i32
        %add3A_537 = arith.addi %scan3A_258, %add3A_536 : i32
        %mul3A_538 = arith.constant 5 : i32
        %mul3A_539 = arith.muli %add3A_537, %mul3A_538 : i32
        %add3A_540 = arith.constant 4 : i32
        %add3A_541 = arith.addi %mul3A_539, %add3A_540 : i32
        %mul3A_542 = arith.constant 3125 : i32
        %mul3A_543 = arith.muli %arg1, %mul3A_542 : i32
        %mul3A_544 = arith.constant 125 : i32
        %mul3A_545 = arith.muli %add3A_541, %mul3A_544 : i32
        %add3A_546 = arith.addi %mul3A_543, %mul3A_545 : i32
        %dma_start3A_547 = arith.constant 4 : i32
        %dma_start3A_548 = arith.constant 4 : i32
        %dma_start3A_549 = arith.constant 0 : i32
        %dma_start3A_550 = arith.constant 0 : i32
        %dma_start3A_551 = tpu.memref_slice %arg5[%dma_start3A_547, %dma_start3A_549, %dma_start3A_550] : memref<5x125x32xf32, #tpu.memory_space<vmem>> -> memref<1x125x32xf32, #tpu.memory_space<vmem>>
        %dma_start3A_552 = tpu.memref_squeeze %dma_start3A_551 : memref<1x125x32xf32, #tpu.memory_space<vmem>> -> memref<125x32xf32, #tpu.memory_space<vmem>>
        %dma_start3A_553 = tpu.memref_slice %arg2[%add3A_546, %add3A_6] : memref<50000x128xf32, #tpu.memory_space<hbm>> -> memref<125x32xf32, #tpu.memory_space<hbm>>
        %dma_start3A_554 = tpu.memref_slice %arg9[%dma_start3A_548] : memref<5x!tpu.dma_semaphore, #tpu.memory_space<semaphore_mem>> -> memref<1x!tpu.dma_semaphore, #tpu.memory_space<semaphore_mem>>
        %dma_start3A_555 = tpu.memref_squeeze %dma_start3A_554 : memref<1x!tpu.dma_semaphore, #tpu.memory_space<semaphore_mem>> -> memref<!tpu.dma_semaphore, #tpu.memory_space<semaphore_mem>>
        %dma_start3A_556 = arith.constant 0 : i32
        %dma_start3A_557 = arith.constant 0 : i32
        %dma_start3A_558 = tpu.memref_slice %arg5[%dma_start3A_547, %dma_start3A_556, %dma_start3A_557] : memref<5x125x32xf32, #tpu.memory_space<vmem>> -> memref<1x125x32xf32, #tpu.memory_space<vmem>>
        %dma_start3A_559 = tpu.memref_squeeze %dma_start3A_558 : memref<1x125x32xf32, #tpu.memory_space<vmem>> -> memref<125x32xf32, #tpu.memory_space<vmem>>
        %dma_start3A_560 = tpu.memref_slice %arg2[%add3A_546, %add3A_6] : memref<50000x128xf32, #tpu.memory_space<hbm>> -> memref<125x32xf32, #tpu.memory_space<hbm>>
        tpu.enqueue_dma source(%dma_start3A_560 : memref<125x32xf32, #tpu.memory_space<hbm>>) target(%dma_start3A_559 : memref<125x32xf32, #tpu.memory_space<vmem>>) target_semaphore(%dma_start3A_555 : memref<!tpu.dma_semaphore, #tpu.memory_space<semaphore_mem>>)
      } else {
      }
    }
    %scan3A_113 = arith.constant 5 : i32
    %barrier3A_114 = arith.constant 0 : index
    tpu.barrier barrier_id(%barrier3A_114)
    %mul3A_115 = arith.constant 3125 : i32
    %mul3A_116 = arith.muli %arg1, %mul3A_115 : i32
    %mul3A_117 = arith.constant 3125 : i32
    %mul3A_118 = arith.muli %arg1, %mul3A_117 : i32
    %dma_start3A_119 = tpu.memref_slice %arg4[%mul3A_118, %add3A_6] : memref<50000x128xf32, #tpu.memory_space<hbm>> -> memref<3125x32xf32, #tpu.memory_space<hbm>>
    %dma_start3A_120 = arith.constant 0 : i32
    %dma_start3A_121 = tpu.memref_slice %arg8[%mul3A_116, %dma_start3A_120] : memref<50000x32xf32, #tpu.memory_space<vmem_shared>> -> memref<3125x32xf32, #tpu.memory_space<vmem_shared>>
    tpu.enqueue_dma source(%dma_start3A_121 : memref<3125x32xf32, #tpu.memory_space<vmem_shared>>) target(%dma_start3A_119 : memref<3125x32xf32, #tpu.memory_space<hbm>>) target_semaphore(%arg12 : memref<!tpu.dma_semaphore, #tpu.memory_space<semaphore_mem>>)
    %mul3A_122 = arith.constant 64 : i32
    %mul3A_123 = arith.muli %arg0, %mul3A_122 : i32
    %add3A_124 = arith.constant 32 : i32
    %add3A_125 = arith.addi %mul3A_123, %add3A_124 : i32
    %mul3A_126 = arith.constant 3125 : i32
    %mul3A_127 = arith.muli %arg1, %mul3A_126 : i32
    %add3A_128 = arith.constant 0 : i32
    %add3A_129 = arith.addi %mul3A_127, %add3A_128 : i32
    %dma_start3A_130 = arith.constant 0 : i32
    %dma_start3A_131 = arith.constant 0 : i32
    %dma_start3A_132 = arith.constant 0 : i32
    %dma_start3A_133 = arith.constant 0 : i32
    %dma_start3A_134 = tpu.memref_slice %arg5[%dma_start3A_130, %dma_start3A_132, %dma_start3A_133] : memref<5x125x32xf32, #tpu.memory_space<vmem>> -> memref<1x125x32xf32, #tpu.memory_space<vmem>>
    %dma_start3A_135 = tpu.memref_squeeze %dma_start3A_134 : memref<1x125x32xf32, #tpu.memory_space<vmem>> -> memref<125x32xf32, #tpu.memory_space<vmem>>
    %dma_start3A_136 = tpu.memref_slice %arg2[%add3A_129, %add3A_125] : memref<50000x128xf32, #tpu.memory_space<hbm>> -> memref<125x32xf32, #tpu.memory_space<hbm>>
    %dma_start3A_137 = tpu.memref_slice %arg9[%dma_start3A_131] : memref<5x!tpu.dma_semaphore, #tpu.memory_space<semaphore_mem>> -> memref<1x!tpu.dma_semaphore, #tpu.memory_space<semaphore_mem>>
    %dma_start3A_138 = tpu.memref_squeeze %dma_start3A_137 : memref<1x!tpu.dma_semaphore, #tpu.memory_space<semaphore_mem>> -> memref<!tpu.dma_semaphore, #tpu.memory_space<semaphore_mem>>
    %dma_start3A_139 = arith.constant 0 : i32
    %dma_start3A_140 = arith.constant 0 : i32
    %dma_start3A_141 = tpu.memref_slice %arg5[%dma_start3A_130, %dma_start3A_139, %dma_start3A_140] : memref<5x125x32xf32, #tpu.memory_space<vmem>> -> memref<1x125x32xf32, #tpu.memory_space<vmem>>
    %dma_start3A_142 = tpu.memref_squeeze %dma_start3A_141 : memref<1x125x32xf32, #tpu.memory_space<vmem>> -> memref<125x32xf32, #tpu.memory_space<vmem>>
    %dma_start3A_143 = tpu.memref_slice %arg2[%add3A_129, %add3A_125] : memref<50000x128xf32, #tpu.memory_space<hbm>> -> memref<125x32xf32, #tpu.memory_space<hbm>>
    tpu.enqueue_dma source(%dma_start3A_143 : memref<125x32xf32, #tpu.memory_space<hbm>>) target(%dma_start3A_142 : memref<125x32xf32, #tpu.memory_space<vmem>>) target_semaphore(%dma_start3A_138 : memref<!tpu.dma_semaphore, #tpu.memory_space<semaphore_mem>>)
    %mul3A_144 = arith.constant 3125 : i32
    %mul3A_145 = arith.muli %arg1, %mul3A_144 : i32
    %add3A_146 = arith.constant 125 : i32
    %add3A_147 = arith.addi %mul3A_145, %add3A_146 : i32
    %dma_start3A_148 = arith.constant 1 : i32
    %dma_start3A_149 = arith.constant 1 : i32
    %dma_start3A_150 = arith.constant 0 : i32
    %dma_start3A_151 = arith.constant 0 : i32
    %dma_start3A_152 = tpu.memref_slice %arg5[%dma_start3A_148, %dma_start3A_150, %dma_start3A_151] : memref<5x125x32xf32, #tpu.memory_space<vmem>> -> memref<1x125x32xf32, #tpu.memory_space<vmem>>
    %dma_start3A_153 = tpu.memref_squeeze %dma_start3A_152 : memref<1x125x32xf32, #tpu.memory_space<vmem>> -> memref<125x32xf32, #tpu.memory_space<vmem>>
    %dma_start3A_154 = tpu.memref_slice %arg2[%add3A_147, %add3A_125] : memref<50000x128xf32, #tpu.memory_space<hbm>> -> memref<125x32xf32, #tpu.memory_space<hbm>>
    %dma_start3A_155 = tpu.memref_slice %arg9[%dma_start3A_149] : memref<5x!tpu.dma_semaphore, #tpu.memory_space<semaphore_mem>> -> memref<1x!tpu.dma_semaphore, #tpu.memory_space<semaphore_mem>>
    %dma_start3A_156 = tpu.memref_squeeze %dma_start3A_155 : memref<1x!tpu.dma_semaphore, #tpu.memory_space<semaphore_mem>> -> memref<!tpu.dma_semaphore, #tpu.memory_space<semaphore_mem>>
    %dma_start3A_157 = arith.constant 0 : i32
    %dma_start3A_158 = arith.constant 0 : i32
    %dma_start3A_159 = tpu.memref_slice %arg5[%dma_start3A_148, %dma_start3A_157, %dma_start3A_158] : memref<5x125x32xf32, #tpu.memory_space<vmem>> -> memref<1x125x32xf32, #tpu.memory_space<vmem>>
    %dma_start3A_160 = tpu.memref_squeeze %dma_start3A_159 : memref<1x125x32xf32, #tpu.memory_space<vmem>> -> memref<125x32xf32, #tpu.memory_space<vmem>>
    %dma_start3A_161 = tpu.memref_slice %arg2[%add3A_147, %add3A_125] : memref<50000x128xf32, #tpu.memory_space<hbm>> -> memref<125x32xf32, #tpu.memory_space<hbm>>
    tpu.enqueue_dma source(%dma_start3A_161 : memref<125x32xf32, #tpu.memory_space<hbm>>) target(%dma_start3A_160 : memref<125x32xf32, #tpu.memory_space<vmem>>) target_semaphore(%dma_start3A_156 : memref<!tpu.dma_semaphore, #tpu.memory_space<semaphore_mem>>)
    %mul3A_162 = arith.constant 3125 : i32
    %mul3A_163 = arith.muli %arg1, %mul3A_162 : i32
    %add3A_164 = arith.constant 250 : i32
    %add3A_165 = arith.addi %mul3A_163, %add3A_164 : i32
    %dma_start3A_166 = arith.constant 2 : i32
    %dma_start3A_167 = arith.constant 2 : i32
    %dma_start3A_168 = arith.constant 0 : i32
    %dma_start3A_169 = arith.constant 0 : i32
    %dma_start3A_170 = tpu.memref_slice %arg5[%dma_start3A_166, %dma_start3A_168, %dma_start3A_169] : memref<5x125x32xf32, #tpu.memory_space<vmem>> -> memref<1x125x32xf32, #tpu.memory_space<vmem>>
    %dma_start3A_171 = tpu.memref_squeeze %dma_start3A_170 : memref<1x125x32xf32, #tpu.memory_space<vmem>> -> memref<125x32xf32, #tpu.memory_space<vmem>>
    %dma_start3A_172 = tpu.memref_slice %arg2[%add3A_165, %add3A_125] : memref<50000x128xf32, #tpu.memory_space<hbm>> -> memref<125x32xf32, #tpu.memory_space<hbm>>
    %dma_start3A_173 = tpu.memref_slice %arg9[%dma_start3A_167] : memref<5x!tpu.dma_semaphore, #tpu.memory_space<semaphore_mem>> -> memref<1x!tpu.dma_semaphore, #tpu.memory_space<semaphore_mem>>
    %dma_start3A_174 = tpu.memref_squeeze %dma_start3A_173 : memref<1x!tpu.dma_semaphore, #tpu.memory_space<semaphore_mem>> -> memref<!tpu.dma_semaphore, #tpu.memory_space<semaphore_mem>>
    %dma_start3A_175 = arith.constant 0 : i32
    %dma_start3A_176 = arith.constant 0 : i32
    %dma_start3A_177 = tpu.memref_slice %arg5[%dma_start3A_166, %dma_start3A_175, %dma_start3A_176] : memref<5x125x32xf32, #tpu.memory_space<vmem>> -> memref<1x125x32xf32, #tpu.memory_space<vmem>>
    %dma_start3A_178 = tpu.memref_squeeze %dma_start3A_177 : memref<1x125x32xf32, #tpu.memory_space<vmem>> -> memref<125x32xf32, #tpu.memory_space<vmem>>
    %dma_start3A_179 = tpu.memref_slice %arg2[%add3A_165, %add3A_125] : memref<50000x128xf32, #tpu.memory_space<hbm>> -> memref<125x32xf32, #tpu.memory_space<hbm>>
    tpu.enqueue_dma source(%dma_start3A_179 : memref<125x32xf32, #tpu.memory_space<hbm>>) target(%dma_start3A_178 : memref<125x32xf32, #tpu.memory_space<vmem>>) target_semaphore(%dma_start3A_174 : memref<!tpu.dma_semaphore, #tpu.memory_space<semaphore_mem>>)
    %mul3A_180 = arith.constant 3125 : i32
    %mul3A_181 = arith.muli %arg1, %mul3A_180 : i32
    %add3A_182 = arith.constant 375 : i32
    %add3A_183 = arith.addi %mul3A_181, %add3A_182 : i32
    %dma_start3A_184 = arith.constant 3 : i32
    %dma_start3A_185 = arith.constant 3 : i32
    %dma_start3A_186 = arith.constant 0 : i32
    %dma_start3A_187 = arith.constant 0 : i32
    %dma_start3A_188 = tpu.memref_slice %arg5[%dma_start3A_184, %dma_start3A_186, %dma_start3A_187] : memref<5x125x32xf32, #tpu.memory_space<vmem>> -> memref<1x125x32xf32, #tpu.memory_space<vmem>>
    %dma_start3A_189 = tpu.memref_squeeze %dma_start3A_188 : memref<1x125x32xf32, #tpu.memory_space<vmem>> -> memref<125x32xf32, #tpu.memory_space<vmem>>
    %dma_start3A_190 = tpu.memref_slice %arg2[%add3A_183, %add3A_125] : memref<50000x128xf32, #tpu.memory_space<hbm>> -> memref<125x32xf32, #tpu.memory_space<hbm>>
    %dma_start3A_191 = tpu.memref_slice %arg9[%dma_start3A_185] : memref<5x!tpu.dma_semaphore, #tpu.memory_space<semaphore_mem>> -> memref<1x!tpu.dma_semaphore, #tpu.memory_space<semaphore_mem>>
    %dma_start3A_192 = tpu.memref_squeeze %dma_start3A_191 : memref<1x!tpu.dma_semaphore, #tpu.memory_space<semaphore_mem>> -> memref<!tpu.dma_semaphore, #tpu.memory_space<semaphore_mem>>
    %dma_start3A_193 = arith.constant 0 : i32
    %dma_start3A_194 = arith.constant 0 : i32
    %dma_start3A_195 = tpu.memref_slice %arg5[%dma_start3A_184, %dma_start3A_193, %dma_start3A_194] : memref<5x125x32xf32, #tpu.memory_space<vmem>> -> memref<1x125x32xf32, #tpu.memory_space<vmem>>
    %dma_start3A_196 = tpu.memref_squeeze %dma_start3A_195 : memref<1x125x32xf32, #tpu.memory_space<vmem>> -> memref<125x32xf32, #tpu.memory_space<vmem>>
    %dma_start3A_197 = tpu.memref_slice %arg2[%add3A_183, %add3A_125] : memref<50000x128xf32, #tpu.memory_space<hbm>> -> memref<125x32xf32, #tpu.memory_space<hbm>>
    tpu.enqueue_dma source(%dma_start3A_197 : memref<125x32xf32, #tpu.memory_space<hbm>>) target(%dma_start3A_196 : memref<125x32xf32, #tpu.memory_space<vmem>>) target_semaphore(%dma_start3A_192 : memref<!tpu.dma_semaphore, #tpu.memory_space<semaphore_mem>>)
    %mul3A_198 = arith.constant 3125 : i32
    %mul3A_199 = arith.muli %arg1, %mul3A_198 : i32
    %add3A_200 = arith.constant 500 : i32
    %add3A_201 = arith.addi %mul3A_199, %add3A_200 : i32
    %dma_start3A_202 = arith.constant 4 : i32
    %dma_start3A_203 = arith.constant 4 : i32
    %dma_start3A_204 = arith.constant 0 : i32
    %dma_start3A_205 = arith.constant 0 : i32
    %dma_start3A_206 = tpu.memref_slice %arg5[%dma_start3A_202, %dma_start3A_204, %dma_start3A_205] : memref<5x125x32xf32, #tpu.memory_space<vmem>> -> memref<1x125x32xf32, #tpu.memory_space<vmem>>
    %dma_start3A_207 = tpu.memref_squeeze %dma_start3A_206 : memref<1x125x32xf32, #tpu.memory_space<vmem>> -> memref<125x32xf32, #tpu.memory_space<vmem>>
    %dma_start3A_208 = tpu.memref_slice %arg2[%add3A_201, %add3A_125] : memref<50000x128xf32, #tpu.memory_space<hbm>> -> memref<125x32xf32, #tpu.memory_space<hbm>>
    %dma_start3A_209 = tpu.memref_slice %arg9[%dma_start3A_203] : memref<5x!tpu.dma_semaphore, #tpu.memory_space<semaphore_mem>> -> memref<1x!tpu.dma_semaphore, #tpu.memory_space<semaphore_mem>>
    %dma_start3A_210 = tpu.memref_squeeze %dma_start3A_209 : memref<1x!tpu.dma_semaphore, #tpu.memory_space<semaphore_mem>> -> memref<!tpu.dma_semaphore, #tpu.memory_space<semaphore_mem>>
    %dma_start3A_211 = arith.constant 0 : i32
    %dma_start3A_212 = arith.constant 0 : i32
    %dma_start3A_213 = tpu.memref_slice %arg5[%dma_start3A_202, %dma_start3A_211, %dma_start3A_212] : memref<5x125x32xf32, #tpu.memory_space<vmem>> -> memref<1x125x32xf32, #tpu.memory_space<vmem>>
    %dma_start3A_214 = tpu.memref_squeeze %dma_start3A_213 : memref<1x125x32xf32, #tpu.memory_space<vmem>> -> memref<125x32xf32, #tpu.memory_space<vmem>>
    %dma_start3A_215 = tpu.memref_slice %arg2[%add3A_201, %add3A_125] : memref<50000x128xf32, #tpu.memory_space<hbm>> -> memref<125x32xf32, #tpu.memory_space<hbm>>
    tpu.enqueue_dma source(%dma_start3A_215 : memref<125x32xf32, #tpu.memory_space<hbm>>) target(%dma_start3A_214 : memref<125x32xf32, #tpu.memory_space<vmem>>) target_semaphore(%dma_start3A_210 : memref<!tpu.dma_semaphore, #tpu.memory_space<semaphore_mem>>)
    %mul3A_216 = arith.constant 3125 : i32
    %mul3A_217 = arith.muli %arg1, %mul3A_216 : i32
    %mul3A_218 = arith.constant 3125 : i32
    %mul3A_219 = arith.muli %arg1, %mul3A_218 : i32
    %dma_wait3A = arith.constant 0 : i32
    %dma_wait3A_220 = tpu.memref_slice %arg4[%mul3A_219, %dma_wait3A] : memref<50000x128xf32, #tpu.memory_space<hbm>> -> memref<3125x32xf32, #tpu.memory_space<hbm>>
    %dma_wait3A_221 = arith.constant 0 : i32
    %dma_wait3A_222 = tpu.memref_slice %arg8[%mul3A_217, %dma_wait3A_221] : memref<50000x32xf32, #tpu.memory_space<vmem_shared>> -> memref<3125x32xf32, #tpu.memory_space<vmem_shared>>
    tpu.wait_dma2 semaphore(%arg12 : memref<!tpu.dma_semaphore, #tpu.memory_space<semaphore_mem>>) src(%dma_wait3A_222 : memref<3125x32xf32, #tpu.memory_space<vmem_shared>>) dst(%dma_wait3A_220 : memref<3125x32xf32, #tpu.memory_space<hbm>>)
    %scan3A_223 = arith.constant 0 : i32
    %scan3A_224 = arith.constant 0 : i32
    %scan3A_225 = arith.constant 25 : i32
    %scan3A_226 = arith.addi %scan3A_224, %scan3A_225 : i32
    %scan3A_227 = arith.constant 1 : i32
    scf.for %scan3A_258 = %scan3A_224 to %scan3A_226 step %scan3A_227  : i32 {
      %mul3A_259 = arith.constant 3125 : i32
      %mul3A_260 = arith.muli %arg1, %mul3A_259 : i32
      %mul3A_261 = arith.constant 125 : i32
      %mul3A_262 = arith.muli %scan3A_258, %mul3A_261 : i32
      %add3A_263 = arith.addi %mul3A_260, %mul3A_262 : i32
      %dma_start3A_264 = arith.constant 0 : i32
      %dma_start3A_265 = tpu.memref_slice %arg8[%add3A_263, %dma_start3A_264] : memref<50000x32xf32, #tpu.memory_space<vmem_shared>> -> memref<125x32xf32, #tpu.memory_space<vmem_shared>>
      %dma_start3A_266 = arith.constant 0 : i32
      %dma_start3A_267 = tpu.memref_slice %arg8[%add3A_263, %dma_start3A_266] : memref<50000x32xf32, #tpu.memory_space<vmem_shared>> -> memref<125x32xf32, #tpu.memory_space<vmem_shared>>
      tpu.enqueue_dma source(%arg7 : memref<125x32xf32, #tpu.memory_space<vmem>>) target(%dma_start3A_267 : memref<125x32xf32, #tpu.memory_space<vmem_shared>>) target_semaphore(%arg11 : memref<!tpu.dma_semaphore, #tpu.memory_space<semaphore_mem>>)
    }
    %scan3A_228 = arith.constant 25 : i32
    %scan3A_229 = arith.constant 0 : i32
    %scan3A_230 = arith.constant 0 : i32
    %scan3A_231 = arith.constant 25 : i32
    %scan3A_232 = arith.addi %scan3A_230, %scan3A_231 : i32
    %scan3A_233 = arith.constant 1 : i32
    scf.for %scan3A_258 = %scan3A_230 to %scan3A_232 step %scan3A_233  : i32 {
      %mul3A_259 = arith.constant 3125 : i32
      %mul3A_260 = arith.muli %arg1, %mul3A_259 : i32
      %dma_wait3A_261 = arith.constant 0 : i32
      %dma_wait3A_262 = tpu.memref_slice %arg8[%mul3A_260, %dma_wait3A_261] : memref<50000x32xf32, #tpu.memory_space<vmem_shared>> -> memref<125x32xf32, #tpu.memory_space<vmem_shared>>
      %dma_wait3A_263 = arith.constant 0 : i32
      %dma_wait3A_264 = tpu.memref_slice %arg8[%mul3A_260, %dma_wait3A_263] : memref<50000x32xf32, #tpu.memory_space<vmem_shared>> -> memref<125x32xf32, #tpu.memory_space<vmem_shared>>
      tpu.wait_dma2 semaphore(%arg11 : memref<!tpu.dma_semaphore, #tpu.memory_space<semaphore_mem>>) src(%arg7 : memref<125x32xf32, #tpu.memory_space<vmem>>) dst(%dma_wait3A_264 : memref<125x32xf32, #tpu.memory_space<vmem_shared>>)
    }
    %scan3A_234 = arith.constant 25 : i32
    %barrier3A_235 = arith.constant 0 : index
    tpu.barrier barrier_id(%barrier3A_235)
    %scan3A_236 = arith.constant 0 : i32
    %scan3A_237 = arith.constant 0 : i32
    %scan3A_238 = arith.constant 5 : i32
    %scan3A_239 = arith.addi %scan3A_237, %scan3A_238 : i32
    %scan3A_240 = arith.constant 1 : i32
    scf.for %scan3A_258 = %scan3A_237 to %scan3A_239 step %scan3A_240  : i32 {
      %mul3A_259 = arith.constant 5 : i32
      %mul3A_260 = arith.muli %scan3A_258, %mul3A_259 : i32
      %add3A_261 = arith.constant 0 : i32
      %add3A_262 = arith.addi %mul3A_260, %add3A_261 : i32
      %mul3A_263 = arith.constant 3125 : i32
      %mul3A_264 = arith.muli %arg1, %mul3A_263 : i32
      %dma_wait3A_265 = arith.constant 0 : i32
      %dma_wait3A_266 = arith.constant 0 : i32
      %dma_wait3A_267 = arith.constant 0 : i32
      %dma_wait3A_268 = arith.constant 0 : i32
      %dma_wait3A_269 = tpu.memref_slice %arg5[%dma_wait3A_265, %dma_wait3A_267, %dma_wait3A_268] : memref<5x125x32xf32, #tpu.memory_space<vmem>> -> memref<1x125x32xf32, #tpu.memory_space<vmem>>
      %dma_wait3A_270 = tpu.memref_squeeze %dma_wait3A_269 : memref<1x125x32xf32, #tpu.memory_space<vmem>> -> memref<125x32xf32, #tpu.memory_space<vmem>>
      %dma_wait3A_271 = arith.constant 0 : i32
      %dma_wait3A_272 = tpu.memref_slice %arg2[%mul3A_264, %dma_wait3A_271] : memref<50000x128xf32, #tpu.memory_space<hbm>> -> memref<125x32xf32, #tpu.memory_space<hbm>>
      %dma_wait3A_273 = tpu.memref_slice %arg9[%dma_wait3A_266] : memref<5x!tpu.dma_semaphore, #tpu.memory_space<semaphore_mem>> -> memref<1x!tpu.dma_semaphore, #tpu.memory_space<semaphore_mem>>
      %dma_wait3A_274 = tpu.memref_squeeze %dma_wait3A_273 : memref<1x!tpu.dma_semaphore, #tpu.memory_space<semaphore_mem>> -> memref<!tpu.dma_semaphore, #tpu.memory_space<semaphore_mem>>
      %dma_wait3A_275 = arith.constant 0 : i32
      %dma_wait3A_276 = arith.constant 0 : i32
      %dma_wait3A_277 = tpu.memref_slice %arg5[%dma_wait3A_265, %dma_wait3A_275, %dma_wait3A_276] : memref<5x125x32xf32, #tpu.memory_space<vmem>> -> memref<1x125x32xf32, #tpu.memory_space<vmem>>
      %dma_wait3A_278 = tpu.memref_squeeze %dma_wait3A_277 : memref<1x125x32xf32, #tpu.memory_space<vmem>> -> memref<125x32xf32, #tpu.memory_space<vmem>>
      %dma_wait3A_279 = arith.constant 0 : i32
      %dma_wait3A_280 = tpu.memref_slice %arg2[%mul3A_264, %dma_wait3A_279] : memref<50000x128xf32, #tpu.memory_space<hbm>> -> memref<125x32xf32, #tpu.memory_space<hbm>>
      tpu.wait_dma2 semaphore(%dma_wait3A_274 : memref<!tpu.dma_semaphore, #tpu.memory_space<semaphore_mem>>) src(%dma_wait3A_280 : memref<125x32xf32, #tpu.memory_space<hbm>>) dst(%dma_wait3A_278 : memref<125x32xf32, #tpu.memory_space<vmem>>)
      %dma_start3A_281 = arith.constant 0 : i32
      %dma_start3A_282 = arith.constant 0 : i32
      %dma_start3A_283 = arith.constant 0 : i32
      %dma_start3A_284 = arith.constant 0 : i32
      %dma_start3A_285 = tpu.memref_slice %arg5[%dma_start3A_281, %dma_start3A_283, %dma_start3A_284] : memref<5x125x32xf32, #tpu.memory_space<vmem>> -> memref<1x125x32xf32, #tpu.memory_space<vmem>>
      %dma_start3A_286 = tpu.memref_squeeze %dma_start3A_285 : memref<1x125x32xf32, #tpu.memory_space<vmem>> -> memref<125x32xf32, #tpu.memory_space<vmem>>
      %dma_start3A_287 = arith.constant 0 : i32
      %dma_start3A_288 = tpu.memref_slice %arg6[%add3A_262, %dma_start3A_287] : memref<25x125xi32, #tpu.memory_space<vmem>> -> memref<1x125xi32, #tpu.memory_space<vmem>>
      %dma_start3A_289 = tpu.memref_squeeze %dma_start3A_288 : memref<1x125xi32, #tpu.memory_space<vmem>> -> memref<125xi32, #tpu.memory_space<vmem>>
      %dma_start3A_290 = arith.constant 0 : i32
      %dma_start3A_291 = arith.constant 0 : i32
      %dma_start3A_292 = tpu.memref_slice %arg8[%dma_start3A_290, %dma_start3A_291] : memref<50000x32xf32, #tpu.memory_space<vmem_shared>> -> memref<50000x32xf32, #tpu.memory_space<vmem_shared>>
      %dma_start3A_293 = tpu.memref_slice %arg10[%dma_start3A_282] : memref<5x!tpu.dma_semaphore, #tpu.memory_space<semaphore_mem>> -> memref<1x!tpu.dma_semaphore, #tpu.memory_space<semaphore_mem>>
      %dma_start3A_294 = tpu.memref_squeeze %dma_start3A_293 : memref<1x!tpu.dma_semaphore, #tpu.memory_space<semaphore_mem>> -> memref<!tpu.dma_semaphore, #tpu.memory_space<semaphore_mem>>
      tpu.enqueue_indirect_dma source(%dma_start3A_286 : memref<125x32xf32, #tpu.memory_space<vmem>>) target(%dma_start3A_292 : memref<50000x32xf32, #tpu.memory_space<vmem_shared>>) offsets(%dma_start3A_289 : memref<125xi32, #tpu.memory_space<vmem>>) semaphore(%dma_start3A_294 : memref<!tpu.dma_semaphore, #tpu.memory_space<semaphore_mem>>) {add = true}
      %mul3A_295 = arith.constant 5 : i32
      %mul3A_296 = arith.muli %scan3A_258, %mul3A_295 : i32
      %add3A_297 = arith.constant 1 : i32
      %add3A_298 = arith.addi %mul3A_296, %add3A_297 : i32
      %mul3A_299 = arith.constant 3125 : i32
      %mul3A_300 = arith.muli %arg1, %mul3A_299 : i32
      %dma_wait3A_301 = arith.constant 1 : i32
      %dma_wait3A_302 = arith.constant 1 : i32
      %dma_wait3A_303 = arith.constant 0 : i32
      %dma_wait3A_304 = arith.constant 0 : i32
      %dma_wait3A_305 = tpu.memref_slice %arg5[%dma_wait3A_301, %dma_wait3A_303, %dma_wait3A_304] : memref<5x125x32xf32, #tpu.memory_space<vmem>> -> memref<1x125x32xf32, #tpu.memory_space<vmem>>
      %dma_wait3A_306 = tpu.memref_squeeze %dma_wait3A_305 : memref<1x125x32xf32, #tpu.memory_space<vmem>> -> memref<125x32xf32, #tpu.memory_space<vmem>>
      %dma_wait3A_307 = arith.constant 0 : i32
      %dma_wait3A_308 = tpu.memref_slice %arg2[%mul3A_300, %dma_wait3A_307] : memref<50000x128xf32, #tpu.memory_space<hbm>> -> memref<125x32xf32, #tpu.memory_space<hbm>>
      %dma_wait3A_309 = tpu.memref_slice %arg9[%dma_wait3A_302] : memref<5x!tpu.dma_semaphore, #tpu.memory_space<semaphore_mem>> -> memref<1x!tpu.dma_semaphore, #tpu.memory_space<semaphore_mem>>
      %dma_wait3A_310 = tpu.memref_squeeze %dma_wait3A_309 : memref<1x!tpu.dma_semaphore, #tpu.memory_space<semaphore_mem>> -> memref<!tpu.dma_semaphore, #tpu.memory_space<semaphore_mem>>
      %dma_wait3A_311 = arith.constant 0 : i32
      %dma_wait3A_312 = arith.constant 0 : i32
      %dma_wait3A_313 = tpu.memref_slice %arg5[%dma_wait3A_301, %dma_wait3A_311, %dma_wait3A_312] : memref<5x125x32xf32, #tpu.memory_space<vmem>> -> memref<1x125x32xf32, #tpu.memory_space<vmem>>
      %dma_wait3A_314 = tpu.memref_squeeze %dma_wait3A_313 : memref<1x125x32xf32, #tpu.memory_space<vmem>> -> memref<125x32xf32, #tpu.memory_space<vmem>>
      %dma_wait3A_315 = arith.constant 0 : i32
      %dma_wait3A_316 = tpu.memref_slice %arg2[%mul3A_300, %dma_wait3A_315] : memref<50000x128xf32, #tpu.memory_space<hbm>> -> memref<125x32xf32, #tpu.memory_space<hbm>>
      tpu.wait_dma2 semaphore(%dma_wait3A_310 : memref<!tpu.dma_semaphore, #tpu.memory_space<semaphore_mem>>) src(%dma_wait3A_316 : memref<125x32xf32, #tpu.memory_space<hbm>>) dst(%dma_wait3A_314 : memref<125x32xf32, #tpu.memory_space<vmem>>)
      %dma_start3A_317 = arith.constant 1 : i32
      %dma_start3A_318 = arith.constant 1 : i32
      %dma_start3A_319 = arith.constant 0 : i32
      %dma_start3A_320 = arith.constant 0 : i32
      %dma_start3A_321 = tpu.memref_slice %arg5[%dma_start3A_317, %dma_start3A_319, %dma_start3A_320] : memref<5x125x32xf32, #tpu.memory_space<vmem>> -> memref<1x125x32xf32, #tpu.memory_space<vmem>>
      %dma_start3A_322 = tpu.memref_squeeze %dma_start3A_321 : memref<1x125x32xf32, #tpu.memory_space<vmem>> -> memref<125x32xf32, #tpu.memory_space<vmem>>
      %dma_start3A_323 = arith.constant 0 : i32
      %dma_start3A_324 = tpu.memref_slice %arg6[%add3A_298, %dma_start3A_323] : memref<25x125xi32, #tpu.memory_space<vmem>> -> memref<1x125xi32, #tpu.memory_space<vmem>>
      %dma_start3A_325 = tpu.memref_squeeze %dma_start3A_324 : memref<1x125xi32, #tpu.memory_space<vmem>> -> memref<125xi32, #tpu.memory_space<vmem>>
      %dma_start3A_326 = arith.constant 0 : i32
      %dma_start3A_327 = arith.constant 0 : i32
      %dma_start3A_328 = tpu.memref_slice %arg8[%dma_start3A_326, %dma_start3A_327] : memref<50000x32xf32, #tpu.memory_space<vmem_shared>> -> memref<50000x32xf32, #tpu.memory_space<vmem_shared>>
      %dma_start3A_329 = tpu.memref_slice %arg10[%dma_start3A_318] : memref<5x!tpu.dma_semaphore, #tpu.memory_space<semaphore_mem>> -> memref<1x!tpu.dma_semaphore, #tpu.memory_space<semaphore_mem>>
      %dma_start3A_330 = tpu.memref_squeeze %dma_start3A_329 : memref<1x!tpu.dma_semaphore, #tpu.memory_space<semaphore_mem>> -> memref<!tpu.dma_semaphore, #tpu.memory_space<semaphore_mem>>
      tpu.enqueue_indirect_dma source(%dma_start3A_322 : memref<125x32xf32, #tpu.memory_space<vmem>>) target(%dma_start3A_328 : memref<50000x32xf32, #tpu.memory_space<vmem_shared>>) offsets(%dma_start3A_325 : memref<125xi32, #tpu.memory_space<vmem>>) semaphore(%dma_start3A_330 : memref<!tpu.dma_semaphore, #tpu.memory_space<semaphore_mem>>) {add = true}
      %mul3A_331 = arith.constant 5 : i32
      %mul3A_332 = arith.muli %scan3A_258, %mul3A_331 : i32
      %add3A_333 = arith.constant 2 : i32
      %add3A_334 = arith.addi %mul3A_332, %add3A_333 : i32
      %mul3A_335 = arith.constant 3125 : i32
      %mul3A_336 = arith.muli %arg1, %mul3A_335 : i32
      %dma_wait3A_337 = arith.constant 2 : i32
      %dma_wait3A_338 = arith.constant 2 : i32
      %dma_wait3A_339 = arith.constant 0 : i32
      %dma_wait3A_340 = arith.constant 0 : i32
      %dma_wait3A_341 = tpu.memref_slice %arg5[%dma_wait3A_337, %dma_wait3A_339, %dma_wait3A_340] : memref<5x125x32xf32, #tpu.memory_space<vmem>> -> memref<1x125x32xf32, #tpu.memory_space<vmem>>
      %dma_wait3A_342 = tpu.memref_squeeze %dma_wait3A_341 : memref<1x125x32xf32, #tpu.memory_space<vmem>> -> memref<125x32xf32, #tpu.memory_space<vmem>>
      %dma_wait3A_343 = arith.constant 0 : i32
      %dma_wait3A_344 = tpu.memref_slice %arg2[%mul3A_336, %dma_wait3A_343] : memref<50000x128xf32, #tpu.memory_space<hbm>> -> memref<125x32xf32, #tpu.memory_space<hbm>>
      %dma_wait3A_345 = tpu.memref_slice %arg9[%dma_wait3A_338] : memref<5x!tpu.dma_semaphore, #tpu.memory_space<semaphore_mem>> -> memref<1x!tpu.dma_semaphore, #tpu.memory_space<semaphore_mem>>
      %dma_wait3A_346 = tpu.memref_squeeze %dma_wait3A_345 : memref<1x!tpu.dma_semaphore, #tpu.memory_space<semaphore_mem>> -> memref<!tpu.dma_semaphore, #tpu.memory_space<semaphore_mem>>
      %dma_wait3A_347 = arith.constant 0 : i32
      %dma_wait3A_348 = arith.constant 0 : i32
      %dma_wait3A_349 = tpu.memref_slice %arg5[%dma_wait3A_337, %dma_wait3A_347, %dma_wait3A_348] : memref<5x125x32xf32, #tpu.memory_space<vmem>> -> memref<1x125x32xf32, #tpu.memory_space<vmem>>
      %dma_wait3A_350 = tpu.memref_squeeze %dma_wait3A_349 : memref<1x125x32xf32, #tpu.memory_space<vmem>> -> memref<125x32xf32, #tpu.memory_space<vmem>>
      %dma_wait3A_351 = arith.constant 0 : i32
      %dma_wait3A_352 = tpu.memref_slice %arg2[%mul3A_336, %dma_wait3A_351] : memref<50000x128xf32, #tpu.memory_space<hbm>> -> memref<125x32xf32, #tpu.memory_space<hbm>>
      tpu.wait_dma2 semaphore(%dma_wait3A_346 : memref<!tpu.dma_semaphore, #tpu.memory_space<semaphore_mem>>) src(%dma_wait3A_352 : memref<125x32xf32, #tpu.memory_space<hbm>>) dst(%dma_wait3A_350 : memref<125x32xf32, #tpu.memory_space<vmem>>)
      %dma_start3A_353 = arith.constant 2 : i32
      %dma_start3A_354 = arith.constant 2 : i32
      %dma_start3A_355 = arith.constant 0 : i32
      %dma_start3A_356 = arith.constant 0 : i32
      %dma_start3A_357 = tpu.memref_slice %arg5[%dma_start3A_353, %dma_start3A_355, %dma_start3A_356] : memref<5x125x32xf32, #tpu.memory_space<vmem>> -> memref<1x125x32xf32, #tpu.memory_space<vmem>>
      %dma_start3A_358 = tpu.memref_squeeze %dma_start3A_357 : memref<1x125x32xf32, #tpu.memory_space<vmem>> -> memref<125x32xf32, #tpu.memory_space<vmem>>
      %dma_start3A_359 = arith.constant 0 : i32
      %dma_start3A_360 = tpu.memref_slice %arg6[%add3A_334, %dma_start3A_359] : memref<25x125xi32, #tpu.memory_space<vmem>> -> memref<1x125xi32, #tpu.memory_space<vmem>>
      %dma_start3A_361 = tpu.memref_squeeze %dma_start3A_360 : memref<1x125xi32, #tpu.memory_space<vmem>> -> memref<125xi32, #tpu.memory_space<vmem>>
      %dma_start3A_362 = arith.constant 0 : i32
      %dma_start3A_363 = arith.constant 0 : i32
      %dma_start3A_364 = tpu.memref_slice %arg8[%dma_start3A_362, %dma_start3A_363] : memref<50000x32xf32, #tpu.memory_space<vmem_shared>> -> memref<50000x32xf32, #tpu.memory_space<vmem_shared>>
      %dma_start3A_365 = tpu.memref_slice %arg10[%dma_start3A_354] : memref<5x!tpu.dma_semaphore, #tpu.memory_space<semaphore_mem>> -> memref<1x!tpu.dma_semaphore, #tpu.memory_space<semaphore_mem>>
      %dma_start3A_366 = tpu.memref_squeeze %dma_start3A_365 : memref<1x!tpu.dma_semaphore, #tpu.memory_space<semaphore_mem>> -> memref<!tpu.dma_semaphore, #tpu.memory_space<semaphore_mem>>
      tpu.enqueue_indirect_dma source(%dma_start3A_358 : memref<125x32xf32, #tpu.memory_space<vmem>>) target(%dma_start3A_364 : memref<50000x32xf32, #tpu.memory_space<vmem_shared>>) offsets(%dma_start3A_361 : memref<125xi32, #tpu.memory_space<vmem>>) semaphore(%dma_start3A_366 : memref<!tpu.dma_semaphore, #tpu.memory_space<semaphore_mem>>) {add = true}
      %mul3A_367 = arith.constant 5 : i32
      %mul3A_368 = arith.muli %scan3A_258, %mul3A_367 : i32
      %add3A_369 = arith.constant 3 : i32
      %add3A_370 = arith.addi %mul3A_368, %add3A_369 : i32
      %mul3A_371 = arith.constant 3125 : i32
      %mul3A_372 = arith.muli %arg1, %mul3A_371 : i32
      %dma_wait3A_373 = arith.constant 3 : i32
      %dma_wait3A_374 = arith.constant 3 : i32
      %dma_wait3A_375 = arith.constant 0 : i32
      %dma_wait3A_376 = arith.constant 0 : i32
      %dma_wait3A_377 = tpu.memref_slice %arg5[%dma_wait3A_373, %dma_wait3A_375, %dma_wait3A_376] : memref<5x125x32xf32, #tpu.memory_space<vmem>> -> memref<1x125x32xf32, #tpu.memory_space<vmem>>
      %dma_wait3A_378 = tpu.memref_squeeze %dma_wait3A_377 : memref<1x125x32xf32, #tpu.memory_space<vmem>> -> memref<125x32xf32, #tpu.memory_space<vmem>>
      %dma_wait3A_379 = arith.constant 0 : i32
      %dma_wait3A_380 = tpu.memref_slice %arg2[%mul3A_372, %dma_wait3A_379] : memref<50000x128xf32, #tpu.memory_space<hbm>> -> memref<125x32xf32, #tpu.memory_space<hbm>>
      %dma_wait3A_381 = tpu.memref_slice %arg9[%dma_wait3A_374] : memref<5x!tpu.dma_semaphore, #tpu.memory_space<semaphore_mem>> -> memref<1x!tpu.dma_semaphore, #tpu.memory_space<semaphore_mem>>
      %dma_wait3A_382 = tpu.memref_squeeze %dma_wait3A_381 : memref<1x!tpu.dma_semaphore, #tpu.memory_space<semaphore_mem>> -> memref<!tpu.dma_semaphore, #tpu.memory_space<semaphore_mem>>
      %dma_wait3A_383 = arith.constant 0 : i32
      %dma_wait3A_384 = arith.constant 0 : i32
      %dma_wait3A_385 = tpu.memref_slice %arg5[%dma_wait3A_373, %dma_wait3A_383, %dma_wait3A_384] : memref<5x125x32xf32, #tpu.memory_space<vmem>> -> memref<1x125x32xf32, #tpu.memory_space<vmem>>
      %dma_wait3A_386 = tpu.memref_squeeze %dma_wait3A_385 : memref<1x125x32xf32, #tpu.memory_space<vmem>> -> memref<125x32xf32, #tpu.memory_space<vmem>>
      %dma_wait3A_387 = arith.constant 0 : i32
      %dma_wait3A_388 = tpu.memref_slice %arg2[%mul3A_372, %dma_wait3A_387] : memref<50000x128xf32, #tpu.memory_space<hbm>> -> memref<125x32xf32, #tpu.memory_space<hbm>>
      tpu.wait_dma2 semaphore(%dma_wait3A_382 : memref<!tpu.dma_semaphore, #tpu.memory_space<semaphore_mem>>) src(%dma_wait3A_388 : memref<125x32xf32, #tpu.memory_space<hbm>>) dst(%dma_wait3A_386 : memref<125x32xf32, #tpu.memory_space<vmem>>)
      %dma_start3A_389 = arith.constant 3 : i32
      %dma_start3A_390 = arith.constant 3 : i32
      %dma_start3A_391 = arith.constant 0 : i32
      %dma_start3A_392 = arith.constant 0 : i32
      %dma_start3A_393 = tpu.memref_slice %arg5[%dma_start3A_389, %dma_start3A_391, %dma_start3A_392] : memref<5x125x32xf32, #tpu.memory_space<vmem>> -> memref<1x125x32xf32, #tpu.memory_space<vmem>>
      %dma_start3A_394 = tpu.memref_squeeze %dma_start3A_393 : memref<1x125x32xf32, #tpu.memory_space<vmem>> -> memref<125x32xf32, #tpu.memory_space<vmem>>
      %dma_start3A_395 = arith.constant 0 : i32
      %dma_start3A_396 = tpu.memref_slice %arg6[%add3A_370, %dma_start3A_395] : memref<25x125xi32, #tpu.memory_space<vmem>> -> memref<1x125xi32, #tpu.memory_space<vmem>>
      %dma_start3A_397 = tpu.memref_squeeze %dma_start3A_396 : memref<1x125xi32, #tpu.memory_space<vmem>> -> memref<125xi32, #tpu.memory_space<vmem>>
      %dma_start3A_398 = arith.constant 0 : i32
      %dma_start3A_399 = arith.constant 0 : i32
      %dma_start3A_400 = tpu.memref_slice %arg8[%dma_start3A_398, %dma_start3A_399] : memref<50000x32xf32, #tpu.memory_space<vmem_shared>> -> memref<50000x32xf32, #tpu.memory_space<vmem_shared>>
      %dma_start3A_401 = tpu.memref_slice %arg10[%dma_start3A_390] : memref<5x!tpu.dma_semaphore, #tpu.memory_space<semaphore_mem>> -> memref<1x!tpu.dma_semaphore, #tpu.memory_space<semaphore_mem>>
      %dma_start3A_402 = tpu.memref_squeeze %dma_start3A_401 : memref<1x!tpu.dma_semaphore, #tpu.memory_space<semaphore_mem>> -> memref<!tpu.dma_semaphore, #tpu.memory_space<semaphore_mem>>
      tpu.enqueue_indirect_dma source(%dma_start3A_394 : memref<125x32xf32, #tpu.memory_space<vmem>>) target(%dma_start3A_400 : memref<50000x32xf32, #tpu.memory_space<vmem_shared>>) offsets(%dma_start3A_397 : memref<125xi32, #tpu.memory_space<vmem>>) semaphore(%dma_start3A_402 : memref<!tpu.dma_semaphore, #tpu.memory_space<semaphore_mem>>) {add = true}
      %mul3A_403 = arith.constant 5 : i32
      %mul3A_404 = arith.muli %scan3A_258, %mul3A_403 : i32
      %add3A_405 = arith.constant 4 : i32
      %add3A_406 = arith.addi %mul3A_404, %add3A_405 : i32
      %mul3A_407 = arith.constant 3125 : i32
      %mul3A_408 = arith.muli %arg1, %mul3A_407 : i32
      %dma_wait3A_409 = arith.constant 4 : i32
      %dma_wait3A_410 = arith.constant 4 : i32
      %dma_wait3A_411 = arith.constant 0 : i32
      %dma_wait3A_412 = arith.constant 0 : i32
      %dma_wait3A_413 = tpu.memref_slice %arg5[%dma_wait3A_409, %dma_wait3A_411, %dma_wait3A_412] : memref<5x125x32xf32, #tpu.memory_space<vmem>> -> memref<1x125x32xf32, #tpu.memory_space<vmem>>
      %dma_wait3A_414 = tpu.memref_squeeze %dma_wait3A_413 : memref<1x125x32xf32, #tpu.memory_space<vmem>> -> memref<125x32xf32, #tpu.memory_space<vmem>>
      %dma_wait3A_415 = arith.constant 0 : i32
      %dma_wait3A_416 = tpu.memref_slice %arg2[%mul3A_408, %dma_wait3A_415] : memref<50000x128xf32, #tpu.memory_space<hbm>> -> memref<125x32xf32, #tpu.memory_space<hbm>>
      %dma_wait3A_417 = tpu.memref_slice %arg9[%dma_wait3A_410] : memref<5x!tpu.dma_semaphore, #tpu.memory_space<semaphore_mem>> -> memref<1x!tpu.dma_semaphore, #tpu.memory_space<semaphore_mem>>
      %dma_wait3A_418 = tpu.memref_squeeze %dma_wait3A_417 : memref<1x!tpu.dma_semaphore, #tpu.memory_space<semaphore_mem>> -> memref<!tpu.dma_semaphore, #tpu.memory_space<semaphore_mem>>
      %dma_wait3A_419 = arith.constant 0 : i32
      %dma_wait3A_420 = arith.constant 0 : i32
      %dma_wait3A_421 = tpu.memref_slice %arg5[%dma_wait3A_409, %dma_wait3A_419, %dma_wait3A_420] : memref<5x125x32xf32, #tpu.memory_space<vmem>> -> memref<1x125x32xf32, #tpu.memory_space<vmem>>
      %dma_wait3A_422 = tpu.memref_squeeze %dma_wait3A_421 : memref<1x125x32xf32, #tpu.memory_space<vmem>> -> memref<125x32xf32, #tpu.memory_space<vmem>>
      %dma_wait3A_423 = arith.constant 0 : i32
      %dma_wait3A_424 = tpu.memref_slice %arg2[%mul3A_408, %dma_wait3A_423] : memref<50000x128xf32, #tpu.memory_space<hbm>> -> memref<125x32xf32, #tpu.memory_space<hbm>>
      tpu.wait_dma2 semaphore(%dma_wait3A_418 : memref<!tpu.dma_semaphore, #tpu.memory_space<semaphore_mem>>) src(%dma_wait3A_424 : memref<125x32xf32, #tpu.memory_space<hbm>>) dst(%dma_wait3A_422 : memref<125x32xf32, #tpu.memory_space<vmem>>)
      %dma_start3A_425 = arith.constant 4 : i32
      %dma_start3A_426 = arith.constant 4 : i32
      %dma_start3A_427 = arith.constant 0 : i32
      %dma_start3A_428 = arith.constant 0 : i32
      %dma_start3A_429 = tpu.memref_slice %arg5[%dma_start3A_425, %dma_start3A_427, %dma_start3A_428] : memref<5x125x32xf32, #tpu.memory_space<vmem>> -> memref<1x125x32xf32, #tpu.memory_space<vmem>>
      %dma_start3A_430 = tpu.memref_squeeze %dma_start3A_429 : memref<1x125x32xf32, #tpu.memory_space<vmem>> -> memref<125x32xf32, #tpu.memory_space<vmem>>
      %dma_start3A_431 = arith.constant 0 : i32
      %dma_start3A_432 = tpu.memref_slice %arg6[%add3A_406, %dma_start3A_431] : memref<25x125xi32, #tpu.memory_space<vmem>> -> memref<1x125xi32, #tpu.memory_space<vmem>>
      %dma_start3A_433 = tpu.memref_squeeze %dma_start3A_432 : memref<1x125xi32, #tpu.memory_space<vmem>> -> memref<125xi32, #tpu.memory_space<vmem>>
      %dma_start3A_434 = arith.constant 0 : i32
      %dma_start3A_435 = arith.constant 0 : i32
      %dma_start3A_436 = tpu.memref_slice %arg8[%dma_start3A_434, %dma_start3A_435] : memref<50000x32xf32, #tpu.memory_space<vmem_shared>> -> memref<50000x32xf32, #tpu.memory_space<vmem_shared>>
      %dma_start3A_437 = tpu.memref_slice %arg10[%dma_start3A_426] : memref<5x!tpu.dma_semaphore, #tpu.memory_space<semaphore_mem>> -> memref<1x!tpu.dma_semaphore, #tpu.memory_space<semaphore_mem>>
      %dma_start3A_438 = tpu.memref_squeeze %dma_start3A_437 : memref<1x!tpu.dma_semaphore, #tpu.memory_space<semaphore_mem>> -> memref<!tpu.dma_semaphore, #tpu.memory_space<semaphore_mem>>
      tpu.enqueue_indirect_dma source(%dma_start3A_430 : memref<125x32xf32, #tpu.memory_space<vmem>>) target(%dma_start3A_436 : memref<50000x32xf32, #tpu.memory_space<vmem_shared>>) offsets(%dma_start3A_433 : memref<125xi32, #tpu.memory_space<vmem>>) semaphore(%dma_start3A_438 : memref<!tpu.dma_semaphore, #tpu.memory_space<semaphore_mem>>) {add = true}
      %dma_wait3A_439 = arith.constant 0 : i32
      %dma_wait3A_440 = arith.constant 0 : i32
      %dma_wait3A_441 = arith.constant 0 : i32
      %dma_wait3A_442 = arith.constant 0 : i32
      %dma_wait3A_443 = arith.constant 0 : i32
      %dma_wait3A_444 = tpu.memref_slice %arg5[%dma_wait3A_439, %dma_wait3A_442, %dma_wait3A_443] : memref<5x125x32xf32, #tpu.memory_space<vmem>> -> memref<1x125x32xf32, #tpu.memory_space<vmem>>
      %dma_wait3A_445 = tpu.memref_squeeze %dma_wait3A_444 : memref<1x125x32xf32, #tpu.memory_space<vmem>> -> memref<125x32xf32, #tpu.memory_space<vmem>>
      %dma_wait3A_446 = arith.constant 0 : i32
      %dma_wait3A_447 = tpu.memref_slice %arg6[%dma_wait3A_440, %dma_wait3A_446] : memref<25x125xi32, #tpu.memory_space<vmem>> -> memref<1x125xi32, #tpu.memory_space<vmem>>
      %dma_wait3A_448 = tpu.memref_squeeze %dma_wait3A_447 : memref<1x125xi32, #tpu.memory_space<vmem>> -> memref<125xi32, #tpu.memory_space<vmem>>
      %dma_wait3A_449 = arith.constant 0 : i32
      %dma_wait3A_450 = arith.constant 0 : i32
      %dma_wait3A_451 = tpu.memref_slice %arg8[%dma_wait3A_449, %dma_wait3A_450] : memref<50000x32xf32, #tpu.memory_space<vmem_shared>> -> memref<50000x32xf32, #tpu.memory_space<vmem_shared>>
      %dma_wait3A_452 = tpu.memref_slice %arg10[%dma_wait3A_441] : memref<5x!tpu.dma_semaphore, #tpu.memory_space<semaphore_mem>> -> memref<1x!tpu.dma_semaphore, #tpu.memory_space<semaphore_mem>>
      %dma_wait3A_453 = tpu.memref_squeeze %dma_wait3A_452 : memref<1x!tpu.dma_semaphore, #tpu.memory_space<semaphore_mem>> -> memref<!tpu.dma_semaphore, #tpu.memory_space<semaphore_mem>>
      tpu.wait_indirect_dma semaphore(%dma_wait3A_453 : memref<!tpu.dma_semaphore, #tpu.memory_space<semaphore_mem>>) src(%dma_wait3A_445 : memref<125x32xf32, #tpu.memory_space<vmem>>) dst(%dma_wait3A_451 : memref<50000x32xf32, #tpu.memory_space<vmem_shared>>)
      %lt3A = arith.constant 4 : i32
      %lt3A_454 = arith.cmpi slt, %scan3A_258, %lt3A : i32
      %convert_element_type3A = arith.extui %lt3A_454 : i1 to i32
      %cond3A = arith.constant 0 : i32
      %cond3A_455 = arith.cmpi ne, %convert_element_type3A, %cond3A : i32
      scf.if %cond3A_455 {
        %add3A_536 = arith.constant 1 : i32
        %add3A_537 = arith.addi %scan3A_258, %add3A_536 : i32
        %mul3A_538 = arith.constant 5 : i32
        %mul3A_539 = arith.muli %add3A_537, %mul3A_538 : i32
        %add3A_540 = arith.constant 0 : i32
        %add3A_541 = arith.addi %mul3A_539, %add3A_540 : i32
        %mul3A_542 = arith.constant 3125 : i32
        %mul3A_543 = arith.muli %arg1, %mul3A_542 : i32
        %mul3A_544 = arith.constant 125 : i32
        %mul3A_545 = arith.muli %add3A_541, %mul3A_544 : i32
        %add3A_546 = arith.addi %mul3A_543, %mul3A_545 : i32
        %dma_start3A_547 = arith.constant 0 : i32
        %dma_start3A_548 = arith.constant 0 : i32
        %dma_start3A_549 = arith.constant 0 : i32
        %dma_start3A_550 = arith.constant 0 : i32
        %dma_start3A_551 = tpu.memref_slice %arg5[%dma_start3A_547, %dma_start3A_549, %dma_start3A_550] : memref<5x125x32xf32, #tpu.memory_space<vmem>> -> memref<1x125x32xf32, #tpu.memory_space<vmem>>
        %dma_start3A_552 = tpu.memref_squeeze %dma_start3A_551 : memref<1x125x32xf32, #tpu.memory_space<vmem>> -> memref<125x32xf32, #tpu.memory_space<vmem>>
        %dma_start3A_553 = tpu.memref_slice %arg2[%add3A_546, %add3A_125] : memref<50000x128xf32, #tpu.memory_space<hbm>> -> memref<125x32xf32, #tpu.memory_space<hbm>>
        %dma_start3A_554 = tpu.memref_slice %arg9[%dma_start3A_548] : memref<5x!tpu.dma_semaphore, #tpu.memory_space<semaphore_mem>> -> memref<1x!tpu.dma_semaphore, #tpu.memory_space<semaphore_mem>>
        %dma_start3A_555 = tpu.memref_squeeze %dma_start3A_554 : memref<1x!tpu.dma_semaphore, #tpu.memory_space<semaphore_mem>> -> memref<!tpu.dma_semaphore, #tpu.memory_space<semaphore_mem>>
        %dma_start3A_556 = arith.constant 0 : i32
        %dma_start3A_557 = arith.constant 0 : i32
        %dma_start3A_558 = tpu.memref_slice %arg5[%dma_start3A_547, %dma_start3A_556, %dma_start3A_557] : memref<5x125x32xf32, #tpu.memory_space<vmem>> -> memref<1x125x32xf32, #tpu.memory_space<vmem>>
        %dma_start3A_559 = tpu.memref_squeeze %dma_start3A_558 : memref<1x125x32xf32, #tpu.memory_space<vmem>> -> memref<125x32xf32, #tpu.memory_space<vmem>>
        %dma_start3A_560 = tpu.memref_slice %arg2[%add3A_546, %add3A_125] : memref<50000x128xf32, #tpu.memory_space<hbm>> -> memref<125x32xf32, #tpu.memory_space<hbm>>
        tpu.enqueue_dma source(%dma_start3A_560 : memref<125x32xf32, #tpu.memory_space<hbm>>) target(%dma_start3A_559 : memref<125x32xf32, #tpu.memory_space<vmem>>) target_semaphore(%dma_start3A_555 : memref<!tpu.dma_semaphore, #tpu.memory_space<semaphore_mem>>)
      } else {
      }
      %dma_wait3A_456 = arith.constant 1 : i32
      %dma_wait3A_457 = arith.constant 0 : i32
      %dma_wait3A_458 = arith.constant 1 : i32
      %dma_wait3A_459 = arith.constant 0 : i32
      %dma_wait3A_460 = arith.constant 0 : i32
      %dma_wait3A_461 = tpu.memref_slice %arg5[%dma_wait3A_456, %dma_wait3A_459, %dma_wait3A_460] : memref<5x125x32xf32, #tpu.memory_space<vmem>> -> memref<1x125x32xf32, #tpu.memory_space<vmem>>
      %dma_wait3A_462 = tpu.memref_squeeze %dma_wait3A_461 : memref<1x125x32xf32, #tpu.memory_space<vmem>> -> memref<125x32xf32, #tpu.memory_space<vmem>>
      %dma_wait3A_463 = arith.constant 0 : i32
      %dma_wait3A_464 = tpu.memref_slice %arg6[%dma_wait3A_457, %dma_wait3A_463] : memref<25x125xi32, #tpu.memory_space<vmem>> -> memref<1x125xi32, #tpu.memory_space<vmem>>
      %dma_wait3A_465 = tpu.memref_squeeze %dma_wait3A_464 : memref<1x125xi32, #tpu.memory_space<vmem>> -> memref<125xi32, #tpu.memory_space<vmem>>
      %dma_wait3A_466 = arith.constant 0 : i32
      %dma_wait3A_467 = arith.constant 0 : i32
      %dma_wait3A_468 = tpu.memref_slice %arg8[%dma_wait3A_466, %dma_wait3A_467] : memref<50000x32xf32, #tpu.memory_space<vmem_shared>> -> memref<50000x32xf32, #tpu.memory_space<vmem_shared>>
      %dma_wait3A_469 = tpu.memref_slice %arg10[%dma_wait3A_458] : memref<5x!tpu.dma_semaphore, #tpu.memory_space<semaphore_mem>> -> memref<1x!tpu.dma_semaphore, #tpu.memory_space<semaphore_mem>>
      %dma_wait3A_470 = tpu.memref_squeeze %dma_wait3A_469 : memref<1x!tpu.dma_semaphore, #tpu.memory_space<semaphore_mem>> -> memref<!tpu.dma_semaphore, #tpu.memory_space<semaphore_mem>>
      tpu.wait_indirect_dma semaphore(%dma_wait3A_470 : memref<!tpu.dma_semaphore, #tpu.memory_space<semaphore_mem>>) src(%dma_wait3A_462 : memref<125x32xf32, #tpu.memory_space<vmem>>) dst(%dma_wait3A_468 : memref<50000x32xf32, #tpu.memory_space<vmem_shared>>)
      %lt3A_471 = arith.constant 4 : i32
      %lt3A_472 = arith.cmpi slt, %scan3A_258, %lt3A_471 : i32
      %convert_element_type3A_473 = arith.extui %lt3A_472 : i1 to i32
      %cond3A_474 = arith.constant 0 : i32
      %cond3A_475 = arith.cmpi ne, %convert_element_type3A_473, %cond3A_474 : i32
      scf.if %cond3A_475 {
        %add3A_536 = arith.constant 1 : i32
        %add3A_537 = arith.addi %scan3A_258, %add3A_536 : i32
        %mul3A_538 = arith.constant 5 : i32
        %mul3A_539 = arith.muli %add3A_537, %mul3A_538 : i32
        %add3A_540 = arith.constant 1 : i32
        %add3A_541 = arith.addi %mul3A_539, %add3A_540 : i32
        %mul3A_542 = arith.constant 3125 : i32
        %mul3A_543 = arith.muli %arg1, %mul3A_542 : i32
        %mul3A_544 = arith.constant 125 : i32
        %mul3A_545 = arith.muli %add3A_541, %mul3A_544 : i32
        %add3A_546 = arith.addi %mul3A_543, %mul3A_545 : i32
        %dma_start3A_547 = arith.constant 1 : i32
        %dma_start3A_548 = arith.constant 1 : i32
        %dma_start3A_549 = arith.constant 0 : i32
        %dma_start3A_550 = arith.constant 0 : i32
        %dma_start3A_551 = tpu.memref_slice %arg5[%dma_start3A_547, %dma_start3A_549, %dma_start3A_550] : memref<5x125x32xf32, #tpu.memory_space<vmem>> -> memref<1x125x32xf32, #tpu.memory_space<vmem>>
        %dma_start3A_552 = tpu.memref_squeeze %dma_start3A_551 : memref<1x125x32xf32, #tpu.memory_space<vmem>> -> memref<125x32xf32, #tpu.memory_space<vmem>>
        %dma_start3A_553 = tpu.memref_slice %arg2[%add3A_546, %add3A_125] : memref<50000x128xf32, #tpu.memory_space<hbm>> -> memref<125x32xf32, #tpu.memory_space<hbm>>
        %dma_start3A_554 = tpu.memref_slice %arg9[%dma_start3A_548] : memref<5x!tpu.dma_semaphore, #tpu.memory_space<semaphore_mem>> -> memref<1x!tpu.dma_semaphore, #tpu.memory_space<semaphore_mem>>
        %dma_start3A_555 = tpu.memref_squeeze %dma_start3A_554 : memref<1x!tpu.dma_semaphore, #tpu.memory_space<semaphore_mem>> -> memref<!tpu.dma_semaphore, #tpu.memory_space<semaphore_mem>>
        %dma_start3A_556 = arith.constant 0 : i32
        %dma_start3A_557 = arith.constant 0 : i32
        %dma_start3A_558 = tpu.memref_slice %arg5[%dma_start3A_547, %dma_start3A_556, %dma_start3A_557] : memref<5x125x32xf32, #tpu.memory_space<vmem>> -> memref<1x125x32xf32, #tpu.memory_space<vmem>>
        %dma_start3A_559 = tpu.memref_squeeze %dma_start3A_558 : memref<1x125x32xf32, #tpu.memory_space<vmem>> -> memref<125x32xf32, #tpu.memory_space<vmem>>
        %dma_start3A_560 = tpu.memref_slice %arg2[%add3A_546, %add3A_125] : memref<50000x128xf32, #tpu.memory_space<hbm>> -> memref<125x32xf32, #tpu.memory_space<hbm>>
        tpu.enqueue_dma source(%dma_start3A_560 : memref<125x32xf32, #tpu.memory_space<hbm>>) target(%dma_start3A_559 : memref<125x32xf32, #tpu.memory_space<vmem>>) target_semaphore(%dma_start3A_555 : memref<!tpu.dma_semaphore, #tpu.memory_space<semaphore_mem>>)
      } else {
      }
      %dma_wait3A_476 = arith.constant 2 : i32
      %dma_wait3A_477 = arith.constant 0 : i32
      %dma_wait3A_478 = arith.constant 2 : i32
      %dma_wait3A_479 = arith.constant 0 : i32
      %dma_wait3A_480 = arith.constant 0 : i32
      %dma_wait3A_481 = tpu.memref_slice %arg5[%dma_wait3A_476, %dma_wait3A_479, %dma_wait3A_480] : memref<5x125x32xf32, #tpu.memory_space<vmem>> -> memref<1x125x32xf32, #tpu.memory_space<vmem>>
      %dma_wait3A_482 = tpu.memref_squeeze %dma_wait3A_481 : memref<1x125x32xf32, #tpu.memory_space<vmem>> -> memref<125x32xf32, #tpu.memory_space<vmem>>
      %dma_wait3A_483 = arith.constant 0 : i32
      %dma_wait3A_484 = tpu.memref_slice %arg6[%dma_wait3A_477, %dma_wait3A_483] : memref<25x125xi32, #tpu.memory_space<vmem>> -> memref<1x125xi32, #tpu.memory_space<vmem>>
      %dma_wait3A_485 = tpu.memref_squeeze %dma_wait3A_484 : memref<1x125xi32, #tpu.memory_space<vmem>> -> memref<125xi32, #tpu.memory_space<vmem>>
      %dma_wait3A_486 = arith.constant 0 : i32
      %dma_wait3A_487 = arith.constant 0 : i32
      %dma_wait3A_488 = tpu.memref_slice %arg8[%dma_wait3A_486, %dma_wait3A_487] : memref<50000x32xf32, #tpu.memory_space<vmem_shared>> -> memref<50000x32xf32, #tpu.memory_space<vmem_shared>>
      %dma_wait3A_489 = tpu.memref_slice %arg10[%dma_wait3A_478] : memref<5x!tpu.dma_semaphore, #tpu.memory_space<semaphore_mem>> -> memref<1x!tpu.dma_semaphore, #tpu.memory_space<semaphore_mem>>
      %dma_wait3A_490 = tpu.memref_squeeze %dma_wait3A_489 : memref<1x!tpu.dma_semaphore, #tpu.memory_space<semaphore_mem>> -> memref<!tpu.dma_semaphore, #tpu.memory_space<semaphore_mem>>
      tpu.wait_indirect_dma semaphore(%dma_wait3A_490 : memref<!tpu.dma_semaphore, #tpu.memory_space<semaphore_mem>>) src(%dma_wait3A_482 : memref<125x32xf32, #tpu.memory_space<vmem>>) dst(%dma_wait3A_488 : memref<50000x32xf32, #tpu.memory_space<vmem_shared>>)
      %lt3A_491 = arith.constant 4 : i32
      %lt3A_492 = arith.cmpi slt, %scan3A_258, %lt3A_491 : i32
      %convert_element_type3A_493 = arith.extui %lt3A_492 : i1 to i32
      %cond3A_494 = arith.constant 0 : i32
      %cond3A_495 = arith.cmpi ne, %convert_element_type3A_493, %cond3A_494 : i32
      scf.if %cond3A_495 {
        %add3A_536 = arith.constant 1 : i32
        %add3A_537 = arith.addi %scan3A_258, %add3A_536 : i32
        %mul3A_538 = arith.constant 5 : i32
        %mul3A_539 = arith.muli %add3A_537, %mul3A_538 : i32
        %add3A_540 = arith.constant 2 : i32
        %add3A_541 = arith.addi %mul3A_539, %add3A_540 : i32
        %mul3A_542 = arith.constant 3125 : i32
        %mul3A_543 = arith.muli %arg1, %mul3A_542 : i32
        %mul3A_544 = arith.constant 125 : i32
        %mul3A_545 = arith.muli %add3A_541, %mul3A_544 : i32
        %add3A_546 = arith.addi %mul3A_543, %mul3A_545 : i32
        %dma_start3A_547 = arith.constant 2 : i32
        %dma_start3A_548 = arith.constant 2 : i32
        %dma_start3A_549 = arith.constant 0 : i32
        %dma_start3A_550 = arith.constant 0 : i32
        %dma_start3A_551 = tpu.memref_slice %arg5[%dma_start3A_547, %dma_start3A_549, %dma_start3A_550] : memref<5x125x32xf32, #tpu.memory_space<vmem>> -> memref<1x125x32xf32, #tpu.memory_space<vmem>>
        %dma_start3A_552 = tpu.memref_squeeze %dma_start3A_551 : memref<1x125x32xf32, #tpu.memory_space<vmem>> -> memref<125x32xf32, #tpu.memory_space<vmem>>
        %dma_start3A_553 = tpu.memref_slice %arg2[%add3A_546, %add3A_125] : memref<50000x128xf32, #tpu.memory_space<hbm>> -> memref<125x32xf32, #tpu.memory_space<hbm>>
        %dma_start3A_554 = tpu.memref_slice %arg9[%dma_start3A_548] : memref<5x!tpu.dma_semaphore, #tpu.memory_space<semaphore_mem>> -> memref<1x!tpu.dma_semaphore, #tpu.memory_space<semaphore_mem>>
        %dma_start3A_555 = tpu.memref_squeeze %dma_start3A_554 : memref<1x!tpu.dma_semaphore, #tpu.memory_space<semaphore_mem>> -> memref<!tpu.dma_semaphore, #tpu.memory_space<semaphore_mem>>
        %dma_start3A_556 = arith.constant 0 : i32
        %dma_start3A_557 = arith.constant 0 : i32
        %dma_start3A_558 = tpu.memref_slice %arg5[%dma_start3A_547, %dma_start3A_556, %dma_start3A_557] : memref<5x125x32xf32, #tpu.memory_space<vmem>> -> memref<1x125x32xf32, #tpu.memory_space<vmem>>
        %dma_start3A_559 = tpu.memref_squeeze %dma_start3A_558 : memref<1x125x32xf32, #tpu.memory_space<vmem>> -> memref<125x32xf32, #tpu.memory_space<vmem>>
        %dma_start3A_560 = tpu.memref_slice %arg2[%add3A_546, %add3A_125] : memref<50000x128xf32, #tpu.memory_space<hbm>> -> memref<125x32xf32, #tpu.memory_space<hbm>>
        tpu.enqueue_dma source(%dma_start3A_560 : memref<125x32xf32, #tpu.memory_space<hbm>>) target(%dma_start3A_559 : memref<125x32xf32, #tpu.memory_space<vmem>>) target_semaphore(%dma_start3A_555 : memref<!tpu.dma_semaphore, #tpu.memory_space<semaphore_mem>>)
      } else {
      }
      %dma_wait3A_496 = arith.constant 3 : i32
      %dma_wait3A_497 = arith.constant 0 : i32
      %dma_wait3A_498 = arith.constant 3 : i32
      %dma_wait3A_499 = arith.constant 0 : i32
      %dma_wait3A_500 = arith.constant 0 : i32
      %dma_wait3A_501 = tpu.memref_slice %arg5[%dma_wait3A_496, %dma_wait3A_499, %dma_wait3A_500] : memref<5x125x32xf32, #tpu.memory_space<vmem>> -> memref<1x125x32xf32, #tpu.memory_space<vmem>>
      %dma_wait3A_502 = tpu.memref_squeeze %dma_wait3A_501 : memref<1x125x32xf32, #tpu.memory_space<vmem>> -> memref<125x32xf32, #tpu.memory_space<vmem>>
      %dma_wait3A_503 = arith.constant 0 : i32
      %dma_wait3A_504 = tpu.memref_slice %arg6[%dma_wait3A_497, %dma_wait3A_503] : memref<25x125xi32, #tpu.memory_space<vmem>> -> memref<1x125xi32, #tpu.memory_space<vmem>>
      %dma_wait3A_505 = tpu.memref_squeeze %dma_wait3A_504 : memref<1x125xi32, #tpu.memory_space<vmem>> -> memref<125xi32, #tpu.memory_space<vmem>>
      %dma_wait3A_506 = arith.constant 0 : i32
      %dma_wait3A_507 = arith.constant 0 : i32
      %dma_wait3A_508 = tpu.memref_slice %arg8[%dma_wait3A_506, %dma_wait3A_507] : memref<50000x32xf32, #tpu.memory_space<vmem_shared>> -> memref<50000x32xf32, #tpu.memory_space<vmem_shared>>
      %dma_wait3A_509 = tpu.memref_slice %arg10[%dma_wait3A_498] : memref<5x!tpu.dma_semaphore, #tpu.memory_space<semaphore_mem>> -> memref<1x!tpu.dma_semaphore, #tpu.memory_space<semaphore_mem>>
      %dma_wait3A_510 = tpu.memref_squeeze %dma_wait3A_509 : memref<1x!tpu.dma_semaphore, #tpu.memory_space<semaphore_mem>> -> memref<!tpu.dma_semaphore, #tpu.memory_space<semaphore_mem>>
      tpu.wait_indirect_dma semaphore(%dma_wait3A_510 : memref<!tpu.dma_semaphore, #tpu.memory_space<semaphore_mem>>) src(%dma_wait3A_502 : memref<125x32xf32, #tpu.memory_space<vmem>>) dst(%dma_wait3A_508 : memref<50000x32xf32, #tpu.memory_space<vmem_shared>>)
      %lt3A_511 = arith.constant 4 : i32
      %lt3A_512 = arith.cmpi slt, %scan3A_258, %lt3A_511 : i32
      %convert_element_type3A_513 = arith.extui %lt3A_512 : i1 to i32
      %cond3A_514 = arith.constant 0 : i32
      %cond3A_515 = arith.cmpi ne, %convert_element_type3A_513, %cond3A_514 : i32
      scf.if %cond3A_515 {
        %add3A_536 = arith.constant 1 : i32
        %add3A_537 = arith.addi %scan3A_258, %add3A_536 : i32
        %mul3A_538 = arith.constant 5 : i32
        %mul3A_539 = arith.muli %add3A_537, %mul3A_538 : i32
        %add3A_540 = arith.constant 3 : i32
        %add3A_541 = arith.addi %mul3A_539, %add3A_540 : i32
        %mul3A_542 = arith.constant 3125 : i32
        %mul3A_543 = arith.muli %arg1, %mul3A_542 : i32
        %mul3A_544 = arith.constant 125 : i32
        %mul3A_545 = arith.muli %add3A_541, %mul3A_544 : i32
        %add3A_546 = arith.addi %mul3A_543, %mul3A_545 : i32
        %dma_start3A_547 = arith.constant 3 : i32
        %dma_start3A_548 = arith.constant 3 : i32
        %dma_start3A_549 = arith.constant 0 : i32
        %dma_start3A_550 = arith.constant 0 : i32
        %dma_start3A_551 = tpu.memref_slice %arg5[%dma_start3A_547, %dma_start3A_549, %dma_start3A_550] : memref<5x125x32xf32, #tpu.memory_space<vmem>> -> memref<1x125x32xf32, #tpu.memory_space<vmem>>
        %dma_start3A_552 = tpu.memref_squeeze %dma_start3A_551 : memref<1x125x32xf32, #tpu.memory_space<vmem>> -> memref<125x32xf32, #tpu.memory_space<vmem>>
        %dma_start3A_553 = tpu.memref_slice %arg2[%add3A_546, %add3A_125] : memref<50000x128xf32, #tpu.memory_space<hbm>> -> memref<125x32xf32, #tpu.memory_space<hbm>>
        %dma_start3A_554 = tpu.memref_slice %arg9[%dma_start3A_548] : memref<5x!tpu.dma_semaphore, #tpu.memory_space<semaphore_mem>> -> memref<1x!tpu.dma_semaphore, #tpu.memory_space<semaphore_mem>>
        %dma_start3A_555 = tpu.memref_squeeze %dma_start3A_554 : memref<1x!tpu.dma_semaphore, #tpu.memory_space<semaphore_mem>> -> memref<!tpu.dma_semaphore, #tpu.memory_space<semaphore_mem>>
        %dma_start3A_556 = arith.constant 0 : i32
        %dma_start3A_557 = arith.constant 0 : i32
        %dma_start3A_558 = tpu.memref_slice %arg5[%dma_start3A_547, %dma_start3A_556, %dma_start3A_557] : memref<5x125x32xf32, #tpu.memory_space<vmem>> -> memref<1x125x32xf32, #tpu.memory_space<vmem>>
        %dma_start3A_559 = tpu.memref_squeeze %dma_start3A_558 : memref<1x125x32xf32, #tpu.memory_space<vmem>> -> memref<125x32xf32, #tpu.memory_space<vmem>>
        %dma_start3A_560 = tpu.memref_slice %arg2[%add3A_546, %add3A_125] : memref<50000x128xf32, #tpu.memory_space<hbm>> -> memref<125x32xf32, #tpu.memory_space<hbm>>
        tpu.enqueue_dma source(%dma_start3A_560 : memref<125x32xf32, #tpu.memory_space<hbm>>) target(%dma_start3A_559 : memref<125x32xf32, #tpu.memory_space<vmem>>) target_semaphore(%dma_start3A_555 : memref<!tpu.dma_semaphore, #tpu.memory_space<semaphore_mem>>)
      } else {
      }
      %dma_wait3A_516 = arith.constant 4 : i32
      %dma_wait3A_517 = arith.constant 0 : i32
      %dma_wait3A_518 = arith.constant 4 : i32
      %dma_wait3A_519 = arith.constant 0 : i32
      %dma_wait3A_520 = arith.constant 0 : i32
      %dma_wait3A_521 = tpu.memref_slice %arg5[%dma_wait3A_516, %dma_wait3A_519, %dma_wait3A_520] : memref<5x125x32xf32, #tpu.memory_space<vmem>> -> memref<1x125x32xf32, #tpu.memory_space<vmem>>
      %dma_wait3A_522 = tpu.memref_squeeze %dma_wait3A_521 : memref<1x125x32xf32, #tpu.memory_space<vmem>> -> memref<125x32xf32, #tpu.memory_space<vmem>>
      %dma_wait3A_523 = arith.constant 0 : i32
      %dma_wait3A_524 = tpu.memref_slice %arg6[%dma_wait3A_517, %dma_wait3A_523] : memref<25x125xi32, #tpu.memory_space<vmem>> -> memref<1x125xi32, #tpu.memory_space<vmem>>
      %dma_wait3A_525 = tpu.memref_squeeze %dma_wait3A_524 : memref<1x125xi32, #tpu.memory_space<vmem>> -> memref<125xi32, #tpu.memory_space<vmem>>
      %dma_wait3A_526 = arith.constant 0 : i32
      %dma_wait3A_527 = arith.constant 0 : i32
      %dma_wait3A_528 = tpu.memref_slice %arg8[%dma_wait3A_526, %dma_wait3A_527] : memref<50000x32xf32, #tpu.memory_space<vmem_shared>> -> memref<50000x32xf32, #tpu.memory_space<vmem_shared>>
      %dma_wait3A_529 = tpu.memref_slice %arg10[%dma_wait3A_518] : memref<5x!tpu.dma_semaphore, #tpu.memory_space<semaphore_mem>> -> memref<1x!tpu.dma_semaphore, #tpu.memory_space<semaphore_mem>>
      %dma_wait3A_530 = tpu.memref_squeeze %dma_wait3A_529 : memref<1x!tpu.dma_semaphore, #tpu.memory_space<semaphore_mem>> -> memref<!tpu.dma_semaphore, #tpu.memory_space<semaphore_mem>>
      tpu.wait_indirect_dma semaphore(%dma_wait3A_530 : memref<!tpu.dma_semaphore, #tpu.memory_space<semaphore_mem>>) src(%dma_wait3A_522 : memref<125x32xf32, #tpu.memory_space<vmem>>) dst(%dma_wait3A_528 : memref<50000x32xf32, #tpu.memory_space<vmem_shared>>)
      %lt3A_531 = arith.constant 4 : i32
      %lt3A_532 = arith.cmpi slt, %scan3A_258, %lt3A_531 : i32
      %convert_element_type3A_533 = arith.extui %lt3A_532 : i1 to i32
      %cond3A_534 = arith.constant 0 : i32
      %cond3A_535 = arith.cmpi ne, %convert_element_type3A_533, %cond3A_534 : i32
      scf.if %cond3A_535 {
        %add3A_536 = arith.constant 1 : i32
        %add3A_537 = arith.addi %scan3A_258, %add3A_536 : i32
        %mul3A_538 = arith.constant 5 : i32
        %mul3A_539 = arith.muli %add3A_537, %mul3A_538 : i32
        %add3A_540 = arith.constant 4 : i32
        %add3A_541 = arith.addi %mul3A_539, %add3A_540 : i32
        %mul3A_542 = arith.constant 3125 : i32
        %mul3A_543 = arith.muli %arg1, %mul3A_542 : i32
        %mul3A_544 = arith.constant 125 : i32
        %mul3A_545 = arith.muli %add3A_541, %mul3A_544 : i32
        %add3A_546 = arith.addi %mul3A_543, %mul3A_545 : i32
        %dma_start3A_547 = arith.constant 4 : i32
        %dma_start3A_548 = arith.constant 4 : i32
        %dma_start3A_549 = arith.constant 0 : i32
        %dma_start3A_550 = arith.constant 0 : i32
        %dma_start3A_551 = tpu.memref_slice %arg5[%dma_start3A_547, %dma_start3A_549, %dma_start3A_550] : memref<5x125x32xf32, #tpu.memory_space<vmem>> -> memref<1x125x32xf32, #tpu.memory_space<vmem>>
        %dma_start3A_552 = tpu.memref_squeeze %dma_start3A_551 : memref<1x125x32xf32, #tpu.memory_space<vmem>> -> memref<125x32xf32, #tpu.memory_space<vmem>>
        %dma_start3A_553 = tpu.memref_slice %arg2[%add3A_546, %add3A_125] : memref<50000x128xf32, #tpu.memory_space<hbm>> -> memref<125x32xf32, #tpu.memory_space<hbm>>
        %dma_start3A_554 = tpu.memref_slice %arg9[%dma_start3A_548] : memref<5x!tpu.dma_semaphore, #tpu.memory_space<semaphore_mem>> -> memref<1x!tpu.dma_semaphore, #tpu.memory_space<semaphore_mem>>
        %dma_start3A_555 = tpu.memref_squeeze %dma_start3A_554 : memref<1x!tpu.dma_semaphore, #tpu.memory_space<semaphore_mem>> -> memref<!tpu.dma_semaphore, #tpu.memory_space<semaphore_mem>>
        %dma_start3A_556 = arith.constant 0 : i32
        %dma_start3A_557 = arith.constant 0 : i32
        %dma_start3A_558 = tpu.memref_slice %arg5[%dma_start3A_547, %dma_start3A_556, %dma_start3A_557] : memref<5x125x32xf32, #tpu.memory_space<vmem>> -> memref<1x125x32xf32, #tpu.memory_space<vmem>>
        %dma_start3A_559 = tpu.memref_squeeze %dma_start3A_558 : memref<1x125x32xf32, #tpu.memory_space<vmem>> -> memref<125x32xf32, #tpu.memory_space<vmem>>
        %dma_start3A_560 = tpu.memref_slice %arg2[%add3A_546, %add3A_125] : memref<50000x128xf32, #tpu.memory_space<hbm>> -> memref<125x32xf32, #tpu.memory_space<hbm>>
        tpu.enqueue_dma source(%dma_start3A_560 : memref<125x32xf32, #tpu.memory_space<hbm>>) target(%dma_start3A_559 : memref<125x32xf32, #tpu.memory_space<vmem>>) target_semaphore(%dma_start3A_555 : memref<!tpu.dma_semaphore, #tpu.memory_space<semaphore_mem>>)
      } else {
      }
    }
    %scan3A_241 = arith.constant 5 : i32
    %barrier3A_242 = arith.constant 0 : index
    tpu.barrier barrier_id(%barrier3A_242)
    %mul3A_243 = arith.constant 3125 : i32
    %mul3A_244 = arith.muli %arg1, %mul3A_243 : i32
    %mul3A_245 = arith.constant 3125 : i32
    %mul3A_246 = arith.muli %arg1, %mul3A_245 : i32
    %dma_start3A_247 = tpu.memref_slice %arg4[%mul3A_246, %add3A_125] : memref<50000x128xf32, #tpu.memory_space<hbm>> -> memref<3125x32xf32, #tpu.memory_space<hbm>>
    %dma_start3A_248 = arith.constant 0 : i32
    %dma_start3A_249 = tpu.memref_slice %arg8[%mul3A_244, %dma_start3A_248] : memref<50000x32xf32, #tpu.memory_space<vmem_shared>> -> memref<3125x32xf32, #tpu.memory_space<vmem_shared>>
    tpu.enqueue_dma source(%dma_start3A_249 : memref<3125x32xf32, #tpu.memory_space<vmem_shared>>) target(%dma_start3A_247 : memref<3125x32xf32, #tpu.memory_space<hbm>>) target_semaphore(%arg12 : memref<!tpu.dma_semaphore, #tpu.memory_space<semaphore_mem>>)
    %mul3A_250 = arith.constant 3125 : i32
    %mul3A_251 = arith.muli %arg1, %mul3A_250 : i32
    %mul3A_252 = arith.constant 3125 : i32
    %mul3A_253 = arith.muli %arg1, %mul3A_252 : i32
    %dma_wait3A_254 = arith.constant 0 : i32
    %dma_wait3A_255 = tpu.memref_slice %arg4[%mul3A_253, %dma_wait3A_254] : memref<50000x128xf32, #tpu.memory_space<hbm>> -> memref<3125x32xf32, #tpu.memory_space<hbm>>
    %dma_wait3A_256 = arith.constant 0 : i32
    %dma_wait3A_257 = tpu.memref_slice %arg8[%mul3A_251, %dma_wait3A_256] : memref<50000x32xf32, #tpu.memory_space<vmem_shared>> -> memref<3125x32xf32, #tpu.memory_space<vmem_shared>>
    tpu.wait_dma2 semaphore(%arg12 : memref<!tpu.dma_semaphore, #tpu.memory_space<semaphore_mem>>) src(%dma_wait3A_257 : memref<3125x32xf32, #tpu.memory_space<vmem_shared>>) dst(%dma_wait3A_255 : memref<3125x32xf32, #tpu.memory_space<hbm>>)
    return
  }
}

#map = affine_map<(d0, d1) -> (0, 0)>
#map1 = affine_map<(d0, d1) -> (0, 0, 0)>
module attributes {stable_mosaic.version = 14 : i64} {
  func.func @_sc_body(%arg0: i32, %arg1: i32, %arg2: memref<50000x128xf32, #tpu.memory_space<hbm>>, %arg3: memref<16x25x125xi32, #tpu.memory_space<hbm>>, %arg4: memref<50000x128xf32, #tpu.memory_space<hbm>>, %arg5: memref<5x125x32xf32, #tpu.memory_space<vmem>>, %arg6: memref<25x125xi32, #tpu.memory_space<vmem>>, %arg7: memref<125x32xf32, #tpu.memory_space<vmem>>, %arg8: memref<50000x32xf32, #tpu.memory_space<vmem_shared>>, %arg9: memref<5x!tpu.dma_semaphore, #tpu.memory_space<semaphore_mem>>, %arg10: memref<5x!tpu.dma_semaphore, #tpu.memory_space<semaphore_mem>>, %arg11: memref<!tpu.dma_semaphore, #tpu.memory_space<semaphore_mem>>, %arg12: memref<!tpu.dma_semaphore, #tpu.memory_space<semaphore_mem>>) attributes {dimension_semantics = [#tpu.dimension_semantics<core_parallel>, #tpu.dimension_semantics<subcore_parallel>], iteration_bounds = array<i64: 2, 16>, scalar_prefetch = 0 : i64, scratch_operands = 8 : i64, tpu.core_type = #tpu.core_type<sc_vector_subcore>, window_params = [{transform_indices = #map}, {transform_indices = #map1}, {transform_indices = #map}]} {
    "tpu.region"() ({
      %run_scoped3A = tpu.sem_alloc : memref<!tpu.dma_semaphore, #tpu.memory_space<semaphore_mem>>
      %dma_start3A_258 = arith.constant 0 : i32
      %dma_start3A_259 = arith.constant 0 : i32
      %dma_start3A_260 = tpu.memref_slice %arg3[%arg1, %dma_start3A_258, %dma_start3A_259] : memref<16x25x125xi32, #tpu.memory_space<hbm>> -> memref<1x25x125xi32, #tpu.memory_space<hbm>>
      %dma_start3A_261 = tpu.memref_squeeze %dma_start3A_260 : memref<1x25x125xi32, #tpu.memory_space<hbm>> -> memref<25x125xi32, #tpu.memory_space<hbm>>
      %dma_start3A_262 = arith.constant 0 : i32
      %dma_start3A_263 = arith.constant 0 : i32
      %dma_start3A_264 = tpu.memref_slice %arg3[%arg1, %dma_start3A_262, %dma_start3A_263] : memref<16x25x125xi32, #tpu.memory_space<hbm>> -> memref<1x25x125xi32, #tpu.memory_space<hbm>>
      %dma_start3A_265 = tpu.memref_squeeze %dma_start3A_264 : memref<1x25x125xi32, #tpu.memory_space<hbm>> -> memref<25x125xi32, #tpu.memory_space<hbm>>
      tpu.enqueue_dma source(%dma_start3A_265 : memref<25x125xi32, #tpu.memory_space<hbm>>) target(%arg6 : memref<25x125xi32, #tpu.memory_space<vmem>>) target_semaphore(%run_scoped3A : memref<!tpu.dma_semaphore, #tpu.memory_space<semaphore_mem>>)
      %dma_wait3A_266 = arith.constant 0 : i32
      %dma_wait3A_267 = arith.constant 0 : i32
      %dma_wait3A_268 = tpu.memref_slice %arg3[%arg1, %dma_wait3A_266, %dma_wait3A_267] : memref<16x25x125xi32, #tpu.memory_space<hbm>> -> memref<1x25x125xi32, #tpu.memory_space<hbm>>
      %dma_wait3A_269 = tpu.memref_squeeze %dma_wait3A_268 : memref<1x25x125xi32, #tpu.memory_space<hbm>> -> memref<25x125xi32, #tpu.memory_space<hbm>>
      %dma_wait3A_270 = arith.constant 0 : i32
      %dma_wait3A_271 = arith.constant 0 : i32
      %dma_wait3A_272 = tpu.memref_slice %arg3[%arg1, %dma_wait3A_270, %dma_wait3A_271] : memref<16x25x125xi32, #tpu.memory_space<hbm>> -> memref<1x25x125xi32, #tpu.memory_space<hbm>>
      %dma_wait3A_273 = tpu.memref_squeeze %dma_wait3A_272 : memref<1x25x125xi32, #tpu.memory_space<hbm>> -> memref<25x125xi32, #tpu.memory_space<hbm>>
      tpu.wait_dma2 semaphore(%run_scoped3A : memref<!tpu.dma_semaphore, #tpu.memory_space<semaphore_mem>>) src(%dma_wait3A_273 : memref<25x125xi32, #tpu.memory_space<hbm>>) dst(%arg6 : memref<25x125xi32, #tpu.memory_space<vmem>>)
      tpu.yield
    }) : () -> ()
    %scan3A = arith.constant 0 : i32
    %scan3A_0 = arith.constant 0 : i32
    %scan3A_1 = arith.constant 250 : i32
    %scan3A_2 = arith.addi %scan3A_0, %scan3A_1 : i32
    %scan3A_3 = arith.constant 1 : i32
    scf.for %scan3A_258 = %scan3A_0 to %scan3A_2 step %scan3A_3  : i32 {
      %jit3A = arith.constant 2 : i32
      %div3A = arith.divsi %scan3A_258, %jit3A : i32
      %sign3A = arith.constant 0 : i32
      %sign3A_259 = arith.cmpi sgt, %scan3A_258, %sign3A : i32
      %sign3A_260 = arith.extui %sign3A_259 : i1 to i32
      %sign3A_261 = arith.constant 0 : i32
      %sign3A_262 = arith.cmpi slt, %scan3A_258, %sign3A_261 : i32
      %sign3A_263 = arith.extui %sign3A_262 : i1 to i32
      %sign3A_264 = arith.subi %sign3A_260, %sign3A_263 : i32
      %sign3A_265 = arith.constant 0 : i32
      %sign3A_266 = arith.cmpi sgt, %jit3A, %sign3A_265 : i32
      %sign3A_267 = arith.extui %sign3A_266 : i1 to i32
      %sign3A_268 = arith.constant 0 : i32
      %sign3A_269 = arith.cmpi slt, %jit3A, %sign3A_268 : i32
      %sign3A_270 = arith.extui %sign3A_269 : i1 to i32
      %sign3A_271 = arith.subi %sign3A_267, %sign3A_270 : i32
      %ne3A = arith.cmpi ne, %sign3A_264, %sign3A_271 : i32
      %rem3A = arith.remsi %scan3A_258, %jit3A : i32
      %ne3A_272 = arith.constant 0 : i32
      %ne3A_273 = arith.cmpi ne, %rem3A, %ne3A_272 : i32
      %and3A = arith.andi %ne3A, %ne3A_273 : i1
      %sub3A = arith.constant 1 : i32
      %sub3A_274 = arith.subi %div3A, %sub3A : i32
      %select_n3A = arith.select %and3A, %sub3A_274, %div3A : i32
      %jit3A_275 = arith.constant 2 : i32
      %eq3A = arith.constant 0 : i32
      %eq3A_276 = arith.cmpi eq, %jit3A_275, %eq3A : i32
      %jit3A_277 = arith.constant 1 : i32
      %select_n3A_278 = arith.select %eq3A_276, %jit3A_277, %jit3A_275 : i32
      %rem3A_279 = arith.remsi %scan3A_258, %select_n3A_278 : i32
      %ne3A_280 = arith.constant 0 : i32
      %ne3A_281 = arith.cmpi ne, %rem3A_279, %ne3A_280 : i32
      %lt3A = arith.constant 0 : i32
      %lt3A_282 = arith.cmpi slt, %rem3A_279, %lt3A : i32
      %lt3A_283 = arith.constant 0 : i32
      %lt3A_284 = arith.cmpi slt, %select_n3A_278, %lt3A_283 : i32
      %ne3A_285 = arith.xori %lt3A_282, %lt3A_284 : i1
      %and3A_286 = arith.andi %ne3A_285, %ne3A_281 : i1
      %add3A_287 = arith.addi %rem3A_279, %select_n3A_278 : i32
      %select_n3A_288 = arith.select %and3A_286, %add3A_287, %rem3A_279 : i32
      %mul3A_289 = arith.constant 16 : i32
      %mul3A_290 = arith.muli %select_n3A_288, %mul3A_289 : i32
      %broadcast_in_dim3A = arith.constant 0.000000e+00 : f32
      %broadcast_in_dim3A_291 = vector.broadcast %broadcast_in_dim3A : f32 to vector<16xf32>
      %swap3A = arith.index_cast %select_n3A : i32 to index
      %swap3A_292 = arith.index_cast %mul3A_290 : i32 to index
      %swap3A_293 = tpu.vector_load %arg7[%swap3A, %swap3A_292] {strides = array<i32>} : memref<125x32xf32, #tpu.memory_space<vmem>>, vector<1x16xf32>,
      %swap3A_294 = vector.shape_cast %swap3A_293 : vector<1x16xf32> to vector<16xf32>
      %swap3A_295 = vector.shape_cast %broadcast_in_dim3A_291 : vector<16xf32> to vector<1x16xf32>
      tpu.vector_store %arg7[%swap3A, %swap3A_292], %swap3A_295 {strides = array<i32>} : memref<125x32xf32, #tpu.memory_space<vmem>>, vector<1x16xf32>,
    }
    %scan3A_4 = arith.constant 250 : i32
    %mul3A = arith.constant 64 : i32
    %mul3A_5 = arith.muli %arg0, %mul3A : i32
    %add3A = arith.constant 0 : i32
    %add3A_6 = arith.addi %mul3A_5, %add3A : i32
    %mul3A_7 = arith.constant 3125 : i32
    %mul3A_8 = arith.muli %arg1, %mul3A_7 : i32
    %add3A_9 = arith.constant 0 : i32
    %add3A_10 = arith.addi %mul3A_8, %add3A_9 : i32
    %dma_start3A = arith.constant 0 : i32
    %dma_start3A_11 = arith.constant 0 : i32
    %dma_start3A_12 = arith.constant 0 : i32
    %dma_start3A_13 = arith.constant 0 : i32
    %dma_start3A_14 = tpu.memref_slice %arg5[%dma_start3A, %dma_start3A_12, %dma_start3A_13] : memref<5x125x32xf32, #tpu.memory_space<vmem>> -> memref<1x125x32xf32, #tpu.memory_space<vmem>>
    %dma_start3A_15 = tpu.memref_squeeze %dma_start3A_14 : memref<1x125x32xf32, #tpu.memory_space<vmem>> -> memref<125x32xf32, #tpu.memory_space<vmem>>
    %dma_start3A_16 = tpu.memref_slice %arg2[%add3A_10, %add3A_6] : memref<50000x128xf32, #tpu.memory_space<hbm>> -> memref<125x32xf32, #tpu.memory_space<hbm>>
    %dma_start3A_17 = tpu.memref_slice %arg9[%dma_start3A_11] : memref<5x!tpu.dma_semaphore, #tpu.memory_space<semaphore_mem>> -> memref<1x!tpu.dma_semaphore, #tpu.memory_space<semaphore_mem>>
    %dma_start3A_18 = tpu.memref_squeeze %dma_start3A_17 : memref<1x!tpu.dma_semaphore, #tpu.memory_space<semaphore_mem>> -> memref<!tpu.dma_semaphore, #tpu.memory_space<semaphore_mem>>
    %dma_start3A_19 = arith.constant 0 : i32
    %dma_start3A_20 = arith.constant 0 : i32
    %dma_start3A_21 = tpu.memref_slice %arg5[%dma_start3A, %dma_start3A_19, %dma_start3A_20] : memref<5x125x32xf32, #tpu.memory_space<vmem>> -> memref<1x125x32xf32, #tpu.memory_space<vmem>>
    %dma_start3A_22 = tpu.memref_squeeze %dma_start3A_21 : memref<1x125x32xf32, #tpu.memory_space<vmem>> -> memref<125x32xf32, #tpu.memory_space<vmem>>
    %dma_start3A_23 = tpu.memref_slice %arg2[%add3A_10, %add3A_6] : memref<50000x128xf32, #tpu.memory_space<hbm>> -> memref<125x32xf32, #tpu.memory_space<hbm>>
    tpu.enqueue_dma source(%dma_start3A_23 : memref<125x32xf32, #tpu.memory_space<hbm>>) target(%dma_start3A_22 : memref<125x32xf32, #tpu.memory_space<vmem>>) target_semaphore(%dma_start3A_18 : memref<!tpu.dma_semaphore, #tpu.memory_space<semaphore_mem>>)
    %mul3A_24 = arith.constant 3125 : i32
    %mul3A_25 = arith.muli %arg1, %mul3A_24 : i32
    %add3A_26 = arith.constant 125 : i32
    %add3A_27 = arith.addi %mul3A_25, %add3A_26 : i32
    %dma_start3A_28 = arith.constant 1 : i32
    %dma_start3A_29 = arith.constant 1 : i32
    %dma_start3A_30 = arith.constant 0 : i32
    %dma_start3A_31 = arith.constant 0 : i32
    %dma_start3A_32 = tpu.memref_slice %arg5[%dma_start3A_28, %dma_start3A_30, %dma_start3A_31] : memref<5x125x32xf32, #tpu.memory_space<vmem>> -> memref<1x125x32xf32, #tpu.memory_space<vmem>>
    %dma_start3A_33 = tpu.memref_squeeze %dma_start3A_32 : memref<1x125x32xf32, #tpu.memory_space<vmem>> -> memref<125x32xf32, #tpu.memory_space<vmem>>
    %dma_start3A_34 = tpu.memref_slice %arg2[%add3A_27, %add3A_6] : memref<50000x128xf32, #tpu.memory_space<hbm>> -> memref<125x32xf32, #tpu.memory_space<hbm>>
    %dma_start3A_35 = tpu.memref_slice %arg9[%dma_start3A_29] : memref<5x!tpu.dma_semaphore, #tpu.memory_space<semaphore_mem>> -> memref<1x!tpu.dma_semaphore, #tpu.memory_space<semaphore_mem>>
    %dma_start3A_36 = tpu.memref_squeeze %dma_start3A_35 : memref<1x!tpu.dma_semaphore, #tpu.memory_space<semaphore_mem>> -> memref<!tpu.dma_semaphore, #tpu.memory_space<semaphore_mem>>
    %dma_start3A_37 = arith.constant 0 : i32
    %dma_start3A_38 = arith.constant 0 : i32
    %dma_start3A_39 = tpu.memref_slice %arg5[%dma_start3A_28, %dma_start3A_37, %dma_start3A_38] : memref<5x125x32xf32, #tpu.memory_space<vmem>> -> memref<1x125x32xf32, #tpu.memory_space<vmem>>
    %dma_start3A_40 = tpu.memref_squeeze %dma_start3A_39 : memref<1x125x32xf32, #tpu.memory_space<vmem>> -> memref<125x32xf32, #tpu.memory_space<vmem>>
    %dma_start3A_41 = tpu.memref_slice %arg2[%add3A_27, %add3A_6] : memref<50000x128xf32, #tpu.memory_space<hbm>> -> memref<125x32xf32, #tpu.memory_space<hbm>>
    tpu.enqueue_dma source(%dma_start3A_41 : memref<125x32xf32, #tpu.memory_space<hbm>>) target(%dma_start3A_40 : memref<125x32xf32, #tpu.memory_space<vmem>>) target_semaphore(%dma_start3A_36 : memref<!tpu.dma_semaphore, #tpu.memory_space<semaphore_mem>>)
    %mul3A_42 = arith.constant 3125 : i32
    %mul3A_43 = arith.muli %arg1, %mul3A_42 : i32
    %add3A_44 = arith.constant 250 : i32
    %add3A_45 = arith.addi %mul3A_43, %add3A_44 : i32
    %dma_start3A_46 = arith.constant 2 : i32
    %dma_start3A_47 = arith.constant 2 : i32
    %dma_start3A_48 = arith.constant 0 : i32
    %dma_start3A_49 = arith.constant 0 : i32
    %dma_start3A_50 = tpu.memref_slice %arg5[%dma_start3A_46, %dma_start3A_48, %dma_start3A_49] : memref<5x125x32xf32, #tpu.memory_space<vmem>> -> memref<1x125x32xf32, #tpu.memory_space<vmem>>
    %dma_start3A_51 = tpu.memref_squeeze %dma_start3A_50 : memref<1x125x32xf32, #tpu.memory_space<vmem>> -> memref<125x32xf32, #tpu.memory_space<vmem>>
    %dma_start3A_52 = tpu.memref_slice %arg2[%add3A_45, %add3A_6] : memref<50000x128xf32, #tpu.memory_space<hbm>> -> memref<125x32xf32, #tpu.memory_space<hbm>>
    %dma_start3A_53 = tpu.memref_slice %arg9[%dma_start3A_47] : memref<5x!tpu.dma_semaphore, #tpu.memory_space<semaphore_mem>> -> memref<1x!tpu.dma_semaphore, #tpu.memory_space<semaphore_mem>>
    %dma_start3A_54 = tpu.memref_squeeze %dma_start3A_53 : memref<1x!tpu.dma_semaphore, #tpu.memory_space<semaphore_mem>> -> memref<!tpu.dma_semaphore, #tpu.memory_space<semaphore_mem>>
    %dma_start3A_55 = arith.constant 0 : i32
    %dma_start3A_56 = arith.constant 0 : i32
    %dma_start3A_57 = tpu.memref_slice %arg5[%dma_start3A_46, %dma_start3A_55, %dma_start3A_56] : memref<5x125x32xf32, #tpu.memory_space<vmem>> -> memref<1x125x32xf32, #tpu.memory_space<vmem>>
    %dma_start3A_58 = tpu.memref_squeeze %dma_start3A_57 : memref<1x125x32xf32, #tpu.memory_space<vmem>> -> memref<125x32xf32, #tpu.memory_space<vmem>>
    %dma_start3A_59 = tpu.memref_slice %arg2[%add3A_45, %add3A_6] : memref<50000x128xf32, #tpu.memory_space<hbm>> -> memref<125x32xf32, #tpu.memory_space<hbm>>
    tpu.enqueue_dma source(%dma_start3A_59 : memref<125x32xf32, #tpu.memory_space<hbm>>) target(%dma_start3A_58 : memref<125x32xf32, #tpu.memory_space<vmem>>) target_semaphore(%dma_start3A_54 : memref<!tpu.dma_semaphore, #tpu.memory_space<semaphore_mem>>)
    %mul3A_60 = arith.constant 3125 : i32
    %mul3A_61 = arith.muli %arg1, %mul3A_60 : i32
    %add3A_62 = arith.constant 375 : i32
    %add3A_63 = arith.addi %mul3A_61, %add3A_62 : i32
    %dma_start3A_64 = arith.constant 3 : i32
    %dma_start3A_65 = arith.constant 3 : i32
    %dma_start3A_66 = arith.constant 0 : i32
    %dma_start3A_67 = arith.constant 0 : i32
    %dma_start3A_68 = tpu.memref_slice %arg5[%dma_start3A_64, %dma_start3A_66, %dma_start3A_67] : memref<5x125x32xf32, #tpu.memory_space<vmem>> -> memref<1x125x32xf32, #tpu.memory_space<vmem>>
    %dma_start3A_69 = tpu.memref_squeeze %dma_start3A_68 : memref<1x125x32xf32, #tpu.memory_space<vmem>> -> memref<125x32xf32, #tpu.memory_space<vmem>>
    %dma_start3A_70 = tpu.memref_slice %arg2[%add3A_63, %add3A_6] : memref<50000x128xf32, #tpu.memory_space<hbm>> -> memref<125x32xf32, #tpu.memory_space<hbm>>
    %dma_start3A_71 = tpu.memref_slice %arg9[%dma_start3A_65] : memref<5x!tpu.dma_semaphore, #tpu.memory_space<semaphore_mem>> -> memref<1x!tpu.dma_semaphore, #tpu.memory_space<semaphore_mem>>
    %dma_start3A_72 = tpu.memref_squeeze %dma_start3A_71 : memref<1x!tpu.dma_semaphore, #tpu.memory_space<semaphore_mem>> -> memref<!tpu.dma_semaphore, #tpu.memory_space<semaphore_mem>>
    %dma_start3A_73 = arith.constant 0 : i32
    %dma_start3A_74 = arith.constant 0 : i32
    %dma_start3A_75 = tpu.memref_slice %arg5[%dma_start3A_64, %dma_start3A_73, %dma_start3A_74] : memref<5x125x32xf32, #tpu.memory_space<vmem>> -> memref<1x125x32xf32, #tpu.memory_space<vmem>>
    %dma_start3A_76 = tpu.memref_squeeze %dma_start3A_75 : memref<1x125x32xf32, #tpu.memory_space<vmem>> -> memref<125x32xf32, #tpu.memory_space<vmem>>
    %dma_start3A_77 = tpu.memref_slice %arg2[%add3A_63, %add3A_6] : memref<50000x128xf32, #tpu.memory_space<hbm>> -> memref<125x32xf32, #tpu.memory_space<hbm>>
    tpu.enqueue_dma source(%dma_start3A_77 : memref<125x32xf32, #tpu.memory_space<hbm>>) target(%dma_start3A_76 : memref<125x32xf32, #tpu.memory_space<vmem>>) target_semaphore(%dma_start3A_72 : memref<!tpu.dma_semaphore, #tpu.memory_space<semaphore_mem>>)
    %mul3A_78 = arith.constant 3125 : i32
    %mul3A_79 = arith.muli %arg1, %mul3A_78 : i32
    %add3A_80 = arith.constant 500 : i32
    %add3A_81 = arith.addi %mul3A_79, %add3A_80 : i32
    %dma_start3A_82 = arith.constant 4 : i32
    %dma_start3A_83 = arith.constant 4 : i32
    %dma_start3A_84 = arith.constant 0 : i32
    %dma_start3A_85 = arith.constant 0 : i32
    %dma_start3A_86 = tpu.memref_slice %arg5[%dma_start3A_82, %dma_start3A_84, %dma_start3A_85] : memref<5x125x32xf32, #tpu.memory_space<vmem>> -> memref<1x125x32xf32, #tpu.memory_space<vmem>>
    %dma_start3A_87 = tpu.memref_squeeze %dma_start3A_86 : memref<1x125x32xf32, #tpu.memory_space<vmem>> -> memref<125x32xf32, #tpu.memory_space<vmem>>
    %dma_start3A_88 = tpu.memref_slice %arg2[%add3A_81, %add3A_6] : memref<50000x128xf32, #tpu.memory_space<hbm>> -> memref<125x32xf32, #tpu.memory_space<hbm>>
    %dma_start3A_89 = tpu.memref_slice %arg9[%dma_start3A_83] : memref<5x!tpu.dma_semaphore, #tpu.memory_space<semaphore_mem>> -> memref<1x!tpu.dma_semaphore, #tpu.memory_space<semaphore_mem>>
    %dma_start3A_90 = tpu.memref_squeeze %dma_start3A_89 : memref<1x!tpu.dma_semaphore, #tpu.memory_space<semaphore_mem>> -> memref<!tpu.dma_semaphore, #tpu.memory_space<semaphore_mem>>
    %dma_start3A_91 = arith.constant 0 : i32
    %dma_start3A_92 = arith.constant 0 : i32
    %dma_start3A_93 = tpu.memref_slice %arg5[%dma_start3A_82, %dma_start3A_91, %dma_start3A_92] : memref<5x125x32xf32, #tpu.memory_space<vmem>> -> memref<1x125x32xf32, #tpu.memory_space<vmem>>
    %dma_start3A_94 = tpu.memref_squeeze %dma_start3A_93 : memref<1x125x32xf32, #tpu.memory_space<vmem>> -> memref<125x32xf32, #tpu.memory_space<vmem>>
    %dma_start3A_95 = tpu.memref_slice %arg2[%add3A_81, %add3A_6] : memref<50000x128xf32, #tpu.memory_space<hbm>> -> memref<125x32xf32, #tpu.memory_space<hbm>>
    tpu.enqueue_dma source(%dma_start3A_95 : memref<125x32xf32, #tpu.memory_space<hbm>>) target(%dma_start3A_94 : memref<125x32xf32, #tpu.memory_space<vmem>>) target_semaphore(%dma_start3A_90 : memref<!tpu.dma_semaphore, #tpu.memory_space<semaphore_mem>>)
    %scan3A_96 = arith.constant 0 : i32
    %scan3A_97 = arith.constant 0 : i32
    %scan3A_98 = arith.constant 25 : i32
    %scan3A_99 = arith.addi %scan3A_97, %scan3A_98 : i32
    %scan3A_100 = arith.constant 1 : i32
    scf.for %scan3A_258 = %scan3A_97 to %scan3A_99 step %scan3A_100  : i32 {
      %mul3A_259 = arith.constant 3125 : i32
      %mul3A_260 = arith.muli %arg1, %mul3A_259 : i32
      %mul3A_261 = arith.constant 125 : i32
      %mul3A_262 = arith.muli %scan3A_258, %mul3A_261 : i32
      %add3A_263 = arith.addi %mul3A_260, %mul3A_262 : i32
      %dma_start3A_264 = arith.constant 0 : i32
      %dma_start3A_265 = tpu.memref_slice %arg8[%add3A_263, %dma_start3A_264] : memref<50000x32xf32, #tpu.memory_space<vmem_shared>> -> memref<125x32xf32, #tpu.memory_space<vmem_shared>>
      %dma_start3A_266 = arith.constant 0 : i32
      %dma_start3A_267 = tpu.memref_slice %arg8[%add3A_263, %dma_start3A_266] : memref<50000x32xf32, #tpu.memory_space<vmem_shared>> -> memref<125x32xf32, #tpu.memory_space<vmem_shared>>
      tpu.enqueue_dma source(%arg7 : memref<125x32xf32, #tpu.memory_space<vmem>>) target(%dma_start3A_267 : memref<125x32xf32, #tpu.memory_space<vmem_shared>>) target_semaphore(%arg11 : memref<!tpu.dma_semaphore, #tpu.memory_space<semaphore_mem>>)
    }
    %scan3A_101 = arith.constant 25 : i32
    %scan3A_102 = arith.constant 0 : i32
    %scan3A_103 = arith.constant 0 : i32
    %scan3A_104 = arith.constant 25 : i32
    %scan3A_105 = arith.addi %scan3A_103, %scan3A_104 : i32
    %scan3A_106 = arith.constant 1 : i32
    scf.for %scan3A_258 = %scan3A_103 to %scan3A_105 step %scan3A_106  : i32 {
      %mul3A_259 = arith.constant 3125 : i32
      %mul3A_260 = arith.muli %arg1, %mul3A_259 : i32
      %dma_wait3A_261 = arith.constant 0 : i32
      %dma_wait3A_262 = tpu.memref_slice %arg8[%mul3A_260, %dma_wait3A_261] : memref<50000x32xf32, #tpu.memory_space<vmem_shared>> -> memref<125x32xf32, #tpu.memory_space<vmem_shared>>
      %dma_wait3A_263 = arith.constant 0 : i32
      %dma_wait3A_264 = tpu.memref_slice %arg8[%mul3A_260, %dma_wait3A_263] : memref<50000x32xf32, #tpu.memory_space<vmem_shared>> -> memref<125x32xf32, #tpu.memory_space<vmem_shared>>
      tpu.wait_dma2 semaphore(%arg11 : memref<!tpu.dma_semaphore, #tpu.memory_space<semaphore_mem>>) src(%arg7 : memref<125x32xf32, #tpu.memory_space<vmem>>) dst(%dma_wait3A_264 : memref<125x32xf32, #tpu.memory_space<vmem_shared>>)
    }
    %scan3A_107 = arith.constant 25 : i32
    %barrier3A = arith.constant 0 : index
    tpu.barrier barrier_id(%barrier3A)
    %scan3A_108 = arith.constant 0 : i32
    %scan3A_109 = arith.constant 0 : i32
    %scan3A_110 = arith.constant 5 : i32
    %scan3A_111 = arith.addi %scan3A_109, %scan3A_110 : i32
    %scan3A_112 = arith.constant 1 : i32
    scf.for %scan3A_258 = %scan3A_109 to %scan3A_111 step %scan3A_112  : i32 {
      %mul3A_259 = arith.constant 5 : i32
      %mul3A_260 = arith.muli %scan3A_258, %mul3A_259 : i32
      %add3A_261 = arith.constant 0 : i32
      %add3A_262 = arith.addi %mul3A_260, %add3A_261 : i32
      %mul3A_263 = arith.constant 3125 : i32
      %mul3A_264 = arith.muli %arg1, %mul3A_263 : i32
      %dma_wait3A_265 = arith.constant 0 : i32
      %dma_wait3A_266 = arith.constant 0 : i32
      %dma_wait3A_267 = arith.constant 0 : i32
      %dma_wait3A_268 = arith.constant 0 : i32
      %dma_wait3A_269 = tpu.memref_slice %arg5[%dma_wait3A_265, %dma_wait3A_267, %dma_wait3A_268] : memref<5x125x32xf32, #tpu.memory_space<vmem>> -> memref<1x125x32xf32, #tpu.memory_space<vmem>>
      %dma_wait3A_270 = tpu.memref_squeeze %dma_wait3A_269 : memref<1x125x32xf32, #tpu.memory_space<vmem>> -> memref<125x32xf32, #tpu.memory_space<vmem>>
      %dma_wait3A_271 = arith.constant 0 : i32
      %dma_wait3A_272 = tpu.memref_slice %arg2[%mul3A_264, %dma_wait3A_271] : memref<50000x128xf32, #tpu.memory_space<hbm>> -> memref<125x32xf32, #tpu.memory_space<hbm>>
      %dma_wait3A_273 = tpu.memref_slice %arg9[%dma_wait3A_266] : memref<5x!tpu.dma_semaphore, #tpu.memory_space<semaphore_mem>> -> memref<1x!tpu.dma_semaphore, #tpu.memory_space<semaphore_mem>>
      %dma_wait3A_274 = tpu.memref_squeeze %dma_wait3A_273 : memref<1x!tpu.dma_semaphore, #tpu.memory_space<semaphore_mem>> -> memref<!tpu.dma_semaphore, #tpu.memory_space<semaphore_mem>>
      %dma_wait3A_275 = arith.constant 0 : i32
      %dma_wait3A_276 = arith.constant 0 : i32
      %dma_wait3A_277 = tpu.memref_slice %arg5[%dma_wait3A_265, %dma_wait3A_275, %dma_wait3A_276] : memref<5x125x32xf32, #tpu.memory_space<vmem>> -> memref<1x125x32xf32, #tpu.memory_space<vmem>>
      %dma_wait3A_278 = tpu.memref_squeeze %dma_wait3A_277 : memref<1x125x32xf32, #tpu.memory_space<vmem>> -> memref<125x32xf32, #tpu.memory_space<vmem>>
      %dma_wait3A_279 = arith.constant 0 : i32
      %dma_wait3A_280 = tpu.memref_slice %arg2[%mul3A_264, %dma_wait3A_279] : memref<50000x128xf32, #tpu.memory_space<hbm>> -> memref<125x32xf32, #tpu.memory_space<hbm>>
      tpu.wait_dma2 semaphore(%dma_wait3A_274 : memref<!tpu.dma_semaphore, #tpu.memory_space<semaphore_mem>>) src(%dma_wait3A_280 : memref<125x32xf32, #tpu.memory_space<hbm>>) dst(%dma_wait3A_278 : memref<125x32xf32, #tpu.memory_space<vmem>>)
      %dma_start3A_281 = arith.constant 0 : i32
      %dma_start3A_282 = arith.constant 0 : i32
      %dma_start3A_283 = arith.constant 0 : i32
      %dma_start3A_284 = arith.constant 0 : i32
      %dma_start3A_285 = tpu.memref_slice %arg5[%dma_start3A_281, %dma_start3A_283, %dma_start3A_284] : memref<5x125x32xf32, #tpu.memory_space<vmem>> -> memref<1x125x32xf32, #tpu.memory_space<vmem>>
      %dma_start3A_286 = tpu.memref_squeeze %dma_start3A_285 : memref<1x125x32xf32, #tpu.memory_space<vmem>> -> memref<125x32xf32, #tpu.memory_space<vmem>>
      %dma_start3A_287 = arith.constant 0 : i32
      %dma_start3A_288 = tpu.memref_slice %arg6[%add3A_262, %dma_start3A_287] : memref<25x125xi32, #tpu.memory_space<vmem>> -> memref<1x125xi32, #tpu.memory_space<vmem>>
      %dma_start3A_289 = tpu.memref_squeeze %dma_start3A_288 : memref<1x125xi32, #tpu.memory_space<vmem>> -> memref<125xi32, #tpu.memory_space<vmem>>
      %dma_start3A_290 = arith.constant 0 : i32
      %dma_start3A_291 = arith.constant 0 : i32
      %dma_start3A_292 = tpu.memref_slice %arg8[%dma_start3A_290, %dma_start3A_291] : memref<50000x32xf32, #tpu.memory_space<vmem_shared>> -> memref<50000x32xf32, #tpu.memory_space<vmem_shared>>
      %dma_start3A_293 = tpu.memref_slice %arg10[%dma_start3A_282] : memref<5x!tpu.dma_semaphore, #tpu.memory_space<semaphore_mem>> -> memref<1x!tpu.dma_semaphore, #tpu.memory_space<semaphore_mem>>
      %dma_start3A_294 = tpu.memref_squeeze %dma_start3A_293 : memref<1x!tpu.dma_semaphore, #tpu.memory_space<semaphore_mem>> -> memref<!tpu.dma_semaphore, #tpu.memory_space<semaphore_mem>>
      tpu.enqueue_indirect_dma source(%dma_start3A_286 : memref<125x32xf32, #tpu.memory_space<vmem>>) target(%dma_start3A_292 : memref<50000x32xf32, #tpu.memory_space<vmem_shared>>) offsets(%dma_start3A_289 : memref<125xi32, #tpu.memory_space<vmem>>) semaphore(%dma_start3A_294 : memref<!tpu.dma_semaphore, #tpu.memory_space<semaphore_mem>>) {add = true}
      %mul3A_295 = arith.constant 5 : i32
      %mul3A_296 = arith.muli %scan3A_258, %mul3A_295 : i32
      %add3A_297 = arith.constant 1 : i32
      %add3A_298 = arith.addi %mul3A_296, %add3A_297 : i32
      %mul3A_299 = arith.constant 3125 : i32
      %mul3A_300 = arith.muli %arg1, %mul3A_299 : i32
      %dma_wait3A_301 = arith.constant 1 : i32
      %dma_wait3A_302 = arith.constant 1 : i32
      %dma_wait3A_303 = arith.constant 0 : i32
      %dma_wait3A_304 = arith.constant 0 : i32
      %dma_wait3A_305 = tpu.memref_slice %arg5[%dma_wait3A_301, %dma_wait3A_303, %dma_wait3A_304] : memref<5x125x32xf32, #tpu.memory_space<vmem>> -> memref<1x125x32xf32, #tpu.memory_space<vmem>>
      %dma_wait3A_306 = tpu.memref_squeeze %dma_wait3A_305 : memref<1x125x32xf32, #tpu.memory_space<vmem>> -> memref<125x32xf32, #tpu.memory_space<vmem>>
      %dma_wait3A_307 = arith.constant 0 : i32
      %dma_wait3A_308 = tpu.memref_slice %arg2[%mul3A_300, %dma_wait3A_307] : memref<50000x128xf32, #tpu.memory_space<hbm>> -> memref<125x32xf32, #tpu.memory_space<hbm>>
      %dma_wait3A_309 = tpu.memref_slice %arg9[%dma_wait3A_302] : memref<5x!tpu.dma_semaphore, #tpu.memory_space<semaphore_mem>> -> memref<1x!tpu.dma_semaphore, #tpu.memory_space<semaphore_mem>>
      %dma_wait3A_310 = tpu.memref_squeeze %dma_wait3A_309 : memref<1x!tpu.dma_semaphore, #tpu.memory_space<semaphore_mem>> -> memref<!tpu.dma_semaphore, #tpu.memory_space<semaphore_mem>>
      %dma_wait3A_311 = arith.constant 0 : i32
      %dma_wait3A_312 = arith.constant 0 : i32
      %dma_wait3A_313 = tpu.memref_slice %arg5[%dma_wait3A_301, %dma_wait3A_311, %dma_wait3A_312] : memref<5x125x32xf32, #tpu.memory_space<vmem>> -> memref<1x125x32xf32, #tpu.memory_space<vmem>>
      %dma_wait3A_314 = tpu.memref_squeeze %dma_wait3A_313 : memref<1x125x32xf32, #tpu.memory_space<vmem>> -> memref<125x32xf32, #tpu.memory_space<vmem>>
      %dma_wait3A_315 = arith.constant 0 : i32
      %dma_wait3A_316 = tpu.memref_slice %arg2[%mul3A_300, %dma_wait3A_315] : memref<50000x128xf32, #tpu.memory_space<hbm>> -> memref<125x32xf32, #tpu.memory_space<hbm>>
      tpu.wait_dma2 semaphore(%dma_wait3A_310 : memref<!tpu.dma_semaphore, #tpu.memory_space<semaphore_mem>>) src(%dma_wait3A_316 : memref<125x32xf32, #tpu.memory_space<hbm>>) dst(%dma_wait3A_314 : memref<125x32xf32, #tpu.memory_space<vmem>>)
      %dma_start3A_317 = arith.constant 1 : i32
      %dma_start3A_318 = arith.constant 1 : i32
      %dma_start3A_319 = arith.constant 0 : i32
      %dma_start3A_320 = arith.constant 0 : i32
      %dma_start3A_321 = tpu.memref_slice %arg5[%dma_start3A_317, %dma_start3A_319, %dma_start3A_320] : memref<5x125x32xf32, #tpu.memory_space<vmem>> -> memref<1x125x32xf32, #tpu.memory_space<vmem>>
      %dma_start3A_322 = tpu.memref_squeeze %dma_start3A_321 : memref<1x125x32xf32, #tpu.memory_space<vmem>> -> memref<125x32xf32, #tpu.memory_space<vmem>>
      %dma_start3A_323 = arith.constant 0 : i32
      %dma_start3A_324 = tpu.memref_slice %arg6[%add3A_298, %dma_start3A_323] : memref<25x125xi32, #tpu.memory_space<vmem>> -> memref<1x125xi32, #tpu.memory_space<vmem>>
      %dma_start3A_325 = tpu.memref_squeeze %dma_start3A_324 : memref<1x125xi32, #tpu.memory_space<vmem>> -> memref<125xi32, #tpu.memory_space<vmem>>
      %dma_start3A_326 = arith.constant 0 : i32
      %dma_start3A_327 = arith.constant 0 : i32
      %dma_start3A_328 = tpu.memref_slice %arg8[%dma_start3A_326, %dma_start3A_327] : memref<50000x32xf32, #tpu.memory_space<vmem_shared>> -> memref<50000x32xf32, #tpu.memory_space<vmem_shared>>
      %dma_start3A_329 = tpu.memref_slice %arg10[%dma_start3A_318] : memref<5x!tpu.dma_semaphore, #tpu.memory_space<semaphore_mem>> -> memref<1x!tpu.dma_semaphore, #tpu.memory_space<semaphore_mem>>
      %dma_start3A_330 = tpu.memref_squeeze %dma_start3A_329 : memref<1x!tpu.dma_semaphore, #tpu.memory_space<semaphore_mem>> -> memref<!tpu.dma_semaphore, #tpu.memory_space<semaphore_mem>>
      tpu.enqueue_indirect_dma source(%dma_start3A_322 : memref<125x32xf32, #tpu.memory_space<vmem>>) target(%dma_start3A_328 : memref<50000x32xf32, #tpu.memory_space<vmem_shared>>) offsets(%dma_start3A_325 : memref<125xi32, #tpu.memory_space<vmem>>) semaphore(%dma_start3A_330 : memref<!tpu.dma_semaphore, #tpu.memory_space<semaphore_mem>>) {add = true}
      %mul3A_331 = arith.constant 5 : i32
      %mul3A_332 = arith.muli %scan3A_258, %mul3A_331 : i32
      %add3A_333 = arith.constant 2 : i32
      %add3A_334 = arith.addi %mul3A_332, %add3A_333 : i32
      %mul3A_335 = arith.constant 3125 : i32
      %mul3A_336 = arith.muli %arg1, %mul3A_335 : i32
      %dma_wait3A_337 = arith.constant 2 : i32
      %dma_wait3A_338 = arith.constant 2 : i32
      %dma_wait3A_339 = arith.constant 0 : i32
      %dma_wait3A_340 = arith.constant 0 : i32
      %dma_wait3A_341 = tpu.memref_slice %arg5[%dma_wait3A_337, %dma_wait3A_339, %dma_wait3A_340] : memref<5x125x32xf32, #tpu.memory_space<vmem>> -> memref<1x125x32xf32, #tpu.memory_space<vmem>>
      %dma_wait3A_342 = tpu.memref_squeeze %dma_wait3A_341 : memref<1x125x32xf32, #tpu.memory_space<vmem>> -> memref<125x32xf32, #tpu.memory_space<vmem>>
      %dma_wait3A_343 = arith.constant 0 : i32
      %dma_wait3A_344 = tpu.memref_slice %arg2[%mul3A_336, %dma_wait3A_343] : memref<50000x128xf32, #tpu.memory_space<hbm>> -> memref<125x32xf32, #tpu.memory_space<hbm>>
      %dma_wait3A_345 = tpu.memref_slice %arg9[%dma_wait3A_338] : memref<5x!tpu.dma_semaphore, #tpu.memory_space<semaphore_mem>> -> memref<1x!tpu.dma_semaphore, #tpu.memory_space<semaphore_mem>>
      %dma_wait3A_346 = tpu.memref_squeeze %dma_wait3A_345 : memref<1x!tpu.dma_semaphore, #tpu.memory_space<semaphore_mem>> -> memref<!tpu.dma_semaphore, #tpu.memory_space<semaphore_mem>>
      %dma_wait3A_347 = arith.constant 0 : i32
      %dma_wait3A_348 = arith.constant 0 : i32
      %dma_wait3A_349 = tpu.memref_slice %arg5[%dma_wait3A_337, %dma_wait3A_347, %dma_wait3A_348] : memref<5x125x32xf32, #tpu.memory_space<vmem>> -> memref<1x125x32xf32, #tpu.memory_space<vmem>>
      %dma_wait3A_350 = tpu.memref_squeeze %dma_wait3A_349 : memref<1x125x32xf32, #tpu.memory_space<vmem>> -> memref<125x32xf32, #tpu.memory_space<vmem>>
      %dma_wait3A_351 = arith.constant 0 : i32
      %dma_wait3A_352 = tpu.memref_slice %arg2[%mul3A_336, %dma_wait3A_351] : memref<50000x128xf32, #tpu.memory_space<hbm>> -> memref<125x32xf32, #tpu.memory_space<hbm>>
      tpu.wait_dma2 semaphore(%dma_wait3A_346 : memref<!tpu.dma_semaphore, #tpu.memory_space<semaphore_mem>>) src(%dma_wait3A_352 : memref<125x32xf32, #tpu.memory_space<hbm>>) dst(%dma_wait3A_350 : memref<125x32xf32, #tpu.memory_space<vmem>>)
      %dma_start3A_353 = arith.constant 2 : i32
      %dma_start3A_354 = arith.constant 2 : i32
      %dma_start3A_355 = arith.constant 0 : i32
      %dma_start3A_356 = arith.constant 0 : i32
      %dma_start3A_357 = tpu.memref_slice %arg5[%dma_start3A_353, %dma_start3A_355, %dma_start3A_356] : memref<5x125x32xf32, #tpu.memory_space<vmem>> -> memref<1x125x32xf32, #tpu.memory_space<vmem>>
      %dma_start3A_358 = tpu.memref_squeeze %dma_start3A_357 : memref<1x125x32xf32, #tpu.memory_space<vmem>> -> memref<125x32xf32, #tpu.memory_space<vmem>>
      %dma_start3A_359 = arith.constant 0 : i32
      %dma_start3A_360 = tpu.memref_slice %arg6[%add3A_334, %dma_start3A_359] : memref<25x125xi32, #tpu.memory_space<vmem>> -> memref<1x125xi32, #tpu.memory_space<vmem>>
      %dma_start3A_361 = tpu.memref_squeeze %dma_start3A_360 : memref<1x125xi32, #tpu.memory_space<vmem>> -> memref<125xi32, #tpu.memory_space<vmem>>
      %dma_start3A_362 = arith.constant 0 : i32
      %dma_start3A_363 = arith.constant 0 : i32
      %dma_start3A_364 = tpu.memref_slice %arg8[%dma_start3A_362, %dma_start3A_363] : memref<50000x32xf32, #tpu.memory_space<vmem_shared>> -> memref<50000x32xf32, #tpu.memory_space<vmem_shared>>
      %dma_start3A_365 = tpu.memref_slice %arg10[%dma_start3A_354] : memref<5x!tpu.dma_semaphore, #tpu.memory_space<semaphore_mem>> -> memref<1x!tpu.dma_semaphore, #tpu.memory_space<semaphore_mem>>
      %dma_start3A_366 = tpu.memref_squeeze %dma_start3A_365 : memref<1x!tpu.dma_semaphore, #tpu.memory_space<semaphore_mem>> -> memref<!tpu.dma_semaphore, #tpu.memory_space<semaphore_mem>>
      tpu.enqueue_indirect_dma source(%dma_start3A_358 : memref<125x32xf32, #tpu.memory_space<vmem>>) target(%dma_start3A_364 : memref<50000x32xf32, #tpu.memory_space<vmem_shared>>) offsets(%dma_start3A_361 : memref<125xi32, #tpu.memory_space<vmem>>) semaphore(%dma_start3A_366 : memref<!tpu.dma_semaphore, #tpu.memory_space<semaphore_mem>>) {add = true}
      %mul3A_367 = arith.constant 5 : i32
      %mul3A_368 = arith.muli %scan3A_258, %mul3A_367 : i32
      %add3A_369 = arith.constant 3 : i32
      %add3A_370 = arith.addi %mul3A_368, %add3A_369 : i32
      %mul3A_371 = arith.constant 3125 : i32
      %mul3A_372 = arith.muli %arg1, %mul3A_371 : i32
      %dma_wait3A_373 = arith.constant 3 : i32
      %dma_wait3A_374 = arith.constant 3 : i32
      %dma_wait3A_375 = arith.constant 0 : i32
      %dma_wait3A_376 = arith.constant 0 : i32
      %dma_wait3A_377 = tpu.memref_slice %arg5[%dma_wait3A_373, %dma_wait3A_375, %dma_wait3A_376] : memref<5x125x32xf32, #tpu.memory_space<vmem>> -> memref<1x125x32xf32, #tpu.memory_space<vmem>>
      %dma_wait3A_378 = tpu.memref_squeeze %dma_wait3A_377 : memref<1x125x32xf32, #tpu.memory_space<vmem>> -> memref<125x32xf32, #tpu.memory_space<vmem>>
      %dma_wait3A_379 = arith.constant 0 : i32
      %dma_wait3A_380 = tpu.memref_slice %arg2[%mul3A_372, %dma_wait3A_379] : memref<50000x128xf32, #tpu.memory_space<hbm>> -> memref<125x32xf32, #tpu.memory_space<hbm>>
      %dma_wait3A_381 = tpu.memref_slice %arg9[%dma_wait3A_374] : memref<5x!tpu.dma_semaphore, #tpu.memory_space<semaphore_mem>> -> memref<1x!tpu.dma_semaphore, #tpu.memory_space<semaphore_mem>>
      %dma_wait3A_382 = tpu.memref_squeeze %dma_wait3A_381 : memref<1x!tpu.dma_semaphore, #tpu.memory_space<semaphore_mem>> -> memref<!tpu.dma_semaphore, #tpu.memory_space<semaphore_mem>>
      %dma_wait3A_383 = arith.constant 0 : i32
      %dma_wait3A_384 = arith.constant 0 : i32
      %dma_wait3A_385 = tpu.memref_slice %arg5[%dma_wait3A_373, %dma_wait3A_383, %dma_wait3A_384] : memref<5x125x32xf32, #tpu.memory_space<vmem>> -> memref<1x125x32xf32, #tpu.memory_space<vmem>>
      %dma_wait3A_386 = tpu.memref_squeeze %dma_wait3A_385 : memref<1x125x32xf32, #tpu.memory_space<vmem>> -> memref<125x32xf32, #tpu.memory_space<vmem>>
      %dma_wait3A_387 = arith.constant 0 : i32
      %dma_wait3A_388 = tpu.memref_slice %arg2[%mul3A_372, %dma_wait3A_387] : memref<50000x128xf32, #tpu.memory_space<hbm>> -> memref<125x32xf32, #tpu.memory_space<hbm>>
      tpu.wait_dma2 semaphore(%dma_wait3A_382 : memref<!tpu.dma_semaphore, #tpu.memory_space<semaphore_mem>>) src(%dma_wait3A_388 : memref<125x32xf32, #tpu.memory_space<hbm>>) dst(%dma_wait3A_386 : memref<125x32xf32, #tpu.memory_space<vmem>>)
      %dma_start3A_389 = arith.constant 3 : i32
      %dma_start3A_390 = arith.constant 3 : i32
      %dma_start3A_391 = arith.constant 0 : i32
      %dma_start3A_392 = arith.constant 0 : i32
      %dma_start3A_393 = tpu.memref_slice %arg5[%dma_start3A_389, %dma_start3A_391, %dma_start3A_392] : memref<5x125x32xf32, #tpu.memory_space<vmem>> -> memref<1x125x32xf32, #tpu.memory_space<vmem>>
      %dma_start3A_394 = tpu.memref_squeeze %dma_start3A_393 : memref<1x125x32xf32, #tpu.memory_space<vmem>> -> memref<125x32xf32, #tpu.memory_space<vmem>>
      %dma_start3A_395 = arith.constant 0 : i32
      %dma_start3A_396 = tpu.memref_slice %arg6[%add3A_370, %dma_start3A_395] : memref<25x125xi32, #tpu.memory_space<vmem>> -> memref<1x125xi32, #tpu.memory_space<vmem>>
      %dma_start3A_397 = tpu.memref_squeeze %dma_start3A_396 : memref<1x125xi32, #tpu.memory_space<vmem>> -> memref<125xi32, #tpu.memory_space<vmem>>
      %dma_start3A_398 = arith.constant 0 : i32
      %dma_start3A_399 = arith.constant 0 : i32
      %dma_start3A_400 = tpu.memref_slice %arg8[%dma_start3A_398, %dma_start3A_399] : memref<50000x32xf32, #tpu.memory_space<vmem_shared>> -> memref<50000x32xf32, #tpu.memory_space<vmem_shared>>
      %dma_start3A_401 = tpu.memref_slice %arg10[%dma_start3A_390] : memref<5x!tpu.dma_semaphore, #tpu.memory_space<semaphore_mem>> -> memref<1x!tpu.dma_semaphore, #tpu.memory_space<semaphore_mem>>
      %dma_start3A_402 = tpu.memref_squeeze %dma_start3A_401 : memref<1x!tpu.dma_semaphore, #tpu.memory_space<semaphore_mem>> -> memref<!tpu.dma_semaphore, #tpu.memory_space<semaphore_mem>>
      tpu.enqueue_indirect_dma source(%dma_start3A_394 : memref<125x32xf32, #tpu.memory_space<vmem>>) target(%dma_start3A_400 : memref<50000x32xf32, #tpu.memory_space<vmem_shared>>) offsets(%dma_start3A_397 : memref<125xi32, #tpu.memory_space<vmem>>) semaphore(%dma_start3A_402 : memref<!tpu.dma_semaphore, #tpu.memory_space<semaphore_mem>>) {add = true}
      %mul3A_403 = arith.constant 5 : i32
      %mul3A_404 = arith.muli %scan3A_258, %mul3A_403 : i32
      %add3A_405 = arith.constant 4 : i32
      %add3A_406 = arith.addi %mul3A_404, %add3A_405 : i32
      %mul3A_407 = arith.constant 3125 : i32
      %mul3A_408 = arith.muli %arg1, %mul3A_407 : i32
      %dma_wait3A_409 = arith.constant 4 : i32
      %dma_wait3A_410 = arith.constant 4 : i32
      %dma_wait3A_411 = arith.constant 0 : i32
      %dma_wait3A_412 = arith.constant 0 : i32
      %dma_wait3A_413 = tpu.memref_slice %arg5[%dma_wait3A_409, %dma_wait3A_411, %dma_wait3A_412] : memref<5x125x32xf32, #tpu.memory_space<vmem>> -> memref<1x125x32xf32, #tpu.memory_space<vmem>>
      %dma_wait3A_414 = tpu.memref_squeeze %dma_wait3A_413 : memref<1x125x32xf32, #tpu.memory_space<vmem>> -> memref<125x32xf32, #tpu.memory_space<vmem>>
      %dma_wait3A_415 = arith.constant 0 : i32
      %dma_wait3A_416 = tpu.memref_slice %arg2[%mul3A_408, %dma_wait3A_415] : memref<50000x128xf32, #tpu.memory_space<hbm>> -> memref<125x32xf32, #tpu.memory_space<hbm>>
      %dma_wait3A_417 = tpu.memref_slice %arg9[%dma_wait3A_410] : memref<5x!tpu.dma_semaphore, #tpu.memory_space<semaphore_mem>> -> memref<1x!tpu.dma_semaphore, #tpu.memory_space<semaphore_mem>>
      %dma_wait3A_418 = tpu.memref_squeeze %dma_wait3A_417 : memref<1x!tpu.dma_semaphore, #tpu.memory_space<semaphore_mem>> -> memref<!tpu.dma_semaphore, #tpu.memory_space<semaphore_mem>>
      %dma_wait3A_419 = arith.constant 0 : i32
      %dma_wait3A_420 = arith.constant 0 : i32
      %dma_wait3A_421 = tpu.memref_slice %arg5[%dma_wait3A_409, %dma_wait3A_419, %dma_wait3A_420] : memref<5x125x32xf32, #tpu.memory_space<vmem>> -> memref<1x125x32xf32, #tpu.memory_space<vmem>>
      %dma_wait3A_422 = tpu.memref_squeeze %dma_wait3A_421 : memref<1x125x32xf32, #tpu.memory_space<vmem>> -> memref<125x32xf32, #tpu.memory_space<vmem>>
      %dma_wait3A_423 = arith.constant 0 : i32
      %dma_wait3A_424 = tpu.memref_slice %arg2[%mul3A_408, %dma_wait3A_423] : memref<50000x128xf32, #tpu.memory_space<hbm>> -> memref<125x32xf32, #tpu.memory_space<hbm>>
      tpu.wait_dma2 semaphore(%dma_wait3A_418 : memref<!tpu.dma_semaphore, #tpu.memory_space<semaphore_mem>>) src(%dma_wait3A_424 : memref<125x32xf32, #tpu.memory_space<hbm>>) dst(%dma_wait3A_422 : memref<125x32xf32, #tpu.memory_space<vmem>>)
      %dma_start3A_425 = arith.constant 4 : i32
      %dma_start3A_426 = arith.constant 4 : i32
      %dma_start3A_427 = arith.constant 0 : i32
      %dma_start3A_428 = arith.constant 0 : i32
      %dma_start3A_429 = tpu.memref_slice %arg5[%dma_start3A_425, %dma_start3A_427, %dma_start3A_428] : memref<5x125x32xf32, #tpu.memory_space<vmem>> -> memref<1x125x32xf32, #tpu.memory_space<vmem>>
      %dma_start3A_430 = tpu.memref_squeeze %dma_start3A_429 : memref<1x125x32xf32, #tpu.memory_space<vmem>> -> memref<125x32xf32, #tpu.memory_space<vmem>>
      %dma_start3A_431 = arith.constant 0 : i32
      %dma_start3A_432 = tpu.memref_slice %arg6[%add3A_406, %dma_start3A_431] : memref<25x125xi32, #tpu.memory_space<vmem>> -> memref<1x125xi32, #tpu.memory_space<vmem>>
      %dma_start3A_433 = tpu.memref_squeeze %dma_start3A_432 : memref<1x125xi32, #tpu.memory_space<vmem>> -> memref<125xi32, #tpu.memory_space<vmem>>
      %dma_start3A_434 = arith.constant 0 : i32
      %dma_start3A_435 = arith.constant 0 : i32
      %dma_start3A_436 = tpu.memref_slice %arg8[%dma_start3A_434, %dma_start3A_435] : memref<50000x32xf32, #tpu.memory_space<vmem_shared>> -> memref<50000x32xf32, #tpu.memory_space<vmem_shared>>
      %dma_start3A_437 = tpu.memref_slice %arg10[%dma_start3A_426] : memref<5x!tpu.dma_semaphore, #tpu.memory_space<semaphore_mem>> -> memref<1x!tpu.dma_semaphore, #tpu.memory_space<semaphore_mem>>
      %dma_start3A_438 = tpu.memref_squeeze %dma_start3A_437 : memref<1x!tpu.dma_semaphore, #tpu.memory_space<semaphore_mem>> -> memref<!tpu.dma_semaphore, #tpu.memory_space<semaphore_mem>>
      tpu.enqueue_indirect_dma source(%dma_start3A_430 : memref<125x32xf32, #tpu.memory_space<vmem>>) target(%dma_start3A_436 : memref<50000x32xf32, #tpu.memory_space<vmem_shared>>) offsets(%dma_start3A_433 : memref<125xi32, #tpu.memory_space<vmem>>) semaphore(%dma_start3A_438 : memref<!tpu.dma_semaphore, #tpu.memory_space<semaphore_mem>>) {add = true}
      %dma_wait3A_439 = arith.constant 0 : i32
      %dma_wait3A_440 = arith.constant 0 : i32
      %dma_wait3A_441 = arith.constant 0 : i32
      %dma_wait3A_442 = arith.constant 0 : i32
      %dma_wait3A_443 = arith.constant 0 : i32
      %dma_wait3A_444 = tpu.memref_slice %arg5[%dma_wait3A_439, %dma_wait3A_442, %dma_wait3A_443] : memref<5x125x32xf32, #tpu.memory_space<vmem>> -> memref<1x125x32xf32, #tpu.memory_space<vmem>>
      %dma_wait3A_445 = tpu.memref_squeeze %dma_wait3A_444 : memref<1x125x32xf32, #tpu.memory_space<vmem>> -> memref<125x32xf32, #tpu.memory_space<vmem>>
      %dma_wait3A_446 = arith.constant 0 : i32
      %dma_wait3A_447 = tpu.memref_slice %arg6[%dma_wait3A_440, %dma_wait3A_446] : memref<25x125xi32, #tpu.memory_space<vmem>> -> memref<1x125xi32, #tpu.memory_space<vmem>>
      %dma_wait3A_448 = tpu.memref_squeeze %dma_wait3A_447 : memref<1x125xi32, #tpu.memory_space<vmem>> -> memref<125xi32, #tpu.memory_space<vmem>>
      %dma_wait3A_449 = arith.constant 0 : i32
      %dma_wait3A_450 = arith.constant 0 : i32
      %dma_wait3A_451 = tpu.memref_slice %arg8[%dma_wait3A_449, %dma_wait3A_450] : memref<50000x32xf32, #tpu.memory_space<vmem_shared>> -> memref<50000x32xf32, #tpu.memory_space<vmem_shared>>
      %dma_wait3A_452 = tpu.memref_slice %arg10[%dma_wait3A_441] : memref<5x!tpu.dma_semaphore, #tpu.memory_space<semaphore_mem>> -> memref<1x!tpu.dma_semaphore, #tpu.memory_space<semaphore_mem>>
      %dma_wait3A_453 = tpu.memref_squeeze %dma_wait3A_452 : memref<1x!tpu.dma_semaphore, #tpu.memory_space<semaphore_mem>> -> memref<!tpu.dma_semaphore, #tpu.memory_space<semaphore_mem>>
      tpu.wait_indirect_dma semaphore(%dma_wait3A_453 : memref<!tpu.dma_semaphore, #tpu.memory_space<semaphore_mem>>) src(%dma_wait3A_445 : memref<125x32xf32, #tpu.memory_space<vmem>>) dst(%dma_wait3A_451 : memref<50000x32xf32, #tpu.memory_space<vmem_shared>>)
      %lt3A = arith.constant 4 : i32
      %lt3A_454 = arith.cmpi slt, %scan3A_258, %lt3A : i32
      %convert_element_type3A = arith.extui %lt3A_454 : i1 to i32
      %cond3A = arith.constant 0 : i32
      %cond3A_455 = arith.cmpi ne, %convert_element_type3A, %cond3A : i32
      scf.if %cond3A_455 {
        %add3A_536 = arith.constant 1 : i32
        %add3A_537 = arith.addi %scan3A_258, %add3A_536 : i32
        %mul3A_538 = arith.constant 5 : i32
        %mul3A_539 = arith.muli %add3A_537, %mul3A_538 : i32
        %add3A_540 = arith.constant 0 : i32
        %add3A_541 = arith.addi %mul3A_539, %add3A_540 : i32
        %mul3A_542 = arith.constant 3125 : i32
        %mul3A_543 = arith.muli %arg1, %mul3A_542 : i32
        %mul3A_544 = arith.constant 125 : i32
        %mul3A_545 = arith.muli %add3A_541, %mul3A_544 : i32
        %add3A_546 = arith.addi %mul3A_543, %mul3A_545 : i32
        %dma_start3A_547 = arith.constant 0 : i32
        %dma_start3A_548 = arith.constant 0 : i32
        %dma_start3A_549 = arith.constant 0 : i32
        %dma_start3A_550 = arith.constant 0 : i32
        %dma_start3A_551 = tpu.memref_slice %arg5[%dma_start3A_547, %dma_start3A_549, %dma_start3A_550] : memref<5x125x32xf32, #tpu.memory_space<vmem>> -> memref<1x125x32xf32, #tpu.memory_space<vmem>>
        %dma_start3A_552 = tpu.memref_squeeze %dma_start3A_551 : memref<1x125x32xf32, #tpu.memory_space<vmem>> -> memref<125x32xf32, #tpu.memory_space<vmem>>
        %dma_start3A_553 = tpu.memref_slice %arg2[%add3A_546, %add3A_6] : memref<50000x128xf32, #tpu.memory_space<hbm>> -> memref<125x32xf32, #tpu.memory_space<hbm>>
        %dma_start3A_554 = tpu.memref_slice %arg9[%dma_start3A_548] : memref<5x!tpu.dma_semaphore, #tpu.memory_space<semaphore_mem>> -> memref<1x!tpu.dma_semaphore, #tpu.memory_space<semaphore_mem>>
        %dma_start3A_555 = tpu.memref_squeeze %dma_start3A_554 : memref<1x!tpu.dma_semaphore, #tpu.memory_space<semaphore_mem>> -> memref<!tpu.dma_semaphore, #tpu.memory_space<semaphore_mem>>
        %dma_start3A_556 = arith.constant 0 : i32
        %dma_start3A_557 = arith.constant 0 : i32
        %dma_start3A_558 = tpu.memref_slice %arg5[%dma_start3A_547, %dma_start3A_556, %dma_start3A_557] : memref<5x125x32xf32, #tpu.memory_space<vmem>> -> memref<1x125x32xf32, #tpu.memory_space<vmem>>
        %dma_start3A_559 = tpu.memref_squeeze %dma_start3A_558 : memref<1x125x32xf32, #tpu.memory_space<vmem>> -> memref<125x32xf32, #tpu.memory_space<vmem>>
        %dma_start3A_560 = tpu.memref_slice %arg2[%add3A_546, %add3A_6] : memref<50000x128xf32, #tpu.memory_space<hbm>> -> memref<125x32xf32, #tpu.memory_space<hbm>>
        tpu.enqueue_dma source(%dma_start3A_560 : memref<125x32xf32, #tpu.memory_space<hbm>>) target(%dma_start3A_559 : memref<125x32xf32, #tpu.memory_space<vmem>>) target_semaphore(%dma_start3A_555 : memref<!tpu.dma_semaphore, #tpu.memory_space<semaphore_mem>>)
      } else {
      }
      %dma_wait3A_456 = arith.constant 1 : i32
      %dma_wait3A_457 = arith.constant 0 : i32
      %dma_wait3A_458 = arith.constant 1 : i32
      %dma_wait3A_459 = arith.constant 0 : i32
      %dma_wait3A_460 = arith.constant 0 : i32
      %dma_wait3A_461 = tpu.memref_slice %arg5[%dma_wait3A_456, %dma_wait3A_459, %dma_wait3A_460] : memref<5x125x32xf32, #tpu.memory_space<vmem>> -> memref<1x125x32xf32, #tpu.memory_space<vmem>>
      %dma_wait3A_462 = tpu.memref_squeeze %dma_wait3A_461 : memref<1x125x32xf32, #tpu.memory_space<vmem>> -> memref<125x32xf32, #tpu.memory_space<vmem>>
      %dma_wait3A_463 = arith.constant 0 : i32
      %dma_wait3A_464 = tpu.memref_slice %arg6[%dma_wait3A_457, %dma_wait3A_463] : memref<25x125xi32, #tpu.memory_space<vmem>> -> memref<1x125xi32, #tpu.memory_space<vmem>>
      %dma_wait3A_465 = tpu.memref_squeeze %dma_wait3A_464 : memref<1x125xi32, #tpu.memory_space<vmem>> -> memref<125xi32, #tpu.memory_space<vmem>>
      %dma_wait3A_466 = arith.constant 0 : i32
      %dma_wait3A_467 = arith.constant 0 : i32
      %dma_wait3A_468 = tpu.memref_slice %arg8[%dma_wait3A_466, %dma_wait3A_467] : memref<50000x32xf32, #tpu.memory_space<vmem_shared>> -> memref<50000x32xf32, #tpu.memory_space<vmem_shared>>
      %dma_wait3A_469 = tpu.memref_slice %arg10[%dma_wait3A_458] : memref<5x!tpu.dma_semaphore, #tpu.memory_space<semaphore_mem>> -> memref<1x!tpu.dma_semaphore, #tpu.memory_space<semaphore_mem>>
      %dma_wait3A_470 = tpu.memref_squeeze %dma_wait3A_469 : memref<1x!tpu.dma_semaphore, #tpu.memory_space<semaphore_mem>> -> memref<!tpu.dma_semaphore, #tpu.memory_space<semaphore_mem>>
      tpu.wait_indirect_dma semaphore(%dma_wait3A_470 : memref<!tpu.dma_semaphore, #tpu.memory_space<semaphore_mem>>) src(%dma_wait3A_462 : memref<125x32xf32, #tpu.memory_space<vmem>>) dst(%dma_wait3A_468 : memref<50000x32xf32, #tpu.memory_space<vmem_shared>>)
      %lt3A_471 = arith.constant 4 : i32
      %lt3A_472 = arith.cmpi slt, %scan3A_258, %lt3A_471 : i32
      %convert_element_type3A_473 = arith.extui %lt3A_472 : i1 to i32
      %cond3A_474 = arith.constant 0 : i32
      %cond3A_475 = arith.cmpi ne, %convert_element_type3A_473, %cond3A_474 : i32
      scf.if %cond3A_475 {
        %add3A_536 = arith.constant 1 : i32
        %add3A_537 = arith.addi %scan3A_258, %add3A_536 : i32
        %mul3A_538 = arith.constant 5 : i32
        %mul3A_539 = arith.muli %add3A_537, %mul3A_538 : i32
        %add3A_540 = arith.constant 1 : i32
        %add3A_541 = arith.addi %mul3A_539, %add3A_540 : i32
        %mul3A_542 = arith.constant 3125 : i32
        %mul3A_543 = arith.muli %arg1, %mul3A_542 : i32
        %mul3A_544 = arith.constant 125 : i32
        %mul3A_545 = arith.muli %add3A_541, %mul3A_544 : i32
        %add3A_546 = arith.addi %mul3A_543, %mul3A_545 : i32
        %dma_start3A_547 = arith.constant 1 : i32
        %dma_start3A_548 = arith.constant 1 : i32
        %dma_start3A_549 = arith.constant 0 : i32
        %dma_start3A_550 = arith.constant 0 : i32
        %dma_start3A_551 = tpu.memref_slice %arg5[%dma_start3A_547, %dma_start3A_549, %dma_start3A_550] : memref<5x125x32xf32, #tpu.memory_space<vmem>> -> memref<1x125x32xf32, #tpu.memory_space<vmem>>
        %dma_start3A_552 = tpu.memref_squeeze %dma_start3A_551 : memref<1x125x32xf32, #tpu.memory_space<vmem>> -> memref<125x32xf32, #tpu.memory_space<vmem>>
        %dma_start3A_553 = tpu.memref_slice %arg2[%add3A_546, %add3A_6] : memref<50000x128xf32, #tpu.memory_space<hbm>> -> memref<125x32xf32, #tpu.memory_space<hbm>>
        %dma_start3A_554 = tpu.memref_slice %arg9[%dma_start3A_548] : memref<5x!tpu.dma_semaphore, #tpu.memory_space<semaphore_mem>> -> memref<1x!tpu.dma_semaphore, #tpu.memory_space<semaphore_mem>>
        %dma_start3A_555 = tpu.memref_squeeze %dma_start3A_554 : memref<1x!tpu.dma_semaphore, #tpu.memory_space<semaphore_mem>> -> memref<!tpu.dma_semaphore, #tpu.memory_space<semaphore_mem>>
        %dma_start3A_556 = arith.constant 0 : i32
        %dma_start3A_557 = arith.constant 0 : i32
        %dma_start3A_558 = tpu.memref_slice %arg5[%dma_start3A_547, %dma_start3A_556, %dma_start3A_557] : memref<5x125x32xf32, #tpu.memory_space<vmem>> -> memref<1x125x32xf32, #tpu.memory_space<vmem>>
        %dma_start3A_559 = tpu.memref_squeeze %dma_start3A_558 : memref<1x125x32xf32, #tpu.memory_space<vmem>> -> memref<125x32xf32, #tpu.memory_space<vmem>>
        %dma_start3A_560 = tpu.memref_slice %arg2[%add3A_546, %add3A_6] : memref<50000x128xf32, #tpu.memory_space<hbm>> -> memref<125x32xf32, #tpu.memory_space<hbm>>
        tpu.enqueue_dma source(%dma_start3A_560 : memref<125x32xf32, #tpu.memory_space<hbm>>) target(%dma_start3A_559 : memref<125x32xf32, #tpu.memory_space<vmem>>) target_semaphore(%dma_start3A_555 : memref<!tpu.dma_semaphore, #tpu.memory_space<semaphore_mem>>)
      } else {
      }
      %dma_wait3A_476 = arith.constant 2 : i32
      %dma_wait3A_477 = arith.constant 0 : i32
      %dma_wait3A_478 = arith.constant 2 : i32
      %dma_wait3A_479 = arith.constant 0 : i32
      %dma_wait3A_480 = arith.constant 0 : i32
      %dma_wait3A_481 = tpu.memref_slice %arg5[%dma_wait3A_476, %dma_wait3A_479, %dma_wait3A_480] : memref<5x125x32xf32, #tpu.memory_space<vmem>> -> memref<1x125x32xf32, #tpu.memory_space<vmem>>
      %dma_wait3A_482 = tpu.memref_squeeze %dma_wait3A_481 : memref<1x125x32xf32, #tpu.memory_space<vmem>> -> memref<125x32xf32, #tpu.memory_space<vmem>>
      %dma_wait3A_483 = arith.constant 0 : i32
      %dma_wait3A_484 = tpu.memref_slice %arg6[%dma_wait3A_477, %dma_wait3A_483] : memref<25x125xi32, #tpu.memory_space<vmem>> -> memref<1x125xi32, #tpu.memory_space<vmem>>
      %dma_wait3A_485 = tpu.memref_squeeze %dma_wait3A_484 : memref<1x125xi32, #tpu.memory_space<vmem>> -> memref<125xi32, #tpu.memory_space<vmem>>
      %dma_wait3A_486 = arith.constant 0 : i32
      %dma_wait3A_487 = arith.constant 0 : i32
      %dma_wait3A_488 = tpu.memref_slice %arg8[%dma_wait3A_486, %dma_wait3A_487] : memref<50000x32xf32, #tpu.memory_space<vmem_shared>> -> memref<50000x32xf32, #tpu.memory_space<vmem_shared>>
      %dma_wait3A_489 = tpu.memref_slice %arg10[%dma_wait3A_478] : memref<5x!tpu.dma_semaphore, #tpu.memory_space<semaphore_mem>> -> memref<1x!tpu.dma_semaphore, #tpu.memory_space<semaphore_mem>>
      %dma_wait3A_490 = tpu.memref_squeeze %dma_wait3A_489 : memref<1x!tpu.dma_semaphore, #tpu.memory_space<semaphore_mem>> -> memref<!tpu.dma_semaphore, #tpu.memory_space<semaphore_mem>>
      tpu.wait_indirect_dma semaphore(%dma_wait3A_490 : memref<!tpu.dma_semaphore, #tpu.memory_space<semaphore_mem>>) src(%dma_wait3A_482 : memref<125x32xf32, #tpu.memory_space<vmem>>) dst(%dma_wait3A_488 : memref<50000x32xf32, #tpu.memory_space<vmem_shared>>)
      %lt3A_491 = arith.constant 4 : i32
      %lt3A_492 = arith.cmpi slt, %scan3A_258, %lt3A_491 : i32
      %convert_element_type3A_493 = arith.extui %lt3A_492 : i1 to i32
      %cond3A_494 = arith.constant 0 : i32
      %cond3A_495 = arith.cmpi ne, %convert_element_type3A_493, %cond3A_494 : i32
      scf.if %cond3A_495 {
        %add3A_536 = arith.constant 1 : i32
        %add3A_537 = arith.addi %scan3A_258, %add3A_536 : i32
        %mul3A_538 = arith.constant 5 : i32
        %mul3A_539 = arith.muli %add3A_537, %mul3A_538 : i32
        %add3A_540 = arith.constant 2 : i32
        %add3A_541 = arith.addi %mul3A_539, %add3A_540 : i32
        %mul3A_542 = arith.constant 3125 : i32
        %mul3A_543 = arith.muli %arg1, %mul3A_542 : i32
        %mul3A_544 = arith.constant 125 : i32
        %mul3A_545 = arith.muli %add3A_541, %mul3A_544 : i32
        %add3A_546 = arith.addi %mul3A_543, %mul3A_545 : i32
        %dma_start3A_547 = arith.constant 2 : i32
        %dma_start3A_548 = arith.constant 2 : i32
        %dma_start3A_549 = arith.constant 0 : i32
        %dma_start3A_550 = arith.constant 0 : i32
        %dma_start3A_551 = tpu.memref_slice %arg5[%dma_start3A_547, %dma_start3A_549, %dma_start3A_550] : memref<5x125x32xf32, #tpu.memory_space<vmem>> -> memref<1x125x32xf32, #tpu.memory_space<vmem>>
        %dma_start3A_552 = tpu.memref_squeeze %dma_start3A_551 : memref<1x125x32xf32, #tpu.memory_space<vmem>> -> memref<125x32xf32, #tpu.memory_space<vmem>>
        %dma_start3A_553 = tpu.memref_slice %arg2[%add3A_546, %add3A_6] : memref<50000x128xf32, #tpu.memory_space<hbm>> -> memref<125x32xf32, #tpu.memory_space<hbm>>
        %dma_start3A_554 = tpu.memref_slice %arg9[%dma_start3A_548] : memref<5x!tpu.dma_semaphore, #tpu.memory_space<semaphore_mem>> -> memref<1x!tpu.dma_semaphore, #tpu.memory_space<semaphore_mem>>
        %dma_start3A_555 = tpu.memref_squeeze %dma_start3A_554 : memref<1x!tpu.dma_semaphore, #tpu.memory_space<semaphore_mem>> -> memref<!tpu.dma_semaphore, #tpu.memory_space<semaphore_mem>>
        %dma_start3A_556 = arith.constant 0 : i32
        %dma_start3A_557 = arith.constant 0 : i32
        %dma_start3A_558 = tpu.memref_slice %arg5[%dma_start3A_547, %dma_start3A_556, %dma_start3A_557] : memref<5x125x32xf32, #tpu.memory_space<vmem>> -> memref<1x125x32xf32, #tpu.memory_space<vmem>>
        %dma_start3A_559 = tpu.memref_squeeze %dma_start3A_558 : memref<1x125x32xf32, #tpu.memory_space<vmem>> -> memref<125x32xf32, #tpu.memory_space<vmem>>
        %dma_start3A_560 = tpu.memref_slice %arg2[%add3A_546, %add3A_6] : memref<50000x128xf32, #tpu.memory_space<hbm>> -> memref<125x32xf32, #tpu.memory_space<hbm>>
        tpu.enqueue_dma source(%dma_start3A_560 : memref<125x32xf32, #tpu.memory_space<hbm>>) target(%dma_start3A_559 : memref<125x32xf32, #tpu.memory_space<vmem>>) target_semaphore(%dma_start3A_555 : memref<!tpu.dma_semaphore, #tpu.memory_space<semaphore_mem>>)
      } else {
      }
      %dma_wait3A_496 = arith.constant 3 : i32
      %dma_wait3A_497 = arith.constant 0 : i32
      %dma_wait3A_498 = arith.constant 3 : i32
      %dma_wait3A_499 = arith.constant 0 : i32
      %dma_wait3A_500 = arith.constant 0 : i32
      %dma_wait3A_501 = tpu.memref_slice %arg5[%dma_wait3A_496, %dma_wait3A_499, %dma_wait3A_500] : memref<5x125x32xf32, #tpu.memory_space<vmem>> -> memref<1x125x32xf32, #tpu.memory_space<vmem>>
      %dma_wait3A_502 = tpu.memref_squeeze %dma_wait3A_501 : memref<1x125x32xf32, #tpu.memory_space<vmem>> -> memref<125x32xf32, #tpu.memory_space<vmem>>
      %dma_wait3A_503 = arith.constant 0 : i32
      %dma_wait3A_504 = tpu.memref_slice %arg6[%dma_wait3A_497, %dma_wait3A_503] : memref<25x125xi32, #tpu.memory_space<vmem>> -> memref<1x125xi32, #tpu.memory_space<vmem>>
      %dma_wait3A_505 = tpu.memref_squeeze %dma_wait3A_504 : memref<1x125xi32, #tpu.memory_space<vmem>> -> memref<125xi32, #tpu.memory_space<vmem>>
      %dma_wait3A_506 = arith.constant 0 : i32
      %dma_wait3A_507 = arith.constant 0 : i32
      %dma_wait3A_508 = tpu.memref_slice %arg8[%dma_wait3A_506, %dma_wait3A_507] : memref<50000x32xf32, #tpu.memory_space<vmem_shared>> -> memref<50000x32xf32, #tpu.memory_space<vmem_shared>>
      %dma_wait3A_509 = tpu.memref_slice %arg10[%dma_wait3A_498] : memref<5x!tpu.dma_semaphore, #tpu.memory_space<semaphore_mem>> -> memref<1x!tpu.dma_semaphore, #tpu.memory_space<semaphore_mem>>
      %dma_wait3A_510 = tpu.memref_squeeze %dma_wait3A_509 : memref<1x!tpu.dma_semaphore, #tpu.memory_space<semaphore_mem>> -> memref<!tpu.dma_semaphore, #tpu.memory_space<semaphore_mem>>
      tpu.wait_indirect_dma semaphore(%dma_wait3A_510 : memref<!tpu.dma_semaphore, #tpu.memory_space<semaphore_mem>>) src(%dma_wait3A_502 : memref<125x32xf32, #tpu.memory_space<vmem>>) dst(%dma_wait3A_508 : memref<50000x32xf32, #tpu.memory_space<vmem_shared>>)
      %lt3A_511 = arith.constant 4 : i32
      %lt3A_512 = arith.cmpi slt, %scan3A_258, %lt3A_511 : i32
      %convert_element_type3A_513 = arith.extui %lt3A_512 : i1 to i32
      %cond3A_514 = arith.constant 0 : i32
      %cond3A_515 = arith.cmpi ne, %convert_element_type3A_513, %cond3A_514 : i32
      scf.if %cond3A_515 {
        %add3A_536 = arith.constant 1 : i32
        %add3A_537 = arith.addi %scan3A_258, %add3A_536 : i32
        %mul3A_538 = arith.constant 5 : i32
        %mul3A_539 = arith.muli %add3A_537, %mul3A_538 : i32
        %add3A_540 = arith.constant 3 : i32
        %add3A_541 = arith.addi %mul3A_539, %add3A_540 : i32
        %mul3A_542 = arith.constant 3125 : i32
        %mul3A_543 = arith.muli %arg1, %mul3A_542 : i32
        %mul3A_544 = arith.constant 125 : i32
        %mul3A_545 = arith.muli %add3A_541, %mul3A_544 : i32
        %add3A_546 = arith.addi %mul3A_543, %mul3A_545 : i32
        %dma_start3A_547 = arith.constant 3 : i32
        %dma_start3A_548 = arith.constant 3 : i32
        %dma_start3A_549 = arith.constant 0 : i32
        %dma_start3A_550 = arith.constant 0 : i32
        %dma_start3A_551 = tpu.memref_slice %arg5[%dma_start3A_547, %dma_start3A_549, %dma_start3A_550] : memref<5x125x32xf32, #tpu.memory_space<vmem>> -> memref<1x125x32xf32, #tpu.memory_space<vmem>>
        %dma_start3A_552 = tpu.memref_squeeze %dma_start3A_551 : memref<1x125x32xf32, #tpu.memory_space<vmem>> -> memref<125x32xf32, #tpu.memory_space<vmem>>
        %dma_start3A_553 = tpu.memref_slice %arg2[%add3A_546, %add3A_6] : memref<50000x128xf32, #tpu.memory_space<hbm>> -> memref<125x32xf32, #tpu.memory_space<hbm>>
        %dma_start3A_554 = tpu.memref_slice %arg9[%dma_start3A_548] : memref<5x!tpu.dma_semaphore, #tpu.memory_space<semaphore_mem>> -> memref<1x!tpu.dma_semaphore, #tpu.memory_space<semaphore_mem>>
        %dma_start3A_555 = tpu.memref_squeeze %dma_start3A_554 : memref<1x!tpu.dma_semaphore, #tpu.memory_space<semaphore_mem>> -> memref<!tpu.dma_semaphore, #tpu.memory_space<semaphore_mem>>
        %dma_start3A_556 = arith.constant 0 : i32
        %dma_start3A_557 = arith.constant 0 : i32
        %dma_start3A_558 = tpu.memref_slice %arg5[%dma_start3A_547, %dma_start3A_556, %dma_start3A_557] : memref<5x125x32xf32, #tpu.memory_space<vmem>> -> memref<1x125x32xf32, #tpu.memory_space<vmem>>
        %dma_start3A_559 = tpu.memref_squeeze %dma_start3A_558 : memref<1x125x32xf32, #tpu.memory_space<vmem>> -> memref<125x32xf32, #tpu.memory_space<vmem>>
        %dma_start3A_560 = tpu.memref_slice %arg2[%add3A_546, %add3A_6] : memref<50000x128xf32, #tpu.memory_space<hbm>> -> memref<125x32xf32, #tpu.memory_space<hbm>>
        tpu.enqueue_dma source(%dma_start3A_560 : memref<125x32xf32, #tpu.memory_space<hbm>>) target(%dma_start3A_559 : memref<125x32xf32, #tpu.memory_space<vmem>>) target_semaphore(%dma_start3A_555 : memref<!tpu.dma_semaphore, #tpu.memory_space<semaphore_mem>>)
      } else {
      }
      %dma_wait3A_516 = arith.constant 4 : i32
      %dma_wait3A_517 = arith.constant 0 : i32
      %dma_wait3A_518 = arith.constant 4 : i32
      %dma_wait3A_519 = arith.constant 0 : i32
      %dma_wait3A_520 = arith.constant 0 : i32
      %dma_wait3A_521 = tpu.memref_slice %arg5[%dma_wait3A_516, %dma_wait3A_519, %dma_wait3A_520] : memref<5x125x32xf32, #tpu.memory_space<vmem>> -> memref<1x125x32xf32, #tpu.memory_space<vmem>>
      %dma_wait3A_522 = tpu.memref_squeeze %dma_wait3A_521 : memref<1x125x32xf32, #tpu.memory_space<vmem>> -> memref<125x32xf32, #tpu.memory_space<vmem>>
      %dma_wait3A_523 = arith.constant 0 : i32
      %dma_wait3A_524 = tpu.memref_slice %arg6[%dma_wait3A_517, %dma_wait3A_523] : memref<25x125xi32, #tpu.memory_space<vmem>> -> memref<1x125xi32, #tpu.memory_space<vmem>>
      %dma_wait3A_525 = tpu.memref_squeeze %dma_wait3A_524 : memref<1x125xi32, #tpu.memory_space<vmem>> -> memref<125xi32, #tpu.memory_space<vmem>>
      %dma_wait3A_526 = arith.constant 0 : i32
      %dma_wait3A_527 = arith.constant 0 : i32
      %dma_wait3A_528 = tpu.memref_slice %arg8[%dma_wait3A_526, %dma_wait3A_527] : memref<50000x32xf32, #tpu.memory_space<vmem_shared>> -> memref<50000x32xf32, #tpu.memory_space<vmem_shared>>
      %dma_wait3A_529 = tpu.memref_slice %arg10[%dma_wait3A_518] : memref<5x!tpu.dma_semaphore, #tpu.memory_space<semaphore_mem>> -> memref<1x!tpu.dma_semaphore, #tpu.memory_space<semaphore_mem>>
      %dma_wait3A_530 = tpu.memref_squeeze %dma_wait3A_529 : memref<1x!tpu.dma_semaphore, #tpu.memory_space<semaphore_mem>> -> memref<!tpu.dma_semaphore, #tpu.memory_space<semaphore_mem>>
      tpu.wait_indirect_dma semaphore(%dma_wait3A_530 : memref<!tpu.dma_semaphore, #tpu.memory_space<semaphore_mem>>) src(%dma_wait3A_522 : memref<125x32xf32, #tpu.memory_space<vmem>>) dst(%dma_wait3A_528 : memref<50000x32xf32, #tpu.memory_space<vmem_shared>>)
      %lt3A_531 = arith.constant 4 : i32
      %lt3A_532 = arith.cmpi slt, %scan3A_258, %lt3A_531 : i32
      %convert_element_type3A_533 = arith.extui %lt3A_532 : i1 to i32
      %cond3A_534 = arith.constant 0 : i32
      %cond3A_535 = arith.cmpi ne, %convert_element_type3A_533, %cond3A_534 : i32
      scf.if %cond3A_535 {
        %add3A_536 = arith.constant 1 : i32
        %add3A_537 = arith.addi %scan3A_258, %add3A_536 : i32
        %mul3A_538 = arith.constant 5 : i32
        %mul3A_539 = arith.muli %add3A_537, %mul3A_538 : i32
        %add3A_540 = arith.constant 4 : i32
        %add3A_541 = arith.addi %mul3A_539, %add3A_540 : i32
        %mul3A_542 = arith.constant 3125 : i32
        %mul3A_543 = arith.muli %arg1, %mul3A_542 : i32
        %mul3A_544 = arith.constant 125 : i32
        %mul3A_545 = arith.muli %add3A_541, %mul3A_544 : i32
        %add3A_546 = arith.addi %mul3A_543, %mul3A_545 : i32
        %dma_start3A_547 = arith.constant 4 : i32
        %dma_start3A_548 = arith.constant 4 : i32
        %dma_start3A_549 = arith.constant 0 : i32
        %dma_start3A_550 = arith.constant 0 : i32
        %dma_start3A_551 = tpu.memref_slice %arg5[%dma_start3A_547, %dma_start3A_549, %dma_start3A_550] : memref<5x125x32xf32, #tpu.memory_space<vmem>> -> memref<1x125x32xf32, #tpu.memory_space<vmem>>
        %dma_start3A_552 = tpu.memref_squeeze %dma_start3A_551 : memref<1x125x32xf32, #tpu.memory_space<vmem>> -> memref<125x32xf32, #tpu.memory_space<vmem>>
        %dma_start3A_553 = tpu.memref_slice %arg2[%add3A_546, %add3A_6] : memref<50000x128xf32, #tpu.memory_space<hbm>> -> memref<125x32xf32, #tpu.memory_space<hbm>>
        %dma_start3A_554 = tpu.memref_slice %arg9[%dma_start3A_548] : memref<5x!tpu.dma_semaphore, #tpu.memory_space<semaphore_mem>> -> memref<1x!tpu.dma_semaphore, #tpu.memory_space<semaphore_mem>>
        %dma_start3A_555 = tpu.memref_squeeze %dma_start3A_554 : memref<1x!tpu.dma_semaphore, #tpu.memory_space<semaphore_mem>> -> memref<!tpu.dma_semaphore, #tpu.memory_space<semaphore_mem>>
        %dma_start3A_556 = arith.constant 0 : i32
        %dma_start3A_557 = arith.constant 0 : i32
        %dma_start3A_558 = tpu.memref_slice %arg5[%dma_start3A_547, %dma_start3A_556, %dma_start3A_557] : memref<5x125x32xf32, #tpu.memory_space<vmem>> -> memref<1x125x32xf32, #tpu.memory_space<vmem>>
        %dma_start3A_559 = tpu.memref_squeeze %dma_start3A_558 : memref<1x125x32xf32, #tpu.memory_space<vmem>> -> memref<125x32xf32, #tpu.memory_space<vmem>>
        %dma_start3A_560 = tpu.memref_slice %arg2[%add3A_546, %add3A_6] : memref<50000x128xf32, #tpu.memory_space<hbm>> -> memref<125x32xf32, #tpu.memory_space<hbm>>
        tpu.enqueue_dma source(%dma_start3A_560 : memref<125x32xf32, #tpu.memory_space<hbm>>) target(%dma_start3A_559 : memref<125x32xf32, #tpu.memory_space<vmem>>) target_semaphore(%dma_start3A_555 : memref<!tpu.dma_semaphore, #tpu.memory_space<semaphore_mem>>)
      } else {
      }
    }
    %scan3A_113 = arith.constant 5 : i32
    %barrier3A_114 = arith.constant 0 : index
    tpu.barrier barrier_id(%barrier3A_114)
    %mul3A_115 = arith.constant 3125 : i32
    %mul3A_116 = arith.muli %arg1, %mul3A_115 : i32
    %mul3A_117 = arith.constant 3125 : i32
    %mul3A_118 = arith.muli %arg1, %mul3A_117 : i32
    %dma_start3A_119 = tpu.memref_slice %arg4[%mul3A_118, %add3A_6] : memref<50000x128xf32, #tpu.memory_space<hbm>> -> memref<3125x32xf32, #tpu.memory_space<hbm>>
    %dma_start3A_120 = arith.constant 0 : i32
    %dma_start3A_121 = tpu.memref_slice %arg8[%mul3A_116, %dma_start3A_120] : memref<50000x32xf32, #tpu.memory_space<vmem_shared>> -> memref<3125x32xf32, #tpu.memory_space<vmem_shared>>
    tpu.enqueue_dma source(%dma_start3A_121 : memref<3125x32xf32, #tpu.memory_space<vmem_shared>>) target(%dma_start3A_119 : memref<3125x32xf32, #tpu.memory_space<hbm>>) target_semaphore(%arg12 : memref<!tpu.dma_semaphore, #tpu.memory_space<semaphore_mem>>)
    %mul3A_122 = arith.constant 64 : i32
    %mul3A_123 = arith.muli %arg0, %mul3A_122 : i32
    %add3A_124 = arith.constant 32 : i32
    %add3A_125 = arith.addi %mul3A_123, %add3A_124 : i32
    %mul3A_126 = arith.constant 3125 : i32
    %mul3A_127 = arith.muli %arg1, %mul3A_126 : i32
    %add3A_128 = arith.constant 0 : i32
    %add3A_129 = arith.addi %mul3A_127, %add3A_128 : i32
    %dma_start3A_130 = arith.constant 0 : i32
    %dma_start3A_131 = arith.constant 0 : i32
    %dma_start3A_132 = arith.constant 0 : i32
    %dma_start3A_133 = arith.constant 0 : i32
    %dma_start3A_134 = tpu.memref_slice %arg5[%dma_start3A_130, %dma_start3A_132, %dma_start3A_133] : memref<5x125x32xf32, #tpu.memory_space<vmem>> -> memref<1x125x32xf32, #tpu.memory_space<vmem>>
    %dma_start3A_135 = tpu.memref_squeeze %dma_start3A_134 : memref<1x125x32xf32, #tpu.memory_space<vmem>> -> memref<125x32xf32, #tpu.memory_space<vmem>>
    %dma_start3A_136 = tpu.memref_slice %arg2[%add3A_129, %add3A_125] : memref<50000x128xf32, #tpu.memory_space<hbm>> -> memref<125x32xf32, #tpu.memory_space<hbm>>
    %dma_start3A_137 = tpu.memref_slice %arg9[%dma_start3A_131] : memref<5x!tpu.dma_semaphore, #tpu.memory_space<semaphore_mem>> -> memref<1x!tpu.dma_semaphore, #tpu.memory_space<semaphore_mem>>
    %dma_start3A_138 = tpu.memref_squeeze %dma_start3A_137 : memref<1x!tpu.dma_semaphore, #tpu.memory_space<semaphore_mem>> -> memref<!tpu.dma_semaphore, #tpu.memory_space<semaphore_mem>>
    %dma_start3A_139 = arith.constant 0 : i32
    %dma_start3A_140 = arith.constant 0 : i32
    %dma_start3A_141 = tpu.memref_slice %arg5[%dma_start3A_130, %dma_start3A_139, %dma_start3A_140] : memref<5x125x32xf32, #tpu.memory_space<vmem>> -> memref<1x125x32xf32, #tpu.memory_space<vmem>>
    %dma_start3A_142 = tpu.memref_squeeze %dma_start3A_141 : memref<1x125x32xf32, #tpu.memory_space<vmem>> -> memref<125x32xf32, #tpu.memory_space<vmem>>
    %dma_start3A_143 = tpu.memref_slice %arg2[%add3A_129, %add3A_125] : memref<50000x128xf32, #tpu.memory_space<hbm>> -> memref<125x32xf32, #tpu.memory_space<hbm>>
    tpu.enqueue_dma source(%dma_start3A_143 : memref<125x32xf32, #tpu.memory_space<hbm>>) target(%dma_start3A_142 : memref<125x32xf32, #tpu.memory_space<vmem>>) target_semaphore(%dma_start3A_138 : memref<!tpu.dma_semaphore, #tpu.memory_space<semaphore_mem>>)
    %mul3A_144 = arith.constant 3125 : i32
    %mul3A_145 = arith.muli %arg1, %mul3A_144 : i32
    %add3A_146 = arith.constant 125 : i32
    %add3A_147 = arith.addi %mul3A_145, %add3A_146 : i32
    %dma_start3A_148 = arith.constant 1 : i32
    %dma_start3A_149 = arith.constant 1 : i32
    %dma_start3A_150 = arith.constant 0 : i32
    %dma_start3A_151 = arith.constant 0 : i32
    %dma_start3A_152 = tpu.memref_slice %arg5[%dma_start3A_148, %dma_start3A_150, %dma_start3A_151] : memref<5x125x32xf32, #tpu.memory_space<vmem>> -> memref<1x125x32xf32, #tpu.memory_space<vmem>>
    %dma_start3A_153 = tpu.memref_squeeze %dma_start3A_152 : memref<1x125x32xf32, #tpu.memory_space<vmem>> -> memref<125x32xf32, #tpu.memory_space<vmem>>
    %dma_start3A_154 = tpu.memref_slice %arg2[%add3A_147, %add3A_125] : memref<50000x128xf32, #tpu.memory_space<hbm>> -> memref<125x32xf32, #tpu.memory_space<hbm>>
    %dma_start3A_155 = tpu.memref_slice %arg9[%dma_start3A_149] : memref<5x!tpu.dma_semaphore, #tpu.memory_space<semaphore_mem>> -> memref<1x!tpu.dma_semaphore, #tpu.memory_space<semaphore_mem>>
    %dma_start3A_156 = tpu.memref_squeeze %dma_start3A_155 : memref<1x!tpu.dma_semaphore, #tpu.memory_space<semaphore_mem>> -> memref<!tpu.dma_semaphore, #tpu.memory_space<semaphore_mem>>
    %dma_start3A_157 = arith.constant 0 : i32
    %dma_start3A_158 = arith.constant 0 : i32
    %dma_start3A_159 = tpu.memref_slice %arg5[%dma_start3A_148, %dma_start3A_157, %dma_start3A_158] : memref<5x125x32xf32, #tpu.memory_space<vmem>> -> memref<1x125x32xf32, #tpu.memory_space<vmem>>
    %dma_start3A_160 = tpu.memref_squeeze %dma_start3A_159 : memref<1x125x32xf32, #tpu.memory_space<vmem>> -> memref<125x32xf32, #tpu.memory_space<vmem>>
    %dma_start3A_161 = tpu.memref_slice %arg2[%add3A_147, %add3A_125] : memref<50000x128xf32, #tpu.memory_space<hbm>> -> memref<125x32xf32, #tpu.memory_space<hbm>>
    tpu.enqueue_dma source(%dma_start3A_161 : memref<125x32xf32, #tpu.memory_space<hbm>>) target(%dma_start3A_160 : memref<125x32xf32, #tpu.memory_space<vmem>>) target_semaphore(%dma_start3A_156 : memref<!tpu.dma_semaphore, #tpu.memory_space<semaphore_mem>>)
    %mul3A_162 = arith.constant 3125 : i32
    %mul3A_163 = arith.muli %arg1, %mul3A_162 : i32
    %add3A_164 = arith.constant 250 : i32
    %add3A_165 = arith.addi %mul3A_163, %add3A_164 : i32
    %dma_start3A_166 = arith.constant 2 : i32
    %dma_start3A_167 = arith.constant 2 : i32
    %dma_start3A_168 = arith.constant 0 : i32
    %dma_start3A_169 = arith.constant 0 : i32
    %dma_start3A_170 = tpu.memref_slice %arg5[%dma_start3A_166, %dma_start3A_168, %dma_start3A_169] : memref<5x125x32xf32, #tpu.memory_space<vmem>> -> memref<1x125x32xf32, #tpu.memory_space<vmem>>
    %dma_start3A_171 = tpu.memref_squeeze %dma_start3A_170 : memref<1x125x32xf32, #tpu.memory_space<vmem>> -> memref<125x32xf32, #tpu.memory_space<vmem>>
    %dma_start3A_172 = tpu.memref_slice %arg2[%add3A_165, %add3A_125] : memref<50000x128xf32, #tpu.memory_space<hbm>> -> memref<125x32xf32, #tpu.memory_space<hbm>>
    %dma_start3A_173 = tpu.memref_slice %arg9[%dma_start3A_167] : memref<5x!tpu.dma_semaphore, #tpu.memory_space<semaphore_mem>> -> memref<1x!tpu.dma_semaphore, #tpu.memory_space<semaphore_mem>>
    %dma_start3A_174 = tpu.memref_squeeze %dma_start3A_173 : memref<1x!tpu.dma_semaphore, #tpu.memory_space<semaphore_mem>> -> memref<!tpu.dma_semaphore, #tpu.memory_space<semaphore_mem>>
    %dma_start3A_175 = arith.constant 0 : i32
    %dma_start3A_176 = arith.constant 0 : i32
    %dma_start3A_177 = tpu.memref_slice %arg5[%dma_start3A_166, %dma_start3A_175, %dma_start3A_176] : memref<5x125x32xf32, #tpu.memory_space<vmem>> -> memref<1x125x32xf32, #tpu.memory_space<vmem>>
    %dma_start3A_178 = tpu.memref_squeeze %dma_start3A_177 : memref<1x125x32xf32, #tpu.memory_space<vmem>> -> memref<125x32xf32, #tpu.memory_space<vmem>>
    %dma_start3A_179 = tpu.memref_slice %arg2[%add3A_165, %add3A_125] : memref<50000x128xf32, #tpu.memory_space<hbm>> -> memref<125x32xf32, #tpu.memory_space<hbm>>
    tpu.enqueue_dma source(%dma_start3A_179 : memref<125x32xf32, #tpu.memory_space<hbm>>) target(%dma_start3A_178 : memref<125x32xf32, #tpu.memory_space<vmem>>) target_semaphore(%dma_start3A_174 : memref<!tpu.dma_semaphore, #tpu.memory_space<semaphore_mem>>)
    %mul3A_180 = arith.constant 3125 : i32
    %mul3A_181 = arith.muli %arg1, %mul3A_180 : i32
    %add3A_182 = arith.constant 375 : i32
    %add3A_183 = arith.addi %mul3A_181, %add3A_182 : i32
    %dma_start3A_184 = arith.constant 3 : i32
    %dma_start3A_185 = arith.constant 3 : i32
    %dma_start3A_186 = arith.constant 0 : i32
    %dma_start3A_187 = arith.constant 0 : i32
    %dma_start3A_188 = tpu.memref_slice %arg5[%dma_start3A_184, %dma_start3A_186, %dma_start3A_187] : memref<5x125x32xf32, #tpu.memory_space<vmem>> -> memref<1x125x32xf32, #tpu.memory_space<vmem>>
    %dma_start3A_189 = tpu.memref_squeeze %dma_start3A_188 : memref<1x125x32xf32, #tpu.memory_space<vmem>> -> memref<125x32xf32, #tpu.memory_space<vmem>>
    %dma_start3A_190 = tpu.memref_slice %arg2[%add3A_183, %add3A_125] : memref<50000x128xf32, #tpu.memory_space<hbm>> -> memref<125x32xf32, #tpu.memory_space<hbm>>
    %dma_start3A_191 = tpu.memref_slice %arg9[%dma_start3A_185] : memref<5x!tpu.dma_semaphore, #tpu.memory_space<semaphore_mem>> -> memref<1x!tpu.dma_semaphore, #tpu.memory_space<semaphore_mem>>
    %dma_start3A_192 = tpu.memref_squeeze %dma_start3A_191 : memref<1x!tpu.dma_semaphore, #tpu.memory_space<semaphore_mem>> -> memref<!tpu.dma_semaphore, #tpu.memory_space<semaphore_mem>>
    %dma_start3A_193 = arith.constant 0 : i32
    %dma_start3A_194 = arith.constant 0 : i32
    %dma_start3A_195 = tpu.memref_slice %arg5[%dma_start3A_184, %dma_start3A_193, %dma_start3A_194] : memref<5x125x32xf32, #tpu.memory_space<vmem>> -> memref<1x125x32xf32, #tpu.memory_space<vmem>>
    %dma_start3A_196 = tpu.memref_squeeze %dma_start3A_195 : memref<1x125x32xf32, #tpu.memory_space<vmem>> -> memref<125x32xf32, #tpu.memory_space<vmem>>
    %dma_start3A_197 = tpu.memref_slice %arg2[%add3A_183, %add3A_125] : memref<50000x128xf32, #tpu.memory_space<hbm>> -> memref<125x32xf32, #tpu.memory_space<hbm>>
    tpu.enqueue_dma source(%dma_start3A_197 : memref<125x32xf32, #tpu.memory_space<hbm>>) target(%dma_start3A_196 : memref<125x32xf32, #tpu.memory_space<vmem>>) target_semaphore(%dma_start3A_192 : memref<!tpu.dma_semaphore, #tpu.memory_space<semaphore_mem>>)
    %mul3A_198 = arith.constant 3125 : i32
    %mul3A_199 = arith.muli %arg1, %mul3A_198 : i32
    %add3A_200 = arith.constant 500 : i32
    %add3A_201 = arith.addi %mul3A_199, %add3A_200 : i32
    %dma_start3A_202 = arith.constant 4 : i32
    %dma_start3A_203 = arith.constant 4 : i32
    %dma_start3A_204 = arith.constant 0 : i32
    %dma_start3A_205 = arith.constant 0 : i32
    %dma_start3A_206 = tpu.memref_slice %arg5[%dma_start3A_202, %dma_start3A_204, %dma_start3A_205] : memref<5x125x32xf32, #tpu.memory_space<vmem>> -> memref<1x125x32xf32, #tpu.memory_space<vmem>>
    %dma_start3A_207 = tpu.memref_squeeze %dma_start3A_206 : memref<1x125x32xf32, #tpu.memory_space<vmem>> -> memref<125x32xf32, #tpu.memory_space<vmem>>
    %dma_start3A_208 = tpu.memref_slice %arg2[%add3A_201, %add3A_125] : memref<50000x128xf32, #tpu.memory_space<hbm>> -> memref<125x32xf32, #tpu.memory_space<hbm>>
    %dma_start3A_209 = tpu.memref_slice %arg9[%dma_start3A_203] : memref<5x!tpu.dma_semaphore, #tpu.memory_space<semaphore_mem>> -> memref<1x!tpu.dma_semaphore, #tpu.memory_space<semaphore_mem>>
    %dma_start3A_210 = tpu.memref_squeeze %dma_start3A_209 : memref<1x!tpu.dma_semaphore, #tpu.memory_space<semaphore_mem>> -> memref<!tpu.dma_semaphore, #tpu.memory_space<semaphore_mem>>
    %dma_start3A_211 = arith.constant 0 : i32
    %dma_start3A_212 = arith.constant 0 : i32
    %dma_start3A_213 = tpu.memref_slice %arg5[%dma_start3A_202, %dma_start3A_211, %dma_start3A_212] : memref<5x125x32xf32, #tpu.memory_space<vmem>> -> memref<1x125x32xf32, #tpu.memory_space<vmem>>
    %dma_start3A_214 = tpu.memref_squeeze %dma_start3A_213 : memref<1x125x32xf32, #tpu.memory_space<vmem>> -> memref<125x32xf32, #tpu.memory_space<vmem>>
    %dma_start3A_215 = tpu.memref_slice %arg2[%add3A_201, %add3A_125] : memref<50000x128xf32, #tpu.memory_space<hbm>> -> memref<125x32xf32, #tpu.memory_space<hbm>>
    tpu.enqueue_dma source(%dma_start3A_215 : memref<125x32xf32, #tpu.memory_space<hbm>>) target(%dma_start3A_214 : memref<125x32xf32, #tpu.memory_space<vmem>>) target_semaphore(%dma_start3A_210 : memref<!tpu.dma_semaphore, #tpu.memory_space<semaphore_mem>>)
    %mul3A_216 = arith.constant 3125 : i32
    %mul3A_217 = arith.muli %arg1, %mul3A_216 : i32
    %mul3A_218 = arith.constant 3125 : i32
    %mul3A_219 = arith.muli %arg1, %mul3A_218 : i32
    %dma_wait3A = arith.constant 0 : i32
    %dma_wait3A_220 = tpu.memref_slice %arg4[%mul3A_219, %dma_wait3A] : memref<50000x128xf32, #tpu.memory_space<hbm>> -> memref<3125x32xf32, #tpu.memory_space<hbm>>
    %dma_wait3A_221 = arith.constant 0 : i32
    %dma_wait3A_222 = tpu.memref_slice %arg8[%mul3A_217, %dma_wait3A_221] : memref<50000x32xf32, #tpu.memory_space<vmem_shared>> -> memref<3125x32xf32, #tpu.memory_space<vmem_shared>>
    tpu.wait_dma2 semaphore(%arg12 : memref<!tpu.dma_semaphore, #tpu.memory_space<semaphore_mem>>) src(%dma_wait3A_222 : memref<3125x32xf32, #tpu.memory_space<vmem_shared>>) dst(%dma_wait3A_220 : memref<3125x32xf32, #tpu.memory_space<hbm>>)
    %scan3A_223 = arith.constant 0 : i32
    %scan3A_224 = arith.constant 0 : i32
    %scan3A_225 = arith.constant 25 : i32
    %scan3A_226 = arith.addi %scan3A_224, %scan3A_225 : i32
    %scan3A_227 = arith.constant 1 : i32
    scf.for %scan3A_258 = %scan3A_224 to %scan3A_226 step %scan3A_227  : i32 {
      %mul3A_259 = arith.constant 3125 : i32
      %mul3A_260 = arith.muli %arg1, %mul3A_259 : i32
      %mul3A_261 = arith.constant 125 : i32
      %mul3A_262 = arith.muli %scan3A_258, %mul3A_261 : i32
      %add3A_263 = arith.addi %mul3A_260, %mul3A_262 : i32
      %dma_start3A_264 = arith.constant 0 : i32
      %dma_start3A_265 = tpu.memref_slice %arg8[%add3A_263, %dma_start3A_264] : memref<50000x32xf32, #tpu.memory_space<vmem_shared>> -> memref<125x32xf32, #tpu.memory_space<vmem_shared>>
      %dma_start3A_266 = arith.constant 0 : i32
      %dma_start3A_267 = tpu.memref_slice %arg8[%add3A_263, %dma_start3A_266] : memref<50000x32xf32, #tpu.memory_space<vmem_shared>> -> memref<125x32xf32, #tpu.memory_space<vmem_shared>>
      tpu.enqueue_dma source(%arg7 : memref<125x32xf32, #tpu.memory_space<vmem>>) target(%dma_start3A_267 : memref<125x32xf32, #tpu.memory_space<vmem_shared>>) target_semaphore(%arg11 : memref<!tpu.dma_semaphore, #tpu.memory_space<semaphore_mem>>)
    }
    %scan3A_228 = arith.constant 25 : i32
    %scan3A_229 = arith.constant 0 : i32
    %scan3A_230 = arith.constant 0 : i32
    %scan3A_231 = arith.constant 25 : i32
    %scan3A_232 = arith.addi %scan3A_230, %scan3A_231 : i32
    %scan3A_233 = arith.constant 1 : i32
    scf.for %scan3A_258 = %scan3A_230 to %scan3A_232 step %scan3A_233  : i32 {
      %mul3A_259 = arith.constant 3125 : i32
      %mul3A_260 = arith.muli %arg1, %mul3A_259 : i32
      %dma_wait3A_261 = arith.constant 0 : i32
      %dma_wait3A_262 = tpu.memref_slice %arg8[%mul3A_260, %dma_wait3A_261] : memref<50000x32xf32, #tpu.memory_space<vmem_shared>> -> memref<125x32xf32, #tpu.memory_space<vmem_shared>>
      %dma_wait3A_263 = arith.constant 0 : i32
      %dma_wait3A_264 = tpu.memref_slice %arg8[%mul3A_260, %dma_wait3A_263] : memref<50000x32xf32, #tpu.memory_space<vmem_shared>> -> memref<125x32xf32, #tpu.memory_space<vmem_shared>>
      tpu.wait_dma2 semaphore(%arg11 : memref<!tpu.dma_semaphore, #tpu.memory_space<semaphore_mem>>) src(%arg7 : memref<125x32xf32, #tpu.memory_space<vmem>>) dst(%dma_wait3A_264 : memref<125x32xf32, #tpu.memory_space<vmem_shared>>)
    }
    %scan3A_234 = arith.constant 25 : i32
    %barrier3A_235 = arith.constant 0 : index
    tpu.barrier barrier_id(%barrier3A_235)
    %scan3A_236 = arith.constant 0 : i32
    %scan3A_237 = arith.constant 0 : i32
    %scan3A_238 = arith.constant 5 : i32
    %scan3A_239 = arith.addi %scan3A_237, %scan3A_238 : i32
    %scan3A_240 = arith.constant 1 : i32
    scf.for %scan3A_258 = %scan3A_237 to %scan3A_239 step %scan3A_240  : i32 {
      %mul3A_259 = arith.constant 5 : i32
      %mul3A_260 = arith.muli %scan3A_258, %mul3A_259 : i32
      %add3A_261 = arith.constant 0 : i32
      %add3A_262 = arith.addi %mul3A_260, %add3A_261 : i32
      %mul3A_263 = arith.constant 3125 : i32
      %mul3A_264 = arith.muli %arg1, %mul3A_263 : i32
      %dma_wait3A_265 = arith.constant 0 : i32
      %dma_wait3A_266 = arith.constant 0 : i32
      %dma_wait3A_267 = arith.constant 0 : i32
      %dma_wait3A_268 = arith.constant 0 : i32
      %dma_wait3A_269 = tpu.memref_slice %arg5[%dma_wait3A_265, %dma_wait3A_267, %dma_wait3A_268] : memref<5x125x32xf32, #tpu.memory_space<vmem>> -> memref<1x125x32xf32, #tpu.memory_space<vmem>>
      %dma_wait3A_270 = tpu.memref_squeeze %dma_wait3A_269 : memref<1x125x32xf32, #tpu.memory_space<vmem>> -> memref<125x32xf32, #tpu.memory_space<vmem>>
      %dma_wait3A_271 = arith.constant 0 : i32
      %dma_wait3A_272 = tpu.memref_slice %arg2[%mul3A_264, %dma_wait3A_271] : memref<50000x128xf32, #tpu.memory_space<hbm>> -> memref<125x32xf32, #tpu.memory_space<hbm>>
      %dma_wait3A_273 = tpu.memref_slice %arg9[%dma_wait3A_266] : memref<5x!tpu.dma_semaphore, #tpu.memory_space<semaphore_mem>> -> memref<1x!tpu.dma_semaphore, #tpu.memory_space<semaphore_mem>>
      %dma_wait3A_274 = tpu.memref_squeeze %dma_wait3A_273 : memref<1x!tpu.dma_semaphore, #tpu.memory_space<semaphore_mem>> -> memref<!tpu.dma_semaphore, #tpu.memory_space<semaphore_mem>>
      %dma_wait3A_275 = arith.constant 0 : i32
      %dma_wait3A_276 = arith.constant 0 : i32
      %dma_wait3A_277 = tpu.memref_slice %arg5[%dma_wait3A_265, %dma_wait3A_275, %dma_wait3A_276] : memref<5x125x32xf32, #tpu.memory_space<vmem>> -> memref<1x125x32xf32, #tpu.memory_space<vmem>>
      %dma_wait3A_278 = tpu.memref_squeeze %dma_wait3A_277 : memref<1x125x32xf32, #tpu.memory_space<vmem>> -> memref<125x32xf32, #tpu.memory_space<vmem>>
      %dma_wait3A_279 = arith.constant 0 : i32
      %dma_wait3A_280 = tpu.memref_slice %arg2[%mul3A_264, %dma_wait3A_279] : memref<50000x128xf32, #tpu.memory_space<hbm>> -> memref<125x32xf32, #tpu.memory_space<hbm>>
      tpu.wait_dma2 semaphore(%dma_wait3A_274 : memref<!tpu.dma_semaphore, #tpu.memory_space<semaphore_mem>>) src(%dma_wait3A_280 : memref<125x32xf32, #tpu.memory_space<hbm>>) dst(%dma_wait3A_278 : memref<125x32xf32, #tpu.memory_space<vmem>>)
      %dma_start3A_281 = arith.constant 0 : i32
      %dma_start3A_282 = arith.constant 0 : i32
      %dma_start3A_283 = arith.constant 0 : i32
      %dma_start3A_284 = arith.constant 0 : i32
      %dma_start3A_285 = tpu.memref_slice %arg5[%dma_start3A_281, %dma_start3A_283, %dma_start3A_284] : memref<5x125x32xf32, #tpu.memory_space<vmem>> -> memref<1x125x32xf32, #tpu.memory_space<vmem>>
      %dma_start3A_286 = tpu.memref_squeeze %dma_start3A_285 : memref<1x125x32xf32, #tpu.memory_space<vmem>> -> memref<125x32xf32, #tpu.memory_space<vmem>>
      %dma_start3A_287 = arith.constant 0 : i32
      %dma_start3A_288 = tpu.memref_slice %arg6[%add3A_262, %dma_start3A_287] : memref<25x125xi32, #tpu.memory_space<vmem>> -> memref<1x125xi32, #tpu.memory_space<vmem>>
      %dma_start3A_289 = tpu.memref_squeeze %dma_start3A_288 : memref<1x125xi32, #tpu.memory_space<vmem>> -> memref<125xi32, #tpu.memory_space<vmem>>
      %dma_start3A_290 = arith.constant 0 : i32
      %dma_start3A_291 = arith.constant 0 : i32
      %dma_start3A_292 = tpu.memref_slice %arg8[%dma_start3A_290, %dma_start3A_291] : memref<50000x32xf32, #tpu.memory_space<vmem_shared>> -> memref<50000x32xf32, #tpu.memory_space<vmem_shared>>
      %dma_start3A_293 = tpu.memref_slice %arg10[%dma_start3A_282] : memref<5x!tpu.dma_semaphore, #tpu.memory_space<semaphore_mem>> -> memref<1x!tpu.dma_semaphore, #tpu.memory_space<semaphore_mem>>
      %dma_start3A_294 = tpu.memref_squeeze %dma_start3A_293 : memref<1x!tpu.dma_semaphore, #tpu.memory_space<semaphore_mem>> -> memref<!tpu.dma_semaphore, #tpu.memory_space<semaphore_mem>>
      tpu.enqueue_indirect_dma source(%dma_start3A_286 : memref<125x32xf32, #tpu.memory_space<vmem>>) target(%dma_start3A_292 : memref<50000x32xf32, #tpu.memory_space<vmem_shared>>) offsets(%dma_start3A_289 : memref<125xi32, #tpu.memory_space<vmem>>) semaphore(%dma_start3A_294 : memref<!tpu.dma_semaphore, #tpu.memory_space<semaphore_mem>>) {add = true}
      %mul3A_295 = arith.constant 5 : i32
      %mul3A_296 = arith.muli %scan3A_258, %mul3A_295 : i32
      %add3A_297 = arith.constant 1 : i32
      %add3A_298 = arith.addi %mul3A_296, %add3A_297 : i32
      %mul3A_299 = arith.constant 3125 : i32
      %mul3A_300 = arith.muli %arg1, %mul3A_299 : i32
      %dma_wait3A_301 = arith.constant 1 : i32
      %dma_wait3A_302 = arith.constant 1 : i32
      %dma_wait3A_303 = arith.constant 0 : i32
      %dma_wait3A_304 = arith.constant 0 : i32
      %dma_wait3A_305 = tpu.memref_slice %arg5[%dma_wait3A_301, %dma_wait3A_303, %dma_wait3A_304] : memref<5x125x32xf32, #tpu.memory_space<vmem>> -> memref<1x125x32xf32, #tpu.memory_space<vmem>>
      %dma_wait3A_306 = tpu.memref_squeeze %dma_wait3A_305 : memref<1x125x32xf32, #tpu.memory_space<vmem>> -> memref<125x32xf32, #tpu.memory_space<vmem>>
      %dma_wait3A_307 = arith.constant 0 : i32
      %dma_wait3A_308 = tpu.memref_slice %arg2[%mul3A_300, %dma_wait3A_307] : memref<50000x128xf32, #tpu.memory_space<hbm>> -> memref<125x32xf32, #tpu.memory_space<hbm>>
      %dma_wait3A_309 = tpu.memref_slice %arg9[%dma_wait3A_302] : memref<5x!tpu.dma_semaphore, #tpu.memory_space<semaphore_mem>> -> memref<1x!tpu.dma_semaphore, #tpu.memory_space<semaphore_mem>>
      %dma_wait3A_310 = tpu.memref_squeeze %dma_wait3A_309 : memref<1x!tpu.dma_semaphore, #tpu.memory_space<semaphore_mem>> -> memref<!tpu.dma_semaphore, #tpu.memory_space<semaphore_mem>>
      %dma_wait3A_311 = arith.constant 0 : i32
      %dma_wait3A_312 = arith.constant 0 : i32
      %dma_wait3A_313 = tpu.memref_slice %arg5[%dma_wait3A_301, %dma_wait3A_311, %dma_wait3A_312] : memref<5x125x32xf32, #tpu.memory_space<vmem>> -> memref<1x125x32xf32, #tpu.memory_space<vmem>>
      %dma_wait3A_314 = tpu.memref_squeeze %dma_wait3A_313 : memref<1x125x32xf32, #tpu.memory_space<vmem>> -> memref<125x32xf32, #tpu.memory_space<vmem>>
      %dma_wait3A_315 = arith.constant 0 : i32
      %dma_wait3A_316 = tpu.memref_slice %arg2[%mul3A_300, %dma_wait3A_315] : memref<50000x128xf32, #tpu.memory_space<hbm>> -> memref<125x32xf32, #tpu.memory_space<hbm>>
      tpu.wait_dma2 semaphore(%dma_wait3A_310 : memref<!tpu.dma_semaphore, #tpu.memory_space<semaphore_mem>>) src(%dma_wait3A_316 : memref<125x32xf32, #tpu.memory_space<hbm>>) dst(%dma_wait3A_314 : memref<125x32xf32, #tpu.memory_space<vmem>>)
      %dma_start3A_317 = arith.constant 1 : i32
      %dma_start3A_318 = arith.constant 1 : i32
      %dma_start3A_319 = arith.constant 0 : i32
      %dma_start3A_320 = arith.constant 0 : i32
      %dma_start3A_321 = tpu.memref_slice %arg5[%dma_start3A_317, %dma_start3A_319, %dma_start3A_320] : memref<5x125x32xf32, #tpu.memory_space<vmem>> -> memref<1x125x32xf32, #tpu.memory_space<vmem>>
      %dma_start3A_322 = tpu.memref_squeeze %dma_start3A_321 : memref<1x125x32xf32, #tpu.memory_space<vmem>> -> memref<125x32xf32, #tpu.memory_space<vmem>>
      %dma_start3A_323 = arith.constant 0 : i32
      %dma_start3A_324 = tpu.memref_slice %arg6[%add3A_298, %dma_start3A_323] : memref<25x125xi32, #tpu.memory_space<vmem>> -> memref<1x125xi32, #tpu.memory_space<vmem>>
      %dma_start3A_325 = tpu.memref_squeeze %dma_start3A_324 : memref<1x125xi32, #tpu.memory_space<vmem>> -> memref<125xi32, #tpu.memory_space<vmem>>
      %dma_start3A_326 = arith.constant 0 : i32
      %dma_start3A_327 = arith.constant 0 : i32
      %dma_start3A_328 = tpu.memref_slice %arg8[%dma_start3A_326, %dma_start3A_327] : memref<50000x32xf32, #tpu.memory_space<vmem_shared>> -> memref<50000x32xf32, #tpu.memory_space<vmem_shared>>
      %dma_start3A_329 = tpu.memref_slice %arg10[%dma_start3A_318] : memref<5x!tpu.dma_semaphore, #tpu.memory_space<semaphore_mem>> -> memref<1x!tpu.dma_semaphore, #tpu.memory_space<semaphore_mem>>
      %dma_start3A_330 = tpu.memref_squeeze %dma_start3A_329 : memref<1x!tpu.dma_semaphore, #tpu.memory_space<semaphore_mem>> -> memref<!tpu.dma_semaphore, #tpu.memory_space<semaphore_mem>>
      tpu.enqueue_indirect_dma source(%dma_start3A_322 : memref<125x32xf32, #tpu.memory_space<vmem>>) target(%dma_start3A_328 : memref<50000x32xf32, #tpu.memory_space<vmem_shared>>) offsets(%dma_start3A_325 : memref<125xi32, #tpu.memory_space<vmem>>) semaphore(%dma_start3A_330 : memref<!tpu.dma_semaphore, #tpu.memory_space<semaphore_mem>>) {add = true}
      %mul3A_331 = arith.constant 5 : i32
      %mul3A_332 = arith.muli %scan3A_258, %mul3A_331 : i32
      %add3A_333 = arith.constant 2 : i32
      %add3A_334 = arith.addi %mul3A_332, %add3A_333 : i32
      %mul3A_335 = arith.constant 3125 : i32
      %mul3A_336 = arith.muli %arg1, %mul3A_335 : i32
      %dma_wait3A_337 = arith.constant 2 : i32
      %dma_wait3A_338 = arith.constant 2 : i32
      %dma_wait3A_339 = arith.constant 0 : i32
      %dma_wait3A_340 = arith.constant 0 : i32
      %dma_wait3A_341 = tpu.memref_slice %arg5[%dma_wait3A_337, %dma_wait3A_339, %dma_wait3A_340] : memref<5x125x32xf32, #tpu.memory_space<vmem>> -> memref<1x125x32xf32, #tpu.memory_space<vmem>>
      %dma_wait3A_342 = tpu.memref_squeeze %dma_wait3A_341 : memref<1x125x32xf32, #tpu.memory_space<vmem>> -> memref<125x32xf32, #tpu.memory_space<vmem>>
      %dma_wait3A_343 = arith.constant 0 : i32
      %dma_wait3A_344 = tpu.memref_slice %arg2[%mul3A_336, %dma_wait3A_343] : memref<50000x128xf32, #tpu.memory_space<hbm>> -> memref<125x32xf32, #tpu.memory_space<hbm>>
      %dma_wait3A_345 = tpu.memref_slice %arg9[%dma_wait3A_338] : memref<5x!tpu.dma_semaphore, #tpu.memory_space<semaphore_mem>> -> memref<1x!tpu.dma_semaphore, #tpu.memory_space<semaphore_mem>>
      %dma_wait3A_346 = tpu.memref_squeeze %dma_wait3A_345 : memref<1x!tpu.dma_semaphore, #tpu.memory_space<semaphore_mem>> -> memref<!tpu.dma_semaphore, #tpu.memory_space<semaphore_mem>>
      %dma_wait3A_347 = arith.constant 0 : i32
      %dma_wait3A_348 = arith.constant 0 : i32
      %dma_wait3A_349 = tpu.memref_slice %arg5[%dma_wait3A_337, %dma_wait3A_347, %dma_wait3A_348] : memref<5x125x32xf32, #tpu.memory_space<vmem>> -> memref<1x125x32xf32, #tpu.memory_space<vmem>>
      %dma_wait3A_350 = tpu.memref_squeeze %dma_wait3A_349 : memref<1x125x32xf32, #tpu.memory_space<vmem>> -> memref<125x32xf32, #tpu.memory_space<vmem>>
      %dma_wait3A_351 = arith.constant 0 : i32
      %dma_wait3A_352 = tpu.memref_slice %arg2[%mul3A_336, %dma_wait3A_351] : memref<50000x128xf32, #tpu.memory_space<hbm>> -> memref<125x32xf32, #tpu.memory_space<hbm>>
      tpu.wait_dma2 semaphore(%dma_wait3A_346 : memref<!tpu.dma_semaphore, #tpu.memory_space<semaphore_mem>>) src(%dma_wait3A_352 : memref<125x32xf32, #tpu.memory_space<hbm>>) dst(%dma_wait3A_350 : memref<125x32xf32, #tpu.memory_space<vmem>>)
      %dma_start3A_353 = arith.constant 2 : i32
      %dma_start3A_354 = arith.constant 2 : i32
      %dma_start3A_355 = arith.constant 0 : i32
      %dma_start3A_356 = arith.constant 0 : i32
      %dma_start3A_357 = tpu.memref_slice %arg5[%dma_start3A_353, %dma_start3A_355, %dma_start3A_356] : memref<5x125x32xf32, #tpu.memory_space<vmem>> -> memref<1x125x32xf32, #tpu.memory_space<vmem>>
      %dma_start3A_358 = tpu.memref_squeeze %dma_start3A_357 : memref<1x125x32xf32, #tpu.memory_space<vmem>> -> memref<125x32xf32, #tpu.memory_space<vmem>>
      %dma_start3A_359 = arith.constant 0 : i32
      %dma_start3A_360 = tpu.memref_slice %arg6[%add3A_334, %dma_start3A_359] : memref<25x125xi32, #tpu.memory_space<vmem>> -> memref<1x125xi32, #tpu.memory_space<vmem>>
      %dma_start3A_361 = tpu.memref_squeeze %dma_start3A_360 : memref<1x125xi32, #tpu.memory_space<vmem>> -> memref<125xi32, #tpu.memory_space<vmem>>
      %dma_start3A_362 = arith.constant 0 : i32
      %dma_start3A_363 = arith.constant 0 : i32
      %dma_start3A_364 = tpu.memref_slice %arg8[%dma_start3A_362, %dma_start3A_363] : memref<50000x32xf32, #tpu.memory_space<vmem_shared>> -> memref<50000x32xf32, #tpu.memory_space<vmem_shared>>
      %dma_start3A_365 = tpu.memref_slice %arg10[%dma_start3A_354] : memref<5x!tpu.dma_semaphore, #tpu.memory_space<semaphore_mem>> -> memref<1x!tpu.dma_semaphore, #tpu.memory_space<semaphore_mem>>
      %dma_start3A_366 = tpu.memref_squeeze %dma_start3A_365 : memref<1x!tpu.dma_semaphore, #tpu.memory_space<semaphore_mem>> -> memref<!tpu.dma_semaphore, #tpu.memory_space<semaphore_mem>>
      tpu.enqueue_indirect_dma source(%dma_start3A_358 : memref<125x32xf32, #tpu.memory_space<vmem>>) target(%dma_start3A_364 : memref<50000x32xf32, #tpu.memory_space<vmem_shared>>) offsets(%dma_start3A_361 : memref<125xi32, #tpu.memory_space<vmem>>) semaphore(%dma_start3A_366 : memref<!tpu.dma_semaphore, #tpu.memory_space<semaphore_mem>>) {add = true}
      %mul3A_367 = arith.constant 5 : i32
      %mul3A_368 = arith.muli %scan3A_258, %mul3A_367 : i32
      %add3A_369 = arith.constant 3 : i32
      %add3A_370 = arith.addi %mul3A_368, %add3A_369 : i32
      %mul3A_371 = arith.constant 3125 : i32
      %mul3A_372 = arith.muli %arg1, %mul3A_371 : i32
      %dma_wait3A_373 = arith.constant 3 : i32
      %dma_wait3A_374 = arith.constant 3 : i32
      %dma_wait3A_375 = arith.constant 0 : i32
      %dma_wait3A_376 = arith.constant 0 : i32
      %dma_wait3A_377 = tpu.memref_slice %arg5[%dma_wait3A_373, %dma_wait3A_375, %dma_wait3A_376] : memref<5x125x32xf32, #tpu.memory_space<vmem>> -> memref<1x125x32xf32, #tpu.memory_space<vmem>>
      %dma_wait3A_378 = tpu.memref_squeeze %dma_wait3A_377 : memref<1x125x32xf32, #tpu.memory_space<vmem>> -> memref<125x32xf32, #tpu.memory_space<vmem>>
      %dma_wait3A_379 = arith.constant 0 : i32
      %dma_wait3A_380 = tpu.memref_slice %arg2[%mul3A_372, %dma_wait3A_379] : memref<50000x128xf32, #tpu.memory_space<hbm>> -> memref<125x32xf32, #tpu.memory_space<hbm>>
      %dma_wait3A_381 = tpu.memref_slice %arg9[%dma_wait3A_374] : memref<5x!tpu.dma_semaphore, #tpu.memory_space<semaphore_mem>> -> memref<1x!tpu.dma_semaphore, #tpu.memory_space<semaphore_mem>>
      %dma_wait3A_382 = tpu.memref_squeeze %dma_wait3A_381 : memref<1x!tpu.dma_semaphore, #tpu.memory_space<semaphore_mem>> -> memref<!tpu.dma_semaphore, #tpu.memory_space<semaphore_mem>>
      %dma_wait3A_383 = arith.constant 0 : i32
      %dma_wait3A_384 = arith.constant 0 : i32
      %dma_wait3A_385 = tpu.memref_slice %arg5[%dma_wait3A_373, %dma_wait3A_383, %dma_wait3A_384] : memref<5x125x32xf32, #tpu.memory_space<vmem>> -> memref<1x125x32xf32, #tpu.memory_space<vmem>>
      %dma_wait3A_386 = tpu.memref_squeeze %dma_wait3A_385 : memref<1x125x32xf32, #tpu.memory_space<vmem>> -> memref<125x32xf32, #tpu.memory_space<vmem>>
      %dma_wait3A_387 = arith.constant 0 : i32
      %dma_wait3A_388 = tpu.memref_slice %arg2[%mul3A_372, %dma_wait3A_387] : memref<50000x128xf32, #tpu.memory_space<hbm>> -> memref<125x32xf32, #tpu.memory_space<hbm>>
      tpu.wait_dma2 semaphore(%dma_wait3A_382 : memref<!tpu.dma_semaphore, #tpu.memory_space<semaphore_mem>>) src(%dma_wait3A_388 : memref<125x32xf32, #tpu.memory_space<hbm>>) dst(%dma_wait3A_386 : memref<125x32xf32, #tpu.memory_space<vmem>>)
      %dma_start3A_389 = arith.constant 3 : i32
      %dma_start3A_390 = arith.constant 3 : i32
      %dma_start3A_391 = arith.constant 0 : i32
      %dma_start3A_392 = arith.constant 0 : i32
      %dma_start3A_393 = tpu.memref_slice %arg5[%dma_start3A_389, %dma_start3A_391, %dma_start3A_392] : memref<5x125x32xf32, #tpu.memory_space<vmem>> -> memref<1x125x32xf32, #tpu.memory_space<vmem>>
      %dma_start3A_394 = tpu.memref_squeeze %dma_start3A_393 : memref<1x125x32xf32, #tpu.memory_space<vmem>> -> memref<125x32xf32, #tpu.memory_space<vmem>>
      %dma_start3A_395 = arith.constant 0 : i32
      %dma_start3A_396 = tpu.memref_slice %arg6[%add3A_370, %dma_start3A_395] : memref<25x125xi32, #tpu.memory_space<vmem>> -> memref<1x125xi32, #tpu.memory_space<vmem>>
      %dma_start3A_397 = tpu.memref_squeeze %dma_start3A_396 : memref<1x125xi32, #tpu.memory_space<vmem>> -> memref<125xi32, #tpu.memory_space<vmem>>
      %dma_start3A_398 = arith.constant 0 : i32
      %dma_start3A_399 = arith.constant 0 : i32
      %dma_start3A_400 = tpu.memref_slice %arg8[%dma_start3A_398, %dma_start3A_399] : memref<50000x32xf32, #tpu.memory_space<vmem_shared>> -> memref<50000x32xf32, #tpu.memory_space<vmem_shared>>
      %dma_start3A_401 = tpu.memref_slice %arg10[%dma_start3A_390] : memref<5x!tpu.dma_semaphore, #tpu.memory_space<semaphore_mem>> -> memref<1x!tpu.dma_semaphore, #tpu.memory_space<semaphore_mem>>
      %dma_start3A_402 = tpu.memref_squeeze %dma_start3A_401 : memref<1x!tpu.dma_semaphore, #tpu.memory_space<semaphore_mem>> -> memref<!tpu.dma_semaphore, #tpu.memory_space<semaphore_mem>>
      tpu.enqueue_indirect_dma source(%dma_start3A_394 : memref<125x32xf32, #tpu.memory_space<vmem>>) target(%dma_start3A_400 : memref<50000x32xf32, #tpu.memory_space<vmem_shared>>) offsets(%dma_start3A_397 : memref<125xi32, #tpu.memory_space<vmem>>) semaphore(%dma_start3A_402 : memref<!tpu.dma_semaphore, #tpu.memory_space<semaphore_mem>>) {add = true}
      %mul3A_403 = arith.constant 5 : i32
      %mul3A_404 = arith.muli %scan3A_258, %mul3A_403 : i32
      %add3A_405 = arith.constant 4 : i32
      %add3A_406 = arith.addi %mul3A_404, %add3A_405 : i32
      %mul3A_407 = arith.constant 3125 : i32
      %mul3A_408 = arith.muli %arg1, %mul3A_407 : i32
      %dma_wait3A_409 = arith.constant 4 : i32
      %dma_wait3A_410 = arith.constant 4 : i32
      %dma_wait3A_411 = arith.constant 0 : i32
      %dma_wait3A_412 = arith.constant 0 : i32
      %dma_wait3A_413 = tpu.memref_slice %arg5[%dma_wait3A_409, %dma_wait3A_411, %dma_wait3A_412] : memref<5x125x32xf32, #tpu.memory_space<vmem>> -> memref<1x125x32xf32, #tpu.memory_space<vmem>>
      %dma_wait3A_414 = tpu.memref_squeeze %dma_wait3A_413 : memref<1x125x32xf32, #tpu.memory_space<vmem>> -> memref<125x32xf32, #tpu.memory_space<vmem>>
      %dma_wait3A_415 = arith.constant 0 : i32
      %dma_wait3A_416 = tpu.memref_slice %arg2[%mul3A_408, %dma_wait3A_415] : memref<50000x128xf32, #tpu.memory_space<hbm>> -> memref<125x32xf32, #tpu.memory_space<hbm>>
      %dma_wait3A_417 = tpu.memref_slice %arg9[%dma_wait3A_410] : memref<5x!tpu.dma_semaphore, #tpu.memory_space<semaphore_mem>> -> memref<1x!tpu.dma_semaphore, #tpu.memory_space<semaphore_mem>>
      %dma_wait3A_418 = tpu.memref_squeeze %dma_wait3A_417 : memref<1x!tpu.dma_semaphore, #tpu.memory_space<semaphore_mem>> -> memref<!tpu.dma_semaphore, #tpu.memory_space<semaphore_mem>>
      %dma_wait3A_419 = arith.constant 0 : i32
      %dma_wait3A_420 = arith.constant 0 : i32
      %dma_wait3A_421 = tpu.memref_slice %arg5[%dma_wait3A_409, %dma_wait3A_419, %dma_wait3A_420] : memref<5x125x32xf32, #tpu.memory_space<vmem>> -> memref<1x125x32xf32, #tpu.memory_space<vmem>>
      %dma_wait3A_422 = tpu.memref_squeeze %dma_wait3A_421 : memref<1x125x32xf32, #tpu.memory_space<vmem>> -> memref<125x32xf32, #tpu.memory_space<vmem>>
      %dma_wait3A_423 = arith.constant 0 : i32
      %dma_wait3A_424 = tpu.memref_slice %arg2[%mul3A_408, %dma_wait3A_423] : memref<50000x128xf32, #tpu.memory_space<hbm>> -> memref<125x32xf32, #tpu.memory_space<hbm>>
      tpu.wait_dma2 semaphore(%dma_wait3A_418 : memref<!tpu.dma_semaphore, #tpu.memory_space<semaphore_mem>>) src(%dma_wait3A_424 : memref<125x32xf32, #tpu.memory_space<hbm>>) dst(%dma_wait3A_422 : memref<125x32xf32, #tpu.memory_space<vmem>>)
      %dma_start3A_425 = arith.constant 4 : i32
      %dma_start3A_426 = arith.constant 4 : i32
      %dma_start3A_427 = arith.constant 0 : i32
      %dma_start3A_428 = arith.constant 0 : i32
      %dma_start3A_429 = tpu.memref_slice %arg5[%dma_start3A_425, %dma_start3A_427, %dma_start3A_428] : memref<5x125x32xf32, #tpu.memory_space<vmem>> -> memref<1x125x32xf32, #tpu.memory_space<vmem>>
      %dma_start3A_430 = tpu.memref_squeeze %dma_start3A_429 : memref<1x125x32xf32, #tpu.memory_space<vmem>> -> memref<125x32xf32, #tpu.memory_space<vmem>>
      %dma_start3A_431 = arith.constant 0 : i32
      %dma_start3A_432 = tpu.memref_slice %arg6[%add3A_406, %dma_start3A_431] : memref<25x125xi32, #tpu.memory_space<vmem>> -> memref<1x125xi32, #tpu.memory_space<vmem>>
      %dma_start3A_433 = tpu.memref_squeeze %dma_start3A_432 : memref<1x125xi32, #tpu.memory_space<vmem>> -> memref<125xi32, #tpu.memory_space<vmem>>
      %dma_start3A_434 = arith.constant 0 : i32
      %dma_start3A_435 = arith.constant 0 : i32
      %dma_start3A_436 = tpu.memref_slice %arg8[%dma_start3A_434, %dma_start3A_435] : memref<50000x32xf32, #tpu.memory_space<vmem_shared>> -> memref<50000x32xf32, #tpu.memory_space<vmem_shared>>
      %dma_start3A_437 = tpu.memref_slice %arg10[%dma_start3A_426] : memref<5x!tpu.dma_semaphore, #tpu.memory_space<semaphore_mem>> -> memref<1x!tpu.dma_semaphore, #tpu.memory_space<semaphore_mem>>
      %dma_start3A_438 = tpu.memref_squeeze %dma_start3A_437 : memref<1x!tpu.dma_semaphore, #tpu.memory_space<semaphore_mem>> -> memref<!tpu.dma_semaphore, #tpu.memory_space<semaphore_mem>>
      tpu.enqueue_indirect_dma source(%dma_start3A_430 : memref<125x32xf32, #tpu.memory_space<vmem>>) target(%dma_start3A_436 : memref<50000x32xf32, #tpu.memory_space<vmem_shared>>) offsets(%dma_start3A_433 : memref<125xi32, #tpu.memory_space<vmem>>) semaphore(%dma_start3A_438 : memref<!tpu.dma_semaphore, #tpu.memory_space<semaphore_mem>>) {add = true}
      %dma_wait3A_439 = arith.constant 0 : i32
      %dma_wait3A_440 = arith.constant 0 : i32
      %dma_wait3A_441 = arith.constant 0 : i32
      %dma_wait3A_442 = arith.constant 0 : i32
      %dma_wait3A_443 = arith.constant 0 : i32
      %dma_wait3A_444 = tpu.memref_slice %arg5[%dma_wait3A_439, %dma_wait3A_442, %dma_wait3A_443] : memref<5x125x32xf32, #tpu.memory_space<vmem>> -> memref<1x125x32xf32, #tpu.memory_space<vmem>>
      %dma_wait3A_445 = tpu.memref_squeeze %dma_wait3A_444 : memref<1x125x32xf32, #tpu.memory_space<vmem>> -> memref<125x32xf32, #tpu.memory_space<vmem>>
      %dma_wait3A_446 = arith.constant 0 : i32
      %dma_wait3A_447 = tpu.memref_slice %arg6[%dma_wait3A_440, %dma_wait3A_446] : memref<25x125xi32, #tpu.memory_space<vmem>> -> memref<1x125xi32, #tpu.memory_space<vmem>>
      %dma_wait3A_448 = tpu.memref_squeeze %dma_wait3A_447 : memref<1x125xi32, #tpu.memory_space<vmem>> -> memref<125xi32, #tpu.memory_space<vmem>>
      %dma_wait3A_449 = arith.constant 0 : i32
      %dma_wait3A_450 = arith.constant 0 : i32
      %dma_wait3A_451 = tpu.memref_slice %arg8[%dma_wait3A_449, %dma_wait3A_450] : memref<50000x32xf32, #tpu.memory_space<vmem_shared>> -> memref<50000x32xf32, #tpu.memory_space<vmem_shared>>
      %dma_wait3A_452 = tpu.memref_slice %arg10[%dma_wait3A_441] : memref<5x!tpu.dma_semaphore, #tpu.memory_space<semaphore_mem>> -> memref<1x!tpu.dma_semaphore, #tpu.memory_space<semaphore_mem>>
      %dma_wait3A_453 = tpu.memref_squeeze %dma_wait3A_452 : memref<1x!tpu.dma_semaphore, #tpu.memory_space<semaphore_mem>> -> memref<!tpu.dma_semaphore, #tpu.memory_space<semaphore_mem>>
      tpu.wait_indirect_dma semaphore(%dma_wait3A_453 : memref<!tpu.dma_semaphore, #tpu.memory_space<semaphore_mem>>) src(%dma_wait3A_445 : memref<125x32xf32, #tpu.memory_space<vmem>>) dst(%dma_wait3A_451 : memref<50000x32xf32, #tpu.memory_space<vmem_shared>>)
      %lt3A = arith.constant 4 : i32
      %lt3A_454 = arith.cmpi slt, %scan3A_258, %lt3A : i32
      %convert_element_type3A = arith.extui %lt3A_454 : i1 to i32
      %cond3A = arith.constant 0 : i32
      %cond3A_455 = arith.cmpi ne, %convert_element_type3A, %cond3A : i32
      scf.if %cond3A_455 {
        %add3A_536 = arith.constant 1 : i32
        %add3A_537 = arith.addi %scan3A_258, %add3A_536 : i32
        %mul3A_538 = arith.constant 5 : i32
        %mul3A_539 = arith.muli %add3A_537, %mul3A_538 : i32
        %add3A_540 = arith.constant 0 : i32
        %add3A_541 = arith.addi %mul3A_539, %add3A_540 : i32
        %mul3A_542 = arith.constant 3125 : i32
        %mul3A_543 = arith.muli %arg1, %mul3A_542 : i32
        %mul3A_544 = arith.constant 125 : i32
        %mul3A_545 = arith.muli %add3A_541, %mul3A_544 : i32
        %add3A_546 = arith.addi %mul3A_543, %mul3A_545 : i32
        %dma_start3A_547 = arith.constant 0 : i32
        %dma_start3A_548 = arith.constant 0 : i32
        %dma_start3A_549 = arith.constant 0 : i32
        %dma_start3A_550 = arith.constant 0 : i32
        %dma_start3A_551 = tpu.memref_slice %arg5[%dma_start3A_547, %dma_start3A_549, %dma_start3A_550] : memref<5x125x32xf32, #tpu.memory_space<vmem>> -> memref<1x125x32xf32, #tpu.memory_space<vmem>>
        %dma_start3A_552 = tpu.memref_squeeze %dma_start3A_551 : memref<1x125x32xf32, #tpu.memory_space<vmem>> -> memref<125x32xf32, #tpu.memory_space<vmem>>
        %dma_start3A_553 = tpu.memref_slice %arg2[%add3A_546, %add3A_125] : memref<50000x128xf32, #tpu.memory_space<hbm>> -> memref<125x32xf32, #tpu.memory_space<hbm>>
        %dma_start3A_554 = tpu.memref_slice %arg9[%dma_start3A_548] : memref<5x!tpu.dma_semaphore, #tpu.memory_space<semaphore_mem>> -> memref<1x!tpu.dma_semaphore, #tpu.memory_space<semaphore_mem>>
        %dma_start3A_555 = tpu.memref_squeeze %dma_start3A_554 : memref<1x!tpu.dma_semaphore, #tpu.memory_space<semaphore_mem>> -> memref<!tpu.dma_semaphore, #tpu.memory_space<semaphore_mem>>
        %dma_start3A_556 = arith.constant 0 : i32
        %dma_start3A_557 = arith.constant 0 : i32
        %dma_start3A_558 = tpu.memref_slice %arg5[%dma_start3A_547, %dma_start3A_556, %dma_start3A_557] : memref<5x125x32xf32, #tpu.memory_space<vmem>> -> memref<1x125x32xf32, #tpu.memory_space<vmem>>
        %dma_start3A_559 = tpu.memref_squeeze %dma_start3A_558 : memref<1x125x32xf32, #tpu.memory_space<vmem>> -> memref<125x32xf32, #tpu.memory_space<vmem>>
        %dma_start3A_560 = tpu.memref_slice %arg2[%add3A_546, %add3A_125] : memref<50000x128xf32, #tpu.memory_space<hbm>> -> memref<125x32xf32, #tpu.memory_space<hbm>>
        tpu.enqueue_dma source(%dma_start3A_560 : memref<125x32xf32, #tpu.memory_space<hbm>>) target(%dma_start3A_559 : memref<125x32xf32, #tpu.memory_space<vmem>>) target_semaphore(%dma_start3A_555 : memref<!tpu.dma_semaphore, #tpu.memory_space<semaphore_mem>>)
      } else {
      }
      %dma_wait3A_456 = arith.constant 1 : i32
      %dma_wait3A_457 = arith.constant 0 : i32
      %dma_wait3A_458 = arith.constant 1 : i32
      %dma_wait3A_459 = arith.constant 0 : i32
      %dma_wait3A_460 = arith.constant 0 : i32
      %dma_wait3A_461 = tpu.memref_slice %arg5[%dma_wait3A_456, %dma_wait3A_459, %dma_wait3A_460] : memref<5x125x32xf32, #tpu.memory_space<vmem>> -> memref<1x125x32xf32, #tpu.memory_space<vmem>>
      %dma_wait3A_462 = tpu.memref_squeeze %dma_wait3A_461 : memref<1x125x32xf32, #tpu.memory_space<vmem>> -> memref<125x32xf32, #tpu.memory_space<vmem>>
      %dma_wait3A_463 = arith.constant 0 : i32
      %dma_wait3A_464 = tpu.memref_slice %arg6[%dma_wait3A_457, %dma_wait3A_463] : memref<25x125xi32, #tpu.memory_space<vmem>> -> memref<1x125xi32, #tpu.memory_space<vmem>>
      %dma_wait3A_465 = tpu.memref_squeeze %dma_wait3A_464 : memref<1x125xi32, #tpu.memory_space<vmem>> -> memref<125xi32, #tpu.memory_space<vmem>>
      %dma_wait3A_466 = arith.constant 0 : i32
      %dma_wait3A_467 = arith.constant 0 : i32
      %dma_wait3A_468 = tpu.memref_slice %arg8[%dma_wait3A_466, %dma_wait3A_467] : memref<50000x32xf32, #tpu.memory_space<vmem_shared>> -> memref<50000x32xf32, #tpu.memory_space<vmem_shared>>
      %dma_wait3A_469 = tpu.memref_slice %arg10[%dma_wait3A_458] : memref<5x!tpu.dma_semaphore, #tpu.memory_space<semaphore_mem>> -> memref<1x!tpu.dma_semaphore, #tpu.memory_space<semaphore_mem>>
      %dma_wait3A_470 = tpu.memref_squeeze %dma_wait3A_469 : memref<1x!tpu.dma_semaphore, #tpu.memory_space<semaphore_mem>> -> memref<!tpu.dma_semaphore, #tpu.memory_space<semaphore_mem>>
      tpu.wait_indirect_dma semaphore(%dma_wait3A_470 : memref<!tpu.dma_semaphore, #tpu.memory_space<semaphore_mem>>) src(%dma_wait3A_462 : memref<125x32xf32, #tpu.memory_space<vmem>>) dst(%dma_wait3A_468 : memref<50000x32xf32, #tpu.memory_space<vmem_shared>>)
      %lt3A_471 = arith.constant 4 : i32
      %lt3A_472 = arith.cmpi slt, %scan3A_258, %lt3A_471 : i32
      %convert_element_type3A_473 = arith.extui %lt3A_472 : i1 to i32
      %cond3A_474 = arith.constant 0 : i32
      %cond3A_475 = arith.cmpi ne, %convert_element_type3A_473, %cond3A_474 : i32
      scf.if %cond3A_475 {
        %add3A_536 = arith.constant 1 : i32
        %add3A_537 = arith.addi %scan3A_258, %add3A_536 : i32
        %mul3A_538 = arith.constant 5 : i32
        %mul3A_539 = arith.muli %add3A_537, %mul3A_538 : i32
        %add3A_540 = arith.constant 1 : i32
        %add3A_541 = arith.addi %mul3A_539, %add3A_540 : i32
        %mul3A_542 = arith.constant 3125 : i32
        %mul3A_543 = arith.muli %arg1, %mul3A_542 : i32
        %mul3A_544 = arith.constant 125 : i32
        %mul3A_545 = arith.muli %add3A_541, %mul3A_544 : i32
        %add3A_546 = arith.addi %mul3A_543, %mul3A_545 : i32
        %dma_start3A_547 = arith.constant 1 : i32
        %dma_start3A_548 = arith.constant 1 : i32
        %dma_start3A_549 = arith.constant 0 : i32
        %dma_start3A_550 = arith.constant 0 : i32
        %dma_start3A_551 = tpu.memref_slice %arg5[%dma_start3A_547, %dma_start3A_549, %dma_start3A_550] : memref<5x125x32xf32, #tpu.memory_space<vmem>> -> memref<1x125x32xf32, #tpu.memory_space<vmem>>
        %dma_start3A_552 = tpu.memref_squeeze %dma_start3A_551 : memref<1x125x32xf32, #tpu.memory_space<vmem>> -> memref<125x32xf32, #tpu.memory_space<vmem>>
        %dma_start3A_553 = tpu.memref_slice %arg2[%add3A_546, %add3A_125] : memref<50000x128xf32, #tpu.memory_space<hbm>> -> memref<125x32xf32, #tpu.memory_space<hbm>>
        %dma_start3A_554 = tpu.memref_slice %arg9[%dma_start3A_548] : memref<5x!tpu.dma_semaphore, #tpu.memory_space<semaphore_mem>> -> memref<1x!tpu.dma_semaphore, #tpu.memory_space<semaphore_mem>>
        %dma_start3A_555 = tpu.memref_squeeze %dma_start3A_554 : memref<1x!tpu.dma_semaphore, #tpu.memory_space<semaphore_mem>> -> memref<!tpu.dma_semaphore, #tpu.memory_space<semaphore_mem>>
        %dma_start3A_556 = arith.constant 0 : i32
        %dma_start3A_557 = arith.constant 0 : i32
        %dma_start3A_558 = tpu.memref_slice %arg5[%dma_start3A_547, %dma_start3A_556, %dma_start3A_557] : memref<5x125x32xf32, #tpu.memory_space<vmem>> -> memref<1x125x32xf32, #tpu.memory_space<vmem>>
        %dma_start3A_559 = tpu.memref_squeeze %dma_start3A_558 : memref<1x125x32xf32, #tpu.memory_space<vmem>> -> memref<125x32xf32, #tpu.memory_space<vmem>>
        %dma_start3A_560 = tpu.memref_slice %arg2[%add3A_546, %add3A_125] : memref<50000x128xf32, #tpu.memory_space<hbm>> -> memref<125x32xf32, #tpu.memory_space<hbm>>
        tpu.enqueue_dma source(%dma_start3A_560 : memref<125x32xf32, #tpu.memory_space<hbm>>) target(%dma_start3A_559 : memref<125x32xf32, #tpu.memory_space<vmem>>) target_semaphore(%dma_start3A_555 : memref<!tpu.dma_semaphore, #tpu.memory_space<semaphore_mem>>)
      } else {
      }
      %dma_wait3A_476 = arith.constant 2 : i32
      %dma_wait3A_477 = arith.constant 0 : i32
      %dma_wait3A_478 = arith.constant 2 : i32
      %dma_wait3A_479 = arith.constant 0 : i32
      %dma_wait3A_480 = arith.constant 0 : i32
      %dma_wait3A_481 = tpu.memref_slice %arg5[%dma_wait3A_476, %dma_wait3A_479, %dma_wait3A_480] : memref<5x125x32xf32, #tpu.memory_space<vmem>> -> memref<1x125x32xf32, #tpu.memory_space<vmem>>
      %dma_wait3A_482 = tpu.memref_squeeze %dma_wait3A_481 : memref<1x125x32xf32, #tpu.memory_space<vmem>> -> memref<125x32xf32, #tpu.memory_space<vmem>>
      %dma_wait3A_483 = arith.constant 0 : i32
      %dma_wait3A_484 = tpu.memref_slice %arg6[%dma_wait3A_477, %dma_wait3A_483] : memref<25x125xi32, #tpu.memory_space<vmem>> -> memref<1x125xi32, #tpu.memory_space<vmem>>
      %dma_wait3A_485 = tpu.memref_squeeze %dma_wait3A_484 : memref<1x125xi32, #tpu.memory_space<vmem>> -> memref<125xi32, #tpu.memory_space<vmem>>
      %dma_wait3A_486 = arith.constant 0 : i32
      %dma_wait3A_487 = arith.constant 0 : i32
      %dma_wait3A_488 = tpu.memref_slice %arg8[%dma_wait3A_486, %dma_wait3A_487] : memref<50000x32xf32, #tpu.memory_space<vmem_shared>> -> memref<50000x32xf32, #tpu.memory_space<vmem_shared>>
      %dma_wait3A_489 = tpu.memref_slice %arg10[%dma_wait3A_478] : memref<5x!tpu.dma_semaphore, #tpu.memory_space<semaphore_mem>> -> memref<1x!tpu.dma_semaphore, #tpu.memory_space<semaphore_mem>>
      %dma_wait3A_490 = tpu.memref_squeeze %dma_wait3A_489 : memref<1x!tpu.dma_semaphore, #tpu.memory_space<semaphore_mem>> -> memref<!tpu.dma_semaphore, #tpu.memory_space<semaphore_mem>>
      tpu.wait_indirect_dma semaphore(%dma_wait3A_490 : memref<!tpu.dma_semaphore, #tpu.memory_space<semaphore_mem>>) src(%dma_wait3A_482 : memref<125x32xf32, #tpu.memory_space<vmem>>) dst(%dma_wait3A_488 : memref<50000x32xf32, #tpu.memory_space<vmem_shared>>)
      %lt3A_491 = arith.constant 4 : i32
      %lt3A_492 = arith.cmpi slt, %scan3A_258, %lt3A_491 : i32
      %convert_element_type3A_493 = arith.extui %lt3A_492 : i1 to i32
      %cond3A_494 = arith.constant 0 : i32
      %cond3A_495 = arith.cmpi ne, %convert_element_type3A_493, %cond3A_494 : i32
      scf.if %cond3A_495 {
        %add3A_536 = arith.constant 1 : i32
        %add3A_537 = arith.addi %scan3A_258, %add3A_536 : i32
        %mul3A_538 = arith.constant 5 : i32
        %mul3A_539 = arith.muli %add3A_537, %mul3A_538 : i32
        %add3A_540 = arith.constant 2 : i32
        %add3A_541 = arith.addi %mul3A_539, %add3A_540 : i32
        %mul3A_542 = arith.constant 3125 : i32
        %mul3A_543 = arith.muli %arg1, %mul3A_542 : i32
        %mul3A_544 = arith.constant 125 : i32
        %mul3A_545 = arith.muli %add3A_541, %mul3A_544 : i32
        %add3A_546 = arith.addi %mul3A_543, %mul3A_545 : i32
        %dma_start3A_547 = arith.constant 2 : i32
        %dma_start3A_548 = arith.constant 2 : i32
        %dma_start3A_549 = arith.constant 0 : i32
        %dma_start3A_550 = arith.constant 0 : i32
        %dma_start3A_551 = tpu.memref_slice %arg5[%dma_start3A_547, %dma_start3A_549, %dma_start3A_550] : memref<5x125x32xf32, #tpu.memory_space<vmem>> -> memref<1x125x32xf32, #tpu.memory_space<vmem>>
        %dma_start3A_552 = tpu.memref_squeeze %dma_start3A_551 : memref<1x125x32xf32, #tpu.memory_space<vmem>> -> memref<125x32xf32, #tpu.memory_space<vmem>>
        %dma_start3A_553 = tpu.memref_slice %arg2[%add3A_546, %add3A_125] : memref<50000x128xf32, #tpu.memory_space<hbm>> -> memref<125x32xf32, #tpu.memory_space<hbm>>
        %dma_start3A_554 = tpu.memref_slice %arg9[%dma_start3A_548] : memref<5x!tpu.dma_semaphore, #tpu.memory_space<semaphore_mem>> -> memref<1x!tpu.dma_semaphore, #tpu.memory_space<semaphore_mem>>
        %dma_start3A_555 = tpu.memref_squeeze %dma_start3A_554 : memref<1x!tpu.dma_semaphore, #tpu.memory_space<semaphore_mem>> -> memref<!tpu.dma_semaphore, #tpu.memory_space<semaphore_mem>>
        %dma_start3A_556 = arith.constant 0 : i32
        %dma_start3A_557 = arith.constant 0 : i32
        %dma_start3A_558 = tpu.memref_slice %arg5[%dma_start3A_547, %dma_start3A_556, %dma_start3A_557] : memref<5x125x32xf32, #tpu.memory_space<vmem>> -> memref<1x125x32xf32, #tpu.memory_space<vmem>>
        %dma_start3A_559 = tpu.memref_squeeze %dma_start3A_558 : memref<1x125x32xf32, #tpu.memory_space<vmem>> -> memref<125x32xf32, #tpu.memory_space<vmem>>
        %dma_start3A_560 = tpu.memref_slice %arg2[%add3A_546, %add3A_125] : memref<50000x128xf32, #tpu.memory_space<hbm>> -> memref<125x32xf32, #tpu.memory_space<hbm>>
        tpu.enqueue_dma source(%dma_start3A_560 : memref<125x32xf32, #tpu.memory_space<hbm>>) target(%dma_start3A_559 : memref<125x32xf32, #tpu.memory_space<vmem>>) target_semaphore(%dma_start3A_555 : memref<!tpu.dma_semaphore, #tpu.memory_space<semaphore_mem>>)
      } else {
      }
      %dma_wait3A_496 = arith.constant 3 : i32
      %dma_wait3A_497 = arith.constant 0 : i32
      %dma_wait3A_498 = arith.constant 3 : i32
      %dma_wait3A_499 = arith.constant 0 : i32
      %dma_wait3A_500 = arith.constant 0 : i32
      %dma_wait3A_501 = tpu.memref_slice %arg5[%dma_wait3A_496, %dma_wait3A_499, %dma_wait3A_500] : memref<5x125x32xf32, #tpu.memory_space<vmem>> -> memref<1x125x32xf32, #tpu.memory_space<vmem>>
      %dma_wait3A_502 = tpu.memref_squeeze %dma_wait3A_501 : memref<1x125x32xf32, #tpu.memory_space<vmem>> -> memref<125x32xf32, #tpu.memory_space<vmem>>
      %dma_wait3A_503 = arith.constant 0 : i32
      %dma_wait3A_504 = tpu.memref_slice %arg6[%dma_wait3A_497, %dma_wait3A_503] : memref<25x125xi32, #tpu.memory_space<vmem>> -> memref<1x125xi32, #tpu.memory_space<vmem>>
      %dma_wait3A_505 = tpu.memref_squeeze %dma_wait3A_504 : memref<1x125xi32, #tpu.memory_space<vmem>> -> memref<125xi32, #tpu.memory_space<vmem>>
      %dma_wait3A_506 = arith.constant 0 : i32
      %dma_wait3A_507 = arith.constant 0 : i32
      %dma_wait3A_508 = tpu.memref_slice %arg8[%dma_wait3A_506, %dma_wait3A_507] : memref<50000x32xf32, #tpu.memory_space<vmem_shared>> -> memref<50000x32xf32, #tpu.memory_space<vmem_shared>>
      %dma_wait3A_509 = tpu.memref_slice %arg10[%dma_wait3A_498] : memref<5x!tpu.dma_semaphore, #tpu.memory_space<semaphore_mem>> -> memref<1x!tpu.dma_semaphore, #tpu.memory_space<semaphore_mem>>
      %dma_wait3A_510 = tpu.memref_squeeze %dma_wait3A_509 : memref<1x!tpu.dma_semaphore, #tpu.memory_space<semaphore_mem>> -> memref<!tpu.dma_semaphore, #tpu.memory_space<semaphore_mem>>
      tpu.wait_indirect_dma semaphore(%dma_wait3A_510 : memref<!tpu.dma_semaphore, #tpu.memory_space<semaphore_mem>>) src(%dma_wait3A_502 : memref<125x32xf32, #tpu.memory_space<vmem>>) dst(%dma_wait3A_508 : memref<50000x32xf32, #tpu.memory_space<vmem_shared>>)
      %lt3A_511 = arith.constant 4 : i32
      %lt3A_512 = arith.cmpi slt, %scan3A_258, %lt3A_511 : i32
      %convert_element_type3A_513 = arith.extui %lt3A_512 : i1 to i32
      %cond3A_514 = arith.constant 0 : i32
      %cond3A_515 = arith.cmpi ne, %convert_element_type3A_513, %cond3A_514 : i32
      scf.if %cond3A_515 {
        %add3A_536 = arith.constant 1 : i32
        %add3A_537 = arith.addi %scan3A_258, %add3A_536 : i32
        %mul3A_538 = arith.constant 5 : i32
        %mul3A_539 = arith.muli %add3A_537, %mul3A_538 : i32
        %add3A_540 = arith.constant 3 : i32
        %add3A_541 = arith.addi %mul3A_539, %add3A_540 : i32
        %mul3A_542 = arith.constant 3125 : i32
        %mul3A_543 = arith.muli %arg1, %mul3A_542 : i32
        %mul3A_544 = arith.constant 125 : i32
        %mul3A_545 = arith.muli %add3A_541, %mul3A_544 : i32
        %add3A_546 = arith.addi %mul3A_543, %mul3A_545 : i32
        %dma_start3A_547 = arith.constant 3 : i32
        %dma_start3A_548 = arith.constant 3 : i32
        %dma_start3A_549 = arith.constant 0 : i32
        %dma_start3A_550 = arith.constant 0 : i32
        %dma_start3A_551 = tpu.memref_slice %arg5[%dma_start3A_547, %dma_start3A_549, %dma_start3A_550] : memref<5x125x32xf32, #tpu.memory_space<vmem>> -> memref<1x125x32xf32, #tpu.memory_space<vmem>>
        %dma_start3A_552 = tpu.memref_squeeze %dma_start3A_551 : memref<1x125x32xf32, #tpu.memory_space<vmem>> -> memref<125x32xf32, #tpu.memory_space<vmem>>
        %dma_start3A_553 = tpu.memref_slice %arg2[%add3A_546, %add3A_125] : memref<50000x128xf32, #tpu.memory_space<hbm>> -> memref<125x32xf32, #tpu.memory_space<hbm>>
        %dma_start3A_554 = tpu.memref_slice %arg9[%dma_start3A_548] : memref<5x!tpu.dma_semaphore, #tpu.memory_space<semaphore_mem>> -> memref<1x!tpu.dma_semaphore, #tpu.memory_space<semaphore_mem>>
        %dma_start3A_555 = tpu.memref_squeeze %dma_start3A_554 : memref<1x!tpu.dma_semaphore, #tpu.memory_space<semaphore_mem>> -> memref<!tpu.dma_semaphore, #tpu.memory_space<semaphore_mem>>
        %dma_start3A_556 = arith.constant 0 : i32
        %dma_start3A_557 = arith.constant 0 : i32
        %dma_start3A_558 = tpu.memref_slice %arg5[%dma_start3A_547, %dma_start3A_556, %dma_start3A_557] : memref<5x125x32xf32, #tpu.memory_space<vmem>> -> memref<1x125x32xf32, #tpu.memory_space<vmem>>
        %dma_start3A_559 = tpu.memref_squeeze %dma_start3A_558 : memref<1x125x32xf32, #tpu.memory_space<vmem>> -> memref<125x32xf32, #tpu.memory_space<vmem>>
        %dma_start3A_560 = tpu.memref_slice %arg2[%add3A_546, %add3A_125] : memref<50000x128xf32, #tpu.memory_space<hbm>> -> memref<125x32xf32, #tpu.memory_space<hbm>>
        tpu.enqueue_dma source(%dma_start3A_560 : memref<125x32xf32, #tpu.memory_space<hbm>>) target(%dma_start3A_559 : memref<125x32xf32, #tpu.memory_space<vmem>>) target_semaphore(%dma_start3A_555 : memref<!tpu.dma_semaphore, #tpu.memory_space<semaphore_mem>>)
      } else {
      }
      %dma_wait3A_516 = arith.constant 4 : i32
      %dma_wait3A_517 = arith.constant 0 : i32
      %dma_wait3A_518 = arith.constant 4 : i32
      %dma_wait3A_519 = arith.constant 0 : i32
      %dma_wait3A_520 = arith.constant 0 : i32
      %dma_wait3A_521 = tpu.memref_slice %arg5[%dma_wait3A_516, %dma_wait3A_519, %dma_wait3A_520] : memref<5x125x32xf32, #tpu.memory_space<vmem>> -> memref<1x125x32xf32, #tpu.memory_space<vmem>>
      %dma_wait3A_522 = tpu.memref_squeeze %dma_wait3A_521 : memref<1x125x32xf32, #tpu.memory_space<vmem>> -> memref<125x32xf32, #tpu.memory_space<vmem>>
      %dma_wait3A_523 = arith.constant 0 : i32
      %dma_wait3A_524 = tpu.memref_slice %arg6[%dma_wait3A_517, %dma_wait3A_523] : memref<25x125xi32, #tpu.memory_space<vmem>> -> memref<1x125xi32, #tpu.memory_space<vmem>>
      %dma_wait3A_525 = tpu.memref_squeeze %dma_wait3A_524 : memref<1x125xi32, #tpu.memory_space<vmem>> -> memref<125xi32, #tpu.memory_space<vmem>>
      %dma_wait3A_526 = arith.constant 0 : i32
      %dma_wait3A_527 = arith.constant 0 : i32
      %dma_wait3A_528 = tpu.memref_slice %arg8[%dma_wait3A_526, %dma_wait3A_527] : memref<50000x32xf32, #tpu.memory_space<vmem_shared>> -> memref<50000x32xf32, #tpu.memory_space<vmem_shared>>
      %dma_wait3A_529 = tpu.memref_slice %arg10[%dma_wait3A_518] : memref<5x!tpu.dma_semaphore, #tpu.memory_space<semaphore_mem>> -> memref<1x!tpu.dma_semaphore, #tpu.memory_space<semaphore_mem>>
      %dma_wait3A_530 = tpu.memref_squeeze %dma_wait3A_529 : memref<1x!tpu.dma_semaphore, #tpu.memory_space<semaphore_mem>> -> memref<!tpu.dma_semaphore, #tpu.memory_space<semaphore_mem>>
      tpu.wait_indirect_dma semaphore(%dma_wait3A_530 : memref<!tpu.dma_semaphore, #tpu.memory_space<semaphore_mem>>) src(%dma_wait3A_522 : memref<125x32xf32, #tpu.memory_space<vmem>>) dst(%dma_wait3A_528 : memref<50000x32xf32, #tpu.memory_space<vmem_shared>>)
      %lt3A_531 = arith.constant 4 : i32
      %lt3A_532 = arith.cmpi slt, %scan3A_258, %lt3A_531 : i32
      %convert_element_type3A_533 = arith.extui %lt3A_532 : i1 to i32
      %cond3A_534 = arith.constant 0 : i32
      %cond3A_535 = arith.cmpi ne, %convert_element_type3A_533, %cond3A_534 : i32
      scf.if %cond3A_535 {
        %add3A_536 = arith.constant 1 : i32
        %add3A_537 = arith.addi %scan3A_258, %add3A_536 : i32
        %mul3A_538 = arith.constant 5 : i32
        %mul3A_539 = arith.muli %add3A_537, %mul3A_538 : i32
        %add3A_540 = arith.constant 4 : i32
        %add3A_541 = arith.addi %mul3A_539, %add3A_540 : i32
        %mul3A_542 = arith.constant 3125 : i32
        %mul3A_543 = arith.muli %arg1, %mul3A_542 : i32
        %mul3A_544 = arith.constant 125 : i32
        %mul3A_545 = arith.muli %add3A_541, %mul3A_544 : i32
        %add3A_546 = arith.addi %mul3A_543, %mul3A_545 : i32
        %dma_start3A_547 = arith.constant 4 : i32
        %dma_start3A_548 = arith.constant 4 : i32
        %dma_start3A_549 = arith.constant 0 : i32
        %dma_start3A_550 = arith.constant 0 : i32
        %dma_start3A_551 = tpu.memref_slice %arg5[%dma_start3A_547, %dma_start3A_549, %dma_start3A_550] : memref<5x125x32xf32, #tpu.memory_space<vmem>> -> memref<1x125x32xf32, #tpu.memory_space<vmem>>
        %dma_start3A_552 = tpu.memref_squeeze %dma_start3A_551 : memref<1x125x32xf32, #tpu.memory_space<vmem>> -> memref<125x32xf32, #tpu.memory_space<vmem>>
        %dma_start3A_553 = tpu.memref_slice %arg2[%add3A_546, %add3A_125] : memref<50000x128xf32, #tpu.memory_space<hbm>> -> memref<125x32xf32, #tpu.memory_space<hbm>>
        %dma_start3A_554 = tpu.memref_slice %arg9[%dma_start3A_548] : memref<5x!tpu.dma_semaphore, #tpu.memory_space<semaphore_mem>> -> memref<1x!tpu.dma_semaphore, #tpu.memory_space<semaphore_mem>>
        %dma_start3A_555 = tpu.memref_squeeze %dma_start3A_554 : memref<1x!tpu.dma_semaphore, #tpu.memory_space<semaphore_mem>> -> memref<!tpu.dma_semaphore, #tpu.memory_space<semaphore_mem>>
        %dma_start3A_556 = arith.constant 0 : i32
        %dma_start3A_557 = arith.constant 0 : i32
        %dma_start3A_558 = tpu.memref_slice %arg5[%dma_start3A_547, %dma_start3A_556, %dma_start3A_557] : memref<5x125x32xf32, #tpu.memory_space<vmem>> -> memref<1x125x32xf32, #tpu.memory_space<vmem>>
        %dma_start3A_559 = tpu.memref_squeeze %dma_start3A_558 : memref<1x125x32xf32, #tpu.memory_space<vmem>> -> memref<125x32xf32, #tpu.memory_space<vmem>>
        %dma_start3A_560 = tpu.memref_slice %arg2[%add3A_546, %add3A_125] : memref<50000x128xf32, #tpu.memory_space<hbm>> -> memref<125x32xf32, #tpu.memory_space<hbm>>
        tpu.enqueue_dma source(%dma_start3A_560 : memref<125x32xf32, #tpu.memory_space<hbm>>) target(%dma_start3A_559 : memref<125x32xf32, #tpu.memory_space<vmem>>) target_semaphore(%dma_start3A_555 : memref<!tpu.dma_semaphore, #tpu.memory_space<semaphore_mem>>)
      } else {
      }
    }
    %scan3A_241 = arith.constant 5 : i32
    %barrier3A_242 = arith.constant 0 : index
    tpu.barrier barrier_id(%barrier3A_242)
    %mul3A_243 = arith.constant 3125 : i32
    %mul3A_244 = arith.muli %arg1, %mul3A_243 : i32
    %mul3A_245 = arith.constant 3125 : i32
    %mul3A_246 = arith.muli %arg1, %mul3A_245 : i32
    %dma_start3A_247 = tpu.memref_slice %arg4[%mul3A_246, %add3A_125] : memref<50000x128xf32, #tpu.memory_space<hbm>> -> memref<3125x32xf32, #tpu.memory_space<hbm>>
    %dma_start3A_248 = arith.constant 0 : i32
    %dma_start3A_249 = tpu.memref_slice %arg8[%mul3A_244, %dma_start3A_248] : memref<50000x32xf32, #tpu.memory_space<vmem_shared>> -> memref<3125x32xf32, #tpu.memory_space<vmem_shared>>
    tpu.enqueue_dma source(%dma_start3A_249 : memref<3125x32xf32, #tpu.memory_space<vmem_shared>>) target(%dma_start3A_247 : memref<3125x32xf32, #tpu.memory_space<hbm>>) target_semaphore(%arg12 : memref<!tpu.dma_semaphore, #tpu.memory_space<semaphore_mem>>)
    %mul3A_250 = arith.constant 3125 : i32
    %mul3A_251 = arith.muli %arg1, %mul3A_250 : i32
    %mul3A_252 = arith.constant 3125 : i32
    %mul3A_253 = arith.muli %arg1, %mul3A_252 : i32
    %dma_wait3A_254 = arith.constant 0 : i32
    %dma_wait3A_255 = tpu.memref_slice %arg4[%mul3A_253, %dma_wait3A_254] : memref<50000x128xf32, #tpu.memory_space<hbm>> -> memref<3125x32xf32, #tpu.memory_space<hbm>>
    %dma_wait3A_256 = arith.constant 0 : i32
    %dma_wait3A_257 = tpu.memref_slice %arg8[%mul3A_251, %dma_wait3A_256] : memref<50000x32xf32, #tpu.memory_space<vmem_shared>> -> memref<3125x32xf32, #tpu.memory_space<vmem_shared>>
    tpu.wait_dma2 semaphore(%arg12 : memref<!tpu.dma_semaphore, #tpu.memory_space<semaphore_mem>>) src(%dma_wait3A_257 : memref<3125x32xf32, #tpu.memory_space<vmem_shared>>) dst(%dma_wait3A_255 : memref<3125x32xf32, #tpu.memory_space<hbm>>)
    return
  }
}

module attributes {stable_mosaic.version = 14 : i64} {
  func.func @_mm_body(%arg0: i32, %arg1: memref<2000x256xf32, #tpu.memory_space<vmem>>, %arg2: memref<256x128xf32, #tpu.memory_space<vmem>>, %arg3: memref<128xf32, #tpu.memory_space<vmem>>, %arg4: memref<2000x128xf32, #tpu.memory_space<vmem>>) attributes {dimension_semantics = [#tpu.dimension_semantics<arbitrary>], iteration_bounds = array<i64: 25>, scalar_prefetch = 0 : i64, scratch_operands = 0 : i64, tpu.core_type = #tpu.core_type<tc>, window_params = [{transform_indices = @transform_0, window_bounds = array<i64: 2000, 256>}, {pipeline_mode = #tpu.pipeline_mode<synchronous>, transform_indices = @transform_1, window_bounds = array<i64: 256, 128>}, {pipeline_mode = #tpu.pipeline_mode<synchronous>, transform_indices = @transform_2, window_bounds = array<i64: 128>}, {transform_indices = @transform_3, window_bounds = array<i64: 2000, 128>}]} {
    %get3A = arith.constant 0 : index
    %get3A_0 = arith.constant 0 : index
    %get3A_1 = vector.load %arg1[%get3A, %get3A_0] : memref<2000x256xf32, #tpu.memory_space<vmem>>, vector<2000x256xf32>
    %get3A_2 = arith.constant 0 : index
    %get3A_3 = arith.constant 0 : index
    %get3A_4 = vector.load %arg2[%get3A_2, %get3A_3] : memref<256x128xf32, #tpu.memory_space<vmem>>, vector<256x128xf32>
    %dot_general3A = arith.constant dense<0.000000e+00> : vector<2000x128xf32>
    %dot_general3A_5 = tpu.matmul %get3A_1, %get3A_4, %dot_general3A {dimension_numbers = #tpu.dot_dimension_numbers<[1], [0], [0], [1], [0, 0, 1, 1], [], []>, transpose_lhs_hint = false} : vector<2000x256xf32>, vector<256x128xf32>, vector<2000x128xf32> -> vector<2000x128xf32>
    %get3A_6 = arith.constant 0 : index
    %get3A_7 = vector.load %arg3[%get3A_6] : memref<128xf32, #tpu.memory_space<vmem>>, vector<128xf32>
    %broadcast_in_dim3A = vector.shape_cast %get3A_7 : vector<128xf32> to vector<1x128xf32>
    %add3A = vector.broadcast %broadcast_in_dim3A : vector<1x128xf32> to vector<2000x128xf32>
    %add3A_8 = arith.addf %dot_general3A_5, %add3A : vector<2000x128xf32>
    %max3A = arith.constant 0.000000e+00 : f32
    %max3A_9 = vector.broadcast %max3A : f32 to vector<2000x128xf32>
    %max3A_10 = arith.maximumf %add3A_8, %max3A_9 : vector<2000x128xf32>
    %swap3A = arith.constant 0 : index
    %swap3A_11 = arith.constant 0 : index
    %swap3A_12 = vector.load %arg4[%swap3A, %swap3A_11] : memref<2000x128xf32, #tpu.memory_space<vmem>>, vector<2000x128xf32>
    tpu.vector_store %arg4[%swap3A, %swap3A_11], %max3A_10 {strides = array<i32>} : memref<2000x128xf32, #tpu.memory_space<vmem>>, vector<2000x128xf32>,
    return
  }
  func.func @transform_0(%arg0: i32) -> (i32, i32) {
    %c0_i32 = arith.constant 0 : i32
    %c0_i32_0 = arith.constant 0 : i32
    return %arg0, %c0_i32 : i32, i32
  }
  func.func @transform_1(%arg0: i32) -> (i32, i32) {
    %c0_i32 = arith.constant 0 : i32
    %c0_i32_0 = arith.constant 0 : i32
    %c0_i32_1 = arith.constant 0 : i32
    return %c0_i32, %c0_i32_0 : i32, i32
  }
  func.func @transform_2(%arg0: i32) -> i32 {
    %c0_i32 = arith.constant 0 : i32
    %c0_i32_0 = arith.constant 0 : i32
    return %c0_i32 : i32
  }
  func.func @transform_3(%arg0: i32) -> (i32, i32) {
    %c0_i32 = arith.constant 0 : i32
    %c0_i32_0 = arith.constant 0 : i32
    return %arg0, %c0_i32 : i32, i32
  }
}

module attributes {stable_mosaic.version = 14 : i64} {
  func.func @_cat_body(%arg0: i32, %arg1: memref<5000x128xf32, #tpu.memory_space<vmem>>, %arg2: memref<5000x128xf32, #tpu.memory_space<vmem>>, %arg3: memref<5000x256xf32, #tpu.memory_space<vmem>>) attributes {dimension_semantics = [#tpu.dimension_semantics<arbitrary>], iteration_bounds = array<i64: 10>, scalar_prefetch = 0 : i64, scratch_operands = 0 : i64, tpu.core_type = #tpu.core_type<tc>, window_params = [{transform_indices = @transform_0, window_bounds = array<i64: 5000, 128>}, {transform_indices = @transform_1, window_bounds = array<i64: 5000, 128>}, {transform_indices = @transform_2, window_bounds = array<i64: 5000, 256>}]} {
    %get3A = arith.constant 0 : index
    %get3A_0 = arith.constant 0 : index
    %get3A_1 = vector.load %arg1[%get3A, %get3A_0] : memref<5000x128xf32, #tpu.memory_space<vmem>>, vector<5000x128xf32>
    %swap3A = arith.constant 0 : index
    %swap3A_2 = arith.constant 0 : index
    %swap3A_3 = vector.load %arg3[%swap3A, %swap3A_2] : memref<5000x256xf32, #tpu.memory_space<vmem>>, vector<5000x128xf32>
    tpu.vector_store %arg3[%swap3A, %swap3A_2], %get3A_1 {strides = array<i32>} : memref<5000x256xf32, #tpu.memory_space<vmem>>, vector<5000x128xf32>,
    %get3A_4 = arith.constant 0 : index
    %get3A_5 = arith.constant 0 : index
    %get3A_6 = vector.load %arg2[%get3A_4, %get3A_5] : memref<5000x128xf32, #tpu.memory_space<vmem>>, vector<5000x128xf32>
    %swap3A_7 = arith.constant 0 : index
    %swap3A_8 = arith.constant 128 : index
    %swap3A_9 = vector.load %arg3[%swap3A_7, %swap3A_8] : memref<5000x256xf32, #tpu.memory_space<vmem>>, vector<5000x128xf32>
    tpu.vector_store %arg3[%swap3A_7, %swap3A_8], %get3A_6 {strides = array<i32>} : memref<5000x256xf32, #tpu.memory_space<vmem>>, vector<5000x128xf32>,
    return
  }
  func.func @transform_0(%arg0: i32) -> (i32, i32) {
    %c0_i32 = arith.constant 0 : i32
    %c0_i32_0 = arith.constant 0 : i32
    return %arg0, %c0_i32 : i32, i32
  }
  func.func @transform_1(%arg0: i32) -> (i32, i32) {
    %c0_i32 = arith.constant 0 : i32
    %c0_i32_0 = arith.constant 0 : i32
    return %arg0, %c0_i32 : i32, i32
  }
  func.func @transform_2(%arg0: i32) -> (i32, i32) {
    %c0_i32 = arith.constant 0 : i32
    %c0_i32_0 = arith.constant 0 : i32
    return %arg0, %c0_i32 : i32, i32
  }
}

</mosaic_0001>

<sc_bundles>
// kernel: kernel.10.cloned.1.call-start
scs
__scs_entry_jumppad:
0x0: {  	(pc) =	sbr.rel $0x88, $3  }
0x1: {  	(tag) =	ssettag $0x0;
	lr =	simm.s32 $0x1  }
0x2: {  	[smem:$0x3F9D] =	sst lr;
	_ =	strace $0xD0000000  }
0x3: {  	_ = 	snop  }
0x4: {  	_ = 	snop  }
0x5: {  	_ = 	snop  }
0x6: {  	_ = 	snop  }
0x7: {  	_ = 	snop  }
__scs_overlays_trampoline_lowered:
0x8: {  	[smem:$0x3FAC] =	sst s0  }
0x9: {  	[smem:$0x3FAD] =	sst s1  }
0xa: {  	[smem:$0x3FAE] =	sst s2  }
0xb: {  	[smem:$0x3FAF] =	sst s3  }
0xc: {  	[smem:$0x3FB0] =	sst s4  }
0xd: {  	[smem:$0x3FB1] =	sst s5  }
0xe: {  	[smem:$0x3FB2] =	sst s6  }
0xf: {  	[smem:$0x3FB3] =	sst s7  }
0x10: {  	[smem:$0x3FB4] =	sst s8  }
0x11: {  	[smem:$0x3FB5] =	sst s9;
	s0 =	simm.s32 @!p0 $0x0  }
0x12: {  	s1 =	sld [smem:$0x3F9B];
	s0 =	simm.s32 @p0 $0x1  }
0x13: {  	[smem:$0x3FB6] =	sst s0;
	s0 =	simm.s32 @!p1 $0x0  }
0x14: {  	s2 =	sld [smem:$0x3F9A];
	s0 =	simm.s32 @p1 $0x1  }
0x15: {  	[smem:$0x3FB7] =	sst s0;
	s0 =	simm.s32 @!p2 $0x0  }
0x16: {  	s3 =	sld [smem:$0x3FDB];
	s0 =	simm.s32 @p2 $0x1  }
0x17: {  	s4 =	simm.s32 $0x1BF5;
	[smem:$0x3FB9] =	sst s0  }
0x18: {  	s0 =	sld [smem:$0x3F9C];
	_ =	swait.ge [sflag:s4], $0x0  }
0x19: {  	s7 =	sld [smem:$0x3F9D]  }
0x1a: {  	s8 =	sadd.s32 $0xFFFFE003, lr  }
0x1b: {  	s9 =	sadd.s32 $0xFFFFFEF7, lr;
	s5 =	simm.s32 $0xFFFFFFFF;
	p2 =	slt.u32 s8, $0xFFFFF086  }
0x1c: {  	p1 =	slt.u32 s9, $0xF7A;
	s5 =	simm.s32 @!p2 $0x0  }
0x1d: {  	s5 =	simm.s32 @p1 $0x1;
	p0 =	seq.s32 s7, s2  }
0x1e: {  	s7 =	smul.u32 @!p0 $0xF7A, s2;
	p2 =	seq.s32 @!p0 s5, $0x0  }
0x1f: {  	s9 =	smul.u32 $0xF7A, s1;
	s8 =	simm.s32 @!p0 $0x1BF5;
	p2 =	por !p2, p0  }
0x20: {  	[sflag:s8] =	ssyncset.s32 @!p0 $0xFFFFF086;
	s6 =	sadd.s32 @!p0 s3, s7;
	s7 =	simm.s32 @!p0 $0x108  }
0x21: {  	s3 =	sadd.s32 s3, s9;
	s6 =	sadd.s32 @!p0 $0x88, s6;
	s7 =	simm.s32 @p2 $0x1082  }
0x22: {  	[simem:s7], [sflag:s8] =	dma.local @!p0 [hbm:s6], $0xF7A  }
0x23: {  	s9 =	sor.u32 $0xD0000000, s2;
	s6 =	simm.s32 $0x108;
	_ =	swait.ge @!p0 [sflag:s8], $0x0  }
0x24: {  	s3 =	sadd.s32 $0x88, s3;
	s6 =	simm.s32 @!p1 $0x1082;
	[sflag:s4] =	ssyncset.s32 $0xFFFFF086  }
0x25: {  	[simem:s6], [sflag:s4] =	dma.local [hbm:s3], $0xF7A  }
0x26: {  	[smem:$0x3F9D] =	sst s1;
	(tag) =	ssettag s2;
	_ =	strace s9  }
0x27: {  	s1 =	sld [smem:$0x3FAD]  }
0x28: {  	s2 =	sld [smem:$0x3FAE]  }
0x29: {  	s4 =	sld [smem:$0x3FB0]  }
0x2a: {  	p0 =	seq.s32 s5, $0x0;
	s5 =	sld [smem:$0x3FB1]  }
0x2b: {  	s6 =	sld [smem:$0x3FB2]  }
0x2c: {  	s7 =	sld [smem:$0x3FB3]  }
0x2d: {  	s3 =	simm.s32 $0x108;
	s8 =	sld [smem:$0x3FB4]  }
0x2e: {  	s3 =	simm.s32 @!p0 $0x1082;
	s9 =	sld [smem:$0x3FB5]  }
0x2f: {  	lr =	sadd.s32 s0, s3;
	s0 =	sld [smem:$0x3FAC]  }
0x30: {  	s3 =	sld [smem:$0x3FAF]  }
0x31: {  	[smem:$0x3FB8] =	sst s10  }
0x32: {  	s10 =	sld [smem:$0x3FB6];
	_ =	sdelay $0x3  }
0x33: {  	p0 =	seq.s32 s10, $0x1;
	s10 =	sld [smem:$0x3FB8];
	_ =	sdelay $0x3  }
0x34: {  	[smem:$0x3FB8] =	sst s10  }
0x35: {  	s10 =	sld [smem:$0x3FB7];
	_ =	sdelay $0x3  }
0x36: {  	p1 =	seq.s32 s10, $0x1;
	s10 =	sld [smem:$0x3FB8];
	_ =	sdelay $0x3  }
0x37: {  	[smem:$0x3FB8] =	sst s10  }
0x38: {  	s10 =	sld [smem:$0x3FB9]  }
0x39: {  	_ = 	snop;
	(pc) =	sbr.ind lr, $3  }
0x3a: {  	_ = 	snop  }
0x3b: {  	_ = 	snop  }
0x3c: {  	p2 =	seq.s32 s10, $0x1;
	s10 =	sld [smem:$0x3FB8]  }
0x3d: {  	_ =	shalt  }
0x3e: {  	_ =	shalt  }
0x3f: {  	_ =	shalt  }
0x40: {  	_ =	shalt  }
0x41: {  	_ =	shalt  }
0x42: {  	_ =	shalt  }
0x43: {  	_ =	shalt  }
0x44: {  	_ =	shalt  }
0x45: {  	_ =	shalt  }
0x46: {  	_ =	shalt  }
0x47: {  	_ =	shalt  }
0x48: {  	_ =	shalt  }
0x49: {  	_ =	shalt  }
0x4a: {  	_ =	shalt  }
0x4b: {  	_ =	shalt  }
0x4c: {  	_ =	shalt  }
0x4d: {  	_ =	shalt  }
0x4e: {  	_ =	shalt  }
0x4f: {  	_ =	shalt  }
0x50: {  	_ =	shalt  }
0x51: {  	_ =	shalt  }
0x52: {  	_ =	shalt  }
0x53: {  	_ =	shalt  }
0x54: {  	_ =	shalt  }
0x55: {  	_ =	shalt  }
0x56: {  	_ =	shalt  }
0x57: {  	_ =	shalt  }
0x58: {  	_ =	shalt  }
0x59: {  	_ =	shalt  }
0x5a: {  	_ =	shalt  }
0x5b: {  	_ =	shalt  }
0x5c: {  	_ =	shalt  }
0x5d: {  	_ =	shalt  }
0x5e: {  	_ =	shalt  }
0x5f: {  	_ =	shalt  }
0x60: {  	_ =	shalt  }
0x61: {  	_ =	shalt  }
0x62: {  	_ =	shalt  }
0x63: {  	_ =	shalt  }
0x64: {  	_ =	shalt  }
0x65: {  	_ =	shalt  }
0x66: {  	_ =	shalt  }
0x67: {  	_ =	shalt  }
0x68: {  	_ =	shalt  }
0x69: {  	_ =	shalt  }
0x6a: {  	_ =	shalt  }
0x6b: {  	_ =	shalt  }
0x6c: {  	_ =	shalt  }
0x6d: {  	_ =	shalt  }
0x6e: {  	_ =	shalt  }
0x6f: {  	_ =	shalt  }
0x70: {  	_ =	shalt  }
0x71: {  	_ =	shalt  }
0x72: {  	_ =	shalt  }
0x73: {  	_ =	shalt  }
0x74: {  	_ =	shalt  }
0x75: {  	_ =	shalt  }
0x76: {  	_ =	shalt  }
0x77: {  	_ =	shalt  }
0x78: {  	_ =	shalt  }
0x79: {  	_ =	shalt  }
0x7a: {  	_ =	shalt  }
0x7b: {  	_ =	shalt  }
0x7c: {  	_ =	shalt  }
0x7d: {  	_ =	shalt  }
0x7e: {  	_ =	shalt  }
0x7f: {  	_ =	shalt  }
0x80: {  	_ =	shalt  }
0x81: {  	_ =	shalt  }
0x82: {  	_ =	shalt  }
0x83: {  	_ =	shalt  }
0x84: {  	_ =	shalt  }
0x85: {  	_ =	shalt  }
0x86: {  	_ =	shalt  }
0x87: {  	_ =	shalt  }
.Lfunc_end0:
.L_simem_size_0:
called_computation.1_lowered:
.L_overlay_start_0:
0x88: {  	s2 =	sld [smem:$0x3FD9]  }
0x89: {  	s3 =	sld [smem:$0x3FFE];
	_ =	sdelay $0x1  }
0x8a: {  	s1 =	srdreg.scid  }
0x8b: {  	s0 =	sand.u32 $0x1, s1  }
0x8c: {  	s17 =	sshll.u32 s0, $0xA;
	s2 =	sadd.s32 s3, s2  }
0x8d: {  	s2 =	sadd.s32 s2, s17  }
0x8e: {  	[smem:$0x3FC4] =	sst s2  }
0x8f: {  	_ = 	snop  }
0x90: {  	(tm) =	ssettm $0x1  }
0x91: {  	s18 =	sld [smem:$0x3FFB];
	_ =	sdelay $0x3  }
0x92: {  	_ =	strace s18  }
0x93: {  	s2 =	sld [smem:$0x3FFC];
	_ =	sdelay $0x3  }
0x94: {  	_ =	strace s2  }
0x95: {  	s2 =	sld [smem:$0x3FFD];
	_ =	sdelay $0x3  }
0x96: {  	_ =	strace s2  }
0x97: {  	_ =	strace $0x8FFFFFFF  }
0x98: {  	s19 =	sld [smem:$0x3FDB];
	_ =	sdelay $0x1  }
0x99: {  	s20 =	simm.s32 $_scs_section_size  }
0x9a: {  	s4 =	simm.s32 $_size__tile_overlayer_lowered;
	s5 =	simm.s32 $_tile_overlayer_lowered  }
0x9b: {  	s6 =	simm.s32 $0x1BFF;
	s21 =	sshll.u32 s5, $0x1;
	s3 =	sadd.s32 s20, s19  }
0x9c: {  	s22 =	simm.s32 $0x0;
	s4 =	sshll.u32 s4, $0x1;
	s5 =	sadd.s32 s21, s3  }
0x9d: {  	[timem:s22], [sflag:s6] =	dma.local [hbm:s5], s4  }
0x9e: {  	_ =	swait.ge [sflag:s6], s4  }
0x9f: {  	s4 =	ssub.s32 $0x0, s4;
	[sflag:s6] =	ssyncset.done $0x0  }
0xa0: {  	[sflag:s6] =	ssyncadd.s32 s4;
	_ =	sdelay $0x1  }
0xa1: {  	s23 =	simm.s32 $0x1B8B  }
0xa2: {  	_ =	swait.ge [sflag:s23], $0x1  }
0xa3: {  	[sflag:s23] =	ssyncset.done $0x0  }
0xa4: {  	[sflag:s23] =	ssyncadd.s32 $0xFFFFFFFF  }
0xa5: {  	s4 =	sld [smem:$0x0]  }
0xa6: {  	s5 =	sand.u32 $0xFFFFFFFE, s1  }
0xa7: {  	p0 =	sne.s32 s1, s5  }
0xa8: {  	s5 =	sshll.u32 @p0 s5, $0xE  }
0xa9: {  	s5 =	sadd.s32 @p0 $0x11B8D, s5;
	s6 =	sshll.u32 @p0 s4, $0x11  }
0xaa: {  	s5 =	sor.u32 @p0 s6, s5  }
0xab: {  	[sflag:s5] =	ssyncadd.remote.s32 @p0 $0x1;
	_ =	sdelay $0x1  }
0xac: {  	s5 =	simm.s32 @p0 $0x1B8D  }
0xad: {  	_ =	swait.eq @p0 [sflag:s5], $0x1  }
0xae: {  	[sflag:s5] =	ssyncadd.s32 @p0 $0xFFFFFFFF  }
0xaf: {  	s6 =	sshll.u32 @!p0 s1, $0xE  }
0xb0: {  	s6 =	sor.u32 @!p0 $0x4000, s6;
	s5 =	simm.s32 @!p0 $0x1B8D  }
0xb1: {  	s4 =	sshll.u32 @!p0 s4, $0x11;
	s6 =	sadd.s32 @!p0 $0x11B8D, s6;
	_ =	swait.eq @!p0 [sflag:s5], $0x1  }
0xb2: {  	s4 =	sor.u32 @!p0 s4, s6;
	[sflag:s5] =	ssyncadd.s32 @!p0 $0xFFFFFFFF  }
0xb3: {  	s25 =	simm.s32 $0x1B8E;
	s24 =	sld [smem:$0x3FFE];
	[sflag:s4] =	ssyncadd.remote.s32 @!p0 $0x1  }
0xb4: {  	s26 =	simm.s32 $execute0_lowered;
	[smem:$0x3FD2] =	sst s25  }
0xb5: {  	s5 =	sshll.u32 s26, $0x1;
	_ =	strace $0x80000049;
	[dreg:$0x1] =	wrdreg $0xFFFFFFFF  }
0xb6: {  	s28 =	simm.s32 $_size_execute0_lowered;
	s3 =	sadd.s32 s3, s5;
	[dreg:$0x0] =	wrdreg $0x0  }
0xb7: {  	s5 =	sshll.u32 s28, $0x1;
	[dreg:$0x2] =	wrdreg s3  }
0xb8: {  	[dreg:$0x3] =	wrdreg s5  }
0xb9: {  	[dreg:$0x4] =	wrdreg $0xC0  }
0xba: {  	_ =	task [dreg:s22], $0x5FFFF  }
0xbb: {  	[dreg:$0x1] =	wrdreg $0xFFFFFFFF  }
0xbc: {  	[dreg:$0x0] =	wrdreg $0x60  }
0xbd: {  	[dreg:$0x2] =	wrdreg s24  }
0xbe: {  	[dreg:$0x3] =	wrdreg $0x6A400  }
0xbf: {  	[dreg:$0x4] =	wrdreg $0xA  }
0xc0: {  	_ =	task.clear_ibuf [dreg:s22], $0x5FFFF;
	_ =	strace $0x90000049  }
0xc1: {  	s29 =	simm.s32 $0xA;
	_ =	strace $0x8000004B  }
0xc2: {  	_ =	swait.ge [sflag:s29], $0x1  }
0xc3: {  	[sflag:s29] =	ssyncadd.s32 $0xFFFFFFFF  }
0xc4: {  	_ =	strace $0x9000004B  }
0xc5: {  	_ =	sfence  }
0xc6: {  	s30 =	sld [smem:$0x0];
	_ =	sdelay $0x2  }
0xc7: {  	s31 =	sshll.u32 s1, $0xD;
	s1 =	sshrl.u32 s1, $0x2  }
0xc8: {  	s4 =	sand.u32 $0x4000, s31;
	s1 =	sadd.s32 s1, s30  }
0xc9: {  	s0 =	sor.u32 s4, s0;
	s1 =	sshll.u32 s1, $0x11  }
0xca: {  	s0 =	sor.u32 s1, s0  }
0xcb: {  	s0 =	sadd.s32 $0x8F2B, s0  }
0xcc: {  	[sflag:s0] =	ssyncadd.remote.s32 $0x1  }
0xcd: {  	_ =	sfence.sel $0xFFFF  }
0xce: {  	[dreg:$0x0] =	wrdreg $0xFFFFFFFF;
	(pc) =	sbr.abs _section_cstart, $3  }
0xcf: {  	[dreg:$0x1] =	wrdreg $0xFFFFFFFF  }
0xd0: {  	_ =	task.clear_ibuf [dreg:s22], $0x2FFFF;
	_ =	strace $0x9FFFFFFF  }
0xd1: {  	(tm) =	ssettm $0x7FFFFFFF  }
tec
execute0_lowered:
.L_overlay_start_1:
0x0: {  	(tag) =	ssettag $0x1  }
0x1: {  	s0 =	rddreg [dreg:$0x0]  }
0x2: {  	s2 =	rddreg [dreg:$0x1];
	s3 =	simm.s32 $0x0  }
0x3: {  	s15 =	stileid.u32;
	s4 =	srdreg.scid;
	s28 =	simm.s32 $0x9  }
0x4: {  	s29 =	simm.s32 $0xA;
	[smem:$0x7FF] =	sst s3;
	s1 =	smul.u32 $0x190, s15  }
0x5: {  	s16 =	sadd.s32 $0xC5C00, s0;
	s5 =	smul.u32 $0x61A80, s15;
	s6 =	sadd.s32 $0x189200, s0  }
0x6: {  	s25 =	sand.u32 $0x1, s4;
	s23 =	smul.u32 $0x186A0, s15;
	_ =	strace $0x8000004A  }
0x7: {  	s4 =	ssub.s32 $0x2, s25;
	s7 =	sshll.u32 s25, $0x6;
	s1 =	sadd.s32 s1, s0  }
0x8: {  	s8 =	sadd.s32 $0x3E80, s5;
	s9 =	sshrl.u32 s4, $0x1;
	s0 =	sor.u32 s7, s5  }
0x9: {  	s18 =	sadd.s32 $0x7D00, s5;
	s19 =	sadd.s32 $0xBB80, s5;
	s11 =	sadd.s32 $0xFA00, s5  }
0xa: {  	s24 =	sshrl.u32 s5, $0x2;
	s10 =	sor.u32 s7, s8;
	s4 =	ssub.s32 s4, s9  }
0xb: {  	s26 =	sshrl.u32 s0, $0x3;
	s1 =	sadd.s32 $0xC00, s1;
	s12 =	sor.u32 s7, s18  }
0xc: {  	s13 =	sor.u32 s7, s19;
	s20 =	sadd.s32 s24, s2;
	s15 =	sadd.s32 $0x1B580, s0  }
0xd: {  	s24 =	sadd.s32 $0x1F420, s0;
	s10 =	sshrl.u32 s10, $0x3;
	[dreg:$0x3] =	wrdreg s1  }
0xe: {  	s14 =	sadd.s32 s16, s26;
	s12 =	sshrl.u32 s12, $0x3;
	[dreg:$0xa] =	wrdreg s20  }
0xf: {  	s13 =	sshrl.u32 s13, $0x3;
	s9 =	sadd.s32 s6, s26;
	[dreg:$0x4] =	wrdreg s14  }
0x10: {  	s4 =	smax.u32 s4, $0x1;
	s17 =	sadd.s32 s16, s10;
	[dreg:$0x9] =	wrdreg s9  }
0x11: {  	s14 =	sor.u32 s7, s11;
	s12 =	sadd.s32 s16, s12;
	[dreg:$0x11] =	wrdreg s4  }
0x12: {  	s21 =	sadd.s32 s16, s13;
	s7 =	sor.u32 $0x20, s7;
	[dreg:$0x5] =	wrdreg s17  }
0x13: {  	s10 =	sadd.s32 s2, s23;
	s23 =	sadd.s32 $0x1B5A0, s0;
	[dreg:$0x6] =	wrdreg s12  }
0x14: {  	s14 =	sshrl.u32 s14, $0x3;
	[dreg:$0x7] =	wrdreg s21;
	s5 =	sor.u32 s5, s7  }
0x15: {  	s8 =	sor.u32 s7, s8;
	s1 =	sor.u32 s7, s18;
	s26 =	sor.u32 s7, s19  }
0x16: {  	s7 =	sor.u32 s7, s11;
	s30 =	sadd.s32 $0x4E20, s10;
	s11 =	sadd.s32 $0x6D60, s10  }
0x17: {  	s31 =	sadd.s32 $0x5DC0, s10;
	s13 =	sadd.s32 $0x7D00, s10;
	[dreg:$0x14] =	wrdreg s11  }
0x18: {  	s12 =	sadd.s32 $0x23280, s0;
	s17 =	sadd.s32 $0x1F400, s0;
	[dreg:$0x15] =	wrdreg s13  }
0x19: {  	s18 =	sadd.s32 $0x17700, s0;
	s22 =	sadd.s32 s16, s14;
	[dreg:$0x12] =	wrdreg s30  }
0x1a: {  	s5 =	sshrl.u32 s5, $0x3;
	s8 =	sshrl.u32 s8, $0x3;
	[dreg:$0x13] =	wrdreg s31  }
0x1b: {  	s1 =	sshrl.u32 s1, $0x3;
	s11 =	sadd.s32 $0x9C40, s20;
	[dreg:$0x8] =	wrdreg s22  }
0x1c: {  	s14 =	sshrl.u32 s12, $0x3;
	s12 =	sadd.s32 $0xABE0, s20;
	[smem:$0x7EF] =	sst s11  }
0x1d: {  	s7 =	sshrl.u32 s7, $0x3;
	s13 =	sadd.s32 $0xBB80, s20;
	[smem:$0x7F0] =	sst s12  }
0x1e: {  	s4 =	sshrl.u32 s17, $0x3;
	s17 =	sadd.s32 $0xFA00, s20;
	[smem:$0x7F1] =	sst s13  }
0x1f: {  	s21 =	sshrl.u32 s18, $0x3;
	s18 =	sadd.s32 $0x109A0, s20;
	[smem:$0x7F5] =	sst s17  }
0x20: {  	s25 =	sadd.s32 s16, s5;
	s8 =	sadd.s32 s16, s8;
	[smem:$0x7F6] =	sst s18  }
0x21: {  	s1 =	sadd.s32 s16, s1;
	s9 =	sadd.s32 s16, s7;
	[dreg:$0xb] =	wrdreg s25  }
0x22: {  	s5 =	sadd.s32 s6, s5;
	s19 =	sadd.s32 s4, s16;
	[dreg:$0xc] =	wrdreg s8  }
0x23: {  	s22 =	sadd.s32 $0x232A0, s0;
	s4 =	sshrl.u32 s23, $0x3;
	[dreg:$0xd] =	wrdreg s1  }
0x24: {  	s6 =	sadd.s32 $0x17720, s0;
	s7 =	sadd.s32 $0xFA0, s20;
	[dreg:$0xf] =	wrdreg s9  }
0x25: {  	s23 =	sadd.s32 $0x14820, s20;
	s11 =	simm.s32 $0xB;
	[dreg:$0x10] =	wrdreg s5  }
0x26: {  	s13 =	simm.s32 $0x1;
	s17 =	simm.s32 $0x4;
	[dreg:$0x19] =	wrdreg s19  }
0x27: {  	s18 =	simm.s32 $0x5;
	s8 =	sshrl.u32 s26, $0x3;
	[dreg:$0x1f] =	wrdreg s7  }
0x28: {  	s25 =	sadd.s32 s4, s16;
	s26 =	sshrl.u32 s24, $0x3;
	[smem:$0x7FA] =	sst s23  }
0x29: {  	s5 =	sadd.s32 $0x13880, s0;
	s0 =	sadd.s32 $0x138A0, s0;
	[dreg:$0x1c] =	wrdreg s25  }
0x2a: {  	s4 =	sshrl.u32 s6, $0x3;
	s9 =	sadd.s32 $0x2EE0, s20;
	[dreg:$0x1d] =	wrdreg s5  }
0x2b: {  	s19 =	sadd.s32 $0x11940, s20;
	s24 =	sadd.s32 $0x157C0, s20;
	[smem:$0x7ED] =	sst s9  }
0x2c: {  	s23 =	simm.s32 $0x80;
	s7 =	simm.s32 $0x1F40;
	[smem:$0x7F7] =	sst s19  }
0x2d: {  	s1 =	sadd.s32 s16, s8;
	s0 =	sshrl.u32 s0, $0x3;
	[smem:$0x7FB] =	sst s24  }
0x2e: {  	s5 =	sadd.s32 s4, s16;
	s8 =	sadd.s32 $0x1F40, s20;
	[dreg:$0xe] =	wrdreg s1  }
0x2f: {  	s25 =	sadd.s32 $0x16760, s20;
	s24 =	simm.s32 $0xFA0;
	[smem:$0x7EC] =	sst s8  }
0x30: {  	s9 =	simm.s32 $0x3E80;
	s1 =	sadd.s32 $0x8CA0, s10;
	[smem:$0x7FC] =	sst s25  }
0x31: {  	s19 =	simm.s32 $0x6;
	s10 =	sadd.s32 $0x3E80, s20;
	[dreg:$0x16] =	wrdreg s1  }
0x32: {  	s6 =	sadd.s32 s0, s16;
	s1 =	sadd.s32 s14, s16;
	[smem:$0x7EE] =	sst s10  }
0x33: {  	s8 =	simm.s32 $0x2EE0;
	s14 =	sadd.s32 $0xCB20, s20;
	[dreg:$0x17] =	wrdreg s1  }
0x34: {  	s1 =	sshrl.u32 s15, $0x3;
	[smem:$0x7F2] =	sst s14;
	s15 =	sadd.s32 $0xDAC0, s20  }
0x35: {  	s25 =	simm.s32 $0x7;
	s1 =	sadd.s32 s1, s16;
	[smem:$0x7F3] =	sst s15  }
0x36: {  	s10 =	simm.s32 $0x0;
	[dreg:$0x18] =	wrdreg s1;
	s1 =	sadd.s32 s21, s16  }
0x37: {  	s14 =	simm.s32 $0x7D;
	s21 =	sadd.s32 $0x128E0, s20;
	[dreg:$0x1a] =	wrdreg s1  }
0x38: {  	s1 =	sshrl.u32 s22, $0x3;
	[smem:$0x7F8] =	sst s21;
	s22 =	sadd.s32 $0x13880, s20  }
.Ltmp0:
0x39: {  	s1 =	sadd.s32 s1, s16;
	[smem:$0x7F9] =	sst s22;
	(pc) =	sbr.rel .LBB2_1-.Ltmp0, $4  }
0x3a: {  	s15 =	simm.s32 $0x2;
	[dreg:$0x1b] =	wrdreg s1;
	s1 =	sadd.s32 s26, s16  }
0x3b: {  	s22 =	simm.s32 $0x20;
	s26 =	sadd.s32 $0x17700, s20;
	[dreg:$0x1e] =	wrdreg s1  }
0x3c: {  	s1 =	smov.u32 s16;
	s16 =	sadd.s32 $0xEA60, s20;
	[smem:$0x7FD] =	sst s26  }
0x3d: {  	v0 =	vimm.f32 $0.0e+00;
	s26 =	simm.s32 $0x8;
	[smem:$0x7F4] =	sst s16;
	s16 =	simm.s32 $0x3  }
.LBB2_9:
0x3e: {  	_ =	swait.ge [sflag:s25], $0xFA0  }
0x3f: {  	[sflag:s25] =	ssyncset.done $0x0  }
0x40: {  	[sflag:s25] =	ssyncadd.s32 $0xFFFFF060  }
0x41: {  	_ =	swait.ge [sflag:s26], $0xFA0  }
0x42: {  	[sflag:s26] =	ssyncset.done $0x0  }
0x43: {  	[sflag:s26] =	ssyncadd.s32 $0xFFFFF060  }
0x44: {  	_ =	swait.ge [sflag:s28], $0xFA0  }
0x45: {  	[sflag:s28] =	ssyncset.done $0x0  }
0x46: {  	[sflag:s28] =	ssyncadd.s32 $0xFFFFF060  }
0x47: {  	_ =	swait.ge [sflag:s29], $0xFA0  }
0x48: {  	[sflag:s29] =	ssyncset.done $0x0  }
0x49: {  	[sflag:s29] =	ssyncadd.s32 $0xFFFFF060  }
0x4a: {  	[bflag:$0x0] =	sbarrier.arrive $0xFFFF  }
0x4b: {  	s4 =	simm.s32 $0x10;
	s0 =	rddreg [dreg:$0x10]  }
0x4c: {  	[hbm:s0@s4], [sflag:s21] =	dma.strided [spmem:s12@s17], $0x30D4, s13, $0x4   }
0x4d: {  	s12 =	simm.s32 $0xC  }
0x4e: {  	_ =	swait.ge [sflag:s12], $0x30D4  }
0x4f: {  	s10 =	sld [smem:$0x7EB];
	_ =	sdelay $0x2  }
0x50: {  	s21 =	rddreg [dreg:$0x11];
	s10 =	sadd.s32 $0x1, s10  }
0x51: {  	p0 =	sne.s32 s10, s21  }
.Ltmp1:
0x52: {  	_ = 	snop;
	(pc) =	sbr.rel @!p0 .LBB2_10-.Ltmp1, $3  }
0x53: {  	_ =	sdelay $0x1  }
0x54: {  	[sflag:s12] =	ssyncset.done $0x0  }
0x55: {  	[sflag:s12] =	ssyncadd.s32 $0xFFFFCF2C  }
.LBB2_1:
0x56: {  	s0 =	rddreg [dreg:$0x3];
	s4 =	simm.s32 $0x4E20  }
0x57: {  	[tilespmem:s4], [sflag:$0xD] =	stream.linear.gather [hbm4b:s0+s3], $0xC80, $0x38;
	[tilespmem:$0x1F0E0] =	vst v63  }
0x58: {  	[smem:$0x7EB] =	sst s10;
	s0 =	simm.s32 $0xD  }
0x59: {  	s10 =	sand.u32 $0x3F80, s3;
	s12 =	sand.u32 $0x10, s3;
	_ =	swait.ge [sflag:s0], $0xC80  }
0x5a: {  	s21 =	sshrl.u32 s10, $0x2;
	s4 =	simm.s32 $0x0;
	[sflag:s0] =	ssyncset.done $0x0  }
0x5b: {  	s10 =	sor.u32 s12, s21;
	[sflag:s0] =	ssyncadd.s32 $0xFFFFF380;
	s0 =	simm.s32 $0x40  }
.LBB2_2:
0x5c: {  	p0 =	sne.s32 s0, $0x3E40  }
0x5d: {  	[tilespmem:s10+$0x5AA0] =	vst v0;
	s4 =	sadd.s32 $0x10, s4;
	s10 =	smov.u32 s0;
	s0 =	sadd.s32 $0x40, s0  }
.Ltmp2:
0x5e: {  	(pc) =	sbr.rel @p0 .LBB2_2-.Ltmp2, $4  }
0x5f: {  	_ = 	snop  }
0x60: {  	s10 =	sand.u32 $0x3F80, s10  }
0x61: {  	s12 =	sand.u32 $0x10, s4;
	s10 =	sshrl.u32 s10, $0x2  }
0x62: {  	s10 =	sor.u32 s12, s10  }
0x63: {  	[tilespmem:s10+$0x5AA0] =	vst v0;
	s12 =	simm.s32 $0x0;
	s0 =	rddreg [dreg:$0x4]  }
0x64: {  	[tilespmem:s12], [sflag:$0x1] =	stream.strided.gather [hbm4b:s0+s22], $0xFA0, s23, s22, $0x38;
	[tilespmem:$0x1F0E0] =	vst v63  }
0x65: {  	s10 =	rddreg [dreg:$0x5]  }
0x66: {  	[tilespmem:s24], [sflag:$0x2] =	stream.strided.gather [hbm4b:s10+s22], $0xFA0, s23, s22, $0x38;
	[tilespmem:$0x1F0E0] =	vst v63  }
0x67: {  	s21 =	rddreg [dreg:$0x6]  }
0x68: {  	[tilespmem:s7], [sflag:$0x3] =	stream.strided.gather [hbm4b:s21+s22], $0xFA0, s23, s22, $0x38;
	[tilespmem:$0x1F0E0] =	vst v63  }
0x69: {  	s4 =	rddreg [dreg:$0x7]  }
0x6a: {  	[tilespmem:s8], [sflag:$0x4] =	stream.strided.gather [hbm4b:s4+s22], $0xFA0, s23, s22, $0x38;
	[tilespmem:$0x1F0E0] =	vst v63  }
0x6b: {  	s10 =	rddreg [dreg:$0x8]  }
0x6c: {  	[tilespmem:s9], [sflag:$0x5] =	stream.strided.gather [hbm4b:s10+s22], $0xFA0, s23, s22, $0x38;
	[tilespmem:$0x1F0E0] =	vst v63  }
0x6d: {  	s21 =	sld [smem:$0x7EC];
	s4 =	simm.s32 $0x5AA0  }
0x6e: {  	[spmem:s20] =	stream.linear.scatter [tilespmem:s4], [sflag:$0xB], $0xFA0, $0x38;
	[tilespmem:$0x1F0E0] =	vst v63  }
0x6f: {  	s20 =	rddreg [dreg:$0x1f]  }
0x70: {  	[spmem:s20] =	stream.linear.scatter [tilespmem:s4], [sflag:$0xB], $0xFA0, $0x38;
	[tilespmem:$0x1F0E0] =	vst v63  }
0x71: {  	s10 =	sld [smem:$0x7ED]  }
0x72: {  	[spmem:s21] =	stream.linear.scatter [tilespmem:s4], [sflag:$0xB], $0xFA0, $0x38;
	[tilespmem:$0x1F0E0] =	vst v63  }
0x73: {  	s20 =	sld [smem:$0x7EE]  }
0x74: {  	[spmem:s10] =	stream.linear.scatter [tilespmem:s4], [sflag:$0xB], $0xFA0, $0x38;
	[tilespmem:$0x1F0E0] =	vst v63  }
0x75: {  	_ = 	snop  }
0x76: {  	[spmem:s20] =	stream.linear.scatter [tilespmem:s4], [sflag:$0xB], $0xFA0, $0x38;
	[tilespmem:$0x1F0E0] =	vst v63  }
0x77: {  	_ = 	snop  }
0x78: {  	[spmem:s30] =	stream.linear.scatter [tilespmem:s4], [sflag:$0xB], $0xFA0, $0x38;
	[tilespmem:$0x1F0E0] =	vst v63  }
0x79: {  	s21 =	rddreg [dreg:$0x14]  }
0x7a: {  	[spmem:s31] =	stream.linear.scatter [tilespmem:s4], [sflag:$0xB], $0xFA0, $0x38;
	[tilespmem:$0x1F0E0] =	vst v63  }
0x7b: {  	s10 =	sld [smem:$0x7EF]  }
0x7c: {  	[spmem:s21] =	stream.linear.scatter [tilespmem:s4], [sflag:$0xB], $0xFA0, $0x38;
	[tilespmem:$0x1F0E0] =	vst v63  }
0x7d: {  	s30 =	rddreg [dreg:$0x15]  }
0x7e: {  	[spmem:s30] =	stream.linear.scatter [tilespmem:s4], [sflag:$0xB], $0xFA0, $0x38;
	[tilespmem:$0x1F0E0] =	vst v63  }
0x7f: {  	s31 =	rddreg [dreg:$0x16]  }
0x80: {  	[spmem:s31] =	stream.linear.scatter [tilespmem:s4], [sflag:$0xB], $0xFA0, $0x38;
	[tilespmem:$0x1F0E0] =	vst v63  }
0x81: {  	s20 =	sld [smem:$0x7F0]  }
0x82: {  	[spmem:s10] =	stream.linear.scatter [tilespmem:s4], [sflag:$0xB], $0xFA0, $0x38;
	[tilespmem:$0x1F0E0] =	vst v63  }
0x83: {  	s21 =	sld [smem:$0x7F1]  }
0x84: {  	[spmem:s20] =	stream.linear.scatter [tilespmem:s4], [sflag:$0xB], $0xFA0, $0x38;
	[tilespmem:$0x1F0E0] =	vst v63  }
0x85: {  	s30 =	sld [smem:$0x7F2]  }
0x86: {  	[spmem:s21] =	stream.linear.scatter [tilespmem:s4], [sflag:$0xB], $0xFA0, $0x38;
	[tilespmem:$0x1F0E0] =	vst v63  }
0x87: {  	s31 =	sld [smem:$0x7F3]  }
0x88: {  	[spmem:s30] =	stream.linear.scatter [tilespmem:s4], [sflag:$0xB], $0xFA0, $0x38;
	[tilespmem:$0x1F0E0] =	vst v63  }
0x89: {  	s10 =	sld [smem:$0x7F4]  }
0x8a: {  	[spmem:s31] =	stream.linear.scatter [tilespmem:s4], [sflag:$0xB], $0xFA0, $0x38;
	[tilespmem:$0x1F0E0] =	vst v63  }
0x8b: {  	s20 =	sld [smem:$0x7F5]  }
0x8c: {  	[spmem:s10] =	stream.linear.scatter [tilespmem:s4], [sflag:$0xB], $0xFA0, $0x38;
	[tilespmem:$0x1F0E0] =	vst v63  }
0x8d: {  	s21 =	sld [smem:$0x7F6]  }
0x8e: {  	[spmem:s20] =	stream.linear.scatter [tilespmem:s4], [sflag:$0xB], $0xFA0, $0x38;
	[tilespmem:$0x1F0E0] =	vst v63  }
0x8f: {  	s30 =	sld [smem:$0x7F7]  }
0x90: {  	[spmem:s21] =	stream.linear.scatter [tilespmem:s4], [sflag:$0xB], $0xFA0, $0x38;
	[tilespmem:$0x1F0E0] =	vst v63  }
0x91: {  	s31 =	sld [smem:$0x7F8]  }
0x92: {  	[spmem:s30] =	stream.linear.scatter [tilespmem:s4], [sflag:$0xB], $0xFA0, $0x38;
	[tilespmem:$0x1F0E0] =	vst v63  }
0x93: {  	s10 =	sld [smem:$0x7F9]  }
0x94: {  	[spmem:s31] =	stream.linear.scatter [tilespmem:s4], [sflag:$0xB], $0xFA0, $0x38;
	[tilespmem:$0x1F0E0] =	vst v63  }
0x95: {  	s20 =	sld [smem:$0x7FA]  }
0x96: {  	[spmem:s10] =	stream.linear.scatter [tilespmem:s4], [sflag:$0xB], $0xFA0, $0x38;
	[tilespmem:$0x1F0E0] =	vst v63  }
0x97: {  	s21 =	sld [smem:$0x7FB]  }
0x98: {  	[spmem:s20] =	stream.linear.scatter [tilespmem:s4], [sflag:$0xB], $0xFA0, $0x38;
	[tilespmem:$0x1F0E0] =	vst v63  }
0x99: {  	s30 =	sld [smem:$0x7FC]  }
0x9a: {  	[spmem:s21] =	stream.linear.scatter [tilespmem:s4], [sflag:$0xB], $0xFA0, $0x38;
	[tilespmem:$0x1F0E0] =	vst v63  }
0x9b: {  	s31 =	sld [smem:$0x7FD]  }
0x9c: {  	[spmem:s30] =	stream.linear.scatter [tilespmem:s4], [sflag:$0xB], $0xFA0, $0x38;
	[tilespmem:$0x1F0E0] =	vst v63  }
0x9d: {  	_ = 	snop  }
0x9e: {  	[spmem:s31] =	stream.linear.scatter [tilespmem:s4], [sflag:$0xB], $0xFA0, $0x38;
	[tilespmem:$0x1F0E0] =	vst v63  }
0x9f: {  	_ =	swait.ge [sflag:s11], $0xFA0  }
0xa0: {  	[sflag:s11] =	ssyncset.done $0x0  }
0xa1: {  	[sflag:s11] =	ssyncadd.s32 $0xFFFFF060  }
0xa2: {  	_ =	swait.ge [sflag:s11], $0xFA0  }
0xa3: {  	[sflag:s11] =	ssyncset.done $0x0  }
0xa4: {  	[sflag:s11] =	ssyncadd.s32 $0xFFFFF060  }
0xa5: {  	_ =	swait.ge [sflag:s11], $0xFA0  }
0xa6: {  	[sflag:s11] =	ssyncset.done $0x0  }
0xa7: {  	[sflag:s11] =	ssyncadd.s32 $0xFFFFF060  }
0xa8: {  	_ =	swait.ge [sflag:s11], $0xFA0  }
0xa9: {  	[sflag:s11] =	ssyncset.done $0x0  }
0xaa: {  	[sflag:s11] =	ssyncadd.s32 $0xFFFFF060  }
0xab: {  	_ =	swait.ge [sflag:s11], $0xFA0  }
0xac: {  	[sflag:s11] =	ssyncset.done $0x0  }
0xad: {  	[sflag:s11] =	ssyncadd.s32 $0xFFFFF060  }
0xae: {  	_ =	swait.ge [sflag:s11], $0xFA0  }
0xaf: {  	[sflag:s11] =	ssyncset.done $0x0  }
0xb0: {  	[sflag:s11] =	ssyncadd.s32 $0xFFFFF060  }
0xb1: {  	_ =	swait.ge [sflag:s11], $0xFA0  }
0xb2: {  	[sflag:s11] =	ssyncset.done $0x0  }
0xb3: {  	[sflag:s11] =	ssyncadd.s32 $0xFFFFF060  }
0xb4: {  	_ =	swait.ge [sflag:s11], $0xFA0  }
0xb5: {  	[sflag:s11] =	ssyncset.done $0x0  }
0xb6: {  	[sflag:s11] =	ssyncadd.s32 $0xFFFFF060  }
0xb7: {  	_ =	swait.ge [sflag:s11], $0xFA0  }
0xb8: {  	[sflag:s11] =	ssyncset.done $0x0  }
0xb9: {  	[sflag:s11] =	ssyncadd.s32 $0xFFFFF060  }
0xba: {  	_ =	swait.ge [sflag:s11], $0xFA0  }
0xbb: {  	[sflag:s11] =	ssyncset.done $0x0  }
0xbc: {  	[sflag:s11] =	ssyncadd.s32 $0xFFFFF060  }
0xbd: {  	_ =	swait.ge [sflag:s11], $0xFA0  }
0xbe: {  	[sflag:s11] =	ssyncset.done $0x0  }
0xbf: {  	[sflag:s11] =	ssyncadd.s32 $0xFFFFF060  }
0xc0: {  	_ =	swait.ge [sflag:s11], $0xFA0  }
0xc1: {  	[sflag:s11] =	ssyncset.done $0x0  }
0xc2: {  	[sflag:s11] =	ssyncadd.s32 $0xFFFFF060  }
0xc3: {  	_ =	swait.ge [sflag:s11], $0xFA0  }
0xc4: {  	[sflag:s11] =	ssyncset.done $0x0  }
0xc5: {  	[sflag:s11] =	ssyncadd.s32 $0xFFFFF060  }
0xc6: {  	_ =	swait.ge [sflag:s11], $0xFA0  }
0xc7: {  	[sflag:s11] =	ssyncset.done $0x0  }
0xc8: {  	[sflag:s11] =	ssyncadd.s32 $0xFFFFF060  }
0xc9: {  	_ =	swait.ge [sflag:s11], $0xFA0  }
0xca: {  	[sflag:s11] =	ssyncset.done $0x0  }
0xcb: {  	[sflag:s11] =	ssyncadd.s32 $0xFFFFF060  }
0xcc: {  	_ =	swait.ge [sflag:s11], $0xFA0  }
0xcd: {  	[sflag:s11] =	ssyncset.done $0x0  }
0xce: {  	[sflag:s11] =	ssyncadd.s32 $0xFFFFF060  }
0xcf: {  	_ =	swait.ge [sflag:s11], $0xFA0  }
0xd0: {  	[sflag:s11] =	ssyncset.done $0x0  }
0xd1: {  	[sflag:s11] =	ssyncadd.s32 $0xFFFFF060  }
0xd2: {  	_ =	swait.ge [sflag:s11], $0xFA0  }
0xd3: {  	[sflag:s11] =	ssyncset.done $0x0  }
0xd4: {  	[sflag:s11] =	ssyncadd.s32 $0xFFFFF060  }
0xd5: {  	_ =	swait.ge [sflag:s11], $0xFA0  }
0xd6: {  	[sflag:s11] =	ssyncset.done $0x0  }
0xd7: {  	[sflag:s11] =	ssyncadd.s32 $0xFFFFF060  }
0xd8: {  	_ =	swait.ge [sflag:s11], $0xFA0  }
0xd9: {  	[sflag:s11] =	ssyncset.done $0x0  }
0xda: {  	[sflag:s11] =	ssyncadd.s32 $0xFFFFF060  }
0xdb: {  	_ =	swait.ge [sflag:s11], $0xFA0  }
0xdc: {  	[sflag:s11] =	ssyncset.done $0x0  }
0xdd: {  	[sflag:s11] =	ssyncadd.s32 $0xFFFFF060  }
0xde: {  	_ =	swait.ge [sflag:s11], $0xFA0  }
0xdf: {  	[sflag:s11] =	ssyncset.done $0x0  }
0xe0: {  	[sflag:s11] =	ssyncadd.s32 $0xFFFFF060  }
0xe1: {  	_ =	swait.ge [sflag:s11], $0xFA0  }
0xe2: {  	[sflag:s11] =	ssyncset.done $0x0  }
0xe3: {  	[sflag:s11] =	ssyncadd.s32 $0xFFFFF060  }
0xe4: {  	_ =	swait.ge [sflag:s11], $0xFA0  }
0xe5: {  	[sflag:s11] =	ssyncset.done $0x0  }
0xe6: {  	[sflag:s11] =	ssyncadd.s32 $0xFFFFF060  }
0xe7: {  	_ =	swait.ge [sflag:s11], $0xFA0  }
0xe8: {  	[sflag:s11] =	ssyncset.done $0x0  }
0xe9: {  	[sflag:s11] =	ssyncadd.s32 $0xFFFFF060  }
0xea: {  	[bflag:$0x0] =	sbarrier.arrive $0xFFFF  }
0xeb: {  	s0 =	rddreg [dreg:$0x1d]  }
0xec: {  	s21 =	rddreg [dreg:$0x1a]  }
0xed: {  	s20 =	rddreg [dreg:$0x19]  }
0xee: {  	s10 =	rddreg [dreg:$0x18]  }
0xef: {  	s4 =	rddreg [dreg:$0x17]  }
.LBB2_4:
0xf0: {  	_ =	swait.ge [sflag:s13], $0xFA0  }
0xf1: {  	s30 =	sshra.s32 s12, $0x2;
	[sflag:s13] =	ssyncset.done $0x0  }
0xf2: {  	s31 =	sadd.s32 $0x4E20, s30;
	[sflag:s13] =	ssyncadd.s32 $0xFFFFF060  }
0xf3: {  	[spmem:s2] =	stream.indirect.scatter.add.f32 [tilespmem:s3], [sflag:$0x6], $0x20, s31, s14, $0xb8;
	[tilespmem:$0x1F0E0] =	vst v63  }
0xf4: {  	_ =	swait.ge [sflag:s15], $0xFA0  }
0xf5: {  	[sflag:s15] =	ssyncset.done $0x0  }
0xf6: {  	s31 =	sadd.s32 $0x4EA0, s30;
	[sflag:s15] =	ssyncadd.s32 $0xFFFFF060  }
0xf7: {  	[spmem:s2] =	stream.indirect.scatter.add.f32 [tilespmem:s24], [sflag:$0x7], $0x20, s31, s14, $0xb8;
	[tilespmem:$0x1F0E0] =	vst v63  }
0xf8: {  	_ =	swait.ge [sflag:s16], $0xFA0  }
0xf9: {  	[sflag:s16] =	ssyncset.done $0x0  }
0xfa: {  	s31 =	sadd.s32 $0x4F20, s30;
	[sflag:s16] =	ssyncadd.s32 $0xFFFFF060  }
0xfb: {  	[spmem:s2] =	stream.indirect.scatter.add.f32 [tilespmem:s7], [sflag:$0x8], $0x20, s31, s14, $0xb8;
	[tilespmem:$0x1F0E0] =	vst v63  }
0xfc: {  	_ =	swait.ge [sflag:s17], $0xFA0  }
0xfd: {  	[sflag:s17] =	ssyncset.done $0x0  }
0xfe: {  	s31 =	sadd.s32 $0x4FA0, s30;
	[sflag:s17] =	ssyncadd.s32 $0xFFFFF060  }
0xff: {  	[spmem:s2] =	stream.indirect.scatter.add.f32 [tilespmem:s8], [sflag:$0x9], $0x20, s31, s14, $0xb8;
	[tilespmem:$0x1F0E0] =	vst v63  }
0x100: {  	_ =	swait.ge [sflag:s18], $0xFA0  }
0x101: {  	p0 =	seq.s32 s12, $0x2800;
	[sflag:s18] =	ssyncset.done $0x0  }
.Ltmp3:
0x102: {  	s30 =	sadd.s32 $0x5020, s30;
	[sflag:s18] =	ssyncadd.s32 $0xFFFFF060;
	(pc) =	sbr.rel @p0 .LBB2_6-.Ltmp3, $4  }
0x103: {  	[spmem:s2] =	stream.indirect.scatter.add.f32 [tilespmem:s9], [sflag:$0xA], $0x20, s30, s14, $0xb8;
	[tilespmem:$0x1F0E0] =	vst v63  }
0x104: {  	_ =	swait.ge [sflag:s19], $0xFA0  }
0x105: {  	[sflag:s19] =	ssyncset.done $0x0  }
0x106: {  	[sflag:s19] =	ssyncadd.s32 $0xFFFFF060  }
0x107: {  	s30 =	sshrl.u32 s0, $0x3  }
0x108: {  	s30 =	sadd.s32 s1, s30  }
0x109: {  	[tilespmem:s3], [sflag:$0x1] =	stream.strided.gather [hbm4b:s30+s22], $0xFA0, s23, s22, $0x38;
	[tilespmem:$0x1F0E0] =	vst v63  }
0x10a: {  	_ =	swait.ge [sflag:s25], $0xFA0  }
0x10b: {  	[sflag:s25] =	ssyncset.done $0x0  }
0x10c: {  	[sflag:s25] =	ssyncadd.s32 $0xFFFFF060  }
0x10d: {  	[tilespmem:s24], [sflag:$0x2] =	stream.strided.gather [hbm4b:s21+s22], $0xFA0, s23, s22, $0x38;
	[tilespmem:$0x1F0E0] =	vst v63  }
0x10e: {  	_ =	swait.ge [sflag:s26], $0xFA0  }
0x10f: {  	[sflag:s26] =	ssyncset.done $0x0  }
0x110: {  	[sflag:s26] =	ssyncadd.s32 $0xFFFFF060  }
0x111: {  	[tilespmem:s7], [sflag:$0x3] =	stream.strided.gather [hbm4b:s10+s22], $0xFA0, s23, s22, $0x38;
	[tilespmem:$0x1F0E0] =	vst v63  }
0x112: {  	_ =	swait.ge [sflag:s28], $0xFA0  }
0x113: {  	[sflag:s28] =	ssyncset.done $0x0  }
0x114: {  	[sflag:s28] =	ssyncadd.s32 $0xFFFFF060  }
0x115: {  	[tilespmem:s8], [sflag:$0x4] =	stream.strided.gather [hbm4b:s20+s22], $0xFA0, s23, s22, $0x38;
	[tilespmem:$0x1F0E0] =	vst v63  }
.Ltmp4:
0x116: {  	_ =	swait.ge [sflag:s29], $0xFA0;
	(pc) =	sbr.rel .LBB2_4-.Ltmp4, $4  }
0x117: {  	s0 =	sadd.s32 $0x13880, s0;
	[sflag:s29] =	ssyncset.done $0x0  }
0x118: {  	s12 =	sadd.s32 $0xA00, s12;
	s21 =	sadd.s32 $0x2710, s21;
	[sflag:s29] =	ssyncadd.s32 $0xFFFFF060  }
0x119: {  	[tilespmem:s9], [sflag:$0x5] =	stream.strided.gather [hbm4b:s4+s22], $0xFA0, s23, s22, $0x38;
	[tilespmem:$0x1F0E0] =	vst v63  }
0x11a: {  	s10 =	sadd.s32 $0x2710, s10;
	s20 =	sadd.s32 $0x2710, s20;
	s4 =	sadd.s32 $0x2710, s4  }
.LBB2_6:
0x11b: {  	_ =	swait.ge [sflag:s25], $0xFA0  }
0x11c: {  	[sflag:s25] =	ssyncset.done $0x0  }
0x11d: {  	[sflag:s25] =	ssyncadd.s32 $0xFFFFF060  }
0x11e: {  	_ =	swait.ge [sflag:s26], $0xFA0  }
0x11f: {  	[sflag:s26] =	ssyncset.done $0x0  }
0x120: {  	[sflag:s26] =	ssyncadd.s32 $0xFFFFF060  }
0x121: {  	_ =	swait.ge [sflag:s28], $0xFA0  }
0x122: {  	[sflag:s28] =	ssyncset.done $0x0  }
0x123: {  	[sflag:s28] =	ssyncadd.s32 $0xFFFFF060  }
0x124: {  	_ =	swait.ge [sflag:s29], $0xFA0  }
0x125: {  	[sflag:s29] =	ssyncset.done $0x0  }
0x126: {  	[sflag:s29] =	ssyncadd.s32 $0xFFFFF060  }
0x127: {  	s0 =	stileid.u32;
	[bflag:$0x0] =	sbarrier.arrive $0xFFFF  }
0x128: {  	s4 =	simm.s32 $0x10;
	s0 =	sshll.u32 s0, $0x6;
	s20 =	rddreg [dreg:$0xa]  }
0x129: {  	s21 =	sor.u32 $0x1C0C, s0;
	s10 =	rddreg [dreg:$0x9];
	s12 =	sshrl.u32 s20, $0x3  }
0x12a: {  	[hbm:s10@s4], [sflag:s21] =	dma.strided [spmem:s12@s17], $0x30D4, s13, $0x4   }
0x12b: {  	s0 =	simm.s32 $0x0;
	s4 =	rddreg [dreg:$0xb]  }
0x12c: {  	[tilespmem:s0], [sflag:$0x1] =	stream.strided.gather [hbm4b:s4+s22], $0xFA0, s23, s22, $0x38;
	[tilespmem:$0x1F0E0] =	vst v63  }
0x12d: {  	s10 =	rddreg [dreg:$0xc]  }
0x12e: {  	[tilespmem:s24], [sflag:$0x2] =	stream.strided.gather [hbm4b:s10+s22], $0xFA0, s23, s22, $0x38;
	[tilespmem:$0x1F0E0] =	vst v63  }
0x12f: {  	s10 =	rddreg [dreg:$0xd]  }
0x130: {  	[tilespmem:s7], [sflag:$0x3] =	stream.strided.gather [hbm4b:s10+s22], $0xFA0, s23, s22, $0x38;
	[tilespmem:$0x1F0E0] =	vst v63  }
0x131: {  	s10 =	rddreg [dreg:$0xe]  }
0x132: {  	[tilespmem:s8], [sflag:$0x4] =	stream.strided.gather [hbm4b:s10+s22], $0xFA0, s23, s22, $0x38;
	[tilespmem:$0x1F0E0] =	vst v63  }
0x133: {  	s10 =	rddreg [dreg:$0xf]  }
0x134: {  	[tilespmem:s9], [sflag:$0x5] =	stream.strided.gather [hbm4b:s10+s22], $0xFA0, s23, s22, $0x38;
	[tilespmem:$0x1F0E0] =	vst v63  }
0x135: {  	s10 =	simm.s32 $0xC  }
0x136: {  	_ =	swait.ge [sflag:s10], $0x30D4  }
0x137: {  	[sflag:s10] =	ssyncset.done $0x0  }
0x138: {  	[sflag:s10] =	ssyncadd.s32 $0xFFFFCF2C;
	s10 =	simm.s32 $0x5AA0  }
0x139: {  	[spmem:s20] =	stream.linear.scatter [tilespmem:s10], [sflag:$0xB], $0xFA0, $0x38;
	[tilespmem:$0x1F0E0] =	vst v63  }
0x13a: {  	s4 =	rddreg [dreg:$0x1f]  }
0x13b: {  	[spmem:s4] =	stream.linear.scatter [tilespmem:s10], [sflag:$0xB], $0xFA0, $0x38;
	[tilespmem:$0x1F0E0] =	vst v63  }
0x13c: {  	s4 =	sld [smem:$0x7EC];
	_ =	sdelay $0x2  }
0x13d: {  	[spmem:s4] =	stream.linear.scatter [tilespmem:s10], [sflag:$0xB], $0xFA0, $0x38;
	[tilespmem:$0x1F0E0] =	vst v63  }
0x13e: {  	s4 =	sld [smem:$0x7ED];
	_ =	sdelay $0x2  }
0x13f: {  	[spmem:s4] =	stream.linear.scatter [tilespmem:s10], [sflag:$0xB], $0xFA0, $0x38;
	[tilespmem:$0x1F0E0] =	vst v63  }
0x140: {  	s4 =	sld [smem:$0x7EE];
	_ =	sdelay $0x2  }
0x141: {  	[spmem:s4] =	stream.linear.scatter [tilespmem:s10], [sflag:$0xB], $0xFA0, $0x38;
	[tilespmem:$0x1F0E0] =	vst v63  }
0x142: {  	s30 =	rddreg [dreg:$0x12]  }
0x143: {  	[spmem:s30] =	stream.linear.scatter [tilespmem:s10], [sflag:$0xB], $0xFA0, $0x38;
	[tilespmem:$0x1F0E0] =	vst v63  }
0x144: {  	s31 =	rddreg [dreg:$0x13]  }
0x145: {  	[spmem:s31] =	stream.linear.scatter [tilespmem:s10], [sflag:$0xB], $0xFA0, $0x38;
	[tilespmem:$0x1F0E0] =	vst v63  }
0x146: {  	s4 =	rddreg [dreg:$0x14]  }
0x147: {  	[spmem:s4] =	stream.linear.scatter [tilespmem:s10], [sflag:$0xB], $0xFA0, $0x38;
	[tilespmem:$0x1F0E0] =	vst v63  }
0x148: {  	s4 =	rddreg [dreg:$0x15]  }
0x149: {  	[spmem:s4] =	stream.linear.scatter [tilespmem:s10], [sflag:$0xB], $0xFA0, $0x38;
	[tilespmem:$0x1F0E0] =	vst v63  }
0x14a: {  	s4 =	rddreg [dreg:$0x16]  }
0x14b: {  	[spmem:s4] =	stream.linear.scatter [tilespmem:s10], [sflag:$0xB], $0xFA0, $0x38;
	[tilespmem:$0x1F0E0] =	vst v63  }
0x14c: {  	s4 =	sld [smem:$0x7EF];
	_ =	sdelay $0x2  }
0x14d: {  	[spmem:s4] =	stream.linear.scatter [tilespmem:s10], [sflag:$0xB], $0xFA0, $0x38;
	[tilespmem:$0x1F0E0] =	vst v63  }
0x14e: {  	s4 =	sld [smem:$0x7F0];
	_ =	sdelay $0x2  }
0x14f: {  	[spmem:s4] =	stream.linear.scatter [tilespmem:s10], [sflag:$0xB], $0xFA0, $0x38;
	[tilespmem:$0x1F0E0] =	vst v63  }
0x150: {  	s4 =	sld [smem:$0x7F1];
	_ =	sdelay $0x2  }
0x151: {  	[spmem:s4] =	stream.linear.scatter [tilespmem:s10], [sflag:$0xB], $0xFA0, $0x38;
	[tilespmem:$0x1F0E0] =	vst v63  }
0x152: {  	s4 =	sld [smem:$0x7F2];
	_ =	sdelay $0x2  }
0x153: {  	[spmem:s4] =	stream.linear.scatter [tilespmem:s10], [sflag:$0xB], $0xFA0, $0x38;
	[tilespmem:$0x1F0E0] =	vst v63  }
0x154: {  	s4 =	sld [smem:$0x7F3];
	_ =	sdelay $0x2  }
0x155: {  	[spmem:s4] =	stream.linear.scatter [tilespmem:s10], [sflag:$0xB], $0xFA0, $0x38;
	[tilespmem:$0x1F0E0] =	vst v63  }
0x156: {  	s4 =	sld [smem:$0x7F4];
	_ =	sdelay $0x2  }
0x157: {  	[spmem:s4] =	stream.linear.scatter [tilespmem:s10], [sflag:$0xB], $0xFA0, $0x38;
	[tilespmem:$0x1F0E0] =	vst v63  }
0x158: {  	s4 =	sld [smem:$0x7F5];
	_ =	sdelay $0x2  }
0x159: {  	[spmem:s4] =	stream.linear.scatter [tilespmem:s10], [sflag:$0xB], $0xFA0, $0x38;
	[tilespmem:$0x1F0E0] =	vst v63  }
0x15a: {  	s4 =	sld [smem:$0x7F6];
	_ =	sdelay $0x2  }
0x15b: {  	[spmem:s4] =	stream.linear.scatter [tilespmem:s10], [sflag:$0xB], $0xFA0, $0x38;
	[tilespmem:$0x1F0E0] =	vst v63  }
0x15c: {  	s4 =	sld [smem:$0x7F7];
	_ =	sdelay $0x2  }
0x15d: {  	[spmem:s4] =	stream.linear.scatter [tilespmem:s10], [sflag:$0xB], $0xFA0, $0x38;
	[tilespmem:$0x1F0E0] =	vst v63  }
0x15e: {  	s4 =	sld [smem:$0x7F8];
	_ =	sdelay $0x2  }
0x15f: {  	[spmem:s4] =	stream.linear.scatter [tilespmem:s10], [sflag:$0xB], $0xFA0, $0x38;
	[tilespmem:$0x1F0E0] =	vst v63  }
0x160: {  	s4 =	sld [smem:$0x7F9];
	_ =	sdelay $0x2  }
0x161: {  	[spmem:s4] =	stream.linear.scatter [tilespmem:s10], [sflag:$0xB], $0xFA0, $0x38;
	[tilespmem:$0x1F0E0] =	vst v63  }
0x162: {  	s4 =	sld [smem:$0x7FA];
	_ =	sdelay $0x2  }
0x163: {  	[spmem:s4] =	stream.linear.scatter [tilespmem:s10], [sflag:$0xB], $0xFA0, $0x38;
	[tilespmem:$0x1F0E0] =	vst v63  }
0x164: {  	s4 =	sld [smem:$0x7FB];
	_ =	sdelay $0x2  }
0x165: {  	[spmem:s4] =	stream.linear.scatter [tilespmem:s10], [sflag:$0xB], $0xFA0, $0x38;
	[tilespmem:$0x1F0E0] =	vst v63  }
0x166: {  	s4 =	sld [smem:$0x7FC];
	_ =	sdelay $0x2  }
0x167: {  	[spmem:s4] =	stream.linear.scatter [tilespmem:s10], [sflag:$0xB], $0xFA0, $0x38;
	[tilespmem:$0x1F0E0] =	vst v63  }
0x168: {  	s4 =	sld [smem:$0x7FD];
	_ =	sdelay $0x2  }
0x169: {  	[spmem:s4] =	stream.linear.scatter [tilespmem:s10], [sflag:$0xB], $0xFA0, $0x38;
	[tilespmem:$0x1F0E0] =	vst v63  }
0x16a: {  	_ =	swait.ge [sflag:s11], $0xFA0  }
0x16b: {  	[sflag:s11] =	ssyncset.done $0x0  }
0x16c: {  	[sflag:s11] =	ssyncadd.s32 $0xFFFFF060  }
0x16d: {  	_ =	swait.ge [sflag:s11], $0xFA0  }
0x16e: {  	[sflag:s11] =	ssyncset.done $0x0  }
0x16f: {  	[sflag:s11] =	ssyncadd.s32 $0xFFFFF060  }
0x170: {  	_ =	swait.ge [sflag:s11], $0xFA0  }
0x171: {  	[sflag:s11] =	ssyncset.done $0x0  }
0x172: {  	[sflag:s11] =	ssyncadd.s32 $0xFFFFF060  }
0x173: {  	_ =	swait.ge [sflag:s11], $0xFA0  }
0x174: {  	[sflag:s11] =	ssyncset.done $0x0  }
0x175: {  	[sflag:s11] =	ssyncadd.s32 $0xFFFFF060  }
0x176: {  	_ =	swait.ge [sflag:s11], $0xFA0  }
0x177: {  	[sflag:s11] =	ssyncset.done $0x0  }
0x178: {  	[sflag:s11] =	ssyncadd.s32 $0xFFFFF060  }
0x179: {  	_ =	swait.ge [sflag:s11], $0xFA0  }
0x17a: {  	[sflag:s11] =	ssyncset.done $0x0  }
0x17b: {  	[sflag:s11] =	ssyncadd.s32 $0xFFFFF060  }
0x17c: {  	_ =	swait.ge [sflag:s11], $0xFA0  }
0x17d: {  	[sflag:s11] =	ssyncset.done $0x0  }
0x17e: {  	[sflag:s11] =	ssyncadd.s32 $0xFFFFF060  }
0x17f: {  	_ =	swait.ge [sflag:s11], $0xFA0  }
0x180: {  	[sflag:s11] =	ssyncset.done $0x0  }
0x181: {  	[sflag:s11] =	ssyncadd.s32 $0xFFFFF060  }
0x182: {  	_ =	swait.ge [sflag:s11], $0xFA0  }
0x183: {  	[sflag:s11] =	ssyncset.done $0x0  }
0x184: {  	[sflag:s11] =	ssyncadd.s32 $0xFFFFF060  }
0x185: {  	_ =	swait.ge [sflag:s11], $0xFA0  }
0x186: {  	[sflag:s11] =	ssyncset.done $0x0  }
0x187: {  	[sflag:s11] =	ssyncadd.s32 $0xFFFFF060  }
0x188: {  	_ =	swait.ge [sflag:s11], $0xFA0  }
0x189: {  	[sflag:s11] =	ssyncset.done $0x0  }
0x18a: {  	[sflag:s11] =	ssyncadd.s32 $0xFFFFF060  }
0x18b: {  	_ =	swait.ge [sflag:s11], $0xFA0  }
0x18c: {  	[sflag:s11] =	ssyncset.done $0x0  }
0x18d: {  	[sflag:s11] =	ssyncadd.s32 $0xFFFFF060  }
0x18e: {  	_ =	swait.ge [sflag:s11], $0xFA0  }
0x18f: {  	[sflag:s11] =	ssyncset.done $0x0  }
0x190: {  	[sflag:s11] =	ssyncadd.s32 $0xFFFFF060  }
0x191: {  	_ =	swait.ge [sflag:s11], $0xFA0  }
0x192: {  	[sflag:s11] =	ssyncset.done $0x0  }
0x193: {  	[sflag:s11] =	ssyncadd.s32 $0xFFFFF060  }
0x194: {  	_ =	swait.ge [sflag:s11], $0xFA0  }
0x195: {  	[sflag:s11] =	ssyncset.done $0x0  }
0x196: {  	[sflag:s11] =	ssyncadd.s32 $0xFFFFF060  }
0x197: {  	_ =	swait.ge [sflag:s11], $0xFA0  }
0x198: {  	[sflag:s11] =	ssyncset.done $0x0  }
0x199: {  	[sflag:s11] =	ssyncadd.s32 $0xFFFFF060  }
0x19a: {  	_ =	swait.ge [sflag:s11], $0xFA0  }
0x19b: {  	[sflag:s11] =	ssyncset.done $0x0  }
0x19c: {  	[sflag:s11] =	ssyncadd.s32 $0xFFFFF060  }
0x19d: {  	_ =	swait.ge [sflag:s11], $0xFA0  }
0x19e: {  	[sflag:s11] =	ssyncset.done $0x0  }
0x19f: {  	[sflag:s11] =	ssyncadd.s32 $0xFFFFF060  }
0x1a0: {  	_ =	swait.ge [sflag:s11], $0xFA0  }
0x1a1: {  	[sflag:s11] =	ssyncset.done $0x0  }
0x1a2: {  	[sflag:s11] =	ssyncadd.s32 $0xFFFFF060  }
0x1a3: {  	_ =	swait.ge [sflag:s11], $0xFA0  }
0x1a4: {  	[sflag:s11] =	ssyncset.done $0x0  }
0x1a5: {  	[sflag:s11] =	ssyncadd.s32 $0xFFFFF060  }
0x1a6: {  	_ =	swait.ge [sflag:s11], $0xFA0  }
0x1a7: {  	[sflag:s11] =	ssyncset.done $0x0  }
0x1a8: {  	[sflag:s11] =	ssyncadd.s32 $0xFFFFF060  }
0x1a9: {  	_ =	swait.ge [sflag:s11], $0xFA0  }
0x1aa: {  	[sflag:s11] =	ssyncset.done $0x0  }
0x1ab: {  	[sflag:s11] =	ssyncadd.s32 $0xFFFFF060  }
0x1ac: {  	_ =	swait.ge [sflag:s11], $0xFA0  }
0x1ad: {  	[sflag:s11] =	ssyncset.done $0x0  }
0x1ae: {  	[sflag:s11] =	ssyncadd.s32 $0xFFFFF060  }
0x1af: {  	_ =	swait.ge [sflag:s11], $0xFA0  }
0x1b0: {  	[sflag:s11] =	ssyncset.done $0x0  }
0x1b1: {  	[sflag:s11] =	ssyncadd.s32 $0xFFFFF060  }
0x1b2: {  	_ =	swait.ge [sflag:s11], $0xFA0  }
0x1b3: {  	[sflag:s11] =	ssyncset.done $0x0  }
0x1b4: {  	[sflag:s11] =	ssyncadd.s32 $0xFFFFF060  }
0x1b5: {  	s4 =	simm.s32 $0x5020;
	[bflag:$0x0] =	sbarrier.arrive $0xFFFF  }
.LBB2_7:
0x1b6: {  	_ =	swait.ge [sflag:s13], $0xFA0  }
0x1b7: {  	[sflag:s13] =	ssyncset.done $0x0  }
0x1b8: {  	s10 =	sadd.s32 $0xFFFFFE00, s4;
	[sflag:s13] =	ssyncadd.s32 $0xFFFFF060  }
0x1b9: {  	[spmem:s2] =	stream.indirect.scatter.add.f32 [tilespmem:s3], [sflag:$0x6], $0x20, s10, s14, $0xb8;
	[tilespmem:$0x1F0E0] =	vst v63  }
0x1ba: {  	_ =	swait.ge [sflag:s15], $0xFA0  }
0x1bb: {  	[sflag:s15] =	ssyncset.done $0x0  }
0x1bc: {  	s10 =	sadd.s32 $0xFFFFFE80, s4;
	[sflag:s15] =	ssyncadd.s32 $0xFFFFF060  }
0x1bd: {  	[spmem:s2] =	stream.indirect.scatter.add.f32 [tilespmem:s24], [sflag:$0x7], $0x20, s10, s14, $0xb8;
	[tilespmem:$0x1F0E0] =	vst v63  }
0x1be: {  	_ =	swait.ge [sflag:s16], $0xFA0  }
0x1bf: {  	[sflag:s16] =	ssyncset.done $0x0  }
0x1c0: {  	s10 =	sadd.s32 $0xFFFFFF00, s4;
	[sflag:s16] =	ssyncadd.s32 $0xFFFFF060  }
0x1c1: {  	[spmem:s2] =	stream.indirect.scatter.add.f32 [tilespmem:s7], [sflag:$0x8], $0x20, s10, s14, $0xb8;
	[tilespmem:$0x1F0E0] =	vst v63  }
0x1c2: {  	_ =	swait.ge [sflag:s17], $0xFA0  }
0x1c3: {  	[sflag:s17] =	ssyncset.done $0x0  }
0x1c4: {  	s10 =	sadd.s32 $0xFFFFFF80, s4;
	[sflag:s17] =	ssyncadd.s32 $0xFFFFF060  }
0x1c5: {  	[spmem:s2] =	stream.indirect.scatter.add.f32 [tilespmem:s8], [sflag:$0x9], $0x20, s10, s14, $0xb8;
	[tilespmem:$0x1F0E0] =	vst v63  }
0x1c6: {  	_ =	swait.ge [sflag:s18], $0xFA0  }
0x1c7: {  	p0 =	seq.s32 s0, $0x9C40;
	[sflag:s18] =	ssyncset.done $0x0  }
.Ltmp5:
0x1c8: {  	[sflag:s18] =	ssyncadd.s32 $0xFFFFF060;
	(pc) =	sbr.rel @p0 .LBB2_9-.Ltmp5, $4  }
0x1c9: {  	[spmem:s2] =	stream.indirect.scatter.add.f32 [tilespmem:s9], [sflag:$0xA], $0x20, s4, s14, $0xb8;
	[tilespmem:$0x1F0E0] =	vst v63  }
0x1ca: {  	_ =	swait.ge [sflag:s19], $0xFA0  }
0x1cb: {  	[sflag:s19] =	ssyncset.done $0x0  }
0x1cc: {  	[sflag:s19] =	ssyncadd.s32 $0xFFFFF060  }
0x1cd: {  	s10 =	sadd.s32 s0, s6  }
0x1ce: {  	[tilespmem:s3], [sflag:$0x1] =	stream.strided.gather [hbm4b:s10+s22], $0xFA0, s23, s22, $0x38;
	[tilespmem:$0x1F0E0] =	vst v63  }
0x1cf: {  	_ =	swait.ge [sflag:s25], $0xFA0  }
0x1d0: {  	[sflag:s25] =	ssyncset.done $0x0  }
0x1d1: {  	s10 =	sadd.s32 s0, s5;
	[sflag:s25] =	ssyncadd.s32 $0xFFFFF060  }
0x1d2: {  	[tilespmem:s24], [sflag:$0x2] =	stream.strided.gather [hbm4b:s10+s22], $0xFA0, s23, s22, $0x38;
	[tilespmem:$0x1F0E0] =	vst v63  }
0x1d3: {  	_ =	swait.ge [sflag:s26], $0xFA0  }
0x1d4: {  	[sflag:s26] =	ssyncset.done $0x0;
	s10 =	rddreg [dreg:$0x1c]  }
0x1d5: {  	[sflag:s26] =	ssyncadd.s32 $0xFFFFF060;
	s10 =	sadd.s32 s0, s10  }
0x1d6: {  	[tilespmem:s7], [sflag:$0x3] =	stream.strided.gather [hbm4b:s10+s22], $0xFA0, s23, s22, $0x38;
	[tilespmem:$0x1F0E0] =	vst v63  }
0x1d7: {  	_ =	swait.ge [sflag:s28], $0xFA0  }
0x1d8: {  	[sflag:s28] =	ssyncset.done $0x0;
	s10 =	rddreg [dreg:$0x1e]  }
0x1d9: {  	[sflag:s28] =	ssyncadd.s32 $0xFFFFF060;
	s10 =	sadd.s32 s0, s10  }
0x1da: {  	[tilespmem:s8], [sflag:$0x4] =	stream.strided.gather [hbm4b:s10+s22], $0xFA0, s23, s22, $0x38;
	[tilespmem:$0x1F0E0] =	vst v63  }
.Ltmp6:
0x1db: {  	_ = 	snop;
	(pc) =	sbr.rel .LBB2_7-.Ltmp6, $4  }
0x1dc: {  	_ =	swait.ge [sflag:s29], $0xFA0  }
0x1dd: {  	s4 =	sadd.s32 $0x280, s4;
	[sflag:s29] =	ssyncset.done $0x0;
	s10 =	rddreg [dreg:$0x1b]  }
0x1de: {  	[sflag:s29] =	ssyncadd.s32 $0xFFFFF060;
	s10 =	sadd.s32 s0, s10;
	s0 =	sadd.s32 $0x2710, s0  }
0x1df: {  	[tilespmem:s9], [sflag:$0x5] =	stream.strided.gather [hbm4b:s10+s22], $0xFA0, s23, s22, $0x38;
	[tilespmem:$0x1F0E0] =	vst v63  }
.LBB2_10:
0x1e0: {  	_ =	sfence.sel $0x180000  }
0x1e1: {  	[bflag:$0x0] =	sbarrier.arrive $0xFFFF  }
0x1e2: {  	_ =	strace $0x9000004A  }
0x1e3: {  	s0 =	stileid.u32;
	[bflag:$0x2] =	sbarrier.arrive $0xFFFF  }
0x1e4: {  	p0 =	sne.s32 s0, $0x0;
	s0 =	rddreg [dreg:$0x2]  }
0x1e5: {  	s0 =	sadd.s32 @!p0 $0x100000, s0  }
0x1e6: {  	[sflag:s0] =	ssyncadd.tile.s32 @!p0 $0x1;
	_ =	shalt  }
.Lfunc_end2:
_tile_overlayer_lowered:
.L_overlay_start_2:
0x1e7: {  	(tag) =	ssettag $0x2  }
0x1e8: {  	s0 =	rddreg [dreg:$0x0];
	s2 =	stileid.u32  }
0x1e9: {  	s1 =	rddreg [dreg:$0x1];
	p0 =	sne.s32 s2, $0x0  }
0x1ea: {  	s3 =	rddreg [dreg:$0x2];
	[bflag:$0x3] =	sbarrier.arrive $0xFFFF;
	s2 =	simm.s32 @!p0 $0x1C0D  }
0x1eb: {  	[timem:s3], [sflag:s2] =	dma.local @!p0 [hbm:s0], s1  }
0x1ec: {  	s0 =	simm.s32 @!p0 $0xD  }
0x1ed: {  	_ =	swait.ge @!p0 [sflag:s0], s1  }
0x1ee: {  	s1 =	ssub.s32 @!p0 $0x0, s1;
	[sflag:s0] =	ssyncset.done @!p0 $0x0  }
0x1ef: {  	[sflag:s0] =	ssyncadd.s32 @!p0 s1  }
0x1f0: {  	[bflag:$0x3] =	sbarrier.arrive $0xFFFF  }
0x1f1: {  	_ =	shalt  }

// kernel: kernel.7.cloned.1.call-start
scs
__scs_entry_jumppad:
0x0: {  	(pc) =	sbr.rel $0x88, $3  }
0x1: {  	(tag) =	ssettag $0x0;
	lr =	simm.s32 $0x1  }
0x2: {  	[smem:$0x3F9D] =	sst lr;
	_ =	strace $0xD0000000  }
0x3: {  	_ = 	snop  }
0x4: {  	_ = 	snop  }
0x5: {  	_ = 	snop  }
0x6: {  	_ = 	snop  }
0x7: {  	_ = 	snop  }
__scs_overlays_trampoline_lowered:
0x8: {  	[smem:$0x3FAC] =	sst s0  }
0x9: {  	[smem:$0x3FAD] =	sst s1  }
0xa: {  	[smem:$0x3FAE] =	sst s2  }
0xb: {  	[smem:$0x3FAF] =	sst s3  }
0xc: {  	[smem:$0x3FB0] =	sst s4  }
0xd: {  	[smem:$0x3FB1] =	sst s5  }
0xe: {  	[smem:$0x3FB2] =	sst s6  }
0xf: {  	[smem:$0x3FB3] =	sst s7  }
0x10: {  	[smem:$0x3FB4] =	sst s8  }
0x11: {  	[smem:$0x3FB5] =	sst s9;
	s0 =	simm.s32 @!p0 $0x0  }
0x12: {  	s1 =	sld [smem:$0x3F9B];
	s0 =	simm.s32 @p0 $0x1  }
0x13: {  	[smem:$0x3FB6] =	sst s0;
	s0 =	simm.s32 @!p1 $0x0  }
0x14: {  	s2 =	sld [smem:$0x3F9A];
	s0 =	simm.s32 @p1 $0x1  }
0x15: {  	[smem:$0x3FB7] =	sst s0;
	s0 =	simm.s32 @!p2 $0x0  }
0x16: {  	s3 =	sld [smem:$0x3FDB];
	s0 =	simm.s32 @p2 $0x1  }
0x17: {  	s4 =	simm.s32 $0x1BF5;
	[smem:$0x3FB9] =	sst s0  }
0x18: {  	s0 =	sld [smem:$0x3F9C];
	_ =	swait.ge [sflag:s4], $0x0  }
0x19: {  	s7 =	sld [smem:$0x3F9D]  }
0x1a: {  	s8 =	sadd.s32 $0xFFFFE003, lr  }
0x1b: {  	s9 =	sadd.s32 $0xFFFFFEF7, lr;
	s5 =	simm.s32 $0xFFFFFFFF;
	p2 =	slt.u32 s8, $0xFFFFF086  }
0x1c: {  	p1 =	slt.u32 s9, $0xF7A;
	s5 =	simm.s32 @!p2 $0x0  }
0x1d: {  	s5 =	simm.s32 @p1 $0x1;
	p0 =	seq.s32 s7, s2  }
0x1e: {  	s7 =	smul.u32 @!p0 $0xF7A, s2;
	p2 =	seq.s32 @!p0 s5, $0x0  }
0x1f: {  	s9 =	smul.u32 $0xF7A, s1;
	s8 =	simm.s32 @!p0 $0x1BF5;
	p2 =	por !p2, p0  }
0x20: {  	[sflag:s8] =	ssyncset.s32 @!p0 $0xFFFFF086;
	s6 =	sadd.s32 @!p0 s3, s7;
	s7 =	simm.s32 @!p0 $0x108  }
0x21: {  	s3 =	sadd.s32 s3, s9;
	s6 =	sadd.s32 @!p0 $0x88, s6;
	s7 =	simm.s32 @p2 $0x1082  }
0x22: {  	[simem:s7], [sflag:s8] =	dma.local @!p0 [hbm:s6], $0xF7A  }
0x23: {  	s9 =	sor.u32 $0xD0000000, s2;
	s6 =	simm.s32 $0x108;
	_ =	swait.ge @!p0 [sflag:s8], $0x0  }
0x24: {  	s3 =	sadd.s32 $0x88, s3;
	s6 =	simm.s32 @!p1 $0x1082;
	[sflag:s4] =	ssyncset.s32 $0xFFFFF086  }
0x25: {  	[simem:s6], [sflag:s4] =	dma.local [hbm:s3], $0xF7A  }
0x26: {  	[smem:$0x3F9D] =	sst s1;
	(tag) =	ssettag s2;
	_ =	strace s9  }
0x27: {  	s1 =	sld [smem:$0x3FAD]  }
0x28: {  	s2 =	sld [smem:$0x3FAE]  }
0x29: {  	s4 =	sld [smem:$0x3FB0]  }
0x2a: {  	p0 =	seq.s32 s5, $0x0;
	s5 =	sld [smem:$0x3FB1]  }
0x2b: {  	s6 =	sld [smem:$0x3FB2]  }
0x2c: {  	s7 =	sld [smem:$0x3FB3]  }
0x2d: {  	s3 =	simm.s32 $0x108;
	s8 =	sld [smem:$0x3FB4]  }
0x2e: {  	s3 =	simm.s32 @!p0 $0x1082;
	s9 =	sld [smem:$0x3FB5]  }
0x2f: {  	lr =	sadd.s32 s0, s3;
	s0 =	sld [smem:$0x3FAC]  }
0x30: {  	s3 =	sld [smem:$0x3FAF]  }
0x31: {  	[smem:$0x3FB8] =	sst s10  }
0x32: {  	s10 =	sld [smem:$0x3FB6];
	_ =	sdelay $0x3  }
0x33: {  	p0 =	seq.s32 s10, $0x1;
	s10 =	sld [smem:$0x3FB8];
	_ =	sdelay $0x3  }
0x34: {  	[smem:$0x3FB8] =	sst s10  }
0x35: {  	s10 =	sld [smem:$0x3FB7];
	_ =	sdelay $0x3  }
0x36: {  	p1 =	seq.s32 s10, $0x1;
	s10 =	sld [smem:$0x3FB8];
	_ =	sdelay $0x3  }
0x37: {  	[smem:$0x3FB8] =	sst s10  }
0x38: {  	s10 =	sld [smem:$0x3FB9]  }
0x39: {  	_ = 	snop;
	(pc) =	sbr.ind lr, $3  }
0x3a: {  	_ = 	snop  }
0x3b: {  	_ = 	snop  }
0x3c: {  	p2 =	seq.s32 s10, $0x1;
	s10 =	sld [smem:$0x3FB8]  }
0x3d: {  	_ =	shalt  }
0x3e: {  	_ =	shalt  }
0x3f: {  	_ =	shalt  }
0x40: {  	_ =	shalt  }
0x41: {  	_ =	shalt  }
0x42: {  	_ =	shalt  }
0x43: {  	_ =	shalt  }
0x44: {  	_ =	shalt  }
0x45: {  	_ =	shalt  }
0x46: {  	_ =	shalt  }
0x47: {  	_ =	shalt  }
0x48: {  	_ =	shalt  }
0x49: {  	_ =	shalt  }
0x4a: {  	_ =	shalt  }
0x4b: {  	_ =	shalt  }
0x4c: {  	_ =	shalt  }
0x4d: {  	_ =	shalt  }
0x4e: {  	_ =	shalt  }
0x4f: {  	_ =	shalt  }
0x50: {  	_ =	shalt  }
0x51: {  	_ =	shalt  }
0x52: {  	_ =	shalt  }
0x53: {  	_ =	shalt  }
0x54: {  	_ =	shalt  }
0x55: {  	_ =	shalt  }
0x56: {  	_ =	shalt  }
0x57: {  	_ =	shalt  }
0x58: {  	_ =	shalt  }
0x59: {  	_ =	shalt  }
0x5a: {  	_ =	shalt  }
0x5b: {  	_ =	shalt  }
0x5c: {  	_ =	shalt  }
0x5d: {  	_ =	shalt  }
0x5e: {  	_ =	shalt  }
0x5f: {  	_ =	shalt  }
0x60: {  	_ =	shalt  }
0x61: {  	_ =	shalt  }
0x62: {  	_ =	shalt  }
0x63: {  	_ =	shalt  }
0x64: {  	_ =	shalt  }
0x65: {  	_ =	shalt  }
0x66: {  	_ =	shalt  }
0x67: {  	_ =	shalt  }
0x68: {  	_ =	shalt  }
0x69: {  	_ =	shalt  }
0x6a: {  	_ =	shalt  }
0x6b: {  	_ =	shalt  }
0x6c: {  	_ =	shalt  }
0x6d: {  	_ =	shalt  }
0x6e: {  	_ =	shalt  }
0x6f: {  	_ =	shalt  }
0x70: {  	_ =	shalt  }
0x71: {  	_ =	shalt  }
0x72: {  	_ =	shalt  }
0x73: {  	_ =	shalt  }
0x74: {  	_ =	shalt  }
0x75: {  	_ =	shalt  }
0x76: {  	_ =	shalt  }
0x77: {  	_ =	shalt  }
0x78: {  	_ =	shalt  }
0x79: {  	_ =	shalt  }
0x7a: {  	_ =	shalt  }
0x7b: {  	_ =	shalt  }
0x7c: {  	_ =	shalt  }
0x7d: {  	_ =	shalt  }
0x7e: {  	_ =	shalt  }
0x7f: {  	_ =	shalt  }
0x80: {  	_ =	shalt  }
0x81: {  	_ =	shalt  }
0x82: {  	_ =	shalt  }
0x83: {  	_ =	shalt  }
0x84: {  	_ =	shalt  }
0x85: {  	_ =	shalt  }
0x86: {  	_ =	shalt  }
0x87: {  	_ =	shalt  }
.Lfunc_end0:
.L_simem_size_0:
called_computation_lowered:
.L_overlay_start_0:
0x88: {  	s2 =	sld [smem:$0x3FD9]  }
0x89: {  	s3 =	sld [smem:$0x3FFE];
	_ =	sdelay $0x1  }
0x8a: {  	s1 =	srdreg.scid  }
0x8b: {  	s0 =	sand.u32 $0x1, s1  }
0x8c: {  	s17 =	sshll.u32 s0, $0xA;
	s2 =	sadd.s32 s3, s2  }
0x8d: {  	s2 =	sadd.s32 s2, s17  }
0x8e: {  	[smem:$0x3FC4] =	sst s2  }
0x8f: {  	_ = 	snop  }
0x90: {  	s2 =	sld [smem:$0x3FD0];
	(tm) =	ssettm $0x1  }
0x91: {  	s18 =	sld [smem:$0x3FFB];
	_ =	sdelay $0x3  }
0x92: {  	_ =	strace s18  }
0x93: {  	s3 =	sld [smem:$0x3FFC];
	_ =	sdelay $0x3  }
0x94: {  	_ =	strace s3  }
0x95: {  	s3 =	sld [smem:$0x3FFD];
	_ =	sdelay $0x3  }
0x96: {  	_ =	strace s3  }
0x97: {  	_ =	strace $0x8FFFFFFF  }
0x98: {  	s19 =	sld [smem:$0x3FDB];
	_ =	sdelay $0x1  }
0x99: {  	s4 =	simm.s32 $_scs_section_size  }
0x9a: {  	s5 =	simm.s32 $_size__tile_overlayer_lowered;
	s6 =	simm.s32 $_tile_overlayer_lowered  }
0x9b: {  	s22 =	simm.s32 $0x1BFF;
	s21 =	sshll.u32 s6, $0x1;
	s3 =	sadd.s32 s4, s19  }
0x9c: {  	s7 =	simm.s32 $0x0;
	s20 =	sshll.u32 s5, $0x1;
	s5 =	sadd.s32 s21, s3  }
0x9d: {  	[timem:s7], [sflag:s22] =	dma.local [hbm:s5], s20  }
0x9e: {  	_ =	swait.ge [sflag:s22], s20  }
0x9f: {  	s4 =	ssub.s32 $0x0, s20;
	[sflag:s22] =	ssyncset.done $0x0  }
0xa0: {  	[sflag:s22] =	ssyncadd.s32 s4;
	_ =	sdelay $0x1  }
0xa1: {  	s23 =	simm.s32 $0x1B8B  }
0xa2: {  	_ =	swait.ge [sflag:s23], $0x1  }
0xa3: {  	[sflag:s23] =	ssyncset.done $0x0  }
0xa4: {  	s25 =	simm.s32 $0x1B8E;
	s24 =	sld [smem:$0x3FFE];
	[sflag:s23] =	ssyncadd.s32 $0xFFFFFFFF  }
0xa5: {  	s26 =	simm.s32 $execute0_lowered;
	[smem:$0x3FD2] =	sst s25  }
0xa6: {  	s5 =	sshll.u32 s26, $0x1;
	_ =	strace $0x80000046;
	[dreg:$0x1] =	wrdreg $0xFFFFFFFF  }
0xa7: {  	s28 =	simm.s32 $_size_execute0_lowered;
	s3 =	sadd.s32 s3, s5;
	[dreg:$0x0] =	wrdreg $0x0  }
0xa8: {  	s5 =	sshll.u32 s28, $0x1;
	[dreg:$0x2] =	wrdreg s3  }
0xa9: {  	[dreg:$0x3] =	wrdreg s5  }
0xaa: {  	[dreg:$0x4] =	wrdreg $0xC0  }
0xab: {  	_ =	task [dreg:s7], $0x5FFFF  }
0xac: {  	[dreg:$0x1] =	wrdreg $0xFFFFFFFF  }
0xad: {  	[dreg:$0x0] =	wrdreg $0x60  }
0xae: {  	[dreg:$0x2] =	wrdreg s2  }
0xaf: {  	[dreg:$0x3] =	wrdreg s24  }
0xb0: {  	[dreg:$0x4] =	wrdreg $0x6A400  }
0xb1: {  	[dreg:$0x5] =	wrdreg $0x9  }
0xb2: {  	_ =	task.clear_ibuf [dreg:s7], $0x6FFFF;
	_ =	strace $0x90000046  }
0xb3: {  	s29 =	simm.s32 $0x9;
	_ =	strace $0x80000048  }
0xb4: {  	_ =	swait.ge [sflag:s29], $0x1  }
0xb5: {  	[sflag:s29] =	ssyncadd.s32 $0xFFFFFFFF  }
0xb6: {  	_ =	strace $0x90000048  }
0xb7: {  	_ =	sfence  }
0xb8: {  	s30 =	sld [smem:$0x0];
	_ =	sdelay $0x2  }
0xb9: {  	s31 =	sshll.u32 s1, $0xD;
	s1 =	sshrl.u32 s1, $0x2  }
0xba: {  	s3 =	sand.u32 $0x4000, s31;
	s1 =	sadd.s32 s1, s30  }
0xbb: {  	s0 =	sor.u32 s3, s0;
	s1 =	sshll.u32 s1, $0x11  }
0xbc: {  	s0 =	sor.u32 s1, s0  }
0xbd: {  	s0 =	sadd.s32 $0x8F2B, s0  }
0xbe: {  	[sflag:s0] =	ssyncadd.remote.s32 $0x1  }
0xbf: {  	_ =	sfence.sel $0xFFFF  }
0xc0: {  	[dreg:$0x0] =	wrdreg $0xFFFFFFFF;
	(pc) =	sbr.abs _section_cstart, $3  }
0xc1: {  	[dreg:$0x1] =	wrdreg $0xFFFFFFFF  }
0xc2: {  	_ =	task.clear_ibuf [dreg:s7], $0x2FFFF;
	_ =	strace $0x9FFFFFFF  }
0xc3: {  	(tm) =	ssettm $0x7FFFFFFF  }
tec
execute0_lowered:
.L_overlay_start_1:
0x0: {  	(tag) =	ssettag $0x1  }
0x1: {  	s15 =	rddreg [dreg:$0x0]  }
0x2: {  	s0 =	rddreg [dreg:$0x1]  }
0x3: {  	s3 =	rddreg [dreg:$0x2];
	s4 =	simm.s32 $0x0  }
0x4: {  	s16 =	stileid.u32;
	s2 =	srdreg.scid;
	s28 =	simm.s32 $0x9  }
0x5: {  	s29 =	simm.s32 $0xA;
	[smem:$0x7FF] =	sst s4;
	s1 =	smul.u32 $0x190, s16  }
0x6: {  	s5 =	smul.u32 $0x61A80, s16;
	s6 =	sadd.s32 $0x2600, s0;
	s25 =	sand.u32 $0x1, s2  }
0x7: {  	s22 =	smul.u32 $0x186A0, s16;
	_ =	strace $0x80000047;
	s2 =	ssub.s32 $0x2, s25  }
0x8: {  	s7 =	sshll.u32 s25, $0x6;
	s1 =	sadd.s32 s1, s0;
	s8 =	sadd.s32 $0x3E80, s5  }
0x9: {  	s9 =	sshrl.u32 s2, $0x1;
	s0 =	sor.u32 s7, s5;
	s18 =	sadd.s32 $0x7D00, s5  }
0xa: {  	s19 =	sadd.s32 $0xBB80, s5;
	s11 =	sadd.s32 $0xFA00, s5;
	s23 =	sshrl.u32 s5, $0x2  }
0xb: {  	s10 =	sor.u32 s7, s8;
	s2 =	ssub.s32 s2, s9;
	s26 =	sshrl.u32 s0, $0x3  }
0xc: {  	s1 =	sadd.s32 $0xC00, s1;
	s12 =	sor.u32 s7, s18;
	s13 =	sor.u32 s7, s19  }
0xd: {  	s16 =	sadd.s32 $0x17700, s0;
	s10 =	sshrl.u32 s10, $0x3;
	[dreg:$0x4] =	wrdreg s1  }
0xe: {  	s14 =	sadd.s32 s15, s26;
	s12 =	sshrl.u32 s12, $0x3;
	s13 =	sshrl.u32 s13, $0x3  }
0xf: {  	s9 =	sadd.s32 s6, s26;
	s2 =	smax.u32 s2, $0x1;
	[dreg:$0x5] =	wrdreg s14  }
0x10: {  	s17 =	sadd.s32 s15, s10;
	s14 =	sor.u32 s7, s11;
	[dreg:$0xa] =	wrdreg s9  }
0x11: {  	s12 =	sadd.s32 s15, s12;
	s20 =	sadd.s32 s15, s13;
	[dreg:$0x12] =	wrdreg s2  }
0x12: {  	s7 =	sor.u32 $0x20, s7;
	s10 =	sadd.s32 $0x23280, s0;
	[dreg:$0x6] =	wrdreg s17  }
0x13: {  	s13 =	sadd.s32 $0x1B580, s0;
	s14 =	sshrl.u32 s14, $0x3;
	[dreg:$0x7] =	wrdreg s12  }
0x14: {  	[dreg:$0x8] =	wrdreg s20;
	s5 =	sor.u32 s5, s7;
	s8 =	sor.u32 s7, s8  }
0x15: {  	s20 =	sadd.s32 s23, s3;
	s1 =	sor.u32 s7, s18;
	s25 =	sor.u32 s7, s19  }
0x16: {  	s7 =	sor.u32 s7, s11;
	s12 =	sshrl.u32 s10, $0x3;
	s18 =	sshrl.u32 s16, $0x3  }
0x17: {  	s19 =	sadd.s32 $0x232A0, s0;
	s21 =	sadd.s32 s15, s14;
	[dreg:$0xb] =	wrdreg s20  }
0x18: {  	s26 =	sshrl.u32 s25, $0x3;
	s25 =	sadd.s32 $0x13880, s0;
	[dreg:$0x9] =	wrdreg s21  }
0x19: {  	s5 =	sshrl.u32 s5, $0x3;
	s10 =	sadd.s32 $0x3E80, s20;
	[dreg:$0x1e] =	wrdreg s25  }
0x1a: {  	s8 =	sshrl.u32 s8, $0x3;
	s16 =	sadd.s32 $0xEA60, s20;
	[smem:$0x7EE] =	sst s10  }
0x1b: {  	s1 =	sshrl.u32 s1, $0x3;
	s24 =	sadd.s32 s15, s5;
	[smem:$0x7F4] =	sst s16  }
0x1c: {  	s7 =	sshrl.u32 s7, $0x3;
	s8 =	sadd.s32 s15, s8;
	[dreg:$0xc] =	wrdreg s24  }
0x1d: {  	s14 =	sadd.s32 $0x1F400, s0;
	s1 =	sadd.s32 s15, s1;
	[dreg:$0xd] =	wrdreg s8  }
0x1e: {  	s7 =	sadd.s32 s15, s7;
	s5 =	sadd.s32 s6, s5;
	[dreg:$0xe] =	wrdreg s1  }
0x1f: {  	s2 =	sshrl.u32 s14, $0x3;
	s21 =	sadd.s32 $0x1B5A0, s0;
	[dreg:$0x10] =	wrdreg s7  }
0x20: {  	s14 =	sadd.s32 $0xCB20, s20;
	s25 =	sadd.s32 $0x16760, s20;
	[dreg:$0x11] =	wrdreg s5  }
0x21: {  	s16 =	simm.s32 $0x3;
	s10 =	simm.s32 $0x0;
	[smem:$0x7F2] =	sst s14  }
0x22: {  	s1 =	sadd.s32 s15, s26;
	s8 =	sadd.s32 s3, s22;
	[smem:$0x7FC] =	sst s25  }
0x23: {  	s17 =	sadd.s32 s2, s15;
	s2 =	sshrl.u32 s21, $0x3;
	[dreg:$0xf] =	wrdreg s1  }
0x24: {  	s22 =	sadd.s32 $0x1F420, s0;
	s7 =	sadd.s32 $0xFA0, s20;
	[dreg:$0x1a] =	wrdreg s17  }
0x25: {  	s26 =	sadd.s32 $0x17720, s0;
	s21 =	sadd.s32 $0x128E0, s20;
	[dreg:$0x1f] =	wrdreg s7  }
0x26: {  	s0 =	sadd.s32 $0x138A0, s0;
	s9 =	sadd.s32 $0x6D60, s8;
	[smem:$0x7F8] =	sst s21  }
0x27: {  	s14 =	simm.s32 $0x7D;
	s11 =	sadd.s32 $0x7D00, s8;
	[dreg:$0x15] =	wrdreg s9  }
0x28: {  	s25 =	simm.s32 $0x7;
	s1 =	sadd.s32 $0x8CA0, s8;
	[dreg:$0x16] =	wrdreg s11  }
0x29: {  	s30 =	sadd.s32 $0x4E20, s8;
	s23 =	sadd.s32 s2, s15;
	[dreg:$0x17] =	wrdreg s1  }
0x2a: {  	s31 =	sadd.s32 $0x5DC0, s8;
	s8 =	sadd.s32 $0x1F40, s20;
	[dreg:$0x1d] =	wrdreg s23  }
0x2b: {  	s24 =	sshrl.u32 s22, $0x3;
	s17 =	sadd.s32 $0xFA00, s20;
	[smem:$0x7EC] =	sst s8  }
0x2c: {  	s6 =	sshrl.u32 s26, $0x3;
	s22 =	sadd.s32 $0x13880, s20;
	[smem:$0x7F5] =	sst s17  }
0x2d: {  	s0 =	sshrl.u32 s0, $0x3;
	s26 =	sadd.s32 $0x17700, s20;
	[smem:$0x7F9] =	sst s22  }
0x2e: {  	s7 =	simm.s32 $0x1F40;
	s1 =	sadd.s32 s12, s15;
	[smem:$0x7FD] =	sst s26  }
0x2f: {  	s2 =	sadd.s32 s24, s15;
	s5 =	sadd.s32 s6, s15;
	[dreg:$0x13] =	wrdreg s30  }
0x30: {  	s6 =	sadd.s32 s0, s15;
	s9 =	sadd.s32 $0x2EE0, s20;
	[dreg:$0x14] =	wrdreg s31  }
0x31: {  	s11 =	sadd.s32 $0x9C40, s20;
	s12 =	sadd.s32 $0xABE0, s20;
	[dreg:$0x18] =	wrdreg s1  }
0x32: {  	s23 =	sadd.s32 $0x14820, s20;
	s24 =	sadd.s32 $0x157C0, s20;
	[smem:$0x7ED] =	sst s9  }
0x33: {  	s22 =	simm.s32 $0x20;
	s8 =	simm.s32 $0x2EE0;
	[smem:$0x7EF] =	sst s11  }
0x34: {  	s17 =	simm.s32 $0x4;
	s26 =	simm.s32 $0x8;
	[smem:$0x7F0] =	sst s12  }
0x35: {  	s1 =	sshrl.u32 s13, $0x3;
	s13 =	sadd.s32 $0xBB80, s20;
	[smem:$0x7FA] =	sst s23  }
0x36: {  	[smem:$0x7FB] =	sst s24;
	s23 =	simm.s32 $0x80;
	s24 =	simm.s32 $0xFA0  }
0x37: {  	s9 =	simm.s32 $0x3E80;
	s1 =	sadd.s32 s1, s15;
	[smem:$0x7F1] =	sst s13  }
0x38: {  	s11 =	simm.s32 $0xB;
	[dreg:$0x19] =	wrdreg s1;
	s1 =	sadd.s32 s18, s15  }
.Ltmp0:
0x39: {  	s18 =	sadd.s32 $0x109A0, s20;
	[dreg:$0x1b] =	wrdreg s1;
	(pc) =	sbr.rel .LBB2_1-.Ltmp0, $4  }
0x3a: {  	s1 =	sshrl.u32 s19, $0x3;
	[smem:$0x7F6] =	sst s18;
	s19 =	sadd.s32 $0x11940, s20  }
0x3b: {  	s13 =	simm.s32 $0x1;
	s1 =	sadd.s32 s1, s15;
	[smem:$0x7F7] =	sst s19  }
0x3c: {  	s18 =	simm.s32 $0x5;
	s15 =	sadd.s32 $0xDAC0, s20;
	[dreg:$0x1c] =	wrdreg s1  }
0x3d: {  	v0 =	vimm.f32 $0.0e+00;
	s19 =	simm.s32 $0x6;
	[smem:$0x7F3] =	sst s15;
	s15 =	simm.s32 $0x2  }
.LBB2_9:
0x3e: {  	_ =	swait.ge [sflag:s25], $0xFA0  }
0x3f: {  	[sflag:s25] =	ssyncset.done $0x0  }
0x40: {  	[sflag:s25] =	ssyncadd.s32 $0xFFFFF060  }
0x41: {  	_ =	swait.ge [sflag:s26], $0xFA0  }
0x42: {  	[sflag:s26] =	ssyncset.done $0x0  }
0x43: {  	[sflag:s26] =	ssyncadd.s32 $0xFFFFF060  }
0x44: {  	_ =	swait.ge [sflag:s28], $0xFA0  }
0x45: {  	[sflag:s28] =	ssyncset.done $0x0  }
0x46: {  	[sflag:s28] =	ssyncadd.s32 $0xFFFFF060  }
0x47: {  	_ =	swait.ge [sflag:s29], $0xFA0  }
0x48: {  	[sflag:s29] =	ssyncset.done $0x0  }
0x49: {  	[sflag:s29] =	ssyncadd.s32 $0xFFFFF060  }
0x4a: {  	[bflag:$0x0] =	sbarrier.arrive $0xFFFF  }
0x4b: {  	s1 =	simm.s32 $0x10;
	s0 =	rddreg [dreg:$0x11]  }
0x4c: {  	[hbm:s0@s1], [sflag:s21] =	dma.strided [spmem:s12@s17], $0x30D4, s13, $0x4   }
0x4d: {  	s12 =	simm.s32 $0xC  }
0x4e: {  	_ =	swait.ge [sflag:s12], $0x30D4  }
0x4f: {  	s10 =	sld [smem:$0x7EB];
	_ =	sdelay $0x2  }
0x50: {  	s21 =	rddreg [dreg:$0x12];
	s10 =	sadd.s32 $0x1, s10  }
0x51: {  	p0 =	sne.s32 s10, s21  }
.Ltmp1:
0x52: {  	_ = 	snop;
	(pc) =	sbr.rel @!p0 .LBB2_10-.Ltmp1, $3  }
0x53: {  	_ =	sdelay $0x1  }
0x54: {  	[sflag:s12] =	ssyncset.done $0x0  }
0x55: {  	[sflag:s12] =	ssyncadd.s32 $0xFFFFCF2C  }
.LBB2_1:
0x56: {  	s0 =	rddreg [dreg:$0x4];
	s1 =	simm.s32 $0x4E20  }
0x57: {  	[tilespmem:s1], [sflag:$0xD] =	stream.linear.gather [hbm4b:s0+s4], $0xC80, $0x38;
	[tilespmem:$0x1F0E0] =	vst v63  }
0x58: {  	[smem:$0x7EB] =	sst s10;
	s0 =	simm.s32 $0xD  }
0x59: {  	s10 =	sand.u32 $0x3F80, s4;
	s12 =	sand.u32 $0x10, s4;
	_ =	swait.ge [sflag:s0], $0xC80  }
0x5a: {  	s21 =	sshrl.u32 s10, $0x2;
	s1 =	simm.s32 $0x0;
	[sflag:s0] =	ssyncset.done $0x0  }
0x5b: {  	s10 =	sor.u32 s12, s21;
	[sflag:s0] =	ssyncadd.s32 $0xFFFFF380;
	s0 =	simm.s32 $0x40  }
.LBB2_2:
0x5c: {  	p0 =	sne.s32 s0, $0x3E40  }
0x5d: {  	[tilespmem:s10+$0x5AA0] =	vst v0;
	s1 =	sadd.s32 $0x10, s1;
	s10 =	smov.u32 s0;
	s0 =	sadd.s32 $0x40, s0  }
.Ltmp2:
0x5e: {  	(pc) =	sbr.rel @p0 .LBB2_2-.Ltmp2, $4  }
0x5f: {  	_ = 	snop  }
0x60: {  	s10 =	sand.u32 $0x3F80, s10  }
0x61: {  	s12 =	sand.u32 $0x10, s1;
	s10 =	sshrl.u32 s10, $0x2  }
0x62: {  	s10 =	sor.u32 s12, s10  }
0x63: {  	[tilespmem:s10+$0x5AA0] =	vst v0;
	s12 =	simm.s32 $0x0;
	s0 =	rddreg [dreg:$0x5]  }
0x64: {  	[tilespmem:s12], [sflag:$0x1] =	stream.strided.gather [hbm4b:s0+s22], $0xFA0, s23, s22, $0x38;
	[tilespmem:$0x1F0E0] =	vst v63  }
0x65: {  	s10 =	rddreg [dreg:$0x6]  }
0x66: {  	[tilespmem:s24], [sflag:$0x2] =	stream.strided.gather [hbm4b:s10+s22], $0xFA0, s23, s22, $0x38;
	[tilespmem:$0x1F0E0] =	vst v63  }
0x67: {  	s21 =	rddreg [dreg:$0x7]  }
0x68: {  	[tilespmem:s7], [sflag:$0x3] =	stream.strided.gather [hbm4b:s21+s22], $0xFA0, s23, s22, $0x38;
	[tilespmem:$0x1F0E0] =	vst v63  }
0x69: {  	s1 =	rddreg [dreg:$0x8]  }
0x6a: {  	[tilespmem:s8], [sflag:$0x4] =	stream.strided.gather [hbm4b:s1+s22], $0xFA0, s23, s22, $0x38;
	[tilespmem:$0x1F0E0] =	vst v63  }
0x6b: {  	s10 =	rddreg [dreg:$0x9]  }
0x6c: {  	[tilespmem:s9], [sflag:$0x5] =	stream.strided.gather [hbm4b:s10+s22], $0xFA0, s23, s22, $0x38;
	[tilespmem:$0x1F0E0] =	vst v63  }
0x6d: {  	s21 =	sld [smem:$0x7EC];
	s1 =	simm.s32 $0x5AA0  }
0x6e: {  	[spmem:s20] =	stream.linear.scatter [tilespmem:s1], [sflag:$0xB], $0xFA0, $0x38;
	[tilespmem:$0x1F0E0] =	vst v63  }
0x6f: {  	s20 =	rddreg [dreg:$0x1f]  }
0x70: {  	[spmem:s20] =	stream.linear.scatter [tilespmem:s1], [sflag:$0xB], $0xFA0, $0x38;
	[tilespmem:$0x1F0E0] =	vst v63  }
0x71: {  	s10 =	sld [smem:$0x7ED]  }
0x72: {  	[spmem:s21] =	stream.linear.scatter [tilespmem:s1], [sflag:$0xB], $0xFA0, $0x38;
	[tilespmem:$0x1F0E0] =	vst v63  }
0x73: {  	s20 =	sld [smem:$0x7EE]  }
0x74: {  	[spmem:s10] =	stream.linear.scatter [tilespmem:s1], [sflag:$0xB], $0xFA0, $0x38;
	[tilespmem:$0x1F0E0] =	vst v63  }
0x75: {  	_ = 	snop  }
0x76: {  	[spmem:s20] =	stream.linear.scatter [tilespmem:s1], [sflag:$0xB], $0xFA0, $0x38;
	[tilespmem:$0x1F0E0] =	vst v63  }
0x77: {  	_ = 	snop  }
0x78: {  	[spmem:s30] =	stream.linear.scatter [tilespmem:s1], [sflag:$0xB], $0xFA0, $0x38;
	[tilespmem:$0x1F0E0] =	vst v63  }
0x79: {  	s21 =	rddreg [dreg:$0x15]  }
0x7a: {  	[spmem:s31] =	stream.linear.scatter [tilespmem:s1], [sflag:$0xB], $0xFA0, $0x38;
	[tilespmem:$0x1F0E0] =	vst v63  }
0x7b: {  	s10 =	sld [smem:$0x7EF]  }
0x7c: {  	[spmem:s21] =	stream.linear.scatter [tilespmem:s1], [sflag:$0xB], $0xFA0, $0x38;
	[tilespmem:$0x1F0E0] =	vst v63  }
0x7d: {  	s30 =	rddreg [dreg:$0x16]  }
0x7e: {  	[spmem:s30] =	stream.linear.scatter [tilespmem:s1], [sflag:$0xB], $0xFA0, $0x38;
	[tilespmem:$0x1F0E0] =	vst v63  }
0x7f: {  	s31 =	rddreg [dreg:$0x17]  }
0x80: {  	[spmem:s31] =	stream.linear.scatter [tilespmem:s1], [sflag:$0xB], $0xFA0, $0x38;
	[tilespmem:$0x1F0E0] =	vst v63  }
0x81: {  	s20 =	sld [smem:$0x7F0]  }
0x82: {  	[spmem:s10] =	stream.linear.scatter [tilespmem:s1], [sflag:$0xB], $0xFA0, $0x38;
	[tilespmem:$0x1F0E0] =	vst v63  }
0x83: {  	s21 =	sld [smem:$0x7F1]  }
0x84: {  	[spmem:s20] =	stream.linear.scatter [tilespmem:s1], [sflag:$0xB], $0xFA0, $0x38;
	[tilespmem:$0x1F0E0] =	vst v63  }
0x85: {  	s30 =	sld [smem:$0x7F2]  }
0x86: {  	[spmem:s21] =	stream.linear.scatter [tilespmem:s1], [sflag:$0xB], $0xFA0, $0x38;
	[tilespmem:$0x1F0E0] =	vst v63  }
0x87: {  	s31 =	sld [smem:$0x7F3]  }
0x88: {  	[spmem:s30] =	stream.linear.scatter [tilespmem:s1], [sflag:$0xB], $0xFA0, $0x38;
	[tilespmem:$0x1F0E0] =	vst v63  }
0x89: {  	s10 =	sld [smem:$0x7F4]  }
0x8a: {  	[spmem:s31] =	stream.linear.scatter [tilespmem:s1], [sflag:$0xB], $0xFA0, $0x38;
	[tilespmem:$0x1F0E0] =	vst v63  }
0x8b: {  	s20 =	sld [smem:$0x7F5]  }
0x8c: {  	[spmem:s10] =	stream.linear.scatter [tilespmem:s1], [sflag:$0xB], $0xFA0, $0x38;
	[tilespmem:$0x1F0E0] =	vst v63  }
0x8d: {  	s21 =	sld [smem:$0x7F6]  }
0x8e: {  	[spmem:s20] =	stream.linear.scatter [tilespmem:s1], [sflag:$0xB], $0xFA0, $0x38;
	[tilespmem:$0x1F0E0] =	vst v63  }
0x8f: {  	s30 =	sld [smem:$0x7F7]  }
0x90: {  	[spmem:s21] =	stream.linear.scatter [tilespmem:s1], [sflag:$0xB], $0xFA0, $0x38;
	[tilespmem:$0x1F0E0] =	vst v63  }
0x91: {  	s31 =	sld [smem:$0x7F8]  }
0x92: {  	[spmem:s30] =	stream.linear.scatter [tilespmem:s1], [sflag:$0xB], $0xFA0, $0x38;
	[tilespmem:$0x1F0E0] =	vst v63  }
0x93: {  	s10 =	sld [smem:$0x7F9]  }
0x94: {  	[spmem:s31] =	stream.linear.scatter [tilespmem:s1], [sflag:$0xB], $0xFA0, $0x38;
	[tilespmem:$0x1F0E0] =	vst v63  }
0x95: {  	s20 =	sld [smem:$0x7FA]  }
0x96: {  	[spmem:s10] =	stream.linear.scatter [tilespmem:s1], [sflag:$0xB], $0xFA0, $0x38;
	[tilespmem:$0x1F0E0] =	vst v63  }
0x97: {  	s21 =	sld [smem:$0x7FB]  }
0x98: {  	[spmem:s20] =	stream.linear.scatter [tilespmem:s1], [sflag:$0xB], $0xFA0, $0x38;
	[tilespmem:$0x1F0E0] =	vst v63  }
0x99: {  	s30 =	sld [smem:$0x7FC]  }
0x9a: {  	[spmem:s21] =	stream.linear.scatter [tilespmem:s1], [sflag:$0xB], $0xFA0, $0x38;
	[tilespmem:$0x1F0E0] =	vst v63  }
0x9b: {  	s31 =	sld [smem:$0x7FD]  }
0x9c: {  	[spmem:s30] =	stream.linear.scatter [tilespmem:s1], [sflag:$0xB], $0xFA0, $0x38;
	[tilespmem:$0x1F0E0] =	vst v63  }
0x9d: {  	_ = 	snop  }
0x9e: {  	[spmem:s31] =	stream.linear.scatter [tilespmem:s1], [sflag:$0xB], $0xFA0, $0x38;
	[tilespmem:$0x1F0E0] =	vst v63  }
0x9f: {  	_ =	swait.ge [sflag:s11], $0xFA0  }
0xa0: {  	[sflag:s11] =	ssyncset.done $0x0  }
0xa1: {  	[sflag:s11] =	ssyncadd.s32 $0xFFFFF060  }
0xa2: {  	_ =	swait.ge [sflag:s11], $0xFA0  }
0xa3: {  	[sflag:s11] =	ssyncset.done $0x0  }
0xa4: {  	[sflag:s11] =	ssyncadd.s32 $0xFFFFF060  }
0xa5: {  	_ =	swait.ge [sflag:s11], $0xFA0  }
0xa6: {  	[sflag:s11] =	ssyncset.done $0x0  }
0xa7: {  	[sflag:s11] =	ssyncadd.s32 $0xFFFFF060  }
0xa8: {  	_ =	swait.ge [sflag:s11], $0xFA0  }
0xa9: {  	[sflag:s11] =	ssyncset.done $0x0  }
0xaa: {  	[sflag:s11] =	ssyncadd.s32 $0xFFFFF060  }
0xab: {  	_ =	swait.ge [sflag:s11], $0xFA0  }
0xac: {  	[sflag:s11] =	ssyncset.done $0x0  }
0xad: {  	[sflag:s11] =	ssyncadd.s32 $0xFFFFF060  }
0xae: {  	_ =	swait.ge [sflag:s11], $0xFA0  }
0xaf: {  	[sflag:s11] =	ssyncset.done $0x0  }
0xb0: {  	[sflag:s11] =	ssyncadd.s32 $0xFFFFF060  }
0xb1: {  	_ =	swait.ge [sflag:s11], $0xFA0  }
0xb2: {  	[sflag:s11] =	ssyncset.done $0x0  }
0xb3: {  	[sflag:s11] =	ssyncadd.s32 $0xFFFFF060  }
0xb4: {  	_ =	swait.ge [sflag:s11], $0xFA0  }
0xb5: {  	[sflag:s11] =	ssyncset.done $0x0  }
0xb6: {  	[sflag:s11] =	ssyncadd.s32 $0xFFFFF060  }
0xb7: {  	_ =	swait.ge [sflag:s11], $0xFA0  }
0xb8: {  	[sflag:s11] =	ssyncset.done $0x0  }
0xb9: {  	[sflag:s11] =	ssyncadd.s32 $0xFFFFF060  }
0xba: {  	_ =	swait.ge [sflag:s11], $0xFA0  }
0xbb: {  	[sflag:s11] =	ssyncset.done $0x0  }
0xbc: {  	[sflag:s11] =	ssyncadd.s32 $0xFFFFF060  }
0xbd: {  	_ =	swait.ge [sflag:s11], $0xFA0  }
0xbe: {  	[sflag:s11] =	ssyncset.done $0x0  }
0xbf: {  	[sflag:s11] =	ssyncadd.s32 $0xFFFFF060  }
0xc0: {  	_ =	swait.ge [sflag:s11], $0xFA0  }
0xc1: {  	[sflag:s11] =	ssyncset.done $0x0  }
0xc2: {  	[sflag:s11] =	ssyncadd.s32 $0xFFFFF060  }
0xc3: {  	_ =	swait.ge [sflag:s11], $0xFA0  }
0xc4: {  	[sflag:s11] =	ssyncset.done $0x0  }
0xc5: {  	[sflag:s11] =	ssyncadd.s32 $0xFFFFF060  }
0xc6: {  	_ =	swait.ge [sflag:s11], $0xFA0  }
0xc7: {  	[sflag:s11] =	ssyncset.done $0x0  }
0xc8: {  	[sflag:s11] =	ssyncadd.s32 $0xFFFFF060  }
0xc9: {  	_ =	swait.ge [sflag:s11], $0xFA0  }
0xca: {  	[sflag:s11] =	ssyncset.done $0x0  }
0xcb: {  	[sflag:s11] =	ssyncadd.s32 $0xFFFFF060  }
0xcc: {  	_ =	swait.ge [sflag:s11], $0xFA0  }
0xcd: {  	[sflag:s11] =	ssyncset.done $0x0  }
0xce: {  	[sflag:s11] =	ssyncadd.s32 $0xFFFFF060  }
0xcf: {  	_ =	swait.ge [sflag:s11], $0xFA0  }
0xd0: {  	[sflag:s11] =	ssyncset.done $0x0  }
0xd1: {  	[sflag:s11] =	ssyncadd.s32 $0xFFFFF060  }
0xd2: {  	_ =	swait.ge [sflag:s11], $0xFA0  }
0xd3: {  	[sflag:s11] =	ssyncset.done $0x0  }
0xd4: {  	[sflag:s11] =	ssyncadd.s32 $0xFFFFF060  }
0xd5: {  	_ =	swait.ge [sflag:s11], $0xFA0  }
0xd6: {  	[sflag:s11] =	ssyncset.done $0x0  }
0xd7: {  	[sflag:s11] =	ssyncadd.s32 $0xFFFFF060  }
0xd8: {  	_ =	swait.ge [sflag:s11], $0xFA0  }
0xd9: {  	[sflag:s11] =	ssyncset.done $0x0  }
0xda: {  	[sflag:s11] =	ssyncadd.s32 $0xFFFFF060  }
0xdb: {  	_ =	swait.ge [sflag:s11], $0xFA0  }
0xdc: {  	[sflag:s11] =	ssyncset.done $0x0  }
0xdd: {  	[sflag:s11] =	ssyncadd.s32 $0xFFFFF060  }
0xde: {  	_ =	swait.ge [sflag:s11], $0xFA0  }
0xdf: {  	[sflag:s11] =	ssyncset.done $0x0  }
0xe0: {  	[sflag:s11] =	ssyncadd.s32 $0xFFFFF060  }
0xe1: {  	_ =	swait.ge [sflag:s11], $0xFA0  }
0xe2: {  	[sflag:s11] =	ssyncset.done $0x0  }
0xe3: {  	[sflag:s11] =	ssyncadd.s32 $0xFFFFF060  }
0xe4: {  	_ =	swait.ge [sflag:s11], $0xFA0  }
0xe5: {  	[sflag:s11] =	ssyncset.done $0x0  }
0xe6: {  	[sflag:s11] =	ssyncadd.s32 $0xFFFFF060  }
0xe7: {  	_ =	swait.ge [sflag:s11], $0xFA0  }
0xe8: {  	[sflag:s11] =	ssyncset.done $0x0  }
0xe9: {  	[sflag:s11] =	ssyncadd.s32 $0xFFFFF060  }
0xea: {  	[bflag:$0x0] =	sbarrier.arrive $0xFFFF  }
0xeb: {  	s0 =	rddreg [dreg:$0x1e]  }
0xec: {  	s21 =	rddreg [dreg:$0x1b]  }
0xed: {  	s20 =	rddreg [dreg:$0x1a]  }
0xee: {  	s1 =	rddreg [dreg:$0x19]  }
0xef: {  	s10 =	rddreg [dreg:$0x18]  }
.LBB2_4:
0xf0: {  	_ =	swait.ge [sflag:s13], $0xFA0  }
0xf1: {  	s30 =	sshra.s32 s12, $0x2;
	[sflag:s13] =	ssyncset.done $0x0  }
0xf2: {  	s31 =	sadd.s32 $0x4E20, s30;
	[sflag:s13] =	ssyncadd.s32 $0xFFFFF060  }
0xf3: {  	[spmem:s3] =	stream.indirect.scatter.add.f32 [tilespmem:s4], [sflag:$0x6], $0x20, s31, s14, $0xb8;
	[tilespmem:$0x1F0E0] =	vst v63  }
0xf4: {  	_ =	swait.ge [sflag:s15], $0xFA0  }
0xf5: {  	[sflag:s15] =	ssyncset.done $0x0  }
0xf6: {  	s31 =	sadd.s32 $0x4EA0, s30;
	[sflag:s15] =	ssyncadd.s32 $0xFFFFF060  }
0xf7: {  	[spmem:s3] =	stream.indirect.scatter.add.f32 [tilespmem:s24], [sflag:$0x7], $0x20, s31, s14, $0xb8;
	[tilespmem:$0x1F0E0] =	vst v63  }
0xf8: {  	_ =	swait.ge [sflag:s16], $0xFA0  }
0xf9: {  	[sflag:s16] =	ssyncset.done $0x0  }
0xfa: {  	s31 =	sadd.s32 $0x4F20, s30;
	[sflag:s16] =	ssyncadd.s32 $0xFFFFF060  }
0xfb: {  	[spmem:s3] =	stream.indirect.scatter.add.f32 [tilespmem:s7], [sflag:$0x8], $0x20, s31, s14, $0xb8;
	[tilespmem:$0x1F0E0] =	vst v63  }
0xfc: {  	_ =	swait.ge [sflag:s17], $0xFA0  }
0xfd: {  	[sflag:s17] =	ssyncset.done $0x0  }
0xfe: {  	s31 =	sadd.s32 $0x4FA0, s30;
	[sflag:s17] =	ssyncadd.s32 $0xFFFFF060  }
0xff: {  	[spmem:s3] =	stream.indirect.scatter.add.f32 [tilespmem:s8], [sflag:$0x9], $0x20, s31, s14, $0xb8;
	[tilespmem:$0x1F0E0] =	vst v63  }
0x100: {  	_ =	swait.ge [sflag:s18], $0xFA0  }
0x101: {  	p0 =	seq.s32 s12, $0x2800;
	[sflag:s18] =	ssyncset.done $0x0  }
.Ltmp3:
0x102: {  	s30 =	sadd.s32 $0x5020, s30;
	[sflag:s18] =	ssyncadd.s32 $0xFFFFF060;
	(pc) =	sbr.rel @p0 .LBB2_6-.Ltmp3, $4  }
0x103: {  	[spmem:s3] =	stream.indirect.scatter.add.f32 [tilespmem:s9], [sflag:$0xA], $0x20, s30, s14, $0xb8;
	[tilespmem:$0x1F0E0] =	vst v63  }
0x104: {  	_ =	swait.ge [sflag:s19], $0xFA0  }
0x105: {  	[sflag:s19] =	ssyncset.done $0x0  }
0x106: {  	[sflag:s19] =	ssyncadd.s32 $0xFFFFF060  }
0x107: {  	s30 =	sshrl.u32 s0, $0x3;
	s31 =	rddreg [dreg:$0x0]  }
0x108: {  	s30 =	sadd.s32 s31, s30  }
0x109: {  	[tilespmem:s4], [sflag:$0x1] =	stream.strided.gather [hbm4b:s30+s22], $0xFA0, s23, s22, $0x38;
	[tilespmem:$0x1F0E0] =	vst v63  }
0x10a: {  	_ =	swait.ge [sflag:s25], $0xFA0  }
0x10b: {  	[sflag:s25] =	ssyncset.done $0x0  }
0x10c: {  	[sflag:s25] =	ssyncadd.s32 $0xFFFFF060  }
0x10d: {  	[tilespmem:s24], [sflag:$0x2] =	stream.strided.gather [hbm4b:s21+s22], $0xFA0, s23, s22, $0x38;
	[tilespmem:$0x1F0E0] =	vst v63  }
0x10e: {  	_ =	swait.ge [sflag:s26], $0xFA0  }
0x10f: {  	[sflag:s26] =	ssyncset.done $0x0  }
0x110: {  	[sflag:s26] =	ssyncadd.s32 $0xFFFFF060  }
0x111: {  	[tilespmem:s7], [sflag:$0x3] =	stream.strided.gather [hbm4b:s1+s22], $0xFA0, s23, s22, $0x38;
	[tilespmem:$0x1F0E0] =	vst v63  }
0x112: {  	_ =	swait.ge [sflag:s28], $0xFA0  }
0x113: {  	[sflag:s28] =	ssyncset.done $0x0  }
0x114: {  	[sflag:s28] =	ssyncadd.s32 $0xFFFFF060  }
0x115: {  	[tilespmem:s8], [sflag:$0x4] =	stream.strided.gather [hbm4b:s20+s22], $0xFA0, s23, s22, $0x38;
	[tilespmem:$0x1F0E0] =	vst v63  }
.Ltmp4:
0x116: {  	_ =	swait.ge [sflag:s29], $0xFA0;
	(pc) =	sbr.rel .LBB2_4-.Ltmp4, $4  }
0x117: {  	s0 =	sadd.s32 $0x13880, s0;
	[sflag:s29] =	ssyncset.done $0x0  }
0x118: {  	s12 =	sadd.s32 $0xA00, s12;
	s21 =	sadd.s32 $0x2710, s21;
	[sflag:s29] =	ssyncadd.s32 $0xFFFFF060  }
0x119: {  	[tilespmem:s9], [sflag:$0x5] =	stream.strided.gather [hbm4b:s10+s22], $0xFA0, s23, s22, $0x38;
	[tilespmem:$0x1F0E0] =	vst v63  }
0x11a: {  	s1 =	sadd.s32 $0x2710, s1;
	s20 =	sadd.s32 $0x2710, s20;
	s10 =	sadd.s32 $0x2710, s10  }
.LBB2_6:
0x11b: {  	_ =	swait.ge [sflag:s25], $0xFA0  }
0x11c: {  	[sflag:s25] =	ssyncset.done $0x0  }
0x11d: {  	[sflag:s25] =	ssyncadd.s32 $0xFFFFF060  }
0x11e: {  	_ =	swait.ge [sflag:s26], $0xFA0  }
0x11f: {  	[sflag:s26] =	ssyncset.done $0x0  }
0x120: {  	[sflag:s26] =	ssyncadd.s32 $0xFFFFF060  }
0x121: {  	_ =	swait.ge [sflag:s28], $0xFA0  }
0x122: {  	[sflag:s28] =	ssyncset.done $0x0  }
0x123: {  	[sflag:s28] =	ssyncadd.s32 $0xFFFFF060  }
0x124: {  	_ =	swait.ge [sflag:s29], $0xFA0  }
0x125: {  	[sflag:s29] =	ssyncset.done $0x0  }
0x126: {  	[sflag:s29] =	ssyncadd.s32 $0xFFFFF060  }
0x127: {  	s0 =	stileid.u32;
	[bflag:$0x0] =	sbarrier.arrive $0xFFFF  }
0x128: {  	s1 =	simm.s32 $0x10;
	s0 =	sshll.u32 s0, $0x6;
	s20 =	rddreg [dreg:$0xb]  }
0x129: {  	s21 =	sor.u32 $0x1C0C, s0;
	s10 =	rddreg [dreg:$0xa];
	s12 =	sshrl.u32 s20, $0x3  }
0x12a: {  	[hbm:s10@s1], [sflag:s21] =	dma.strided [spmem:s12@s17], $0x30D4, s13, $0x4   }
0x12b: {  	s0 =	simm.s32 $0x0;
	s1 =	rddreg [dreg:$0xc]  }
0x12c: {  	[tilespmem:s0], [sflag:$0x1] =	stream.strided.gather [hbm4b:s1+s22], $0xFA0, s23, s22, $0x38;
	[tilespmem:$0x1F0E0] =	vst v63  }
0x12d: {  	s10 =	rddreg [dreg:$0xd]  }
0x12e: {  	[tilespmem:s24], [sflag:$0x2] =	stream.strided.gather [hbm4b:s10+s22], $0xFA0, s23, s22, $0x38;
	[tilespmem:$0x1F0E0] =	vst v63  }
0x12f: {  	s10 =	rddreg [dreg:$0xe]  }
0x130: {  	[tilespmem:s7], [sflag:$0x3] =	stream.strided.gather [hbm4b:s10+s22], $0xFA0, s23, s22, $0x38;
	[tilespmem:$0x1F0E0] =	vst v63  }
0x131: {  	s10 =	rddreg [dreg:$0xf]  }
0x132: {  	[tilespmem:s8], [sflag:$0x4] =	stream.strided.gather [hbm4b:s10+s22], $0xFA0, s23, s22, $0x38;
	[tilespmem:$0x1F0E0] =	vst v63  }
0x133: {  	s10 =	rddreg [dreg:$0x10]  }
0x134: {  	[tilespmem:s9], [sflag:$0x5] =	stream.strided.gather [hbm4b:s10+s22], $0xFA0, s23, s22, $0x38;
	[tilespmem:$0x1F0E0] =	vst v63  }
0x135: {  	s10 =	simm.s32 $0xC  }
0x136: {  	_ =	swait.ge [sflag:s10], $0x30D4  }
0x137: {  	[sflag:s10] =	ssyncset.done $0x0  }
0x138: {  	[sflag:s10] =	ssyncadd.s32 $0xFFFFCF2C;
	s10 =	simm.s32 $0x5AA0  }
0x139: {  	[spmem:s20] =	stream.linear.scatter [tilespmem:s10], [sflag:$0xB], $0xFA0, $0x38;
	[tilespmem:$0x1F0E0] =	vst v63  }
0x13a: {  	s1 =	rddreg [dreg:$0x1f]  }
0x13b: {  	[spmem:s1] =	stream.linear.scatter [tilespmem:s10], [sflag:$0xB], $0xFA0, $0x38;
	[tilespmem:$0x1F0E0] =	vst v63  }
0x13c: {  	s1 =	sld [smem:$0x7EC];
	_ =	sdelay $0x2  }
0x13d: {  	[spmem:s1] =	stream.linear.scatter [tilespmem:s10], [sflag:$0xB], $0xFA0, $0x38;
	[tilespmem:$0x1F0E0] =	vst v63  }
0x13e: {  	s1 =	sld [smem:$0x7ED];
	_ =	sdelay $0x2  }
0x13f: {  	[spmem:s1] =	stream.linear.scatter [tilespmem:s10], [sflag:$0xB], $0xFA0, $0x38;
	[tilespmem:$0x1F0E0] =	vst v63  }
0x140: {  	s1 =	sld [smem:$0x7EE];
	_ =	sdelay $0x2  }
0x141: {  	[spmem:s1] =	stream.linear.scatter [tilespmem:s10], [sflag:$0xB], $0xFA0, $0x38;
	[tilespmem:$0x1F0E0] =	vst v63  }
0x142: {  	s30 =	rddreg [dreg:$0x13]  }
0x143: {  	[spmem:s30] =	stream.linear.scatter [tilespmem:s10], [sflag:$0xB], $0xFA0, $0x38;
	[tilespmem:$0x1F0E0] =	vst v63  }
0x144: {  	s31 =	rddreg [dreg:$0x14]  }
0x145: {  	[spmem:s31] =	stream.linear.scatter [tilespmem:s10], [sflag:$0xB], $0xFA0, $0x38;
	[tilespmem:$0x1F0E0] =	vst v63  }
0x146: {  	s1 =	rddreg [dreg:$0x15]  }
0x147: {  	[spmem:s1] =	stream.linear.scatter [tilespmem:s10], [sflag:$0xB], $0xFA0, $0x38;
	[tilespmem:$0x1F0E0] =	vst v63  }
0x148: {  	s1 =	rddreg [dreg:$0x16]  }
0x149: {  	[spmem:s1] =	stream.linear.scatter [tilespmem:s10], [sflag:$0xB], $0xFA0, $0x38;
	[tilespmem:$0x1F0E0] =	vst v63  }
0x14a: {  	s1 =	rddreg [dreg:$0x17]  }
0x14b: {  	[spmem:s1] =	stream.linear.scatter [tilespmem:s10], [sflag:$0xB], $0xFA0, $0x38;
	[tilespmem:$0x1F0E0] =	vst v63  }
0x14c: {  	s1 =	sld [smem:$0x7EF];
	_ =	sdelay $0x2  }
0x14d: {  	[spmem:s1] =	stream.linear.scatter [tilespmem:s10], [sflag:$0xB], $0xFA0, $0x38;
	[tilespmem:$0x1F0E0] =	vst v63  }
0x14e: {  	s1 =	sld [smem:$0x7F0];
	_ =	sdelay $0x2  }
0x14f: {  	[spmem:s1] =	stream.linear.scatter [tilespmem:s10], [sflag:$0xB], $0xFA0, $0x38;
	[tilespmem:$0x1F0E0] =	vst v63  }
0x150: {  	s1 =	sld [smem:$0x7F1];
	_ =	sdelay $0x2  }
0x151: {  	[spmem:s1] =	stream.linear.scatter [tilespmem:s10], [sflag:$0xB], $0xFA0, $0x38;
	[tilespmem:$0x1F0E0] =	vst v63  }
0x152: {  	s1 =	sld [smem:$0x7F2];
	_ =	sdelay $0x2  }
0x153: {  	[spmem:s1] =	stream.linear.scatter [tilespmem:s10], [sflag:$0xB], $0xFA0, $0x38;
	[tilespmem:$0x1F0E0] =	vst v63  }
0x154: {  	s1 =	sld [smem:$0x7F3];
	_ =	sdelay $0x2  }
0x155: {  	[spmem:s1] =	stream.linear.scatter [tilespmem:s10], [sflag:$0xB], $0xFA0, $0x38;
	[tilespmem:$0x1F0E0] =	vst v63  }
0x156: {  	s1 =	sld [smem:$0x7F4];
	_ =	sdelay $0x2  }
0x157: {  	[spmem:s1] =	stream.linear.scatter [tilespmem:s10], [sflag:$0xB], $0xFA0, $0x38;
	[tilespmem:$0x1F0E0] =	vst v63  }
0x158: {  	s1 =	sld [smem:$0x7F5];
	_ =	sdelay $0x2  }
0x159: {  	[spmem:s1] =	stream.linear.scatter [tilespmem:s10], [sflag:$0xB], $0xFA0, $0x38;
	[tilespmem:$0x1F0E0] =	vst v63  }
0x15a: {  	s1 =	sld [smem:$0x7F6];
	_ =	sdelay $0x2  }
0x15b: {  	[spmem:s1] =	stream.linear.scatter [tilespmem:s10], [sflag:$0xB], $0xFA0, $0x38;
	[tilespmem:$0x1F0E0] =	vst v63  }
0x15c: {  	s1 =	sld [smem:$0x7F7];
	_ =	sdelay $0x2  }
0x15d: {  	[spmem:s1] =	stream.linear.scatter [tilespmem:s10], [sflag:$0xB], $0xFA0, $0x38;
	[tilespmem:$0x1F0E0] =	vst v63  }
0x15e: {  	s1 =	sld [smem:$0x7F8];
	_ =	sdelay $0x2  }
0x15f: {  	[spmem:s1] =	stream.linear.scatter [tilespmem:s10], [sflag:$0xB], $0xFA0, $0x38;
	[tilespmem:$0x1F0E0] =	vst v63  }
0x160: {  	s1 =	sld [smem:$0x7F9];
	_ =	sdelay $0x2  }
0x161: {  	[spmem:s1] =	stream.linear.scatter [tilespmem:s10], [sflag:$0xB], $0xFA0, $0x38;
	[tilespmem:$0x1F0E0] =	vst v63  }
0x162: {  	s1 =	sld [smem:$0x7FA];
	_ =	sdelay $0x2  }
0x163: {  	[spmem:s1] =	stream.linear.scatter [tilespmem:s10], [sflag:$0xB], $0xFA0, $0x38;
	[tilespmem:$0x1F0E0] =	vst v63  }
0x164: {  	s1 =	sld [smem:$0x7FB];
	_ =	sdelay $0x2  }
0x165: {  	[spmem:s1] =	stream.linear.scatter [tilespmem:s10], [sflag:$0xB], $0xFA0, $0x38;
	[tilespmem:$0x1F0E0] =	vst v63  }
0x166: {  	s1 =	sld [smem:$0x7FC];
	_ =	sdelay $0x2  }
0x167: {  	[spmem:s1] =	stream.linear.scatter [tilespmem:s10], [sflag:$0xB], $0xFA0, $0x38;
	[tilespmem:$0x1F0E0] =	vst v63  }
0x168: {  	s1 =	sld [smem:$0x7FD];
	_ =	sdelay $0x2  }
0x169: {  	[spmem:s1] =	stream.linear.scatter [tilespmem:s10], [sflag:$0xB], $0xFA0, $0x38;
	[tilespmem:$0x1F0E0] =	vst v63  }
0x16a: {  	_ =	swait.ge [sflag:s11], $0xFA0  }
0x16b: {  	[sflag:s11] =	ssyncset.done $0x0  }
0x16c: {  	[sflag:s11] =	ssyncadd.s32 $0xFFFFF060  }
0x16d: {  	_ =	swait.ge [sflag:s11], $0xFA0  }
0x16e: {  	[sflag:s11] =	ssyncset.done $0x0  }
0x16f: {  	[sflag:s11] =	ssyncadd.s32 $0xFFFFF060  }
0x170: {  	_ =	swait.ge [sflag:s11], $0xFA0  }
0x171: {  	[sflag:s11] =	ssyncset.done $0x0  }
0x172: {  	[sflag:s11] =	ssyncadd.s32 $0xFFFFF060  }
0x173: {  	_ =	swait.ge [sflag:s11], $0xFA0  }
0x174: {  	[sflag:s11] =	ssyncset.done $0x0  }
0x175: {  	[sflag:s11] =	ssyncadd.s32 $0xFFFFF060  }
0x176: {  	_ =	swait.ge [sflag:s11], $0xFA0  }
0x177: {  	[sflag:s11] =	ssyncset.done $0x0  }
0x178: {  	[sflag:s11] =	ssyncadd.s32 $0xFFFFF060  }
0x179: {  	_ =	swait.ge [sflag:s11], $0xFA0  }
0x17a: {  	[sflag:s11] =	ssyncset.done $0x0  }
0x17b: {  	[sflag:s11] =	ssyncadd.s32 $0xFFFFF060  }
0x17c: {  	_ =	swait.ge [sflag:s11], $0xFA0  }
0x17d: {  	[sflag:s11] =	ssyncset.done $0x0  }
0x17e: {  	[sflag:s11] =	ssyncadd.s32 $0xFFFFF060  }
0x17f: {  	_ =	swait.ge [sflag:s11], $0xFA0  }
0x180: {  	[sflag:s11] =	ssyncset.done $0x0  }
0x181: {  	[sflag:s11] =	ssyncadd.s32 $0xFFFFF060  }
0x182: {  	_ =	swait.ge [sflag:s11], $0xFA0  }
0x183: {  	[sflag:s11] =	ssyncset.done $0x0  }
0x184: {  	[sflag:s11] =	ssyncadd.s32 $0xFFFFF060  }
0x185: {  	_ =	swait.ge [sflag:s11], $0xFA0  }
0x186: {  	[sflag:s11] =	ssyncset.done $0x0  }
0x187: {  	[sflag:s11] =	ssyncadd.s32 $0xFFFFF060  }
0x188: {  	_ =	swait.ge [sflag:s11], $0xFA0  }
0x189: {  	[sflag:s11] =	ssyncset.done $0x0  }
0x18a: {  	[sflag:s11] =	ssyncadd.s32 $0xFFFFF060  }
0x18b: {  	_ =	swait.ge [sflag:s11], $0xFA0  }
0x18c: {  	[sflag:s11] =	ssyncset.done $0x0  }
0x18d: {  	[sflag:s11] =	ssyncadd.s32 $0xFFFFF060  }
0x18e: {  	_ =	swait.ge [sflag:s11], $0xFA0  }
0x18f: {  	[sflag:s11] =	ssyncset.done $0x0  }
0x190: {  	[sflag:s11] =	ssyncadd.s32 $0xFFFFF060  }
0x191: {  	_ =	swait.ge [sflag:s11], $0xFA0  }
0x192: {  	[sflag:s11] =	ssyncset.done $0x0  }
0x193: {  	[sflag:s11] =	ssyncadd.s32 $0xFFFFF060  }
0x194: {  	_ =	swait.ge [sflag:s11], $0xFA0  }
0x195: {  	[sflag:s11] =	ssyncset.done $0x0  }
0x196: {  	[sflag:s11] =	ssyncadd.s32 $0xFFFFF060  }
0x197: {  	_ =	swait.ge [sflag:s11], $0xFA0  }
0x198: {  	[sflag:s11] =	ssyncset.done $0x0  }
0x199: {  	[sflag:s11] =	ssyncadd.s32 $0xFFFFF060  }
0x19a: {  	_ =	swait.ge [sflag:s11], $0xFA0  }
0x19b: {  	[sflag:s11] =	ssyncset.done $0x0  }
0x19c: {  	[sflag:s11] =	ssyncadd.s32 $0xFFFFF060  }
0x19d: {  	_ =	swait.ge [sflag:s11], $0xFA0  }
0x19e: {  	[sflag:s11] =	ssyncset.done $0x0  }
0x19f: {  	[sflag:s11] =	ssyncadd.s32 $0xFFFFF060  }
0x1a0: {  	_ =	swait.ge [sflag:s11], $0xFA0  }
0x1a1: {  	[sflag:s11] =	ssyncset.done $0x0  }
0x1a2: {  	[sflag:s11] =	ssyncadd.s32 $0xFFFFF060  }
0x1a3: {  	_ =	swait.ge [sflag:s11], $0xFA0  }
0x1a4: {  	[sflag:s11] =	ssyncset.done $0x0  }
0x1a5: {  	[sflag:s11] =	ssyncadd.s32 $0xFFFFF060  }
0x1a6: {  	_ =	swait.ge [sflag:s11], $0xFA0  }
0x1a7: {  	[sflag:s11] =	ssyncset.done $0x0  }
0x1a8: {  	[sflag:s11] =	ssyncadd.s32 $0xFFFFF060  }
0x1a9: {  	_ =	swait.ge [sflag:s11], $0xFA0  }
0x1aa: {  	[sflag:s11] =	ssyncset.done $0x0  }
0x1ab: {  	[sflag:s11] =	ssyncadd.s32 $0xFFFFF060  }
0x1ac: {  	_ =	swait.ge [sflag:s11], $0xFA0  }
0x1ad: {  	[sflag:s11] =	ssyncset.done $0x0  }
0x1ae: {  	[sflag:s11] =	ssyncadd.s32 $0xFFFFF060  }
0x1af: {  	_ =	swait.ge [sflag:s11], $0xFA0  }
0x1b0: {  	[sflag:s11] =	ssyncset.done $0x0  }
0x1b1: {  	[sflag:s11] =	ssyncadd.s32 $0xFFFFF060  }
0x1b2: {  	_ =	swait.ge [sflag:s11], $0xFA0  }
0x1b3: {  	[sflag:s11] =	ssyncset.done $0x0  }
0x1b4: {  	[sflag:s11] =	ssyncadd.s32 $0xFFFFF060  }
0x1b5: {  	s1 =	simm.s32 $0x5020;
	[bflag:$0x0] =	sbarrier.arrive $0xFFFF  }
.LBB2_7:
0x1b6: {  	_ =	swait.ge [sflag:s13], $0xFA0  }
0x1b7: {  	[sflag:s13] =	ssyncset.done $0x0  }
0x1b8: {  	s10 =	sadd.s32 $0xFFFFFE00, s1;
	[sflag:s13] =	ssyncadd.s32 $0xFFFFF060  }
0x1b9: {  	[spmem:s3] =	stream.indirect.scatter.add.f32 [tilespmem:s4], [sflag:$0x6], $0x20, s10, s14, $0xb8;
	[tilespmem:$0x1F0E0] =	vst v63  }
0x1ba: {  	_ =	swait.ge [sflag:s15], $0xFA0  }
0x1bb: {  	[sflag:s15] =	ssyncset.done $0x0  }
0x1bc: {  	s10 =	sadd.s32 $0xFFFFFE80, s1;
	[sflag:s15] =	ssyncadd.s32 $0xFFFFF060  }
0x1bd: {  	[spmem:s3] =	stream.indirect.scatter.add.f32 [tilespmem:s24], [sflag:$0x7], $0x20, s10, s14, $0xb8;
	[tilespmem:$0x1F0E0] =	vst v63  }
0x1be: {  	_ =	swait.ge [sflag:s16], $0xFA0  }
0x1bf: {  	[sflag:s16] =	ssyncset.done $0x0  }
0x1c0: {  	s10 =	sadd.s32 $0xFFFFFF00, s1;
	[sflag:s16] =	ssyncadd.s32 $0xFFFFF060  }
0x1c1: {  	[spmem:s3] =	stream.indirect.scatter.add.f32 [tilespmem:s7], [sflag:$0x8], $0x20, s10, s14, $0xb8;
	[tilespmem:$0x1F0E0] =	vst v63  }
0x1c2: {  	_ =	swait.ge [sflag:s17], $0xFA0  }
0x1c3: {  	[sflag:s17] =	ssyncset.done $0x0  }
0x1c4: {  	s10 =	sadd.s32 $0xFFFFFF80, s1;
	[sflag:s17] =	ssyncadd.s32 $0xFFFFF060  }
0x1c5: {  	[spmem:s3] =	stream.indirect.scatter.add.f32 [tilespmem:s8], [sflag:$0x9], $0x20, s10, s14, $0xb8;
	[tilespmem:$0x1F0E0] =	vst v63  }
0x1c6: {  	_ =	swait.ge [sflag:s18], $0xFA0  }
0x1c7: {  	p0 =	seq.s32 s0, $0x9C40;
	[sflag:s18] =	ssyncset.done $0x0  }
.Ltmp5:
0x1c8: {  	[sflag:s18] =	ssyncadd.s32 $0xFFFFF060;
	(pc) =	sbr.rel @p0 .LBB2_9-.Ltmp5, $4  }
0x1c9: {  	[spmem:s3] =	stream.indirect.scatter.add.f32 [tilespmem:s9], [sflag:$0xA], $0x20, s1, s14, $0xb8;
	[tilespmem:$0x1F0E0] =	vst v63  }
0x1ca: {  	_ =	swait.ge [sflag:s19], $0xFA0  }
0x1cb: {  	[sflag:s19] =	ssyncset.done $0x0  }
0x1cc: {  	[sflag:s19] =	ssyncadd.s32 $0xFFFFF060  }
0x1cd: {  	s10 =	sadd.s32 s0, s6  }
0x1ce: {  	[tilespmem:s4], [sflag:$0x1] =	stream.strided.gather [hbm4b:s10+s22], $0xFA0, s23, s22, $0x38;
	[tilespmem:$0x1F0E0] =	vst v63  }
0x1cf: {  	_ =	swait.ge [sflag:s25], $0xFA0  }
0x1d0: {  	[sflag:s25] =	ssyncset.done $0x0  }
0x1d1: {  	s10 =	sadd.s32 s0, s5;
	[sflag:s25] =	ssyncadd.s32 $0xFFFFF060  }
0x1d2: {  	[tilespmem:s24], [sflag:$0x2] =	stream.strided.gather [hbm4b:s10+s22], $0xFA0, s23, s22, $0x38;
	[tilespmem:$0x1F0E0] =	vst v63  }
0x1d3: {  	_ =	swait.ge [sflag:s26], $0xFA0  }
0x1d4: {  	[sflag:s26] =	ssyncset.done $0x0;
	s10 =	rddreg [dreg:$0x1d]  }
0x1d5: {  	[sflag:s26] =	ssyncadd.s32 $0xFFFFF060;
	s10 =	sadd.s32 s0, s10  }
0x1d6: {  	[tilespmem:s7], [sflag:$0x3] =	stream.strided.gather [hbm4b:s10+s22], $0xFA0, s23, s22, $0x38;
	[tilespmem:$0x1F0E0] =	vst v63  }
0x1d7: {  	_ =	swait.ge [sflag:s28], $0xFA0  }
0x1d8: {  	[sflag:s28] =	ssyncset.done $0x0  }
0x1d9: {  	s10 =	sadd.s32 s0, s2;
	[sflag:s28] =	ssyncadd.s32 $0xFFFFF060  }
0x1da: {  	[tilespmem:s8], [sflag:$0x4] =	stream.strided.gather [hbm4b:s10+s22], $0xFA0, s23, s22, $0x38;
	[tilespmem:$0x1F0E0] =	vst v63  }
.Ltmp6:
0x1db: {  	_ = 	snop;
	(pc) =	sbr.rel .LBB2_7-.Ltmp6, $4  }
0x1dc: {  	_ =	swait.ge [sflag:s29], $0xFA0  }
0x1dd: {  	s1 =	sadd.s32 $0x280, s1;
	[sflag:s29] =	ssyncset.done $0x0;
	s10 =	rddreg [dreg:$0x1c]  }
0x1de: {  	[sflag:s29] =	ssyncadd.s32 $0xFFFFF060;
	s10 =	sadd.s32 s0, s10;
	s0 =	sadd.s32 $0x2710, s0  }
0x1df: {  	[tilespmem:s9], [sflag:$0x5] =	stream.strided.gather [hbm4b:s10+s22], $0xFA0, s23, s22, $0x38;
	[tilespmem:$0x1F0E0] =	vst v63  }
.LBB2_10:
0x1e0: {  	_ =	sfence.sel $0x180000  }
0x1e1: {  	[bflag:$0x0] =	sbarrier.arrive $0xFFFF  }
0x1e2: {  	_ =	strace $0x90000047  }
0x1e3: {  	s0 =	stileid.u32;
	[bflag:$0x2] =	sbarrier.arrive $0xFFFF  }
0x1e4: {  	p0 =	sne.s32 s0, $0x0;
	s0 =	rddreg [dreg:$0x3]  }
0x1e5: {  	s0 =	sadd.s32 @!p0 $0x100000, s0  }
0x1e6: {  	[sflag:s0] =	ssyncadd.tile.s32 @!p0 $0x1;
	_ =	shalt  }
.Lfunc_end2:
_tile_overlayer_lowered:
.L_overlay_start_2:
0x1e7: {  	(tag) =	ssettag $0x2  }
0x1e8: {  	s0 =	rddreg [dreg:$0x0];
	s2 =	stileid.u32  }
0x1e9: {  	s1 =	rddreg [dreg:$0x1];
	p0 =	sne.s32 s2, $0x0  }
0x1ea: {  	s3 =	rddreg [dreg:$0x2];
	[bflag:$0x3] =	sbarrier.arrive $0xFFFF;
	s2 =	simm.s32 @!p0 $0x1C0D  }
0x1eb: {  	[timem:s3], [sflag:s2] =	dma.local @!p0 [hbm:s0], s1  }
0x1ec: {  	s0 =	simm.s32 @!p0 $0xD  }
0x1ed: {  	_ =	swait.ge @!p0 [sflag:s0], s1  }
0x1ee: {  	s1 =	ssub.s32 @!p0 $0x0, s1;
	[sflag:s0] =	ssyncset.done @!p0 $0x0  }
0x1ef: {  	[sflag:s0] =	ssyncadd.s32 @!p0 s1  }
0x1f0: {  	[bflag:$0x3] =	sbarrier.arrive $0xFFFF  }
0x1f1: {  	_ =	shalt  }

</sc_bundles>
